<compile_context>
chip_gen: v7x
topology: tpu7x:2x2x1
jax: 0.10.2.dev20260603
libtpu: 0.0.44.dev20260713+nightly
codegen_flags: <defaults>
</compile_context>

<pallas_src>
import functools

import jax
import jax.numpy as jnp
from jax import lax
from jax.experimental import pallas as pl
from jax.experimental.pallas import tpu as pltpu
from jax.experimental.pallas import tpu_sc as plsc

B = 16384
D = 64
K = 5
V = 100000
VP = V // 2
NFULL = V // 128
VTAIL = V - NFULL * 128
PTAIL = VTAIL // 2

NC = 2
NS = 16
NW = NC * NS
BPW = B // NW
GCH = 128
HB = 256
NCH = BPW // GCH
NGRP = HB // 16
VPAD = (NFULL + 1) * 64


def _transpose_kernel(ut_hbm, it_hbm, utail_hbm, itail_hbm,
                      upair_hbm, ipair_hbm, slab, obuf, sem_in, sem_out):
    wid = lax.axis_index("s") * NC + lax.axis_index("c")
    lane = lax.iota(jnp.int32, 16)
    perms = tuple((lane + s) & 15 for s in range(16))
    lane2 = 2 * lane
    nt = (NFULL - 1 - wid) // NW + 1

    @pl.when(wid == 0)
    def _():
        pltpu.sync_copy(utail_hbm, upair_hbm.at[pl.ds(NFULL * 64, PTAIL)])

    @pl.when(wid == 1)
    def _():
        pltpu.sync_copy(itail_hbm, ipair_hbm.at[pl.ds(NFULL * 64, PTAIL)])

    for src, dst in ((ut_hbm, upair_hbm), (it_hbm, ipair_hbm)):
        pltpu.async_copy(src.at[:, pl.ds(wid * 128, 128)], slab.at[0],
                         sem_in)

        def tile_body(ti, carry, src=src, dst=dst):
            t = wid + ti * NW
            buf = ti & 1

            @pl.when(ti + 1 < nt)
            def _():
                pltpu.async_copy(
                    src.at[:, pl.ds((t + NW) * 128, 128)],
                    slab.at[1 - buf], sem_in)

            pltpu.make_async_copy(src.at[:, pl.ds(0, 128)], slab.at[buf],
                                  sem_in).wait()

            @pl.when(ti >= 2)
            def _():
                pltpu.make_async_copy(obuf.at[buf], dst.at[pl.ds(0, 64)],
                                      sem_out).wait()

            bufv = jnp.full((16,), buf, jnp.int32)
            pr0 = lane

            @plsc.parallel_loop(0, 32)
            def blk_body(i):
                par = lax.shift_right_logical(i, 4)
                qc = lax.shift_right_logical(i, 2) & 3
                pb = i & 3
                d0 = qc * 16
                p0 = pb * 16
                rr0 = jnp.full((16,), 2 * p0 + par, jnp.int32) + lane2
                pr = p0 + pr0
                c0 = jnp.full((16,), par * D + d0, jnp.int32)
                for sh in range(16):
                    dv = d0 + perms[sh]
                    vals = plsc.load_gather(slab, [bufv, dv, rr0])
                    plsc.store_scatter(obuf, [bufv, pr, c0 + perms[sh]],
                                       vals)

            pltpu.async_copy(obuf.at[buf], dst.at[pl.ds(t * 64, 64)],
                             sem_out)
            return carry

        lax.fori_loop(0, nt, tile_body, 0)
        pltpu.make_async_copy(obuf.at[0], dst.at[pl.ds(0, 64)],
                              sem_out).wait()
        pltpu.make_async_copy(obuf.at[0], dst.at[pl.ds(0, 64)],
                              sem_out).wait()


def _gather_kernel(uidx_hbm, iidx_hbm, uemb_hbm, iemb_hbm, w_hbm, b_hbm,
                   out_hbm, idx_u, idx_i, pidx_u, pidx_i, u_rows, v_rows,
                   w_v, b_v, out_v, sem):
    wid = lax.axis_index("s") * NC + lax.axis_index("c")
    base = wid * BPW

    pltpu.sync_copy(uidx_hbm.at[wid], idx_u)
    pltpu.sync_copy(iidx_hbm.at[wid], idx_i)
    pltpu.sync_copy(w_hbm, w_v)
    pltpu.sync_copy(b_hbm, b_v)

    for j in range(NCH):
        for t in range(GCH // 16):
            sl = pl.ds(t * 16, 16)
            pidx_u[j, sl] = lax.shift_right_logical(idx_u[j, sl], 1)
            pidx_i[j, sl] = lax.shift_right_logical(idx_i[j, sl], 1)

    lane = lax.iota(jnp.int32, 16)
    m15 = lane == 15
    wv = [[w_v[pl.ds((k * 4 + c) * 16, 16)] for c in range(4)]
          for k in range(K)]
    bv = [b_v[pl.ds(k * 16, 16)] for k in range(K)]
    kvs = [jnp.full((16,), k, jnp.int32) for k in range(K)]

    for h in range(BPW // HB):
        copies = []
        for j in range(HB // GCH):
            jc = h * (HB // GCH) + j
            copies.append(pltpu.async_copy(
                uemb_hbm.at[pidx_u.at[jc]],
                u_rows.at[pl.ds(j * GCH, GCH)], sem))
            copies.append(pltpu.async_copy(
                iemb_hbm.at[pidx_i.at[jc]],
                v_rows.at[pl.ds(j * GCH, GCH)], sem))
        for c in copies:
            c.wait()

        @plsc.parallel_loop(0, HB)
        def row_body(r):
            jc16 = jnp.full((16,), h * (HB // GCH), jnp.int32) + \
                lax.shift_right_logical(r, 7)
            r16 = jnp.full((16,), r & 127, jnp.int32)
            up = plsc.load_gather(idx_u, [jc16, r16]) & 1
            ip = plsc.load_gather(idx_i, [jc16, r16]) & 1
            usel = up == 0
            isel = ip == 0
            t_ks = []
            for c in range(4):
                lo = u_rows[r, pl.ds(c * 16, 16)]
                hi = u_rows[r, pl.ds(D + c * 16, 16)]
                u_c = jnp.where(usel, lo, hi)
                lo = v_rows[r, pl.ds(c * 16, 16)]
                hi = v_rows[r, pl.ds(D + c * 16, 16)]
                v_c = jnp.where(isel, lo, hi)
                m_c = u_c * v_c
                for k in range(K):
                    t = m_c * wv[k][c]
                    t_ks.append(t) if c == 0 else None
                    if c:
                        t_ks[k] = t_ks[k] + t
            r16b = jnp.full((16,), r, jnp.int32)
            for k in range(K):
                sc = plsc.cumsum(t_ks[k]) + bv[k]
                p = 1.0 / (1.0 + jnp.exp(-sc))
                plsc.store_scatter(out_v, [r16b, kvs[k]], p, mask=m15)
        pltpu.sync_copy(out_v,
                        out_hbm.at[pl.ds(base + h * HB, HB)])




_SC_PARAMS = pltpu.CompilerParams(needs_layout_passes=False)


@jax.jit
def _bpr(uidx, iidx, ut, it, utail, itail, w_bc, b_bc):
    mesh = plsc.VectorSubcoreMesh(core_axis_name="c", subcore_axis_name="s")
    pair_sds = jax.ShapeDtypeStruct((VPAD, 2 * D), jnp.float32)
    k1 = functools.partial(
        pl.kernel,
        out_type=(pair_sds, pair_sds),
        mesh=mesh,
        compiler_params=_SC_PARAMS,
        scratch_types=[
            pltpu.VMEM((2, D, 128), jnp.float32),
            pltpu.VMEM((2, D, 128), jnp.float32),
            pltpu.SemaphoreType.DMA,
            pltpu.SemaphoreType.DMA,
        ],
    )(_transpose_kernel)
    upair, ipair = k1(ut, it, utail, itail)

    k2 = functools.partial(
        pl.kernel,
        out_type=jax.ShapeDtypeStruct((B, K), jnp.float32),
        mesh=mesh,
        compiler_params=_SC_PARAMS,
        scratch_types=[
            pltpu.VMEM((NCH, GCH), jnp.int32),
            pltpu.VMEM((NCH, GCH), jnp.int32),
            pltpu.VMEM((NCH, GCH), jnp.int32),
            pltpu.VMEM((NCH, GCH), jnp.int32),
            pltpu.VMEM((HB, 2 * D), jnp.float32),
            pltpu.VMEM((HB, 2 * D), jnp.float32),
            pltpu.VMEM((K * D,), jnp.float32),
            pltpu.VMEM((128,), jnp.float32),
            pltpu.VMEM((HB, K), jnp.float32),
            pltpu.SemaphoreType.DMA,
        ],
    )(_gather_kernel)
    return k2(uidx, iidx, upair, ipair, w_bc, b_bc)


def kernel(user_input, item_input, user_emb, item_emb, W, b):
    uidx = user_input.astype(jnp.int32).reshape(NW, NCH, GCH)
    iidx = item_input.astype(jnp.int32).reshape(NW, NCH, GCH)
    ut = user_emb.T
    it = item_emb.T
    utail = user_emb[NFULL * 128:].reshape(PTAIL, 2 * D)
    itail = item_emb[NFULL * 128:].reshape(PTAIL, 2 * D)
    w_bc = W.reshape(-1)
    b_bc = jnp.zeros((128,), jnp.float32).at[:K * 16].set(
        jnp.broadcast_to(b.reshape(K, 1), (K, 16)).reshape(-1))
    return _bpr(uidx, iidx, ut, it, utail, itail, w_bc, b_bc)

# --- scband reference (transcript-rebuilt; emitter-appended) ---
"""Pipeline reference for scband-bpr-47347719471805 (READ-ONLY COPY).

The authoritative reference and input builder live on the scoring server;
editing this copy changes nothing except your own understanding.
"""

import jax, jax.numpy as jnp
import numpy as np

B = 16384
U = 100000
I = 100000
D = 64

def setup_inputs(seed: int = 0):
    key = jax.random.key(seed)
    ks = jax.random.split(key, 6)
    user_input = jax.random.randint(ks[0], (B,), 0, U)
    item_input = jax.random.randint(ks[1], (B,), 0, I)
    user_emb = jax.random.normal(ks[2], (U, D), dtype=jnp.float32)
    item_emb = jax.random.normal(ks[3], (I, D), dtype=jnp.float32)
    W = jax.random.normal(ks[4], (5, D), dtype=jnp.float32) * (1.0 / np.sqrt(D))
    b = jnp.zeros((5,), dtype=jnp.float32)
    return {"user_input": user_input, "item_input": item_input,
            "user_emb": user_emb, "item_emb": item_emb, "W": W, "b": b}

def reference(user_input, item_input, user_emb, item_emb, W, b):
    # user_vector = self.user_embedding(user_input)
    u = jnp.take(user_emb, user_input, axis=0)
    # item_vector = self.item_embedding(item_input)
    v = jnp.take(item_emb, item_input, axis=0)
    # mul_vector = user_vector * item_vector
    m = u * v
    # prediction = torch.sigmoid(self.rating_mapping_layer(mul_vector))
    pred = jax.nn.sigmoid(jnp.dot(m, W.T) + b)
    return pred

if __name__ == "__main__":
    import jax
    _d = setup_inputs()
    print(jax.jit(kernel)(*tuple(_d.values())))

</pallas_src>

<mosaic_0001>
#map = affine_map<(d0, d1) -> (0, 0)>
module attributes {stable_mosaic.version = 14 : i64} {
  func.func @_transpose_kernel(%arg0: i32, %arg1: i32, %arg2: memref<64x100000xf32, #tpu.memory_space<hbm>>, %arg3: memref<64x100000xf32, #tpu.memory_space<hbm>>, %arg4: memref<16x128xf32, #tpu.memory_space<hbm>>, %arg5: memref<16x128xf32, #tpu.memory_space<hbm>>, %arg6: memref<50048x128xf32, #tpu.memory_space<hbm>>, %arg7: memref<50048x128xf32, #tpu.memory_space<hbm>>, %arg8: memref<2x64x128xf32, #tpu.memory_space<vmem>>, %arg9: memref<2x64x128xf32, #tpu.memory_space<vmem>>, %arg10: memref<!tpu.dma_semaphore, #tpu.memory_space<semaphore_mem>>, %arg11: memref<!tpu.dma_semaphore, #tpu.memory_space<semaphore_mem>>) attributes {dimension_semantics = [#tpu.dimension_semantics<core_parallel>, #tpu.dimension_semantics<subcore_parallel>], iteration_bounds = array<i64: 2, 16>, scalar_prefetch = 0 : i64, scratch_operands = 4 : i64, tpu.core_type = #tpu.core_type<sc_vector_subcore>, window_params = [{transform_indices = #map}, {transform_indices = #map}, {transform_indices = #map}, {transform_indices = #map}, {transform_indices = #map}, {transform_indices = #map}]} {
    %mul3A = arith.constant 2 : i32
    %mul3A_0 = arith.muli %arg1, %mul3A : i32
    %add3A = arith.addi %mul3A_0, %arg0 : i32
    %iota3A = tpu.iota {dimensions = array<i32: 0>} : vector<16xi32>
    %add3A_1 = arith.constant 0 : i32
    %add3A_2 = vector.broadcast %add3A_1 : i32 to vector<16xi32>
    %add3A_3 = arith.addi %iota3A, %add3A_2 : vector<16xi32>
    %and3A = arith.constant 15 : i32
    %and3A_4 = vector.broadcast %and3A : i32 to vector<16xi32>
    %and3A_5 = arith.andi %add3A_3, %and3A_4 : vector<16xi32>
    %add3A_6 = arith.constant 1 : i32
    %add3A_7 = vector.broadcast %add3A_6 : i32 to vector<16xi32>
    %add3A_8 = arith.addi %iota3A, %add3A_7 : vector<16xi32>
    %and3A_9 = arith.constant 15 : i32
    %and3A_10 = vector.broadcast %and3A_9 : i32 to vector<16xi32>
    %and3A_11 = arith.andi %add3A_8, %and3A_10 : vector<16xi32>
    %add3A_12 = arith.constant 2 : i32
    %add3A_13 = vector.broadcast %add3A_12 : i32 to vector<16xi32>
    %add3A_14 = arith.addi %iota3A, %add3A_13 : vector<16xi32>
    %and3A_15 = arith.constant 15 : i32
    %and3A_16 = vector.broadcast %and3A_15 : i32 to vector<16xi32>
    %and3A_17 = arith.andi %add3A_14, %and3A_16 : vector<16xi32>
    %add3A_18 = arith.constant 3 : i32
    %add3A_19 = vector.broadcast %add3A_18 : i32 to vector<16xi32>
    %add3A_20 = arith.addi %iota3A, %add3A_19 : vector<16xi32>
    %and3A_21 = arith.constant 15 : i32
    %and3A_22 = vector.broadcast %and3A_21 : i32 to vector<16xi32>
    %and3A_23 = arith.andi %add3A_20, %and3A_22 : vector<16xi32>
    %add3A_24 = arith.constant 4 : i32
    %add3A_25 = vector.broadcast %add3A_24 : i32 to vector<16xi32>
    %add3A_26 = arith.addi %iota3A, %add3A_25 : vector<16xi32>
    %and3A_27 = arith.constant 15 : i32
    %and3A_28 = vector.broadcast %and3A_27 : i32 to vector<16xi32>
    %and3A_29 = arith.andi %add3A_26, %and3A_28 : vector<16xi32>
    %add3A_30 = arith.constant 5 : i32
    %add3A_31 = vector.broadcast %add3A_30 : i32 to vector<16xi32>
    %add3A_32 = arith.addi %iota3A, %add3A_31 : vector<16xi32>
    %and3A_33 = arith.constant 15 : i32
    %and3A_34 = vector.broadcast %and3A_33 : i32 to vector<16xi32>
    %and3A_35 = arith.andi %add3A_32, %and3A_34 : vector<16xi32>
    %add3A_36 = arith.constant 6 : i32
    %add3A_37 = vector.broadcast %add3A_36 : i32 to vector<16xi32>
    %add3A_38 = arith.addi %iota3A, %add3A_37 : vector<16xi32>
    %and3A_39 = arith.constant 15 : i32
    %and3A_40 = vector.broadcast %and3A_39 : i32 to vector<16xi32>
    %and3A_41 = arith.andi %add3A_38, %and3A_40 : vector<16xi32>
    %add3A_42 = arith.constant 7 : i32
    %add3A_43 = vector.broadcast %add3A_42 : i32 to vector<16xi32>
    %add3A_44 = arith.addi %iota3A, %add3A_43 : vector<16xi32>
    %and3A_45 = arith.constant 15 : i32
    %and3A_46 = vector.broadcast %and3A_45 : i32 to vector<16xi32>
    %and3A_47 = arith.andi %add3A_44, %and3A_46 : vector<16xi32>
    %add3A_48 = arith.constant 8 : i32
    %add3A_49 = vector.broadcast %add3A_48 : i32 to vector<16xi32>
    %add3A_50 = arith.addi %iota3A, %add3A_49 : vector<16xi32>
    %and3A_51 = arith.constant 15 : i32
    %and3A_52 = vector.broadcast %and3A_51 : i32 to vector<16xi32>
    %and3A_53 = arith.andi %add3A_50, %and3A_52 : vector<16xi32>
    %add3A_54 = arith.constant 9 : i32
    %add3A_55 = vector.broadcast %add3A_54 : i32 to vector<16xi32>
    %add3A_56 = arith.addi %iota3A, %add3A_55 : vector<16xi32>
    %and3A_57 = arith.constant 15 : i32
    %and3A_58 = vector.broadcast %and3A_57 : i32 to vector<16xi32>
    %and3A_59 = arith.andi %add3A_56, %and3A_58 : vector<16xi32>
    %add3A_60 = arith.constant 10 : i32
    %add3A_61 = vector.broadcast %add3A_60 : i32 to vector<16xi32>
    %add3A_62 = arith.addi %iota3A, %add3A_61 : vector<16xi32>
    %and3A_63 = arith.constant 15 : i32
    %and3A_64 = vector.broadcast %and3A_63 : i32 to vector<16xi32>
    %and3A_65 = arith.andi %add3A_62, %and3A_64 : vector<16xi32>
    %add3A_66 = arith.constant 11 : i32
    %add3A_67 = vector.broadcast %add3A_66 : i32 to vector<16xi32>
    %add3A_68 = arith.addi %iota3A, %add3A_67 : vector<16xi32>
    %and3A_69 = arith.constant 15 : i32
    %and3A_70 = vector.broadcast %and3A_69 : i32 to vector<16xi32>
    %and3A_71 = arith.andi %add3A_68, %and3A_70 : vector<16xi32>
    %add3A_72 = arith.constant 12 : i32
    %add3A_73 = vector.broadcast %add3A_72 : i32 to vector<16xi32>
    %add3A_74 = arith.addi %iota3A, %add3A_73 : vector<16xi32>
    %and3A_75 = arith.constant 15 : i32
    %and3A_76 = vector.broadcast %and3A_75 : i32 to vector<16xi32>
    %and3A_77 = arith.andi %add3A_74, %and3A_76 : vector<16xi32>
    %add3A_78 = arith.constant 13 : i32
    %add3A_79 = vector.broadcast %add3A_78 : i32 to vector<16xi32>
    %add3A_80 = arith.addi %iota3A, %add3A_79 : vector<16xi32>
    %and3A_81 = arith.constant 15 : i32
    %and3A_82 = vector.broadcast %and3A_81 : i32 to vector<16xi32>
    %and3A_83 = arith.andi %add3A_80, %and3A_82 : vector<16xi32>
    %add3A_84 = arith.constant 14 : i32
    %add3A_85 = vector.broadcast %add3A_84 : i32 to vector<16xi32>
    %add3A_86 = arith.addi %iota3A, %add3A_85 : vector<16xi32>
    %and3A_87 = arith.constant 15 : i32
    %and3A_88 = vector.broadcast %and3A_87 : i32 to vector<16xi32>
    %and3A_89 = arith.andi %add3A_86, %and3A_88 : vector<16xi32>
    %add3A_90 = arith.constant 15 : i32
    %add3A_91 = vector.broadcast %add3A_90 : i32 to vector<16xi32>
    %add3A_92 = arith.addi %iota3A, %add3A_91 : vector<16xi32>
    %and3A_93 = arith.constant 15 : i32
    %and3A_94 = vector.broadcast %and3A_93 : i32 to vector<16xi32>
    %and3A_95 = arith.andi %add3A_92, %and3A_94 : vector<16xi32>
    %mul3A_96 = arith.constant 2 : i32
    %mul3A_97 = vector.broadcast %mul3A_96 : i32 to vector<16xi32>
    %mul3A_98 = arith.muli %mul3A_97, %iota3A : vector<16xi32>
    %sub3A = arith.constant 780 : i32
    %sub3A_99 = arith.subi %sub3A, %add3A : i32
    %jit3A = arith.constant 32 : i32
    %div3A = arith.divsi %sub3A_99, %jit3A : i32
    %sign3A = arith.constant 0 : i32
    %sign3A_100 = arith.cmpi sgt, %sub3A_99, %sign3A : i32
    %sign3A_101 = arith.extui %sign3A_100 : i1 to i32
    %sign3A_102 = arith.constant 0 : i32
    %sign3A_103 = arith.cmpi slt, %sub3A_99, %sign3A_102 : i32
    %sign3A_104 = arith.extui %sign3A_103 : i1 to i32
    %sign3A_105 = arith.subi %sign3A_101, %sign3A_104 : i32
    %sign3A_106 = arith.constant 0 : i32
    %sign3A_107 = arith.cmpi sgt, %jit3A, %sign3A_106 : i32
    %sign3A_108 = arith.extui %sign3A_107 : i1 to i32
    %sign3A_109 = arith.constant 0 : i32
    %sign3A_110 = arith.cmpi slt, %jit3A, %sign3A_109 : i32
    %sign3A_111 = arith.extui %sign3A_110 : i1 to i32
    %sign3A_112 = arith.subi %sign3A_108, %sign3A_111 : i32
    %ne3A = arith.cmpi ne, %sign3A_105, %sign3A_112 : i32
    %rem3A = arith.remsi %sub3A_99, %jit3A : i32
    %ne3A_113 = arith.constant 0 : i32
    %ne3A_114 = arith.cmpi ne, %rem3A, %ne3A_113 : i32
    %and3A_115 = arith.andi %ne3A, %ne3A_114 : i1
    %sub3A_116 = arith.constant 1 : i32
    %sub3A_117 = arith.subi %div3A, %sub3A_116 : i32
    %select_n3A = arith.select %and3A_115, %sub3A_117, %div3A : i32
    %add3A_118 = arith.constant 1 : i32
    %add3A_119 = arith.addi %select_n3A, %add3A_118 : i32
    %eq3A = arith.constant 0 : i32
    %eq3A_120 = arith.cmpi eq, %add3A, %eq3A : i32
    %convert_element_type3A = arith.extui %eq3A_120 : i1 to i32
    %cond3A = arith.constant 0 : i32
    %cond3A_121 = arith.cmpi ne, %convert_element_type3A, %cond3A : i32
    scf.if %cond3A_121 {
      "tpu.region"() ({
        %run_scoped3A = tpu.sem_alloc : memref<!tpu.dma_semaphore, #tpu.memory_space<semaphore_mem>>
        %dma_start3A_234 = arith.constant 49984 : i32
        %dma_start3A_235 = arith.constant 0 : i32
        %dma_start3A_236 = tpu.memref_slice %arg6[%dma_start3A_234, %dma_start3A_235] : memref<50048x128xf32, #tpu.memory_space<hbm>> -> memref<16x128xf32, #tpu.memory_space<hbm>>
        tpu.enqueue_dma source(%arg4 : memref<16x128xf32, #tpu.memory_space<hbm>>) target(%dma_start3A_236 : memref<16x128xf32, #tpu.memory_space<hbm>>) target_semaphore(%run_scoped3A : memref<!tpu.dma_semaphore, #tpu.memory_space<semaphore_mem>>)
        %dma_wait3A_237 = arith.constant 49984 : i32
        %dma_wait3A_238 = arith.constant 0 : i32
        %dma_wait3A_239 = tpu.memref_slice %arg6[%dma_wait3A_237, %dma_wait3A_238] : memref<50048x128xf32, #tpu.memory_space<hbm>> -> memref<16x128xf32, #tpu.memory_space<hbm>>
        tpu.wait_dma2 semaphore(%run_scoped3A : memref<!tpu.dma_semaphore, #tpu.memory_space<semaphore_mem>>) src(%arg4 : memref<16x128xf32, #tpu.memory_space<hbm>>) dst(%dma_wait3A_239 : memref<16x128xf32, #tpu.memory_space<hbm>>)
        tpu.yield
      }) : () -> ()
    } else {
    }
    %eq3A_122 = arith.constant 1 : i32
    %eq3A_123 = arith.cmpi eq, %add3A, %eq3A_122 : i32
    %convert_element_type3A_124 = arith.extui %eq3A_123 : i1 to i32
    %cond3A_125 = arith.constant 0 : i32
    %cond3A_126 = arith.cmpi ne, %convert_element_type3A_124, %cond3A_125 : i32
    scf.if %cond3A_126 {
      "tpu.region"() ({
        %run_scoped3A = tpu.sem_alloc : memref<!tpu.dma_semaphore, #tpu.memory_space<semaphore_mem>>
        %dma_start3A_234 = arith.constant 49984 : i32
        %dma_start3A_235 = arith.constant 0 : i32
        %dma_start3A_236 = tpu.memref_slice %arg7[%dma_start3A_234, %dma_start3A_235] : memref<50048x128xf32, #tpu.memory_space<hbm>> -> memref<16x128xf32, #tpu.memory_space<hbm>>
        tpu.enqueue_dma source(%arg5 : memref<16x128xf32, #tpu.memory_space<hbm>>) target(%dma_start3A_236 : memref<16x128xf32, #tpu.memory_space<hbm>>) target_semaphore(%run_scoped3A : memref<!tpu.dma_semaphore, #tpu.memory_space<semaphore_mem>>)
        %dma_wait3A_237 = arith.constant 49984 : i32
        %dma_wait3A_238 = arith.constant 0 : i32
        %dma_wait3A_239 = tpu.memref_slice %arg7[%dma_wait3A_237, %dma_wait3A_238] : memref<50048x128xf32, #tpu.memory_space<hbm>> -> memref<16x128xf32, #tpu.memory_space<hbm>>
        tpu.wait_dma2 semaphore(%run_scoped3A : memref<!tpu.dma_semaphore, #tpu.memory_space<semaphore_mem>>) src(%arg5 : memref<16x128xf32, #tpu.memory_space<hbm>>) dst(%dma_wait3A_239 : memref<16x128xf32, #tpu.memory_space<hbm>>)
        tpu.yield
      }) : () -> ()
    } else {
    }
    %mul3A_127 = arith.constant 128 : i32
    %mul3A_128 = arith.muli %add3A, %mul3A_127 : i32
    %dma_start3A = arith.constant 0 : i32
    %dma_start3A_129 = arith.constant 0 : i32
    %dma_start3A_130 = arith.constant 0 : i32
    %dma_start3A_131 = tpu.memref_slice %arg8[%dma_start3A, %dma_start3A_129, %dma_start3A_130] : memref<2x64x128xf32, #tpu.memory_space<vmem>> -> memref<1x64x128xf32, #tpu.memory_space<vmem>>
    %dma_start3A_132 = tpu.memref_squeeze %dma_start3A_131 : memref<1x64x128xf32, #tpu.memory_space<vmem>> -> memref<64x128xf32, #tpu.memory_space<vmem>>
    %dma_start3A_133 = arith.constant 0 : i32
    %dma_start3A_134 = tpu.memref_slice %arg2[%dma_start3A_133, %mul3A_128] : memref<64x100000xf32, #tpu.memory_space<hbm>> -> memref<64x128xf32, #tpu.memory_space<hbm>>
    %dma_start3A_135 = arith.constant 0 : i32
    %dma_start3A_136 = arith.constant 0 : i32
    %dma_start3A_137 = tpu.memref_slice %arg8[%dma_start3A, %dma_start3A_135, %dma_start3A_136] : memref<2x64x128xf32, #tpu.memory_space<vmem>> -> memref<1x64x128xf32, #tpu.memory_space<vmem>>
    %dma_start3A_138 = tpu.memref_squeeze %dma_start3A_137 : memref<1x64x128xf32, #tpu.memory_space<vmem>> -> memref<64x128xf32, #tpu.memory_space<vmem>>
    %dma_start3A_139 = arith.constant 0 : i32
    %dma_start3A_140 = tpu.memref_slice %arg2[%dma_start3A_139, %mul3A_128] : memref<64x100000xf32, #tpu.memory_space<hbm>> -> memref<64x128xf32, #tpu.memory_space<hbm>>
    tpu.enqueue_dma source(%dma_start3A_140 : memref<64x128xf32, #tpu.memory_space<hbm>>) target(%dma_start3A_138 : memref<64x128xf32, #tpu.memory_space<vmem>>) target_semaphore(%arg10 : memref<!tpu.dma_semaphore, #tpu.memory_space<semaphore_mem>>)
    %while3A = arith.constant 0 : i32
    %while3A_141 = arith.constant 0 : i32
    %while3A_142 = arith.subi %add3A_119, %while3A_141 : i32
    %while3A_143 = arith.addi %while3A_141, %while3A_142 : i32
    %while3A_144 = arith.constant 1 : i32
    %while3A_145 = arith.divsi %while3A_142, %while3A_144 : i32
    %while3A_146 = arith.muli %while3A_145, %while3A_144 : i32
    %while3A_147 = arith.addi %while3A_141, %while3A_146 : i32
    %while3A_148 = arith.constant 1 : i32
    scf.for %while3A_234 = %while3A_141 to %while3A_147 step %while3A_148  : i32 {
      %mul3A_235 = arith.constant 32 : i32
      %mul3A_236 = arith.muli %while3A_234, %mul3A_235 : i32
      %add3A_237 = arith.addi %add3A, %mul3A_236 : i32
      %and3A_238 = arith.constant 1 : i32
      %and3A_239 = arith.andi %while3A_234, %and3A_238 : i32
      %add3A_240 = arith.constant 1 : i32
      %add3A_241 = arith.addi %while3A_234, %add3A_240 : i32
      %lt3A = arith.cmpi slt, %add3A_241, %add3A_119 : i32
      %convert_element_type3A_242 = arith.extui %lt3A : i1 to i32
      %cond3A_243 = arith.constant 0 : i32
      %cond3A_244 = arith.cmpi ne, %convert_element_type3A_242, %cond3A_243 : i32
      scf.if %cond3A_244 {
        %add3A_279 = arith.constant 32 : i32
        %add3A_280 = arith.addi %add3A_237, %add3A_279 : i32
        %mul3A_281 = arith.constant 128 : i32
        %mul3A_282 = arith.muli %add3A_280, %mul3A_281 : i32
        %sub3A_283 = arith.constant 1 : i32
        %sub3A_284 = arith.subi %sub3A_283, %and3A_239 : i32
        %dma_start3A_285 = arith.constant 0 : i32
        %dma_start3A_286 = arith.constant 0 : i32
        %dma_start3A_287 = tpu.memref_slice %arg8[%sub3A_284, %dma_start3A_285, %dma_start3A_286] : memref<2x64x128xf32, #tpu.memory_space<vmem>> -> memref<1x64x128xf32, #tpu.memory_space<vmem>>
        %dma_start3A_288 = tpu.memref_squeeze %dma_start3A_287 : memref<1x64x128xf32, #tpu.memory_space<vmem>> -> memref<64x128xf32, #tpu.memory_space<vmem>>
        %dma_start3A_289 = arith.constant 0 : i32
        %dma_start3A_290 = tpu.memref_slice %arg2[%dma_start3A_289, %mul3A_282] : memref<64x100000xf32, #tpu.memory_space<hbm>> -> memref<64x128xf32, #tpu.memory_space<hbm>>
        %dma_start3A_291 = arith.constant 0 : i32
        %dma_start3A_292 = arith.constant 0 : i32
        %dma_start3A_293 = tpu.memref_slice %arg8[%sub3A_284, %dma_start3A_291, %dma_start3A_292] : memref<2x64x128xf32, #tpu.memory_space<vmem>> -> memref<1x64x128xf32, #tpu.memory_space<vmem>>
        %dma_start3A_294 = tpu.memref_squeeze %dma_start3A_293 : memref<1x64x128xf32, #tpu.memory_space<vmem>> -> memref<64x128xf32, #tpu.memory_space<vmem>>
        %dma_start3A_295 = arith.constant 0 : i32
        %dma_start3A_296 = tpu.memref_slice %arg2[%dma_start3A_295, %mul3A_282] : memref<64x100000xf32, #tpu.memory_space<hbm>> -> memref<64x128xf32, #tpu.memory_space<hbm>>
        tpu.enqueue_dma source(%dma_start3A_296 : memref<64x128xf32, #tpu.memory_space<hbm>>) target(%dma_start3A_294 : memref<64x128xf32, #tpu.memory_space<vmem>>) target_semaphore(%arg10 : memref<!tpu.dma_semaphore, #tpu.memory_space<semaphore_mem>>)
      } else {
      }
      %dma_wait3A_245 = arith.constant 0 : i32
      %dma_wait3A_246 = arith.constant 0 : i32
      %dma_wait3A_247 = tpu.memref_slice %arg8[%and3A_239, %dma_wait3A_245, %dma_wait3A_246] : memref<2x64x128xf32, #tpu.memory_space<vmem>> -> memref<1x64x128xf32, #tpu.memory_space<vmem>>
      %dma_wait3A_248 = tpu.memref_squeeze %dma_wait3A_247 : memref<1x64x128xf32, #tpu.memory_space<vmem>> -> memref<64x128xf32, #tpu.memory_space<vmem>>
      %dma_wait3A_249 = arith.constant 0 : i32
      %dma_wait3A_250 = arith.constant 0 : i32
      %dma_wait3A_251 = tpu.memref_slice %arg2[%dma_wait3A_249, %dma_wait3A_250] : memref<64x100000xf32, #tpu.memory_space<hbm>> -> memref<64x128xf32, #tpu.memory_space<hbm>>
      %dma_wait3A_252 = arith.constant 0 : i32
      %dma_wait3A_253 = arith.constant 0 : i32
      %dma_wait3A_254 = tpu.memref_slice %arg8[%and3A_239, %dma_wait3A_252, %dma_wait3A_253] : memref<2x64x128xf32, #tpu.memory_space<vmem>> -> memref<1x64x128xf32, #tpu.memory_space<vmem>>
      %dma_wait3A_255 = tpu.memref_squeeze %dma_wait3A_254 : memref<1x64x128xf32, #tpu.memory_space<vmem>> -> memref<64x128xf32, #tpu.memory_space<vmem>>
      %dma_wait3A_256 = arith.constant 0 : i32
      %dma_wait3A_257 = arith.constant 0 : i32
      %dma_wait3A_258 = tpu.memref_slice %arg2[%dma_wait3A_256, %dma_wait3A_257] : memref<64x100000xf32, #tpu.memory_space<hbm>> -> memref<64x128xf32, #tpu.memory_space<hbm>>
      tpu.wait_dma2 semaphore(%arg10 : memref<!tpu.dma_semaphore, #tpu.memory_space<semaphore_mem>>) src(%dma_wait3A_258 : memref<64x128xf32, #tpu.memory_space<hbm>>) dst(%dma_wait3A_255 : memref<64x128xf32, #tpu.memory_space<vmem>>)
      %ge3A = arith.constant 2 : i32
      %ge3A_259 = arith.cmpi sge, %while3A_234, %ge3A : i32
      %convert_element_type3A_260 = arith.extui %ge3A_259 : i1 to i32
      %cond3A_261 = arith.constant 0 : i32
      %cond3A_262 = arith.cmpi ne, %convert_element_type3A_260, %cond3A_261 : i32
      scf.if %cond3A_262 {
        %dma_wait3A_279 = arith.constant 0 : i32
        %dma_wait3A_280 = arith.constant 0 : i32
        %dma_wait3A_281 = tpu.memref_slice %arg9[%and3A_239, %dma_wait3A_279, %dma_wait3A_280] : memref<2x64x128xf32, #tpu.memory_space<vmem>> -> memref<1x64x128xf32, #tpu.memory_space<vmem>>
        %dma_wait3A_282 = tpu.memref_squeeze %dma_wait3A_281 : memref<1x64x128xf32, #tpu.memory_space<vmem>> -> memref<64x128xf32, #tpu.memory_space<vmem>>
        %dma_wait3A_283 = arith.constant 0 : i32
        %dma_wait3A_284 = arith.constant 0 : i32
        %dma_wait3A_285 = tpu.memref_slice %arg6[%dma_wait3A_283, %dma_wait3A_284] : memref<50048x128xf32, #tpu.memory_space<hbm>> -> memref<64x128xf32, #tpu.memory_space<hbm>>
        %dma_wait3A_286 = arith.constant 0 : i32
        %dma_wait3A_287 = arith.constant 0 : i32
        %dma_wait3A_288 = tpu.memref_slice %arg6[%dma_wait3A_286, %dma_wait3A_287] : memref<50048x128xf32, #tpu.memory_space<hbm>> -> memref<64x128xf32, #tpu.memory_space<hbm>>
        %dma_wait3A_289 = arith.constant 0 : i32
        %dma_wait3A_290 = arith.constant 0 : i32
        %dma_wait3A_291 = tpu.memref_slice %arg9[%and3A_239, %dma_wait3A_289, %dma_wait3A_290] : memref<2x64x128xf32, #tpu.memory_space<vmem>> -> memref<1x64x128xf32, #tpu.memory_space<vmem>>
        %dma_wait3A_292 = tpu.memref_squeeze %dma_wait3A_291 : memref<1x64x128xf32, #tpu.memory_space<vmem>> -> memref<64x128xf32, #tpu.memory_space<vmem>>
        tpu.wait_dma2 semaphore(%arg11 : memref<!tpu.dma_semaphore, #tpu.memory_space<semaphore_mem>>) src(%dma_wait3A_292 : memref<64x128xf32, #tpu.memory_space<vmem>>) dst(%dma_wait3A_288 : memref<64x128xf32, #tpu.memory_space<hbm>>)
      } else {
      }
      %broadcast_in_dim3A = vector.broadcast %and3A_239 : i32 to vector<16xi32>
      %parallel_loop3A = arith.constant 0 : i32
      %parallel_loop3A_263 = arith.constant 32 : i32
      %parallel_loop3A_264 = arith.constant 1 : i32
      scf.for %parallel_loop3A_279 = %parallel_loop3A to %parallel_loop3A_263 step %parallel_loop3A_264  : i32 {
        %parallel_loop3A_280 = arith.constant 4 : i32
        %parallel_loop3A_281 = arith.shrui %parallel_loop3A_279, %parallel_loop3A_280 : i32
        %parallel_loop3A_282 = arith.constant 2 : i32
        %parallel_loop3A_283 = arith.shrui %parallel_loop3A_279, %parallel_loop3A_282 : i32
        %parallel_loop3A_284 = arith.constant 3 : i32
        %parallel_loop3A_285 = arith.andi %parallel_loop3A_283, %parallel_loop3A_284 : i32
        %parallel_loop3A_286 = arith.constant 3 : i32
        %parallel_loop3A_287 = arith.andi %parallel_loop3A_279, %parallel_loop3A_286 : i32
        %parallel_loop3A_288 = arith.constant 16 : i32
        %parallel_loop3A_289 = arith.muli %parallel_loop3A_285, %parallel_loop3A_288 : i32
        %parallel_loop3A_290 = arith.constant 16 : i32
        %parallel_loop3A_291 = arith.muli %parallel_loop3A_287, %parallel_loop3A_290 : i32
        %parallel_loop3A_292 = arith.constant 2 : i32
        %parallel_loop3A_293 = arith.muli %parallel_loop3A_292, %parallel_loop3A_291 : i32
        %parallel_loop3A_294 = arith.addi %parallel_loop3A_293, %parallel_loop3A_281 : i32
        %parallel_loop3A_295 = vector.broadcast %parallel_loop3A_294 : i32 to vector<16xi32>
        %parallel_loop3A_296 = arith.addi %parallel_loop3A_295, %mul3A_98 : vector<16xi32>
        %parallel_loop3A_297 = vector.broadcast %parallel_loop3A_291 : i32 to vector<16xi32>
        %parallel_loop3A_298 = arith.addi %parallel_loop3A_297, %iota3A : vector<16xi32>
        %parallel_loop3A_299 = arith.constant 64 : i32
        %parallel_loop3A_300 = arith.muli %parallel_loop3A_281, %parallel_loop3A_299 : i32
        %parallel_loop3A_301 = arith.addi %parallel_loop3A_300, %parallel_loop3A_289 : i32
        %parallel_loop3A_302 = vector.broadcast %parallel_loop3A_301 : i32 to vector<16xi32>
        %parallel_loop3A_303 = vector.broadcast %parallel_loop3A_289 : i32 to vector<16xi32>
        %parallel_loop3A_304 = arith.addi %parallel_loop3A_303, %and3A_5 : vector<16xi32>
        %parallel_loop3A_305 = tpu.vector_load_idx %arg8[%broadcast_in_dim3A, %parallel_loop3A_304, %parallel_loop3A_296] : memref<2x64x128xf32, #tpu.memory_space<vmem>>[vector<16xi32>, vector<16xi32>, vector<16xi32>], vector<16xf32>,
        %parallel_loop3A_306 = arith.addi %parallel_loop3A_302, %and3A_5 : vector<16xi32>
        tpu.vector_store_idx %arg9[%broadcast_in_dim3A, %parallel_loop3A_298, %parallel_loop3A_306], %parallel_loop3A_305 : memref<2x64x128xf32, #tpu.memory_space<vmem>>[vector<16xi32>, vector<16xi32>, vector<16xi32>], vector<16xf32>,
        %parallel_loop3A_307 = vector.broadcast %parallel_loop3A_289 : i32 to vector<16xi32>
        %parallel_loop3A_308 = arith.addi %parallel_loop3A_307, %and3A_11 : vector<16xi32>
        %parallel_loop3A_309 = tpu.vector_load_idx %arg8[%broadcast_in_dim3A, %parallel_loop3A_308, %parallel_loop3A_296] : memref<2x64x128xf32, #tpu.memory_space<vmem>>[vector<16xi32>, vector<16xi32>, vector<16xi32>], vector<16xf32>,
        %parallel_loop3A_310 = arith.addi %parallel_loop3A_302, %and3A_11 : vector<16xi32>
        tpu.vector_store_idx %arg9[%broadcast_in_dim3A, %parallel_loop3A_298, %parallel_loop3A_310], %parallel_loop3A_309 : memref<2x64x128xf32, #tpu.memory_space<vmem>>[vector<16xi32>, vector<16xi32>, vector<16xi32>], vector<16xf32>,
        %parallel_loop3A_311 = vector.broadcast %parallel_loop3A_289 : i32 to vector<16xi32>
        %parallel_loop3A_312 = arith.addi %parallel_loop3A_311, %and3A_17 : vector<16xi32>
        %parallel_loop3A_313 = tpu.vector_load_idx %arg8[%broadcast_in_dim3A, %parallel_loop3A_312, %parallel_loop3A_296] : memref<2x64x128xf32, #tpu.memory_space<vmem>>[vector<16xi32>, vector<16xi32>, vector<16xi32>], vector<16xf32>,
        %parallel_loop3A_314 = arith.addi %parallel_loop3A_302, %and3A_17 : vector<16xi32>
        tpu.vector_store_idx %arg9[%broadcast_in_dim3A, %parallel_loop3A_298, %parallel_loop3A_314], %parallel_loop3A_313 : memref<2x64x128xf32, #tpu.memory_space<vmem>>[vector<16xi32>, vector<16xi32>, vector<16xi32>], vector<16xf32>,
        %parallel_loop3A_315 = vector.broadcast %parallel_loop3A_289 : i32 to vector<16xi32>
        %parallel_loop3A_316 = arith.addi %parallel_loop3A_315, %and3A_23 : vector<16xi32>
        %parallel_loop3A_317 = tpu.vector_load_idx %arg8[%broadcast_in_dim3A, %parallel_loop3A_316, %parallel_loop3A_296] : memref<2x64x128xf32, #tpu.memory_space<vmem>>[vector<16xi32>, vector<16xi32>, vector<16xi32>], vector<16xf32>,
        %parallel_loop3A_318 = arith.addi %parallel_loop3A_302, %and3A_23 : vector<16xi32>
        tpu.vector_store_idx %arg9[%broadcast_in_dim3A, %parallel_loop3A_298, %parallel_loop3A_318], %parallel_loop3A_317 : memref<2x64x128xf32, #tpu.memory_space<vmem>>[vector<16xi32>, vector<16xi32>, vector<16xi32>], vector<16xf32>,
        %parallel_loop3A_319 = vector.broadcast %parallel_loop3A_289 : i32 to vector<16xi32>
        %parallel_loop3A_320 = arith.addi %parallel_loop3A_319, %and3A_29 : vector<16xi32>
        %parallel_loop3A_321 = tpu.vector_load_idx %arg8[%broadcast_in_dim3A, %parallel_loop3A_320, %parallel_loop3A_296] : memref<2x64x128xf32, #tpu.memory_space<vmem>>[vector<16xi32>, vector<16xi32>, vector<16xi32>], vector<16xf32>,
        %parallel_loop3A_322 = arith.addi %parallel_loop3A_302, %and3A_29 : vector<16xi32>
        tpu.vector_store_idx %arg9[%broadcast_in_dim3A, %parallel_loop3A_298, %parallel_loop3A_322], %parallel_loop3A_321 : memref<2x64x128xf32, #tpu.memory_space<vmem>>[vector<16xi32>, vector<16xi32>, vector<16xi32>], vector<16xf32>,
        %parallel_loop3A_323 = vector.broadcast %parallel_loop3A_289 : i32 to vector<16xi32>
        %parallel_loop3A_324 = arith.addi %parallel_loop3A_323, %and3A_35 : vector<16xi32>
        %parallel_loop3A_325 = tpu.vector_load_idx %arg8[%broadcast_in_dim3A, %parallel_loop3A_324, %parallel_loop3A_296] : memref<2x64x128xf32, #tpu.memory_space<vmem>>[vector<16xi32>, vector<16xi32>, vector<16xi32>], vector<16xf32>,
        %parallel_loop3A_326 = arith.addi %parallel_loop3A_302, %and3A_35 : vector<16xi32>
        tpu.vector_store_idx %arg9[%broadcast_in_dim3A, %parallel_loop3A_298, %parallel_loop3A_326], %parallel_loop3A_325 : memref<2x64x128xf32, #tpu.memory_space<vmem>>[vector<16xi32>, vector<16xi32>, vector<16xi32>], vector<16xf32>,
        %parallel_loop3A_327 = vector.broadcast %parallel_loop3A_289 : i32 to vector<16xi32>
        %parallel_loop3A_328 = arith.addi %parallel_loop3A_327, %and3A_41 : vector<16xi32>
        %parallel_loop3A_329 = tpu.vector_load_idx %arg8[%broadcast_in_dim3A, %parallel_loop3A_328, %parallel_loop3A_296] : memref<2x64x128xf32, #tpu.memory_space<vmem>>[vector<16xi32>, vector<16xi32>, vector<16xi32>], vector<16xf32>,
        %parallel_loop3A_330 = arith.addi %parallel_loop3A_302, %and3A_41 : vector<16xi32>
        tpu.vector_store_idx %arg9[%broadcast_in_dim3A, %parallel_loop3A_298, %parallel_loop3A_330], %parallel_loop3A_329 : memref<2x64x128xf32, #tpu.memory_space<vmem>>[vector<16xi32>, vector<16xi32>, vector<16xi32>], vector<16xf32>,
        %parallel_loop3A_331 = vector.broadcast %parallel_loop3A_289 : i32 to vector<16xi32>
        %parallel_loop3A_332 = arith.addi %parallel_loop3A_331, %and3A_47 : vector<16xi32>
        %parallel_loop3A_333 = tpu.vector_load_idx %arg8[%broadcast_in_dim3A, %parallel_loop3A_332, %parallel_loop3A_296] : memref<2x64x128xf32, #tpu.memory_space<vmem>>[vector<16xi32>, vector<16xi32>, vector<16xi32>], vector<16xf32>,
        %parallel_loop3A_334 = arith.addi %parallel_loop3A_302, %and3A_47 : vector<16xi32>
        tpu.vector_store_idx %arg9[%broadcast_in_dim3A, %parallel_loop3A_298, %parallel_loop3A_334], %parallel_loop3A_333 : memref<2x64x128xf32, #tpu.memory_space<vmem>>[vector<16xi32>, vector<16xi32>, vector<16xi32>], vector<16xf32>,
        %parallel_loop3A_335 = vector.broadcast %parallel_loop3A_289 : i32 to vector<16xi32>
        %parallel_loop3A_336 = arith.addi %parallel_loop3A_335, %and3A_53 : vector<16xi32>
        %parallel_loop3A_337 = tpu.vector_load_idx %arg8[%broadcast_in_dim3A, %parallel_loop3A_336, %parallel_loop3A_296] : memref<2x64x128xf32, #tpu.memory_space<vmem>>[vector<16xi32>, vector<16xi32>, vector<16xi32>], vector<16xf32>,
        %parallel_loop3A_338 = arith.addi %parallel_loop3A_302, %and3A_53 : vector<16xi32>
        tpu.vector_store_idx %arg9[%broadcast_in_dim3A, %parallel_loop3A_298, %parallel_loop3A_338], %parallel_loop3A_337 : memref<2x64x128xf32, #tpu.memory_space<vmem>>[vector<16xi32>, vector<16xi32>, vector<16xi32>], vector<16xf32>,
        %parallel_loop3A_339 = vector.broadcast %parallel_loop3A_289 : i32 to vector<16xi32>
        %parallel_loop3A_340 = arith.addi %parallel_loop3A_339, %and3A_59 : vector<16xi32>
        %parallel_loop3A_341 = tpu.vector_load_idx %arg8[%broadcast_in_dim3A, %parallel_loop3A_340, %parallel_loop3A_296] : memref<2x64x128xf32, #tpu.memory_space<vmem>>[vector<16xi32>, vector<16xi32>, vector<16xi32>], vector<16xf32>,
        %parallel_loop3A_342 = arith.addi %parallel_loop3A_302, %and3A_59 : vector<16xi32>
        tpu.vector_store_idx %arg9[%broadcast_in_dim3A, %parallel_loop3A_298, %parallel_loop3A_342], %parallel_loop3A_341 : memref<2x64x128xf32, #tpu.memory_space<vmem>>[vector<16xi32>, vector<16xi32>, vector<16xi32>], vector<16xf32>,
        %parallel_loop3A_343 = vector.broadcast %parallel_loop3A_289 : i32 to vector<16xi32>
        %parallel_loop3A_344 = arith.addi %parallel_loop3A_343, %and3A_65 : vector<16xi32>
        %parallel_loop3A_345 = tpu.vector_load_idx %arg8[%broadcast_in_dim3A, %parallel_loop3A_344, %parallel_loop3A_296] : memref<2x64x128xf32, #tpu.memory_space<vmem>>[vector<16xi32>, vector<16xi32>, vector<16xi32>], vector<16xf32>,
        %parallel_loop3A_346 = arith.addi %parallel_loop3A_302, %and3A_65 : vector<16xi32>
        tpu.vector_store_idx %arg9[%broadcast_in_dim3A, %parallel_loop3A_298, %parallel_loop3A_346], %parallel_loop3A_345 : memref<2x64x128xf32, #tpu.memory_space<vmem>>[vector<16xi32>, vector<16xi32>, vector<16xi32>], vector<16xf32>,
        %parallel_loop3A_347 = vector.broadcast %parallel_loop3A_289 : i32 to vector<16xi32>
        %parallel_loop3A_348 = arith.addi %parallel_loop3A_347, %and3A_71 : vector<16xi32>
        %parallel_loop3A_349 = tpu.vector_load_idx %arg8[%broadcast_in_dim3A, %parallel_loop3A_348, %parallel_loop3A_296] : memref<2x64x128xf32, #tpu.memory_space<vmem>>[vector<16xi32>, vector<16xi32>, vector<16xi32>], vector<16xf32>,
        %parallel_loop3A_350 = arith.addi %parallel_loop3A_302, %and3A_71 : vector<16xi32>
        tpu.vector_store_idx %arg9[%broadcast_in_dim3A, %parallel_loop3A_298, %parallel_loop3A_350], %parallel_loop3A_349 : memref<2x64x128xf32, #tpu.memory_space<vmem>>[vector<16xi32>, vector<16xi32>, vector<16xi32>], vector<16xf32>,
        %parallel_loop3A_351 = vector.broadcast %parallel_loop3A_289 : i32 to vector<16xi32>
        %parallel_loop3A_352 = arith.addi %parallel_loop3A_351, %and3A_77 : vector<16xi32>
        %parallel_loop3A_353 = tpu.vector_load_idx %arg8[%broadcast_in_dim3A, %parallel_loop3A_352, %parallel_loop3A_296] : memref<2x64x128xf32, #tpu.memory_space<vmem>>[vector<16xi32>, vector<16xi32>, vector<16xi32>], vector<16xf32>,
        %parallel_loop3A_354 = arith.addi %parallel_loop3A_302, %and3A_77 : vector<16xi32>
        tpu.vector_store_idx %arg9[%broadcast_in_dim3A, %parallel_loop3A_298, %parallel_loop3A_354], %parallel_loop3A_353 : memref<2x64x128xf32, #tpu.memory_space<vmem>>[vector<16xi32>, vector<16xi32>, vector<16xi32>], vector<16xf32>,
        %parallel_loop3A_355 = vector.broadcast %parallel_loop3A_289 : i32 to vector<16xi32>
        %parallel_loop3A_356 = arith.addi %parallel_loop3A_355, %and3A_83 : vector<16xi32>
        %parallel_loop3A_357 = tpu.vector_load_idx %arg8[%broadcast_in_dim3A, %parallel_loop3A_356, %parallel_loop3A_296] : memref<2x64x128xf32, #tpu.memory_space<vmem>>[vector<16xi32>, vector<16xi32>, vector<16xi32>], vector<16xf32>,
        %parallel_loop3A_358 = arith.addi %parallel_loop3A_302, %and3A_83 : vector<16xi32>
        tpu.vector_store_idx %arg9[%broadcast_in_dim3A, %parallel_loop3A_298, %parallel_loop3A_358], %parallel_loop3A_357 : memref<2x64x128xf32, #tpu.memory_space<vmem>>[vector<16xi32>, vector<16xi32>, vector<16xi32>], vector<16xf32>,
        %parallel_loop3A_359 = vector.broadcast %parallel_loop3A_289 : i32 to vector<16xi32>
        %parallel_loop3A_360 = arith.addi %parallel_loop3A_359, %and3A_89 : vector<16xi32>
        %parallel_loop3A_361 = tpu.vector_load_idx %arg8[%broadcast_in_dim3A, %parallel_loop3A_360, %parallel_loop3A_296] : memref<2x64x128xf32, #tpu.memory_space<vmem>>[vector<16xi32>, vector<16xi32>, vector<16xi32>], vector<16xf32>,
        %parallel_loop3A_362 = arith.addi %parallel_loop3A_302, %and3A_89 : vector<16xi32>
        tpu.vector_store_idx %arg9[%broadcast_in_dim3A, %parallel_loop3A_298, %parallel_loop3A_362], %parallel_loop3A_361 : memref<2x64x128xf32, #tpu.memory_space<vmem>>[vector<16xi32>, vector<16xi32>, vector<16xi32>], vector<16xf32>,
        %parallel_loop3A_363 = vector.broadcast %parallel_loop3A_289 : i32 to vector<16xi32>
        %parallel_loop3A_364 = arith.addi %parallel_loop3A_363, %and3A_95 : vector<16xi32>
        %parallel_loop3A_365 = tpu.vector_load_idx %arg8[%broadcast_in_dim3A, %parallel_loop3A_364, %parallel_loop3A_296] : memref<2x64x128xf32, #tpu.memory_space<vmem>>[vector<16xi32>, vector<16xi32>, vector<16xi32>], vector<16xf32>,
        %parallel_loop3A_366 = arith.addi %parallel_loop3A_302, %and3A_95 : vector<16xi32>
        tpu.vector_store_idx %arg9[%broadcast_in_dim3A, %parallel_loop3A_298, %parallel_loop3A_366], %parallel_loop3A_365 : memref<2x64x128xf32, #tpu.memory_space<vmem>>[vector<16xi32>, vector<16xi32>, vector<16xi32>], vector<16xf32>,
      } {sc.loop_unroll_factor = 1 : i64, sc.parallel_access}
      %mul3A_265 = arith.constant 64 : i32
      %mul3A_266 = arith.muli %add3A_237, %mul3A_265 : i32
      %dma_start3A_267 = arith.constant 0 : i32
      %dma_start3A_268 = arith.constant 0 : i32
      %dma_start3A_269 = tpu.memref_slice %arg9[%and3A_239, %dma_start3A_267, %dma_start3A_268] : memref<2x64x128xf32, #tpu.memory_space<vmem>> -> memref<1x64x128xf32, #tpu.memory_space<vmem>>
      %dma_start3A_270 = tpu.memref_squeeze %dma_start3A_269 : memref<1x64x128xf32, #tpu.memory_space<vmem>> -> memref<64x128xf32, #tpu.memory_space<vmem>>
      %dma_start3A_271 = arith.constant 0 : i32
      %dma_start3A_272 = tpu.memref_slice %arg6[%mul3A_266, %dma_start3A_271] : memref<50048x128xf32, #tpu.memory_space<hbm>> -> memref<64x128xf32, #tpu.memory_space<hbm>>
      %dma_start3A_273 = arith.constant 0 : i32
      %dma_start3A_274 = tpu.memref_slice %arg6[%mul3A_266, %dma_start3A_273] : memref<50048x128xf32, #tpu.memory_space<hbm>> -> memref<64x128xf32, #tpu.memory_space<hbm>>
      %dma_start3A_275 = arith.constant 0 : i32
      %dma_start3A_276 = arith.constant 0 : i32
      %dma_start3A_277 = tpu.memref_slice %arg9[%and3A_239, %dma_start3A_275, %dma_start3A_276] : memref<2x64x128xf32, #tpu.memory_space<vmem>> -> memref<1x64x128xf32, #tpu.memory_space<vmem>>
      %dma_start3A_278 = tpu.memref_squeeze %dma_start3A_277 : memref<1x64x128xf32, #tpu.memory_space<vmem>> -> memref<64x128xf32, #tpu.memory_space<vmem>>
      tpu.enqueue_dma source(%dma_start3A_278 : memref<64x128xf32, #tpu.memory_space<vmem>>) target(%dma_start3A_274 : memref<64x128xf32, #tpu.memory_space<hbm>>) target_semaphore(%arg11 : memref<!tpu.dma_semaphore, #tpu.memory_space<semaphore_mem>>)
    }
    %while3A_149 = arith.constant 1 : i32
    scf.for %while3A_234 = %while3A_147 to %while3A_143 step %while3A_149  : i32 {
      %mul3A_235 = arith.constant 32 : i32
      %mul3A_236 = arith.muli %while3A_234, %mul3A_235 : i32
      %add3A_237 = arith.addi %add3A, %mul3A_236 : i32
      %and3A_238 = arith.constant 1 : i32
      %and3A_239 = arith.andi %while3A_234, %and3A_238 : i32
      %add3A_240 = arith.constant 1 : i32
      %add3A_241 = arith.addi %while3A_234, %add3A_240 : i32
      %lt3A = arith.cmpi slt, %add3A_241, %add3A_119 : i32
      %convert_element_type3A_242 = arith.extui %lt3A : i1 to i32
      %cond3A_243 = arith.constant 0 : i32
      %cond3A_244 = arith.cmpi ne, %convert_element_type3A_242, %cond3A_243 : i32
      scf.if %cond3A_244 {
        %add3A_279 = arith.constant 32 : i32
        %add3A_280 = arith.addi %add3A_237, %add3A_279 : i32
        %mul3A_281 = arith.constant 128 : i32
        %mul3A_282 = arith.muli %add3A_280, %mul3A_281 : i32
        %sub3A_283 = arith.constant 1 : i32
        %sub3A_284 = arith.subi %sub3A_283, %and3A_239 : i32
        %dma_start3A_285 = arith.constant 0 : i32
        %dma_start3A_286 = arith.constant 0 : i32
        %dma_start3A_287 = tpu.memref_slice %arg8[%sub3A_284, %dma_start3A_285, %dma_start3A_286] : memref<2x64x128xf32, #tpu.memory_space<vmem>> -> memref<1x64x128xf32, #tpu.memory_space<vmem>>
        %dma_start3A_288 = tpu.memref_squeeze %dma_start3A_287 : memref<1x64x128xf32, #tpu.memory_space<vmem>> -> memref<64x128xf32, #tpu.memory_space<vmem>>
        %dma_start3A_289 = arith.constant 0 : i32
        %dma_start3A_290 = tpu.memref_slice %arg2[%dma_start3A_289, %mul3A_282] : memref<64x100000xf32, #tpu.memory_space<hbm>> -> memref<64x128xf32, #tpu.memory_space<hbm>>
        %dma_start3A_291 = arith.constant 0 : i32
        %dma_start3A_292 = arith.constant 0 : i32
        %dma_start3A_293 = tpu.memref_slice %arg8[%sub3A_284, %dma_start3A_291, %dma_start3A_292] : memref<2x64x128xf32, #tpu.memory_space<vmem>> -> memref<1x64x128xf32, #tpu.memory_space<vmem>>
        %dma_start3A_294 = tpu.memref_squeeze %dma_start3A_293 : memref<1x64x128xf32, #tpu.memory_space<vmem>> -> memref<64x128xf32, #tpu.memory_space<vmem>>
        %dma_start3A_295 = arith.constant 0 : i32
        %dma_start3A_296 = tpu.memref_slice %arg2[%dma_start3A_295, %mul3A_282] : memref<64x100000xf32, #tpu.memory_space<hbm>> -> memref<64x128xf32, #tpu.memory_space<hbm>>
        tpu.enqueue_dma source(%dma_start3A_296 : memref<64x128xf32, #tpu.memory_space<hbm>>) target(%dma_start3A_294 : memref<64x128xf32, #tpu.memory_space<vmem>>) target_semaphore(%arg10 : memref<!tpu.dma_semaphore, #tpu.memory_space<semaphore_mem>>)
      } else {
      }
      %dma_wait3A_245 = arith.constant 0 : i32
      %dma_wait3A_246 = arith.constant 0 : i32
      %dma_wait3A_247 = tpu.memref_slice %arg8[%and3A_239, %dma_wait3A_245, %dma_wait3A_246] : memref<2x64x128xf32, #tpu.memory_space<vmem>> -> memref<1x64x128xf32, #tpu.memory_space<vmem>>
      %dma_wait3A_248 = tpu.memref_squeeze %dma_wait3A_247 : memref<1x64x128xf32, #tpu.memory_space<vmem>> -> memref<64x128xf32, #tpu.memory_space<vmem>>
      %dma_wait3A_249 = arith.constant 0 : i32
      %dma_wait3A_250 = arith.constant 0 : i32
      %dma_wait3A_251 = tpu.memref_slice %arg2[%dma_wait3A_249, %dma_wait3A_250] : memref<64x100000xf32, #tpu.memory_space<hbm>> -> memref<64x128xf32, #tpu.memory_space<hbm>>
      %dma_wait3A_252 = arith.constant 0 : i32
      %dma_wait3A_253 = arith.constant 0 : i32
      %dma_wait3A_254 = tpu.memref_slice %arg8[%and3A_239, %dma_wait3A_252, %dma_wait3A_253] : memref<2x64x128xf32, #tpu.memory_space<vmem>> -> memref<1x64x128xf32, #tpu.memory_space<vmem>>
      %dma_wait3A_255 = tpu.memref_squeeze %dma_wait3A_254 : memref<1x64x128xf32, #tpu.memory_space<vmem>> -> memref<64x128xf32, #tpu.memory_space<vmem>>
      %dma_wait3A_256 = arith.constant 0 : i32
      %dma_wait3A_257 = arith.constant 0 : i32
      %dma_wait3A_258 = tpu.memref_slice %arg2[%dma_wait3A_256, %dma_wait3A_257] : memref<64x100000xf32, #tpu.memory_space<hbm>> -> memref<64x128xf32, #tpu.memory_space<hbm>>
      tpu.wait_dma2 semaphore(%arg10 : memref<!tpu.dma_semaphore, #tpu.memory_space<semaphore_mem>>) src(%dma_wait3A_258 : memref<64x128xf32, #tpu.memory_space<hbm>>) dst(%dma_wait3A_255 : memref<64x128xf32, #tpu.memory_space<vmem>>)
      %ge3A = arith.constant 2 : i32
      %ge3A_259 = arith.cmpi sge, %while3A_234, %ge3A : i32
      %convert_element_type3A_260 = arith.extui %ge3A_259 : i1 to i32
      %cond3A_261 = arith.constant 0 : i32
      %cond3A_262 = arith.cmpi ne, %convert_element_type3A_260, %cond3A_261 : i32
      scf.if %cond3A_262 {
        %dma_wait3A_279 = arith.constant 0 : i32
        %dma_wait3A_280 = arith.constant 0 : i32
        %dma_wait3A_281 = tpu.memref_slice %arg9[%and3A_239, %dma_wait3A_279, %dma_wait3A_280] : memref<2x64x128xf32, #tpu.memory_space<vmem>> -> memref<1x64x128xf32, #tpu.memory_space<vmem>>
        %dma_wait3A_282 = tpu.memref_squeeze %dma_wait3A_281 : memref<1x64x128xf32, #tpu.memory_space<vmem>> -> memref<64x128xf32, #tpu.memory_space<vmem>>
        %dma_wait3A_283 = arith.constant 0 : i32
        %dma_wait3A_284 = arith.constant 0 : i32
        %dma_wait3A_285 = tpu.memref_slice %arg6[%dma_wait3A_283, %dma_wait3A_284] : memref<50048x128xf32, #tpu.memory_space<hbm>> -> memref<64x128xf32, #tpu.memory_space<hbm>>
        %dma_wait3A_286 = arith.constant 0 : i32
        %dma_wait3A_287 = arith.constant 0 : i32
        %dma_wait3A_288 = tpu.memref_slice %arg6[%dma_wait3A_286, %dma_wait3A_287] : memref<50048x128xf32, #tpu.memory_space<hbm>> -> memref<64x128xf32, #tpu.memory_space<hbm>>
        %dma_wait3A_289 = arith.constant 0 : i32
        %dma_wait3A_290 = arith.constant 0 : i32
        %dma_wait3A_291 = tpu.memref_slice %arg9[%and3A_239, %dma_wait3A_289, %dma_wait3A_290] : memref<2x64x128xf32, #tpu.memory_space<vmem>> -> memref<1x64x128xf32, #tpu.memory_space<vmem>>
        %dma_wait3A_292 = tpu.memref_squeeze %dma_wait3A_291 : memref<1x64x128xf32, #tpu.memory_space<vmem>> -> memref<64x128xf32, #tpu.memory_space<vmem>>
        tpu.wait_dma2 semaphore(%arg11 : memref<!tpu.dma_semaphore, #tpu.memory_space<semaphore_mem>>) src(%dma_wait3A_292 : memref<64x128xf32, #tpu.memory_space<vmem>>) dst(%dma_wait3A_288 : memref<64x128xf32, #tpu.memory_space<hbm>>)
      } else {
      }
      %broadcast_in_dim3A = vector.broadcast %and3A_239 : i32 to vector<16xi32>
      %parallel_loop3A = arith.constant 0 : i32
      %parallel_loop3A_263 = arith.constant 32 : i32
      %parallel_loop3A_264 = arith.constant 1 : i32
      scf.for %parallel_loop3A_279 = %parallel_loop3A to %parallel_loop3A_263 step %parallel_loop3A_264  : i32 {
        %parallel_loop3A_280 = arith.constant 4 : i32
        %parallel_loop3A_281 = arith.shrui %parallel_loop3A_279, %parallel_loop3A_280 : i32
        %parallel_loop3A_282 = arith.constant 2 : i32
        %parallel_loop3A_283 = arith.shrui %parallel_loop3A_279, %parallel_loop3A_282 : i32
        %parallel_loop3A_284 = arith.constant 3 : i32
        %parallel_loop3A_285 = arith.andi %parallel_loop3A_283, %parallel_loop3A_284 : i32
        %parallel_loop3A_286 = arith.constant 3 : i32
        %parallel_loop3A_287 = arith.andi %parallel_loop3A_279, %parallel_loop3A_286 : i32
        %parallel_loop3A_288 = arith.constant 16 : i32
        %parallel_loop3A_289 = arith.muli %parallel_loop3A_285, %parallel_loop3A_288 : i32
        %parallel_loop3A_290 = arith.constant 16 : i32
        %parallel_loop3A_291 = arith.muli %parallel_loop3A_287, %parallel_loop3A_290 : i32
        %parallel_loop3A_292 = arith.constant 2 : i32
        %parallel_loop3A_293 = arith.muli %parallel_loop3A_292, %parallel_loop3A_291 : i32
        %parallel_loop3A_294 = arith.addi %parallel_loop3A_293, %parallel_loop3A_281 : i32
        %parallel_loop3A_295 = vector.broadcast %parallel_loop3A_294 : i32 to vector<16xi32>
        %parallel_loop3A_296 = arith.addi %parallel_loop3A_295, %mul3A_98 : vector<16xi32>
        %parallel_loop3A_297 = vector.broadcast %parallel_loop3A_291 : i32 to vector<16xi32>
        %parallel_loop3A_298 = arith.addi %parallel_loop3A_297, %iota3A : vector<16xi32>
        %parallel_loop3A_299 = arith.constant 64 : i32
        %parallel_loop3A_300 = arith.muli %parallel_loop3A_281, %parallel_loop3A_299 : i32
        %parallel_loop3A_301 = arith.addi %parallel_loop3A_300, %parallel_loop3A_289 : i32
        %parallel_loop3A_302 = vector.broadcast %parallel_loop3A_301 : i32 to vector<16xi32>
        %parallel_loop3A_303 = vector.broadcast %parallel_loop3A_289 : i32 to vector<16xi32>
        %parallel_loop3A_304 = arith.addi %parallel_loop3A_303, %and3A_5 : vector<16xi32>
        %parallel_loop3A_305 = tpu.vector_load_idx %arg8[%broadcast_in_dim3A, %parallel_loop3A_304, %parallel_loop3A_296] : memref<2x64x128xf32, #tpu.memory_space<vmem>>[vector<16xi32>, vector<16xi32>, vector<16xi32>], vector<16xf32>,
        %parallel_loop3A_306 = arith.addi %parallel_loop3A_302, %and3A_5 : vector<16xi32>
        tpu.vector_store_idx %arg9[%broadcast_in_dim3A, %parallel_loop3A_298, %parallel_loop3A_306], %parallel_loop3A_305 : memref<2x64x128xf32, #tpu.memory_space<vmem>>[vector<16xi32>, vector<16xi32>, vector<16xi32>], vector<16xf32>,
        %parallel_loop3A_307 = vector.broadcast %parallel_loop3A_289 : i32 to vector<16xi32>
        %parallel_loop3A_308 = arith.addi %parallel_loop3A_307, %and3A_11 : vector<16xi32>
        %parallel_loop3A_309 = tpu.vector_load_idx %arg8[%broadcast_in_dim3A, %parallel_loop3A_308, %parallel_loop3A_296] : memref<2x64x128xf32, #tpu.memory_space<vmem>>[vector<16xi32>, vector<16xi32>, vector<16xi32>], vector<16xf32>,
        %parallel_loop3A_310 = arith.addi %parallel_loop3A_302, %and3A_11 : vector<16xi32>
        tpu.vector_store_idx %arg9[%broadcast_in_dim3A, %parallel_loop3A_298, %parallel_loop3A_310], %parallel_loop3A_309 : memref<2x64x128xf32, #tpu.memory_space<vmem>>[vector<16xi32>, vector<16xi32>, vector<16xi32>], vector<16xf32>,
        %parallel_loop3A_311 = vector.broadcast %parallel_loop3A_289 : i32 to vector<16xi32>
        %parallel_loop3A_312 = arith.addi %parallel_loop3A_311, %and3A_17 : vector<16xi32>
        %parallel_loop3A_313 = tpu.vector_load_idx %arg8[%broadcast_in_dim3A, %parallel_loop3A_312, %parallel_loop3A_296] : memref<2x64x128xf32, #tpu.memory_space<vmem>>[vector<16xi32>, vector<16xi32>, vector<16xi32>], vector<16xf32>,
        %parallel_loop3A_314 = arith.addi %parallel_loop3A_302, %and3A_17 : vector<16xi32>
        tpu.vector_store_idx %arg9[%broadcast_in_dim3A, %parallel_loop3A_298, %parallel_loop3A_314], %parallel_loop3A_313 : memref<2x64x128xf32, #tpu.memory_space<vmem>>[vector<16xi32>, vector<16xi32>, vector<16xi32>], vector<16xf32>,
        %parallel_loop3A_315 = vector.broadcast %parallel_loop3A_289 : i32 to vector<16xi32>
        %parallel_loop3A_316 = arith.addi %parallel_loop3A_315, %and3A_23 : vector<16xi32>
        %parallel_loop3A_317 = tpu.vector_load_idx %arg8[%broadcast_in_dim3A, %parallel_loop3A_316, %parallel_loop3A_296] : memref<2x64x128xf32, #tpu.memory_space<vmem>>[vector<16xi32>, vector<16xi32>, vector<16xi32>], vector<16xf32>,
        %parallel_loop3A_318 = arith.addi %parallel_loop3A_302, %and3A_23 : vector<16xi32>
        tpu.vector_store_idx %arg9[%broadcast_in_dim3A, %parallel_loop3A_298, %parallel_loop3A_318], %parallel_loop3A_317 : memref<2x64x128xf32, #tpu.memory_space<vmem>>[vector<16xi32>, vector<16xi32>, vector<16xi32>], vector<16xf32>,
        %parallel_loop3A_319 = vector.broadcast %parallel_loop3A_289 : i32 to vector<16xi32>
        %parallel_loop3A_320 = arith.addi %parallel_loop3A_319, %and3A_29 : vector<16xi32>
        %parallel_loop3A_321 = tpu.vector_load_idx %arg8[%broadcast_in_dim3A, %parallel_loop3A_320, %parallel_loop3A_296] : memref<2x64x128xf32, #tpu.memory_space<vmem>>[vector<16xi32>, vector<16xi32>, vector<16xi32>], vector<16xf32>,
        %parallel_loop3A_322 = arith.addi %parallel_loop3A_302, %and3A_29 : vector<16xi32>
        tpu.vector_store_idx %arg9[%broadcast_in_dim3A, %parallel_loop3A_298, %parallel_loop3A_322], %parallel_loop3A_321 : memref<2x64x128xf32, #tpu.memory_space<vmem>>[vector<16xi32>, vector<16xi32>, vector<16xi32>], vector<16xf32>,
        %parallel_loop3A_323 = vector.broadcast %parallel_loop3A_289 : i32 to vector<16xi32>
        %parallel_loop3A_324 = arith.addi %parallel_loop3A_323, %and3A_35 : vector<16xi32>
        %parallel_loop3A_325 = tpu.vector_load_idx %arg8[%broadcast_in_dim3A, %parallel_loop3A_324, %parallel_loop3A_296] : memref<2x64x128xf32, #tpu.memory_space<vmem>>[vector<16xi32>, vector<16xi32>, vector<16xi32>], vector<16xf32>,
        %parallel_loop3A_326 = arith.addi %parallel_loop3A_302, %and3A_35 : vector<16xi32>
        tpu.vector_store_idx %arg9[%broadcast_in_dim3A, %parallel_loop3A_298, %parallel_loop3A_326], %parallel_loop3A_325 : memref<2x64x128xf32, #tpu.memory_space<vmem>>[vector<16xi32>, vector<16xi32>, vector<16xi32>], vector<16xf32>,
        %parallel_loop3A_327 = vector.broadcast %parallel_loop3A_289 : i32 to vector<16xi32>
        %parallel_loop3A_328 = arith.addi %parallel_loop3A_327, %and3A_41 : vector<16xi32>
        %parallel_loop3A_329 = tpu.vector_load_idx %arg8[%broadcast_in_dim3A, %parallel_loop3A_328, %parallel_loop3A_296] : memref<2x64x128xf32, #tpu.memory_space<vmem>>[vector<16xi32>, vector<16xi32>, vector<16xi32>], vector<16xf32>,
        %parallel_loop3A_330 = arith.addi %parallel_loop3A_302, %and3A_41 : vector<16xi32>
        tpu.vector_store_idx %arg9[%broadcast_in_dim3A, %parallel_loop3A_298, %parallel_loop3A_330], %parallel_loop3A_329 : memref<2x64x128xf32, #tpu.memory_space<vmem>>[vector<16xi32>, vector<16xi32>, vector<16xi32>], vector<16xf32>,
        %parallel_loop3A_331 = vector.broadcast %parallel_loop3A_289 : i32 to vector<16xi32>
        %parallel_loop3A_332 = arith.addi %parallel_loop3A_331, %and3A_47 : vector<16xi32>
        %parallel_loop3A_333 = tpu.vector_load_idx %arg8[%broadcast_in_dim3A, %parallel_loop3A_332, %parallel_loop3A_296] : memref<2x64x128xf32, #tpu.memory_space<vmem>>[vector<16xi32>, vector<16xi32>, vector<16xi32>], vector<16xf32>,
        %parallel_loop3A_334 = arith.addi %parallel_loop3A_302, %and3A_47 : vector<16xi32>
        tpu.vector_store_idx %arg9[%broadcast_in_dim3A, %parallel_loop3A_298, %parallel_loop3A_334], %parallel_loop3A_333 : memref<2x64x128xf32, #tpu.memory_space<vmem>>[vector<16xi32>, vector<16xi32>, vector<16xi32>], vector<16xf32>,
        %parallel_loop3A_335 = vector.broadcast %parallel_loop3A_289 : i32 to vector<16xi32>
        %parallel_loop3A_336 = arith.addi %parallel_loop3A_335, %and3A_53 : vector<16xi32>
        %parallel_loop3A_337 = tpu.vector_load_idx %arg8[%broadcast_in_dim3A, %parallel_loop3A_336, %parallel_loop3A_296] : memref<2x64x128xf32, #tpu.memory_space<vmem>>[vector<16xi32>, vector<16xi32>, vector<16xi32>], vector<16xf32>,
        %parallel_loop3A_338 = arith.addi %parallel_loop3A_302, %and3A_53 : vector<16xi32>
        tpu.vector_store_idx %arg9[%broadcast_in_dim3A, %parallel_loop3A_298, %parallel_loop3A_338], %parallel_loop3A_337 : memref<2x64x128xf32, #tpu.memory_space<vmem>>[vector<16xi32>, vector<16xi32>, vector<16xi32>], vector<16xf32>,
        %parallel_loop3A_339 = vector.broadcast %parallel_loop3A_289 : i32 to vector<16xi32>
        %parallel_loop3A_340 = arith.addi %parallel_loop3A_339, %and3A_59 : vector<16xi32>
        %parallel_loop3A_341 = tpu.vector_load_idx %arg8[%broadcast_in_dim3A, %parallel_loop3A_340, %parallel_loop3A_296] : memref<2x64x128xf32, #tpu.memory_space<vmem>>[vector<16xi32>, vector<16xi32>, vector<16xi32>], vector<16xf32>,
        %parallel_loop3A_342 = arith.addi %parallel_loop3A_302, %and3A_59 : vector<16xi32>
        tpu.vector_store_idx %arg9[%broadcast_in_dim3A, %parallel_loop3A_298, %parallel_loop3A_342], %parallel_loop3A_341 : memref<2x64x128xf32, #tpu.memory_space<vmem>>[vector<16xi32>, vector<16xi32>, vector<16xi32>], vector<16xf32>,
        %parallel_loop3A_343 = vector.broadcast %parallel_loop3A_289 : i32 to vector<16xi32>
        %parallel_loop3A_344 = arith.addi %parallel_loop3A_343, %and3A_65 : vector<16xi32>
        %parallel_loop3A_345 = tpu.vector_load_idx %arg8[%broadcast_in_dim3A, %parallel_loop3A_344, %parallel_loop3A_296] : memref<2x64x128xf32, #tpu.memory_space<vmem>>[vector<16xi32>, vector<16xi32>, vector<16xi32>], vector<16xf32>,
        %parallel_loop3A_346 = arith.addi %parallel_loop3A_302, %and3A_65 : vector<16xi32>
        tpu.vector_store_idx %arg9[%broadcast_in_dim3A, %parallel_loop3A_298, %parallel_loop3A_346], %parallel_loop3A_345 : memref<2x64x128xf32, #tpu.memory_space<vmem>>[vector<16xi32>, vector<16xi32>, vector<16xi32>], vector<16xf32>,
        %parallel_loop3A_347 = vector.broadcast %parallel_loop3A_289 : i32 to vector<16xi32>
        %parallel_loop3A_348 = arith.addi %parallel_loop3A_347, %and3A_71 : vector<16xi32>
        %parallel_loop3A_349 = tpu.vector_load_idx %arg8[%broadcast_in_dim3A, %parallel_loop3A_348, %parallel_loop3A_296] : memref<2x64x128xf32, #tpu.memory_space<vmem>>[vector<16xi32>, vector<16xi32>, vector<16xi32>], vector<16xf32>,
        %parallel_loop3A_350 = arith.addi %parallel_loop3A_302, %and3A_71 : vector<16xi32>
        tpu.vector_store_idx %arg9[%broadcast_in_dim3A, %parallel_loop3A_298, %parallel_loop3A_350], %parallel_loop3A_349 : memref<2x64x128xf32, #tpu.memory_space<vmem>>[vector<16xi32>, vector<16xi32>, vector<16xi32>], vector<16xf32>,
        %parallel_loop3A_351 = vector.broadcast %parallel_loop3A_289 : i32 to vector<16xi32>
        %parallel_loop3A_352 = arith.addi %parallel_loop3A_351, %and3A_77 : vector<16xi32>
        %parallel_loop3A_353 = tpu.vector_load_idx %arg8[%broadcast_in_dim3A, %parallel_loop3A_352, %parallel_loop3A_296] : memref<2x64x128xf32, #tpu.memory_space<vmem>>[vector<16xi32>, vector<16xi32>, vector<16xi32>], vector<16xf32>,
        %parallel_loop3A_354 = arith.addi %parallel_loop3A_302, %and3A_77 : vector<16xi32>
        tpu.vector_store_idx %arg9[%broadcast_in_dim3A, %parallel_loop3A_298, %parallel_loop3A_354], %parallel_loop3A_353 : memref<2x64x128xf32, #tpu.memory_space<vmem>>[vector<16xi32>, vector<16xi32>, vector<16xi32>], vector<16xf32>,
        %parallel_loop3A_355 = vector.broadcast %parallel_loop3A_289 : i32 to vector<16xi32>
        %parallel_loop3A_356 = arith.addi %parallel_loop3A_355, %and3A_83 : vector<16xi32>
        %parallel_loop3A_357 = tpu.vector_load_idx %arg8[%broadcast_in_dim3A, %parallel_loop3A_356, %parallel_loop3A_296] : memref<2x64x128xf32, #tpu.memory_space<vmem>>[vector<16xi32>, vector<16xi32>, vector<16xi32>], vector<16xf32>,
        %parallel_loop3A_358 = arith.addi %parallel_loop3A_302, %and3A_83 : vector<16xi32>
        tpu.vector_store_idx %arg9[%broadcast_in_dim3A, %parallel_loop3A_298, %parallel_loop3A_358], %parallel_loop3A_357 : memref<2x64x128xf32, #tpu.memory_space<vmem>>[vector<16xi32>, vector<16xi32>, vector<16xi32>], vector<16xf32>,
        %parallel_loop3A_359 = vector.broadcast %parallel_loop3A_289 : i32 to vector<16xi32>
        %parallel_loop3A_360 = arith.addi %parallel_loop3A_359, %and3A_89 : vector<16xi32>
        %parallel_loop3A_361 = tpu.vector_load_idx %arg8[%broadcast_in_dim3A, %parallel_loop3A_360, %parallel_loop3A_296] : memref<2x64x128xf32, #tpu.memory_space<vmem>>[vector<16xi32>, vector<16xi32>, vector<16xi32>], vector<16xf32>,
        %parallel_loop3A_362 = arith.addi %parallel_loop3A_302, %and3A_89 : vector<16xi32>
        tpu.vector_store_idx %arg9[%broadcast_in_dim3A, %parallel_loop3A_298, %parallel_loop3A_362], %parallel_loop3A_361 : memref<2x64x128xf32, #tpu.memory_space<vmem>>[vector<16xi32>, vector<16xi32>, vector<16xi32>], vector<16xf32>,
        %parallel_loop3A_363 = vector.broadcast %parallel_loop3A_289 : i32 to vector<16xi32>
        %parallel_loop3A_364 = arith.addi %parallel_loop3A_363, %and3A_95 : vector<16xi32>
        %parallel_loop3A_365 = tpu.vector_load_idx %arg8[%broadcast_in_dim3A, %parallel_loop3A_364, %parallel_loop3A_296] : memref<2x64x128xf32, #tpu.memory_space<vmem>>[vector<16xi32>, vector<16xi32>, vector<16xi32>], vector<16xf32>,
        %parallel_loop3A_366 = arith.addi %parallel_loop3A_302, %and3A_95 : vector<16xi32>
        tpu.vector_store_idx %arg9[%broadcast_in_dim3A, %parallel_loop3A_298, %parallel_loop3A_366], %parallel_loop3A_365 : memref<2x64x128xf32, #tpu.memory_space<vmem>>[vector<16xi32>, vector<16xi32>, vector<16xi32>], vector<16xf32>,
      } {sc.loop_unroll_factor = 1 : i64, sc.parallel_access}
      %mul3A_265 = arith.constant 64 : i32
      %mul3A_266 = arith.muli %add3A_237, %mul3A_265 : i32
      %dma_start3A_267 = arith.constant 0 : i32
      %dma_start3A_268 = arith.constant 0 : i32
      %dma_start3A_269 = tpu.memref_slice %arg9[%and3A_239, %dma_start3A_267, %dma_start3A_268] : memref<2x64x128xf32, #tpu.memory_space<vmem>> -> memref<1x64x128xf32, #tpu.memory_space<vmem>>
      %dma_start3A_270 = tpu.memref_squeeze %dma_start3A_269 : memref<1x64x128xf32, #tpu.memory_space<vmem>> -> memref<64x128xf32, #tpu.memory_space<vmem>>
      %dma_start3A_271 = arith.constant 0 : i32
      %dma_start3A_272 = tpu.memref_slice %arg6[%mul3A_266, %dma_start3A_271] : memref<50048x128xf32, #tpu.memory_space<hbm>> -> memref<64x128xf32, #tpu.memory_space<hbm>>
      %dma_start3A_273 = arith.constant 0 : i32
      %dma_start3A_274 = tpu.memref_slice %arg6[%mul3A_266, %dma_start3A_273] : memref<50048x128xf32, #tpu.memory_space<hbm>> -> memref<64x128xf32, #tpu.memory_space<hbm>>
      %dma_start3A_275 = arith.constant 0 : i32
      %dma_start3A_276 = arith.constant 0 : i32
      %dma_start3A_277 = tpu.memref_slice %arg9[%and3A_239, %dma_start3A_275, %dma_start3A_276] : memref<2x64x128xf32, #tpu.memory_space<vmem>> -> memref<1x64x128xf32, #tpu.memory_space<vmem>>
      %dma_start3A_278 = tpu.memref_squeeze %dma_start3A_277 : memref<1x64x128xf32, #tpu.memory_space<vmem>> -> memref<64x128xf32, #tpu.memory_space<vmem>>
      tpu.enqueue_dma source(%dma_start3A_278 : memref<64x128xf32, #tpu.memory_space<vmem>>) target(%dma_start3A_274 : memref<64x128xf32, #tpu.memory_space<hbm>>) target_semaphore(%arg11 : memref<!tpu.dma_semaphore, #tpu.memory_space<semaphore_mem>>)
    }
    %dma_wait3A = arith.constant 0 : i32
    %dma_wait3A_150 = arith.constant 0 : i32
    %dma_wait3A_151 = arith.constant 0 : i32
    %dma_wait3A_152 = tpu.memref_slice %arg9[%dma_wait3A, %dma_wait3A_150, %dma_wait3A_151] : memref<2x64x128xf32, #tpu.memory_space<vmem>> -> memref<1x64x128xf32, #tpu.memory_space<vmem>>
    %dma_wait3A_153 = tpu.memref_squeeze %dma_wait3A_152 : memref<1x64x128xf32, #tpu.memory_space<vmem>> -> memref<64x128xf32, #tpu.memory_space<vmem>>
    %dma_wait3A_154 = arith.constant 0 : i32
    %dma_wait3A_155 = arith.constant 0 : i32
    %dma_wait3A_156 = tpu.memref_slice %arg6[%dma_wait3A_154, %dma_wait3A_155] : memref<50048x128xf32, #tpu.memory_space<hbm>> -> memref<64x128xf32, #tpu.memory_space<hbm>>
    %dma_wait3A_157 = arith.constant 0 : i32
    %dma_wait3A_158 = arith.constant 0 : i32
    %dma_wait3A_159 = tpu.memref_slice %arg6[%dma_wait3A_157, %dma_wait3A_158] : memref<50048x128xf32, #tpu.memory_space<hbm>> -> memref<64x128xf32, #tpu.memory_space<hbm>>
    %dma_wait3A_160 = arith.constant 0 : i32
    %dma_wait3A_161 = arith.constant 0 : i32
    %dma_wait3A_162 = tpu.memref_slice %arg9[%dma_wait3A, %dma_wait3A_160, %dma_wait3A_161] : memref<2x64x128xf32, #tpu.memory_space<vmem>> -> memref<1x64x128xf32, #tpu.memory_space<vmem>>
    %dma_wait3A_163 = tpu.memref_squeeze %dma_wait3A_162 : memref<1x64x128xf32, #tpu.memory_space<vmem>> -> memref<64x128xf32, #tpu.memory_space<vmem>>
    tpu.wait_dma2 semaphore(%arg11 : memref<!tpu.dma_semaphore, #tpu.memory_space<semaphore_mem>>) src(%dma_wait3A_163 : memref<64x128xf32, #tpu.memory_space<vmem>>) dst(%dma_wait3A_159 : memref<64x128xf32, #tpu.memory_space<hbm>>)
    %dma_wait3A_164 = arith.constant 0 : i32
    %dma_wait3A_165 = arith.constant 0 : i32
    %dma_wait3A_166 = arith.constant 0 : i32
    %dma_wait3A_167 = tpu.memref_slice %arg9[%dma_wait3A_164, %dma_wait3A_165, %dma_wait3A_166] : memref<2x64x128xf32, #tpu.memory_space<vmem>> -> memref<1x64x128xf32, #tpu.memory_space<vmem>>
    %dma_wait3A_168 = tpu.memref_squeeze %dma_wait3A_167 : memref<1x64x128xf32, #tpu.memory_space<vmem>> -> memref<64x128xf32, #tpu.memory_space<vmem>>
    %dma_wait3A_169 = arith.constant 0 : i32
    %dma_wait3A_170 = arith.constant 0 : i32
    %dma_wait3A_171 = tpu.memref_slice %arg6[%dma_wait3A_169, %dma_wait3A_170] : memref<50048x128xf32, #tpu.memory_space<hbm>> -> memref<64x128xf32, #tpu.memory_space<hbm>>
    %dma_wait3A_172 = arith.constant 0 : i32
    %dma_wait3A_173 = arith.constant 0 : i32
    %dma_wait3A_174 = tpu.memref_slice %arg6[%dma_wait3A_172, %dma_wait3A_173] : memref<50048x128xf32, #tpu.memory_space<hbm>> -> memref<64x128xf32, #tpu.memory_space<hbm>>
    %dma_wait3A_175 = arith.constant 0 : i32
    %dma_wait3A_176 = arith.constant 0 : i32
    %dma_wait3A_177 = tpu.memref_slice %arg9[%dma_wait3A_164, %dma_wait3A_175, %dma_wait3A_176] : memref<2x64x128xf32, #tpu.memory_space<vmem>> -> memref<1x64x128xf32, #tpu.memory_space<vmem>>
    %dma_wait3A_178 = tpu.memref_squeeze %dma_wait3A_177 : memref<1x64x128xf32, #tpu.memory_space<vmem>> -> memref<64x128xf32, #tpu.memory_space<vmem>>
    tpu.wait_dma2 semaphore(%arg11 : memref<!tpu.dma_semaphore, #tpu.memory_space<semaphore_mem>>) src(%dma_wait3A_178 : memref<64x128xf32, #tpu.memory_space<vmem>>) dst(%dma_wait3A_174 : memref<64x128xf32, #tpu.memory_space<hbm>>)
    %mul3A_179 = arith.constant 128 : i32
    %mul3A_180 = arith.muli %add3A, %mul3A_179 : i32
    %dma_start3A_181 = arith.constant 0 : i32
    %dma_start3A_182 = arith.constant 0 : i32
    %dma_start3A_183 = arith.constant 0 : i32
    %dma_start3A_184 = tpu.memref_slice %arg8[%dma_start3A_181, %dma_start3A_182, %dma_start3A_183] : memref<2x64x128xf32, #tpu.memory_space<vmem>> -> memref<1x64x128xf32, #tpu.memory_space<vmem>>
    %dma_start3A_185 = tpu.memref_squeeze %dma_start3A_184 : memref<1x64x128xf32, #tpu.memory_space<vmem>> -> memref<64x128xf32, #tpu.memory_space<vmem>>
    %dma_start3A_186 = arith.constant 0 : i32
    %dma_start3A_187 = tpu.memref_slice %arg3[%dma_start3A_186, %mul3A_180] : memref<64x100000xf32, #tpu.memory_space<hbm>> -> memref<64x128xf32, #tpu.memory_space<hbm>>
    %dma_start3A_188 = arith.constant 0 : i32
    %dma_start3A_189 = arith.constant 0 : i32
    %dma_start3A_190 = tpu.memref_slice %arg8[%dma_start3A_181, %dma_start3A_188, %dma_start3A_189] : memref<2x64x128xf32, #tpu.memory_space<vmem>> -> memref<1x64x128xf32, #tpu.memory_space<vmem>>
    %dma_start3A_191 = tpu.memref_squeeze %dma_start3A_190 : memref<1x64x128xf32, #tpu.memory_space<vmem>> -> memref<64x128xf32, #tpu.memory_space<vmem>>
    %dma_start3A_192 = arith.constant 0 : i32
    %dma_start3A_193 = tpu.memref_slice %arg3[%dma_start3A_192, %mul3A_180] : memref<64x100000xf32, #tpu.memory_space<hbm>> -> memref<64x128xf32, #tpu.memory_space<hbm>>
    tpu.enqueue_dma source(%dma_start3A_193 : memref<64x128xf32, #tpu.memory_space<hbm>>) target(%dma_start3A_191 : memref<64x128xf32, #tpu.memory_space<vmem>>) target_semaphore(%arg10 : memref<!tpu.dma_semaphore, #tpu.memory_space<semaphore_mem>>)
    %while3A_194 = arith.constant 0 : i32
    %while3A_195 = arith.constant 0 : i32
    %while3A_196 = arith.subi %add3A_119, %while3A_195 : i32
    %while3A_197 = arith.addi %while3A_195, %while3A_196 : i32
    %while3A_198 = arith.constant 1 : i32
    %while3A_199 = arith.divsi %while3A_196, %while3A_198 : i32
    %while3A_200 = arith.muli %while3A_199, %while3A_198 : i32
    %while3A_201 = arith.addi %while3A_195, %while3A_200 : i32
    %while3A_202 = arith.constant 1 : i32
    scf.for %while3A_234 = %while3A_195 to %while3A_201 step %while3A_202  : i32 {
      %mul3A_235 = arith.constant 32 : i32
      %mul3A_236 = arith.muli %while3A_234, %mul3A_235 : i32
      %add3A_237 = arith.addi %add3A, %mul3A_236 : i32
      %and3A_238 = arith.constant 1 : i32
      %and3A_239 = arith.andi %while3A_234, %and3A_238 : i32
      %add3A_240 = arith.constant 1 : i32
      %add3A_241 = arith.addi %while3A_234, %add3A_240 : i32
      %lt3A = arith.cmpi slt, %add3A_241, %add3A_119 : i32
      %convert_element_type3A_242 = arith.extui %lt3A : i1 to i32
      %cond3A_243 = arith.constant 0 : i32
      %cond3A_244 = arith.cmpi ne, %convert_element_type3A_242, %cond3A_243 : i32
      scf.if %cond3A_244 {
        %add3A_279 = arith.constant 32 : i32
        %add3A_280 = arith.addi %add3A_237, %add3A_279 : i32
        %mul3A_281 = arith.constant 128 : i32
        %mul3A_282 = arith.muli %add3A_280, %mul3A_281 : i32
        %sub3A_283 = arith.constant 1 : i32
        %sub3A_284 = arith.subi %sub3A_283, %and3A_239 : i32
        %dma_start3A_285 = arith.constant 0 : i32
        %dma_start3A_286 = arith.constant 0 : i32
        %dma_start3A_287 = tpu.memref_slice %arg8[%sub3A_284, %dma_start3A_285, %dma_start3A_286] : memref<2x64x128xf32, #tpu.memory_space<vmem>> -> memref<1x64x128xf32, #tpu.memory_space<vmem>>
        %dma_start3A_288 = tpu.memref_squeeze %dma_start3A_287 : memref<1x64x128xf32, #tpu.memory_space<vmem>> -> memref<64x128xf32, #tpu.memory_space<vmem>>
        %dma_start3A_289 = arith.constant 0 : i32
        %dma_start3A_290 = tpu.memref_slice %arg3[%dma_start3A_289, %mul3A_282] : memref<64x100000xf32, #tpu.memory_space<hbm>> -> memref<64x128xf32, #tpu.memory_space<hbm>>
        %dma_start3A_291 = arith.constant 0 : i32
        %dma_start3A_292 = arith.constant 0 : i32
        %dma_start3A_293 = tpu.memref_slice %arg8[%sub3A_284, %dma_start3A_291, %dma_start3A_292] : memref<2x64x128xf32, #tpu.memory_space<vmem>> -> memref<1x64x128xf32, #tpu.memory_space<vmem>>
        %dma_start3A_294 = tpu.memref_squeeze %dma_start3A_293 : memref<1x64x128xf32, #tpu.memory_space<vmem>> -> memref<64x128xf32, #tpu.memory_space<vmem>>
        %dma_start3A_295 = arith.constant 0 : i32
        %dma_start3A_296 = tpu.memref_slice %arg3[%dma_start3A_295, %mul3A_282] : memref<64x100000xf32, #tpu.memory_space<hbm>> -> memref<64x128xf32, #tpu.memory_space<hbm>>
        tpu.enqueue_dma source(%dma_start3A_296 : memref<64x128xf32, #tpu.memory_space<hbm>>) target(%dma_start3A_294 : memref<64x128xf32, #tpu.memory_space<vmem>>) target_semaphore(%arg10 : memref<!tpu.dma_semaphore, #tpu.memory_space<semaphore_mem>>)
      } else {
      }
      %dma_wait3A_245 = arith.constant 0 : i32
      %dma_wait3A_246 = arith.constant 0 : i32
      %dma_wait3A_247 = tpu.memref_slice %arg8[%and3A_239, %dma_wait3A_245, %dma_wait3A_246] : memref<2x64x128xf32, #tpu.memory_space<vmem>> -> memref<1x64x128xf32, #tpu.memory_space<vmem>>
      %dma_wait3A_248 = tpu.memref_squeeze %dma_wait3A_247 : memref<1x64x128xf32, #tpu.memory_space<vmem>> -> memref<64x128xf32, #tpu.memory_space<vmem>>
      %dma_wait3A_249 = arith.constant 0 : i32
      %dma_wait3A_250 = arith.constant 0 : i32
      %dma_wait3A_251 = tpu.memref_slice %arg3[%dma_wait3A_249, %dma_wait3A_250] : memref<64x100000xf32, #tpu.memory_space<hbm>> -> memref<64x128xf32, #tpu.memory_space<hbm>>
      %dma_wait3A_252 = arith.constant 0 : i32
      %dma_wait3A_253 = arith.constant 0 : i32
      %dma_wait3A_254 = tpu.memref_slice %arg8[%and3A_239, %dma_wait3A_252, %dma_wait3A_253] : memref<2x64x128xf32, #tpu.memory_space<vmem>> -> memref<1x64x128xf32, #tpu.memory_space<vmem>>
      %dma_wait3A_255 = tpu.memref_squeeze %dma_wait3A_254 : memref<1x64x128xf32, #tpu.memory_space<vmem>> -> memref<64x128xf32, #tpu.memory_space<vmem>>
      %dma_wait3A_256 = arith.constant 0 : i32
      %dma_wait3A_257 = arith.constant 0 : i32
      %dma_wait3A_258 = tpu.memref_slice %arg3[%dma_wait3A_256, %dma_wait3A_257] : memref<64x100000xf32, #tpu.memory_space<hbm>> -> memref<64x128xf32, #tpu.memory_space<hbm>>
      tpu.wait_dma2 semaphore(%arg10 : memref<!tpu.dma_semaphore, #tpu.memory_space<semaphore_mem>>) src(%dma_wait3A_258 : memref<64x128xf32, #tpu.memory_space<hbm>>) dst(%dma_wait3A_255 : memref<64x128xf32, #tpu.memory_space<vmem>>)
      %ge3A = arith.constant 2 : i32
      %ge3A_259 = arith.cmpi sge, %while3A_234, %ge3A : i32
      %convert_element_type3A_260 = arith.extui %ge3A_259 : i1 to i32
      %cond3A_261 = arith.constant 0 : i32
      %cond3A_262 = arith.cmpi ne, %convert_element_type3A_260, %cond3A_261 : i32
      scf.if %cond3A_262 {
        %dma_wait3A_279 = arith.constant 0 : i32
        %dma_wait3A_280 = arith.constant 0 : i32
        %dma_wait3A_281 = tpu.memref_slice %arg9[%and3A_239, %dma_wait3A_279, %dma_wait3A_280] : memref<2x64x128xf32, #tpu.memory_space<vmem>> -> memref<1x64x128xf32, #tpu.memory_space<vmem>>
        %dma_wait3A_282 = tpu.memref_squeeze %dma_wait3A_281 : memref<1x64x128xf32, #tpu.memory_space<vmem>> -> memref<64x128xf32, #tpu.memory_space<vmem>>
        %dma_wait3A_283 = arith.constant 0 : i32
        %dma_wait3A_284 = arith.constant 0 : i32
        %dma_wait3A_285 = tpu.memref_slice %arg7[%dma_wait3A_283, %dma_wait3A_284] : memref<50048x128xf32, #tpu.memory_space<hbm>> -> memref<64x128xf32, #tpu.memory_space<hbm>>
        %dma_wait3A_286 = arith.constant 0 : i32
        %dma_wait3A_287 = arith.constant 0 : i32
        %dma_wait3A_288 = tpu.memref_slice %arg7[%dma_wait3A_286, %dma_wait3A_287] : memref<50048x128xf32, #tpu.memory_space<hbm>> -> memref<64x128xf32, #tpu.memory_space<hbm>>
        %dma_wait3A_289 = arith.constant 0 : i32
        %dma_wait3A_290 = arith.constant 0 : i32
        %dma_wait3A_291 = tpu.memref_slice %arg9[%and3A_239, %dma_wait3A_289, %dma_wait3A_290] : memref<2x64x128xf32, #tpu.memory_space<vmem>> -> memref<1x64x128xf32, #tpu.memory_space<vmem>>
        %dma_wait3A_292 = tpu.memref_squeeze %dma_wait3A_291 : memref<1x64x128xf32, #tpu.memory_space<vmem>> -> memref<64x128xf32, #tpu.memory_space<vmem>>
        tpu.wait_dma2 semaphore(%arg11 : memref<!tpu.dma_semaphore, #tpu.memory_space<semaphore_mem>>) src(%dma_wait3A_292 : memref<64x128xf32, #tpu.memory_space<vmem>>) dst(%dma_wait3A_288 : memref<64x128xf32, #tpu.memory_space<hbm>>)
      } else {
      }
      %broadcast_in_dim3A = vector.broadcast %and3A_239 : i32 to vector<16xi32>
      %parallel_loop3A = arith.constant 0 : i32
      %parallel_loop3A_263 = arith.constant 32 : i32
      %parallel_loop3A_264 = arith.constant 1 : i32
      scf.for %parallel_loop3A_279 = %parallel_loop3A to %parallel_loop3A_263 step %parallel_loop3A_264  : i32 {
        %parallel_loop3A_280 = arith.constant 4 : i32
        %parallel_loop3A_281 = arith.shrui %parallel_loop3A_279, %parallel_loop3A_280 : i32
        %parallel_loop3A_282 = arith.constant 2 : i32
        %parallel_loop3A_283 = arith.shrui %parallel_loop3A_279, %parallel_loop3A_282 : i32
        %parallel_loop3A_284 = arith.constant 3 : i32
        %parallel_loop3A_285 = arith.andi %parallel_loop3A_283, %parallel_loop3A_284 : i32
        %parallel_loop3A_286 = arith.constant 3 : i32
        %parallel_loop3A_287 = arith.andi %parallel_loop3A_279, %parallel_loop3A_286 : i32
        %parallel_loop3A_288 = arith.constant 16 : i32
        %parallel_loop3A_289 = arith.muli %parallel_loop3A_285, %parallel_loop3A_288 : i32
        %parallel_loop3A_290 = arith.constant 16 : i32
        %parallel_loop3A_291 = arith.muli %parallel_loop3A_287, %parallel_loop3A_290 : i32
        %parallel_loop3A_292 = arith.constant 2 : i32
        %parallel_loop3A_293 = arith.muli %parallel_loop3A_292, %parallel_loop3A_291 : i32
        %parallel_loop3A_294 = arith.addi %parallel_loop3A_293, %parallel_loop3A_281 : i32
        %parallel_loop3A_295 = vector.broadcast %parallel_loop3A_294 : i32 to vector<16xi32>
        %parallel_loop3A_296 = arith.addi %parallel_loop3A_295, %mul3A_98 : vector<16xi32>
        %parallel_loop3A_297 = vector.broadcast %parallel_loop3A_291 : i32 to vector<16xi32>
        %parallel_loop3A_298 = arith.addi %parallel_loop3A_297, %iota3A : vector<16xi32>
        %parallel_loop3A_299 = arith.constant 64 : i32
        %parallel_loop3A_300 = arith.muli %parallel_loop3A_281, %parallel_loop3A_299 : i32
        %parallel_loop3A_301 = arith.addi %parallel_loop3A_300, %parallel_loop3A_289 : i32
        %parallel_loop3A_302 = vector.broadcast %parallel_loop3A_301 : i32 to vector<16xi32>
        %parallel_loop3A_303 = vector.broadcast %parallel_loop3A_289 : i32 to vector<16xi32>
        %parallel_loop3A_304 = arith.addi %parallel_loop3A_303, %and3A_5 : vector<16xi32>
        %parallel_loop3A_305 = tpu.vector_load_idx %arg8[%broadcast_in_dim3A, %parallel_loop3A_304, %parallel_loop3A_296] : memref<2x64x128xf32, #tpu.memory_space<vmem>>[vector<16xi32>, vector<16xi32>, vector<16xi32>], vector<16xf32>,
        %parallel_loop3A_306 = arith.addi %parallel_loop3A_302, %and3A_5 : vector<16xi32>
        tpu.vector_store_idx %arg9[%broadcast_in_dim3A, %parallel_loop3A_298, %parallel_loop3A_306], %parallel_loop3A_305 : memref<2x64x128xf32, #tpu.memory_space<vmem>>[vector<16xi32>, vector<16xi32>, vector<16xi32>], vector<16xf32>,
        %parallel_loop3A_307 = vector.broadcast %parallel_loop3A_289 : i32 to vector<16xi32>
        %parallel_loop3A_308 = arith.addi %parallel_loop3A_307, %and3A_11 : vector<16xi32>
        %parallel_loop3A_309 = tpu.vector_load_idx %arg8[%broadcast_in_dim3A, %parallel_loop3A_308, %parallel_loop3A_296] : memref<2x64x128xf32, #tpu.memory_space<vmem>>[vector<16xi32>, vector<16xi32>, vector<16xi32>], vector<16xf32>,
        %parallel_loop3A_310 = arith.addi %parallel_loop3A_302, %and3A_11 : vector<16xi32>
        tpu.vector_store_idx %arg9[%broadcast_in_dim3A, %parallel_loop3A_298, %parallel_loop3A_310], %parallel_loop3A_309 : memref<2x64x128xf32, #tpu.memory_space<vmem>>[vector<16xi32>, vector<16xi32>, vector<16xi32>], vector<16xf32>,
        %parallel_loop3A_311 = vector.broadcast %parallel_loop3A_289 : i32 to vector<16xi32>
        %parallel_loop3A_312 = arith.addi %parallel_loop3A_311, %and3A_17 : vector<16xi32>
        %parallel_loop3A_313 = tpu.vector_load_idx %arg8[%broadcast_in_dim3A, %parallel_loop3A_312, %parallel_loop3A_296] : memref<2x64x128xf32, #tpu.memory_space<vmem>>[vector<16xi32>, vector<16xi32>, vector<16xi32>], vector<16xf32>,
        %parallel_loop3A_314 = arith.addi %parallel_loop3A_302, %and3A_17 : vector<16xi32>
        tpu.vector_store_idx %arg9[%broadcast_in_dim3A, %parallel_loop3A_298, %parallel_loop3A_314], %parallel_loop3A_313 : memref<2x64x128xf32, #tpu.memory_space<vmem>>[vector<16xi32>, vector<16xi32>, vector<16xi32>], vector<16xf32>,
        %parallel_loop3A_315 = vector.broadcast %parallel_loop3A_289 : i32 to vector<16xi32>
        %parallel_loop3A_316 = arith.addi %parallel_loop3A_315, %and3A_23 : vector<16xi32>
        %parallel_loop3A_317 = tpu.vector_load_idx %arg8[%broadcast_in_dim3A, %parallel_loop3A_316, %parallel_loop3A_296] : memref<2x64x128xf32, #tpu.memory_space<vmem>>[vector<16xi32>, vector<16xi32>, vector<16xi32>], vector<16xf32>,
        %parallel_loop3A_318 = arith.addi %parallel_loop3A_302, %and3A_23 : vector<16xi32>
        tpu.vector_store_idx %arg9[%broadcast_in_dim3A, %parallel_loop3A_298, %parallel_loop3A_318], %parallel_loop3A_317 : memref<2x64x128xf32, #tpu.memory_space<vmem>>[vector<16xi32>, vector<16xi32>, vector<16xi32>], vector<16xf32>,
        %parallel_loop3A_319 = vector.broadcast %parallel_loop3A_289 : i32 to vector<16xi32>
        %parallel_loop3A_320 = arith.addi %parallel_loop3A_319, %and3A_29 : vector<16xi32>
        %parallel_loop3A_321 = tpu.vector_load_idx %arg8[%broadcast_in_dim3A, %parallel_loop3A_320, %parallel_loop3A_296] : memref<2x64x128xf32, #tpu.memory_space<vmem>>[vector<16xi32>, vector<16xi32>, vector<16xi32>], vector<16xf32>,
        %parallel_loop3A_322 = arith.addi %parallel_loop3A_302, %and3A_29 : vector<16xi32>
        tpu.vector_store_idx %arg9[%broadcast_in_dim3A, %parallel_loop3A_298, %parallel_loop3A_322], %parallel_loop3A_321 : memref<2x64x128xf32, #tpu.memory_space<vmem>>[vector<16xi32>, vector<16xi32>, vector<16xi32>], vector<16xf32>,
        %parallel_loop3A_323 = vector.broadcast %parallel_loop3A_289 : i32 to vector<16xi32>
        %parallel_loop3A_324 = arith.addi %parallel_loop3A_323, %and3A_35 : vector<16xi32>
        %parallel_loop3A_325 = tpu.vector_load_idx %arg8[%broadcast_in_dim3A, %parallel_loop3A_324, %parallel_loop3A_296] : memref<2x64x128xf32, #tpu.memory_space<vmem>>[vector<16xi32>, vector<16xi32>, vector<16xi32>], vector<16xf32>,
        %parallel_loop3A_326 = arith.addi %parallel_loop3A_302, %and3A_35 : vector<16xi32>
        tpu.vector_store_idx %arg9[%broadcast_in_dim3A, %parallel_loop3A_298, %parallel_loop3A_326], %parallel_loop3A_325 : memref<2x64x128xf32, #tpu.memory_space<vmem>>[vector<16xi32>, vector<16xi32>, vector<16xi32>], vector<16xf32>,
        %parallel_loop3A_327 = vector.broadcast %parallel_loop3A_289 : i32 to vector<16xi32>
        %parallel_loop3A_328 = arith.addi %parallel_loop3A_327, %and3A_41 : vector<16xi32>
        %parallel_loop3A_329 = tpu.vector_load_idx %arg8[%broadcast_in_dim3A, %parallel_loop3A_328, %parallel_loop3A_296] : memref<2x64x128xf32, #tpu.memory_space<vmem>>[vector<16xi32>, vector<16xi32>, vector<16xi32>], vector<16xf32>,
        %parallel_loop3A_330 = arith.addi %parallel_loop3A_302, %and3A_41 : vector<16xi32>
        tpu.vector_store_idx %arg9[%broadcast_in_dim3A, %parallel_loop3A_298, %parallel_loop3A_330], %parallel_loop3A_329 : memref<2x64x128xf32, #tpu.memory_space<vmem>>[vector<16xi32>, vector<16xi32>, vector<16xi32>], vector<16xf32>,
        %parallel_loop3A_331 = vector.broadcast %parallel_loop3A_289 : i32 to vector<16xi32>
        %parallel_loop3A_332 = arith.addi %parallel_loop3A_331, %and3A_47 : vector<16xi32>
        %parallel_loop3A_333 = tpu.vector_load_idx %arg8[%broadcast_in_dim3A, %parallel_loop3A_332, %parallel_loop3A_296] : memref<2x64x128xf32, #tpu.memory_space<vmem>>[vector<16xi32>, vector<16xi32>, vector<16xi32>], vector<16xf32>,
        %parallel_loop3A_334 = arith.addi %parallel_loop3A_302, %and3A_47 : vector<16xi32>
        tpu.vector_store_idx %arg9[%broadcast_in_dim3A, %parallel_loop3A_298, %parallel_loop3A_334], %parallel_loop3A_333 : memref<2x64x128xf32, #tpu.memory_space<vmem>>[vector<16xi32>, vector<16xi32>, vector<16xi32>], vector<16xf32>,
        %parallel_loop3A_335 = vector.broadcast %parallel_loop3A_289 : i32 to vector<16xi32>
        %parallel_loop3A_336 = arith.addi %parallel_loop3A_335, %and3A_53 : vector<16xi32>
        %parallel_loop3A_337 = tpu.vector_load_idx %arg8[%broadcast_in_dim3A, %parallel_loop3A_336, %parallel_loop3A_296] : memref<2x64x128xf32, #tpu.memory_space<vmem>>[vector<16xi32>, vector<16xi32>, vector<16xi32>], vector<16xf32>,
        %parallel_loop3A_338 = arith.addi %parallel_loop3A_302, %and3A_53 : vector<16xi32>
        tpu.vector_store_idx %arg9[%broadcast_in_dim3A, %parallel_loop3A_298, %parallel_loop3A_338], %parallel_loop3A_337 : memref<2x64x128xf32, #tpu.memory_space<vmem>>[vector<16xi32>, vector<16xi32>, vector<16xi32>], vector<16xf32>,
        %parallel_loop3A_339 = vector.broadcast %parallel_loop3A_289 : i32 to vector<16xi32>
        %parallel_loop3A_340 = arith.addi %parallel_loop3A_339, %and3A_59 : vector<16xi32>
        %parallel_loop3A_341 = tpu.vector_load_idx %arg8[%broadcast_in_dim3A, %parallel_loop3A_340, %parallel_loop3A_296] : memref<2x64x128xf32, #tpu.memory_space<vmem>>[vector<16xi32>, vector<16xi32>, vector<16xi32>], vector<16xf32>,
        %parallel_loop3A_342 = arith.addi %parallel_loop3A_302, %and3A_59 : vector<16xi32>
        tpu.vector_store_idx %arg9[%broadcast_in_dim3A, %parallel_loop3A_298, %parallel_loop3A_342], %parallel_loop3A_341 : memref<2x64x128xf32, #tpu.memory_space<vmem>>[vector<16xi32>, vector<16xi32>, vector<16xi32>], vector<16xf32>,
        %parallel_loop3A_343 = vector.broadcast %parallel_loop3A_289 : i32 to vector<16xi32>
        %parallel_loop3A_344 = arith.addi %parallel_loop3A_343, %and3A_65 : vector<16xi32>
        %parallel_loop3A_345 = tpu.vector_load_idx %arg8[%broadcast_in_dim3A, %parallel_loop3A_344, %parallel_loop3A_296] : memref<2x64x128xf32, #tpu.memory_space<vmem>>[vector<16xi32>, vector<16xi32>, vector<16xi32>], vector<16xf32>,
        %parallel_loop3A_346 = arith.addi %parallel_loop3A_302, %and3A_65 : vector<16xi32>
        tpu.vector_store_idx %arg9[%broadcast_in_dim3A, %parallel_loop3A_298, %parallel_loop3A_346], %parallel_loop3A_345 : memref<2x64x128xf32, #tpu.memory_space<vmem>>[vector<16xi32>, vector<16xi32>, vector<16xi32>], vector<16xf32>,
        %parallel_loop3A_347 = vector.broadcast %parallel_loop3A_289 : i32 to vector<16xi32>
        %parallel_loop3A_348 = arith.addi %parallel_loop3A_347, %and3A_71 : vector<16xi32>
        %parallel_loop3A_349 = tpu.vector_load_idx %arg8[%broadcast_in_dim3A, %parallel_loop3A_348, %parallel_loop3A_296] : memref<2x64x128xf32, #tpu.memory_space<vmem>>[vector<16xi32>, vector<16xi32>, vector<16xi32>], vector<16xf32>,
        %parallel_loop3A_350 = arith.addi %parallel_loop3A_302, %and3A_71 : vector<16xi32>
        tpu.vector_store_idx %arg9[%broadcast_in_dim3A, %parallel_loop3A_298, %parallel_loop3A_350], %parallel_loop3A_349 : memref<2x64x128xf32, #tpu.memory_space<vmem>>[vector<16xi32>, vector<16xi32>, vector<16xi32>], vector<16xf32>,
        %parallel_loop3A_351 = vector.broadcast %parallel_loop3A_289 : i32 to vector<16xi32>
        %parallel_loop3A_352 = arith.addi %parallel_loop3A_351, %and3A_77 : vector<16xi32>
        %parallel_loop3A_353 = tpu.vector_load_idx %arg8[%broadcast_in_dim3A, %parallel_loop3A_352, %parallel_loop3A_296] : memref<2x64x128xf32, #tpu.memory_space<vmem>>[vector<16xi32>, vector<16xi32>, vector<16xi32>], vector<16xf32>,
        %parallel_loop3A_354 = arith.addi %parallel_loop3A_302, %and3A_77 : vector<16xi32>
        tpu.vector_store_idx %arg9[%broadcast_in_dim3A, %parallel_loop3A_298, %parallel_loop3A_354], %parallel_loop3A_353 : memref<2x64x128xf32, #tpu.memory_space<vmem>>[vector<16xi32>, vector<16xi32>, vector<16xi32>], vector<16xf32>,
        %parallel_loop3A_355 = vector.broadcast %parallel_loop3A_289 : i32 to vector<16xi32>
        %parallel_loop3A_356 = arith.addi %parallel_loop3A_355, %and3A_83 : vector<16xi32>
        %parallel_loop3A_357 = tpu.vector_load_idx %arg8[%broadcast_in_dim3A, %parallel_loop3A_356, %parallel_loop3A_296] : memref<2x64x128xf32, #tpu.memory_space<vmem>>[vector<16xi32>, vector<16xi32>, vector<16xi32>], vector<16xf32>,
        %parallel_loop3A_358 = arith.addi %parallel_loop3A_302, %and3A_83 : vector<16xi32>
        tpu.vector_store_idx %arg9[%broadcast_in_dim3A, %parallel_loop3A_298, %parallel_loop3A_358], %parallel_loop3A_357 : memref<2x64x128xf32, #tpu.memory_space<vmem>>[vector<16xi32>, vector<16xi32>, vector<16xi32>], vector<16xf32>,
        %parallel_loop3A_359 = vector.broadcast %parallel_loop3A_289 : i32 to vector<16xi32>
        %parallel_loop3A_360 = arith.addi %parallel_loop3A_359, %and3A_89 : vector<16xi32>
        %parallel_loop3A_361 = tpu.vector_load_idx %arg8[%broadcast_in_dim3A, %parallel_loop3A_360, %parallel_loop3A_296] : memref<2x64x128xf32, #tpu.memory_space<vmem>>[vector<16xi32>, vector<16xi32>, vector<16xi32>], vector<16xf32>,
        %parallel_loop3A_362 = arith.addi %parallel_loop3A_302, %and3A_89 : vector<16xi32>
        tpu.vector_store_idx %arg9[%broadcast_in_dim3A, %parallel_loop3A_298, %parallel_loop3A_362], %parallel_loop3A_361 : memref<2x64x128xf32, #tpu.memory_space<vmem>>[vector<16xi32>, vector<16xi32>, vector<16xi32>], vector<16xf32>,
        %parallel_loop3A_363 = vector.broadcast %parallel_loop3A_289 : i32 to vector<16xi32>
        %parallel_loop3A_364 = arith.addi %parallel_loop3A_363, %and3A_95 : vector<16xi32>
        %parallel_loop3A_365 = tpu.vector_load_idx %arg8[%broadcast_in_dim3A, %parallel_loop3A_364, %parallel_loop3A_296] : memref<2x64x128xf32, #tpu.memory_space<vmem>>[vector<16xi32>, vector<16xi32>, vector<16xi32>], vector<16xf32>,
        %parallel_loop3A_366 = arith.addi %parallel_loop3A_302, %and3A_95 : vector<16xi32>
        tpu.vector_store_idx %arg9[%broadcast_in_dim3A, %parallel_loop3A_298, %parallel_loop3A_366], %parallel_loop3A_365 : memref<2x64x128xf32, #tpu.memory_space<vmem>>[vector<16xi32>, vector<16xi32>, vector<16xi32>], vector<16xf32>,
      } {sc.loop_unroll_factor = 1 : i64, sc.parallel_access}
      %mul3A_265 = arith.constant 64 : i32
      %mul3A_266 = arith.muli %add3A_237, %mul3A_265 : i32
      %dma_start3A_267 = arith.constant 0 : i32
      %dma_start3A_268 = arith.constant 0 : i32
      %dma_start3A_269 = tpu.memref_slice %arg9[%and3A_239, %dma_start3A_267, %dma_start3A_268] : memref<2x64x128xf32, #tpu.memory_space<vmem>> -> memref<1x64x128xf32, #tpu.memory_space<vmem>>
      %dma_start3A_270 = tpu.memref_squeeze %dma_start3A_269 : memref<1x64x128xf32, #tpu.memory_space<vmem>> -> memref<64x128xf32, #tpu.memory_space<vmem>>
      %dma_start3A_271 = arith.constant 0 : i32
      %dma_start3A_272 = tpu.memref_slice %arg7[%mul3A_266, %dma_start3A_271] : memref<50048x128xf32, #tpu.memory_space<hbm>> -> memref<64x128xf32, #tpu.memory_space<hbm>>
      %dma_start3A_273 = arith.constant 0 : i32
      %dma_start3A_274 = tpu.memref_slice %arg7[%mul3A_266, %dma_start3A_273] : memref<50048x128xf32, #tpu.memory_space<hbm>> -> memref<64x128xf32, #tpu.memory_space<hbm>>
      %dma_start3A_275 = arith.constant 0 : i32
      %dma_start3A_276 = arith.constant 0 : i32
      %dma_start3A_277 = tpu.memref_slice %arg9[%and3A_239, %dma_start3A_275, %dma_start3A_276] : memref<2x64x128xf32, #tpu.memory_space<vmem>> -> memref<1x64x128xf32, #tpu.memory_space<vmem>>
      %dma_start3A_278 = tpu.memref_squeeze %dma_start3A_277 : memref<1x64x128xf32, #tpu.memory_space<vmem>> -> memref<64x128xf32, #tpu.memory_space<vmem>>
      tpu.enqueue_dma source(%dma_start3A_278 : memref<64x128xf32, #tpu.memory_space<vmem>>) target(%dma_start3A_274 : memref<64x128xf32, #tpu.memory_space<hbm>>) target_semaphore(%arg11 : memref<!tpu.dma_semaphore, #tpu.memory_space<semaphore_mem>>)
    }
    %while3A_203 = arith.constant 1 : i32
    scf.for %while3A_234 = %while3A_201 to %while3A_197 step %while3A_203  : i32 {
      %mul3A_235 = arith.constant 32 : i32
      %mul3A_236 = arith.muli %while3A_234, %mul3A_235 : i32
      %add3A_237 = arith.addi %add3A, %mul3A_236 : i32
      %and3A_238 = arith.constant 1 : i32
      %and3A_239 = arith.andi %while3A_234, %and3A_238 : i32
      %add3A_240 = arith.constant 1 : i32
      %add3A_241 = arith.addi %while3A_234, %add3A_240 : i32
      %lt3A = arith.cmpi slt, %add3A_241, %add3A_119 : i32
      %convert_element_type3A_242 = arith.extui %lt3A : i1 to i32
      %cond3A_243 = arith.constant 0 : i32
      %cond3A_244 = arith.cmpi ne, %convert_element_type3A_242, %cond3A_243 : i32
      scf.if %cond3A_244 {
        %add3A_279 = arith.constant 32 : i32
        %add3A_280 = arith.addi %add3A_237, %add3A_279 : i32
        %mul3A_281 = arith.constant 128 : i32
        %mul3A_282 = arith.muli %add3A_280, %mul3A_281 : i32
        %sub3A_283 = arith.constant 1 : i32
        %sub3A_284 = arith.subi %sub3A_283, %and3A_239 : i32
        %dma_start3A_285 = arith.constant 0 : i32
        %dma_start3A_286 = arith.constant 0 : i32
        %dma_start3A_287 = tpu.memref_slice %arg8[%sub3A_284, %dma_start3A_285, %dma_start3A_286] : memref<2x64x128xf32, #tpu.memory_space<vmem>> -> memref<1x64x128xf32, #tpu.memory_space<vmem>>
        %dma_start3A_288 = tpu.memref_squeeze %dma_start3A_287 : memref<1x64x128xf32, #tpu.memory_space<vmem>> -> memref<64x128xf32, #tpu.memory_space<vmem>>
        %dma_start3A_289 = arith.constant 0 : i32
        %dma_start3A_290 = tpu.memref_slice %arg3[%dma_start3A_289, %mul3A_282] : memref<64x100000xf32, #tpu.memory_space<hbm>> -> memref<64x128xf32, #tpu.memory_space<hbm>>
        %dma_start3A_291 = arith.constant 0 : i32
        %dma_start3A_292 = arith.constant 0 : i32
        %dma_start3A_293 = tpu.memref_slice %arg8[%sub3A_284, %dma_start3A_291, %dma_start3A_292] : memref<2x64x128xf32, #tpu.memory_space<vmem>> -> memref<1x64x128xf32, #tpu.memory_space<vmem>>
        %dma_start3A_294 = tpu.memref_squeeze %dma_start3A_293 : memref<1x64x128xf32, #tpu.memory_space<vmem>> -> memref<64x128xf32, #tpu.memory_space<vmem>>
        %dma_start3A_295 = arith.constant 0 : i32
        %dma_start3A_296 = tpu.memref_slice %arg3[%dma_start3A_295, %mul3A_282] : memref<64x100000xf32, #tpu.memory_space<hbm>> -> memref<64x128xf32, #tpu.memory_space<hbm>>
        tpu.enqueue_dma source(%dma_start3A_296 : memref<64x128xf32, #tpu.memory_space<hbm>>) target(%dma_start3A_294 : memref<64x128xf32, #tpu.memory_space<vmem>>) target_semaphore(%arg10 : memref<!tpu.dma_semaphore, #tpu.memory_space<semaphore_mem>>)
      } else {
      }
      %dma_wait3A_245 = arith.constant 0 : i32
      %dma_wait3A_246 = arith.constant 0 : i32
      %dma_wait3A_247 = tpu.memref_slice %arg8[%and3A_239, %dma_wait3A_245, %dma_wait3A_246] : memref<2x64x128xf32, #tpu.memory_space<vmem>> -> memref<1x64x128xf32, #tpu.memory_space<vmem>>
      %dma_wait3A_248 = tpu.memref_squeeze %dma_wait3A_247 : memref<1x64x128xf32, #tpu.memory_space<vmem>> -> memref<64x128xf32, #tpu.memory_space<vmem>>
      %dma_wait3A_249 = arith.constant 0 : i32
      %dma_wait3A_250 = arith.constant 0 : i32
      %dma_wait3A_251 = tpu.memref_slice %arg3[%dma_wait3A_249, %dma_wait3A_250] : memref<64x100000xf32, #tpu.memory_space<hbm>> -> memref<64x128xf32, #tpu.memory_space<hbm>>
      %dma_wait3A_252 = arith.constant 0 : i32
      %dma_wait3A_253 = arith.constant 0 : i32
      %dma_wait3A_254 = tpu.memref_slice %arg8[%and3A_239, %dma_wait3A_252, %dma_wait3A_253] : memref<2x64x128xf32, #tpu.memory_space<vmem>> -> memref<1x64x128xf32, #tpu.memory_space<vmem>>
      %dma_wait3A_255 = tpu.memref_squeeze %dma_wait3A_254 : memref<1x64x128xf32, #tpu.memory_space<vmem>> -> memref<64x128xf32, #tpu.memory_space<vmem>>
      %dma_wait3A_256 = arith.constant 0 : i32
      %dma_wait3A_257 = arith.constant 0 : i32
      %dma_wait3A_258 = tpu.memref_slice %arg3[%dma_wait3A_256, %dma_wait3A_257] : memref<64x100000xf32, #tpu.memory_space<hbm>> -> memref<64x128xf32, #tpu.memory_space<hbm>>
      tpu.wait_dma2 semaphore(%arg10 : memref<!tpu.dma_semaphore, #tpu.memory_space<semaphore_mem>>) src(%dma_wait3A_258 : memref<64x128xf32, #tpu.memory_space<hbm>>) dst(%dma_wait3A_255 : memref<64x128xf32, #tpu.memory_space<vmem>>)
      %ge3A = arith.constant 2 : i32
      %ge3A_259 = arith.cmpi sge, %while3A_234, %ge3A : i32
      %convert_element_type3A_260 = arith.extui %ge3A_259 : i1 to i32
      %cond3A_261 = arith.constant 0 : i32
      %cond3A_262 = arith.cmpi ne, %convert_element_type3A_260, %cond3A_261 : i32
      scf.if %cond3A_262 {
        %dma_wait3A_279 = arith.constant 0 : i32
        %dma_wait3A_280 = arith.constant 0 : i32
        %dma_wait3A_281 = tpu.memref_slice %arg9[%and3A_239, %dma_wait3A_279, %dma_wait3A_280] : memref<2x64x128xf32, #tpu.memory_space<vmem>> -> memref<1x64x128xf32, #tpu.memory_space<vmem>>
        %dma_wait3A_282 = tpu.memref_squeeze %dma_wait3A_281 : memref<1x64x128xf32, #tpu.memory_space<vmem>> -> memref<64x128xf32, #tpu.memory_space<vmem>>
        %dma_wait3A_283 = arith.constant 0 : i32
        %dma_wait3A_284 = arith.constant 0 : i32
        %dma_wait3A_285 = tpu.memref_slice %arg7[%dma_wait3A_283, %dma_wait3A_284] : memref<50048x128xf32, #tpu.memory_space<hbm>> -> memref<64x128xf32, #tpu.memory_space<hbm>>
        %dma_wait3A_286 = arith.constant 0 : i32
        %dma_wait3A_287 = arith.constant 0 : i32
        %dma_wait3A_288 = tpu.memref_slice %arg7[%dma_wait3A_286, %dma_wait3A_287] : memref<50048x128xf32, #tpu.memory_space<hbm>> -> memref<64x128xf32, #tpu.memory_space<hbm>>
        %dma_wait3A_289 = arith.constant 0 : i32
        %dma_wait3A_290 = arith.constant 0 : i32
        %dma_wait3A_291 = tpu.memref_slice %arg9[%and3A_239, %dma_wait3A_289, %dma_wait3A_290] : memref<2x64x128xf32, #tpu.memory_space<vmem>> -> memref<1x64x128xf32, #tpu.memory_space<vmem>>
        %dma_wait3A_292 = tpu.memref_squeeze %dma_wait3A_291 : memref<1x64x128xf32, #tpu.memory_space<vmem>> -> memref<64x128xf32, #tpu.memory_space<vmem>>
        tpu.wait_dma2 semaphore(%arg11 : memref<!tpu.dma_semaphore, #tpu.memory_space<semaphore_mem>>) src(%dma_wait3A_292 : memref<64x128xf32, #tpu.memory_space<vmem>>) dst(%dma_wait3A_288 : memref<64x128xf32, #tpu.memory_space<hbm>>)
      } else {
      }
      %broadcast_in_dim3A = vector.broadcast %and3A_239 : i32 to vector<16xi32>
      %parallel_loop3A = arith.constant 0 : i32
      %parallel_loop3A_263 = arith.constant 32 : i32
      %parallel_loop3A_264 = arith.constant 1 : i32
      scf.for %parallel_loop3A_279 = %parallel_loop3A to %parallel_loop3A_263 step %parallel_loop3A_264  : i32 {
        %parallel_loop3A_280 = arith.constant 4 : i32
        %parallel_loop3A_281 = arith.shrui %parallel_loop3A_279, %parallel_loop3A_280 : i32
        %parallel_loop3A_282 = arith.constant 2 : i32
        %parallel_loop3A_283 = arith.shrui %parallel_loop3A_279, %parallel_loop3A_282 : i32
        %parallel_loop3A_284 = arith.constant 3 : i32
        %parallel_loop3A_285 = arith.andi %parallel_loop3A_283, %parallel_loop3A_284 : i32
        %parallel_loop3A_286 = arith.constant 3 : i32
        %parallel_loop3A_287 = arith.andi %parallel_loop3A_279, %parallel_loop3A_286 : i32
        %parallel_loop3A_288 = arith.constant 16 : i32
        %parallel_loop3A_289 = arith.muli %parallel_loop3A_285, %parallel_loop3A_288 : i32
        %parallel_loop3A_290 = arith.constant 16 : i32
        %parallel_loop3A_291 = arith.muli %parallel_loop3A_287, %parallel_loop3A_290 : i32
        %parallel_loop3A_292 = arith.constant 2 : i32
        %parallel_loop3A_293 = arith.muli %parallel_loop3A_292, %parallel_loop3A_291 : i32
        %parallel_loop3A_294 = arith.addi %parallel_loop3A_293, %parallel_loop3A_281 : i32
        %parallel_loop3A_295 = vector.broadcast %parallel_loop3A_294 : i32 to vector<16xi32>
        %parallel_loop3A_296 = arith.addi %parallel_loop3A_295, %mul3A_98 : vector<16xi32>
        %parallel_loop3A_297 = vector.broadcast %parallel_loop3A_291 : i32 to vector<16xi32>
        %parallel_loop3A_298 = arith.addi %parallel_loop3A_297, %iota3A : vector<16xi32>
        %parallel_loop3A_299 = arith.constant 64 : i32
        %parallel_loop3A_300 = arith.muli %parallel_loop3A_281, %parallel_loop3A_299 : i32
        %parallel_loop3A_301 = arith.addi %parallel_loop3A_300, %parallel_loop3A_289 : i32
        %parallel_loop3A_302 = vector.broadcast %parallel_loop3A_301 : i32 to vector<16xi32>
        %parallel_loop3A_303 = vector.broadcast %parallel_loop3A_289 : i32 to vector<16xi32>
        %parallel_loop3A_304 = arith.addi %parallel_loop3A_303, %and3A_5 : vector<16xi32>
        %parallel_loop3A_305 = tpu.vector_load_idx %arg8[%broadcast_in_dim3A, %parallel_loop3A_304, %parallel_loop3A_296] : memref<2x64x128xf32, #tpu.memory_space<vmem>>[vector<16xi32>, vector<16xi32>, vector<16xi32>], vector<16xf32>,
        %parallel_loop3A_306 = arith.addi %parallel_loop3A_302, %and3A_5 : vector<16xi32>
        tpu.vector_store_idx %arg9[%broadcast_in_dim3A, %parallel_loop3A_298, %parallel_loop3A_306], %parallel_loop3A_305 : memref<2x64x128xf32, #tpu.memory_space<vmem>>[vector<16xi32>, vector<16xi32>, vector<16xi32>], vector<16xf32>,
        %parallel_loop3A_307 = vector.broadcast %parallel_loop3A_289 : i32 to vector<16xi32>
        %parallel_loop3A_308 = arith.addi %parallel_loop3A_307, %and3A_11 : vector<16xi32>
        %parallel_loop3A_309 = tpu.vector_load_idx %arg8[%broadcast_in_dim3A, %parallel_loop3A_308, %parallel_loop3A_296] : memref<2x64x128xf32, #tpu.memory_space<vmem>>[vector<16xi32>, vector<16xi32>, vector<16xi32>], vector<16xf32>,
        %parallel_loop3A_310 = arith.addi %parallel_loop3A_302, %and3A_11 : vector<16xi32>
        tpu.vector_store_idx %arg9[%broadcast_in_dim3A, %parallel_loop3A_298, %parallel_loop3A_310], %parallel_loop3A_309 : memref<2x64x128xf32, #tpu.memory_space<vmem>>[vector<16xi32>, vector<16xi32>, vector<16xi32>], vector<16xf32>,
        %parallel_loop3A_311 = vector.broadcast %parallel_loop3A_289 : i32 to vector<16xi32>
        %parallel_loop3A_312 = arith.addi %parallel_loop3A_311, %and3A_17 : vector<16xi32>
        %parallel_loop3A_313 = tpu.vector_load_idx %arg8[%broadcast_in_dim3A, %parallel_loop3A_312, %parallel_loop3A_296] : memref<2x64x128xf32, #tpu.memory_space<vmem>>[vector<16xi32>, vector<16xi32>, vector<16xi32>], vector<16xf32>,
        %parallel_loop3A_314 = arith.addi %parallel_loop3A_302, %and3A_17 : vector<16xi32>
        tpu.vector_store_idx %arg9[%broadcast_in_dim3A, %parallel_loop3A_298, %parallel_loop3A_314], %parallel_loop3A_313 : memref<2x64x128xf32, #tpu.memory_space<vmem>>[vector<16xi32>, vector<16xi32>, vector<16xi32>], vector<16xf32>,
        %parallel_loop3A_315 = vector.broadcast %parallel_loop3A_289 : i32 to vector<16xi32>
        %parallel_loop3A_316 = arith.addi %parallel_loop3A_315, %and3A_23 : vector<16xi32>
        %parallel_loop3A_317 = tpu.vector_load_idx %arg8[%broadcast_in_dim3A, %parallel_loop3A_316, %parallel_loop3A_296] : memref<2x64x128xf32, #tpu.memory_space<vmem>>[vector<16xi32>, vector<16xi32>, vector<16xi32>], vector<16xf32>,
        %parallel_loop3A_318 = arith.addi %parallel_loop3A_302, %and3A_23 : vector<16xi32>
        tpu.vector_store_idx %arg9[%broadcast_in_dim3A, %parallel_loop3A_298, %parallel_loop3A_318], %parallel_loop3A_317 : memref<2x64x128xf32, #tpu.memory_space<vmem>>[vector<16xi32>, vector<16xi32>, vector<16xi32>], vector<16xf32>,
        %parallel_loop3A_319 = vector.broadcast %parallel_loop3A_289 : i32 to vector<16xi32>
        %parallel_loop3A_320 = arith.addi %parallel_loop3A_319, %and3A_29 : vector<16xi32>
        %parallel_loop3A_321 = tpu.vector_load_idx %arg8[%broadcast_in_dim3A, %parallel_loop3A_320, %parallel_loop3A_296] : memref<2x64x128xf32, #tpu.memory_space<vmem>>[vector<16xi32>, vector<16xi32>, vector<16xi32>], vector<16xf32>,
        %parallel_loop3A_322 = arith.addi %parallel_loop3A_302, %and3A_29 : vector<16xi32>
        tpu.vector_store_idx %arg9[%broadcast_in_dim3A, %parallel_loop3A_298, %parallel_loop3A_322], %parallel_loop3A_321 : memref<2x64x128xf32, #tpu.memory_space<vmem>>[vector<16xi32>, vector<16xi32>, vector<16xi32>], vector<16xf32>,
        %parallel_loop3A_323 = vector.broadcast %parallel_loop3A_289 : i32 to vector<16xi32>
        %parallel_loop3A_324 = arith.addi %parallel_loop3A_323, %and3A_35 : vector<16xi32>
        %parallel_loop3A_325 = tpu.vector_load_idx %arg8[%broadcast_in_dim3A, %parallel_loop3A_324, %parallel_loop3A_296] : memref<2x64x128xf32, #tpu.memory_space<vmem>>[vector<16xi32>, vector<16xi32>, vector<16xi32>], vector<16xf32>,
        %parallel_loop3A_326 = arith.addi %parallel_loop3A_302, %and3A_35 : vector<16xi32>
        tpu.vector_store_idx %arg9[%broadcast_in_dim3A, %parallel_loop3A_298, %parallel_loop3A_326], %parallel_loop3A_325 : memref<2x64x128xf32, #tpu.memory_space<vmem>>[vector<16xi32>, vector<16xi32>, vector<16xi32>], vector<16xf32>,
        %parallel_loop3A_327 = vector.broadcast %parallel_loop3A_289 : i32 to vector<16xi32>
        %parallel_loop3A_328 = arith.addi %parallel_loop3A_327, %and3A_41 : vector<16xi32>
        %parallel_loop3A_329 = tpu.vector_load_idx %arg8[%broadcast_in_dim3A, %parallel_loop3A_328, %parallel_loop3A_296] : memref<2x64x128xf32, #tpu.memory_space<vmem>>[vector<16xi32>, vector<16xi32>, vector<16xi32>], vector<16xf32>,
        %parallel_loop3A_330 = arith.addi %parallel_loop3A_302, %and3A_41 : vector<16xi32>
        tpu.vector_store_idx %arg9[%broadcast_in_dim3A, %parallel_loop3A_298, %parallel_loop3A_330], %parallel_loop3A_329 : memref<2x64x128xf32, #tpu.memory_space<vmem>>[vector<16xi32>, vector<16xi32>, vector<16xi32>], vector<16xf32>,
        %parallel_loop3A_331 = vector.broadcast %parallel_loop3A_289 : i32 to vector<16xi32>
        %parallel_loop3A_332 = arith.addi %parallel_loop3A_331, %and3A_47 : vector<16xi32>
        %parallel_loop3A_333 = tpu.vector_load_idx %arg8[%broadcast_in_dim3A, %parallel_loop3A_332, %parallel_loop3A_296] : memref<2x64x128xf32, #tpu.memory_space<vmem>>[vector<16xi32>, vector<16xi32>, vector<16xi32>], vector<16xf32>,
        %parallel_loop3A_334 = arith.addi %parallel_loop3A_302, %and3A_47 : vector<16xi32>
        tpu.vector_store_idx %arg9[%broadcast_in_dim3A, %parallel_loop3A_298, %parallel_loop3A_334], %parallel_loop3A_333 : memref<2x64x128xf32, #tpu.memory_space<vmem>>[vector<16xi32>, vector<16xi32>, vector<16xi32>], vector<16xf32>,
        %parallel_loop3A_335 = vector.broadcast %parallel_loop3A_289 : i32 to vector<16xi32>
        %parallel_loop3A_336 = arith.addi %parallel_loop3A_335, %and3A_53 : vector<16xi32>
        %parallel_loop3A_337 = tpu.vector_load_idx %arg8[%broadcast_in_dim3A, %parallel_loop3A_336, %parallel_loop3A_296] : memref<2x64x128xf32, #tpu.memory_space<vmem>>[vector<16xi32>, vector<16xi32>, vector<16xi32>], vector<16xf32>,
        %parallel_loop3A_338 = arith.addi %parallel_loop3A_302, %and3A_53 : vector<16xi32>
        tpu.vector_store_idx %arg9[%broadcast_in_dim3A, %parallel_loop3A_298, %parallel_loop3A_338], %parallel_loop3A_337 : memref<2x64x128xf32, #tpu.memory_space<vmem>>[vector<16xi32>, vector<16xi32>, vector<16xi32>], vector<16xf32>,
        %parallel_loop3A_339 = vector.broadcast %parallel_loop3A_289 : i32 to vector<16xi32>
        %parallel_loop3A_340 = arith.addi %parallel_loop3A_339, %and3A_59 : vector<16xi32>
        %parallel_loop3A_341 = tpu.vector_load_idx %arg8[%broadcast_in_dim3A, %parallel_loop3A_340, %parallel_loop3A_296] : memref<2x64x128xf32, #tpu.memory_space<vmem>>[vector<16xi32>, vector<16xi32>, vector<16xi32>], vector<16xf32>,
        %parallel_loop3A_342 = arith.addi %parallel_loop3A_302, %and3A_59 : vector<16xi32>
        tpu.vector_store_idx %arg9[%broadcast_in_dim3A, %parallel_loop3A_298, %parallel_loop3A_342], %parallel_loop3A_341 : memref<2x64x128xf32, #tpu.memory_space<vmem>>[vector<16xi32>, vector<16xi32>, vector<16xi32>], vector<16xf32>,
        %parallel_loop3A_343 = vector.broadcast %parallel_loop3A_289 : i32 to vector<16xi32>
        %parallel_loop3A_344 = arith.addi %parallel_loop3A_343, %and3A_65 : vector<16xi32>
        %parallel_loop3A_345 = tpu.vector_load_idx %arg8[%broadcast_in_dim3A, %parallel_loop3A_344, %parallel_loop3A_296] : memref<2x64x128xf32, #tpu.memory_space<vmem>>[vector<16xi32>, vector<16xi32>, vector<16xi32>], vector<16xf32>,
        %parallel_loop3A_346 = arith.addi %parallel_loop3A_302, %and3A_65 : vector<16xi32>
        tpu.vector_store_idx %arg9[%broadcast_in_dim3A, %parallel_loop3A_298, %parallel_loop3A_346], %parallel_loop3A_345 : memref<2x64x128xf32, #tpu.memory_space<vmem>>[vector<16xi32>, vector<16xi32>, vector<16xi32>], vector<16xf32>,
        %parallel_loop3A_347 = vector.broadcast %parallel_loop3A_289 : i32 to vector<16xi32>
        %parallel_loop3A_348 = arith.addi %parallel_loop3A_347, %and3A_71 : vector<16xi32>
        %parallel_loop3A_349 = tpu.vector_load_idx %arg8[%broadcast_in_dim3A, %parallel_loop3A_348, %parallel_loop3A_296] : memref<2x64x128xf32, #tpu.memory_space<vmem>>[vector<16xi32>, vector<16xi32>, vector<16xi32>], vector<16xf32>,
        %parallel_loop3A_350 = arith.addi %parallel_loop3A_302, %and3A_71 : vector<16xi32>
        tpu.vector_store_idx %arg9[%broadcast_in_dim3A, %parallel_loop3A_298, %parallel_loop3A_350], %parallel_loop3A_349 : memref<2x64x128xf32, #tpu.memory_space<vmem>>[vector<16xi32>, vector<16xi32>, vector<16xi32>], vector<16xf32>,
        %parallel_loop3A_351 = vector.broadcast %parallel_loop3A_289 : i32 to vector<16xi32>
        %parallel_loop3A_352 = arith.addi %parallel_loop3A_351, %and3A_77 : vector<16xi32>
        %parallel_loop3A_353 = tpu.vector_load_idx %arg8[%broadcast_in_dim3A, %parallel_loop3A_352, %parallel_loop3A_296] : memref<2x64x128xf32, #tpu.memory_space<vmem>>[vector<16xi32>, vector<16xi32>, vector<16xi32>], vector<16xf32>,
        %parallel_loop3A_354 = arith.addi %parallel_loop3A_302, %and3A_77 : vector<16xi32>
        tpu.vector_store_idx %arg9[%broadcast_in_dim3A, %parallel_loop3A_298, %parallel_loop3A_354], %parallel_loop3A_353 : memref<2x64x128xf32, #tpu.memory_space<vmem>>[vector<16xi32>, vector<16xi32>, vector<16xi32>], vector<16xf32>,
        %parallel_loop3A_355 = vector.broadcast %parallel_loop3A_289 : i32 to vector<16xi32>
        %parallel_loop3A_356 = arith.addi %parallel_loop3A_355, %and3A_83 : vector<16xi32>
        %parallel_loop3A_357 = tpu.vector_load_idx %arg8[%broadcast_in_dim3A, %parallel_loop3A_356, %parallel_loop3A_296] : memref<2x64x128xf32, #tpu.memory_space<vmem>>[vector<16xi32>, vector<16xi32>, vector<16xi32>], vector<16xf32>,
        %parallel_loop3A_358 = arith.addi %parallel_loop3A_302, %and3A_83 : vector<16xi32>
        tpu.vector_store_idx %arg9[%broadcast_in_dim3A, %parallel_loop3A_298, %parallel_loop3A_358], %parallel_loop3A_357 : memref<2x64x128xf32, #tpu.memory_space<vmem>>[vector<16xi32>, vector<16xi32>, vector<16xi32>], vector<16xf32>,
        %parallel_loop3A_359 = vector.broadcast %parallel_loop3A_289 : i32 to vector<16xi32>
        %parallel_loop3A_360 = arith.addi %parallel_loop3A_359, %and3A_89 : vector<16xi32>
        %parallel_loop3A_361 = tpu.vector_load_idx %arg8[%broadcast_in_dim3A, %parallel_loop3A_360, %parallel_loop3A_296] : memref<2x64x128xf32, #tpu.memory_space<vmem>>[vector<16xi32>, vector<16xi32>, vector<16xi32>], vector<16xf32>,
        %parallel_loop3A_362 = arith.addi %parallel_loop3A_302, %and3A_89 : vector<16xi32>
        tpu.vector_store_idx %arg9[%broadcast_in_dim3A, %parallel_loop3A_298, %parallel_loop3A_362], %parallel_loop3A_361 : memref<2x64x128xf32, #tpu.memory_space<vmem>>[vector<16xi32>, vector<16xi32>, vector<16xi32>], vector<16xf32>,
        %parallel_loop3A_363 = vector.broadcast %parallel_loop3A_289 : i32 to vector<16xi32>
        %parallel_loop3A_364 = arith.addi %parallel_loop3A_363, %and3A_95 : vector<16xi32>
        %parallel_loop3A_365 = tpu.vector_load_idx %arg8[%broadcast_in_dim3A, %parallel_loop3A_364, %parallel_loop3A_296] : memref<2x64x128xf32, #tpu.memory_space<vmem>>[vector<16xi32>, vector<16xi32>, vector<16xi32>], vector<16xf32>,
        %parallel_loop3A_366 = arith.addi %parallel_loop3A_302, %and3A_95 : vector<16xi32>
        tpu.vector_store_idx %arg9[%broadcast_in_dim3A, %parallel_loop3A_298, %parallel_loop3A_366], %parallel_loop3A_365 : memref<2x64x128xf32, #tpu.memory_space<vmem>>[vector<16xi32>, vector<16xi32>, vector<16xi32>], vector<16xf32>,
      } {sc.loop_unroll_factor = 1 : i64, sc.parallel_access}
      %mul3A_265 = arith.constant 64 : i32
      %mul3A_266 = arith.muli %add3A_237, %mul3A_265 : i32
      %dma_start3A_267 = arith.constant 0 : i32
      %dma_start3A_268 = arith.constant 0 : i32
      %dma_start3A_269 = tpu.memref_slice %arg9[%and3A_239, %dma_start3A_267, %dma_start3A_268] : memref<2x64x128xf32, #tpu.memory_space<vmem>> -> memref<1x64x128xf32, #tpu.memory_space<vmem>>
      %dma_start3A_270 = tpu.memref_squeeze %dma_start3A_269 : memref<1x64x128xf32, #tpu.memory_space<vmem>> -> memref<64x128xf32, #tpu.memory_space<vmem>>
      %dma_start3A_271 = arith.constant 0 : i32
      %dma_start3A_272 = tpu.memref_slice %arg7[%mul3A_266, %dma_start3A_271] : memref<50048x128xf32, #tpu.memory_space<hbm>> -> memref<64x128xf32, #tpu.memory_space<hbm>>
      %dma_start3A_273 = arith.constant 0 : i32
      %dma_start3A_274 = tpu.memref_slice %arg7[%mul3A_266, %dma_start3A_273] : memref<50048x128xf32, #tpu.memory_space<hbm>> -> memref<64x128xf32, #tpu.memory_space<hbm>>
      %dma_start3A_275 = arith.constant 0 : i32
      %dma_start3A_276 = arith.constant 0 : i32
      %dma_start3A_277 = tpu.memref_slice %arg9[%and3A_239, %dma_start3A_275, %dma_start3A_276] : memref<2x64x128xf32, #tpu.memory_space<vmem>> -> memref<1x64x128xf32, #tpu.memory_space<vmem>>
      %dma_start3A_278 = tpu.memref_squeeze %dma_start3A_277 : memref<1x64x128xf32, #tpu.memory_space<vmem>> -> memref<64x128xf32, #tpu.memory_space<vmem>>
      tpu.enqueue_dma source(%dma_start3A_278 : memref<64x128xf32, #tpu.memory_space<vmem>>) target(%dma_start3A_274 : memref<64x128xf32, #tpu.memory_space<hbm>>) target_semaphore(%arg11 : memref<!tpu.dma_semaphore, #tpu.memory_space<semaphore_mem>>)
    }
    %dma_wait3A_204 = arith.constant 0 : i32
    %dma_wait3A_205 = arith.constant 0 : i32
    %dma_wait3A_206 = arith.constant 0 : i32
    %dma_wait3A_207 = tpu.memref_slice %arg9[%dma_wait3A_204, %dma_wait3A_205, %dma_wait3A_206] : memref<2x64x128xf32, #tpu.memory_space<vmem>> -> memref<1x64x128xf32, #tpu.memory_space<vmem>>
    %dma_wait3A_208 = tpu.memref_squeeze %dma_wait3A_207 : memref<1x64x128xf32, #tpu.memory_space<vmem>> -> memref<64x128xf32, #tpu.memory_space<vmem>>
    %dma_wait3A_209 = arith.constant 0 : i32
    %dma_wait3A_210 = arith.constant 0 : i32
    %dma_wait3A_211 = tpu.memref_slice %arg7[%dma_wait3A_209, %dma_wait3A_210] : memref<50048x128xf32, #tpu.memory_space<hbm>> -> memref<64x128xf32, #tpu.memory_space<hbm>>
    %dma_wait3A_212 = arith.constant 0 : i32
    %dma_wait3A_213 = arith.constant 0 : i32
    %dma_wait3A_214 = tpu.memref_slice %arg7[%dma_wait3A_212, %dma_wait3A_213] : memref<50048x128xf32, #tpu.memory_space<hbm>> -> memref<64x128xf32, #tpu.memory_space<hbm>>
    %dma_wait3A_215 = arith.constant 0 : i32
    %dma_wait3A_216 = arith.constant 0 : i32
    %dma_wait3A_217 = tpu.memref_slice %arg9[%dma_wait3A_204, %dma_wait3A_215, %dma_wait3A_216] : memref<2x64x128xf32, #tpu.memory_space<vmem>> -> memref<1x64x128xf32, #tpu.memory_space<vmem>>
    %dma_wait3A_218 = tpu.memref_squeeze %dma_wait3A_217 : memref<1x64x128xf32, #tpu.memory_space<vmem>> -> memref<64x128xf32, #tpu.memory_space<vmem>>
    tpu.wait_dma2 semaphore(%arg11 : memref<!tpu.dma_semaphore, #tpu.memory_space<semaphore_mem>>) src(%dma_wait3A_218 : memref<64x128xf32, #tpu.memory_space<vmem>>) dst(%dma_wait3A_214 : memref<64x128xf32, #tpu.memory_space<hbm>>)
    %dma_wait3A_219 = arith.constant 0 : i32
    %dma_wait3A_220 = arith.constant 0 : i32
    %dma_wait3A_221 = arith.constant 0 : i32
    %dma_wait3A_222 = tpu.memref_slice %arg9[%dma_wait3A_219, %dma_wait3A_220, %dma_wait3A_221] : memref<2x64x128xf32, #tpu.memory_space<vmem>> -> memref<1x64x128xf32, #tpu.memory_space<vmem>>
    %dma_wait3A_223 = tpu.memref_squeeze %dma_wait3A_222 : memref<1x64x128xf32, #tpu.memory_space<vmem>> -> memref<64x128xf32, #tpu.memory_space<vmem>>
    %dma_wait3A_224 = arith.constant 0 : i32
    %dma_wait3A_225 = arith.constant 0 : i32
    %dma_wait3A_226 = tpu.memref_slice %arg7[%dma_wait3A_224, %dma_wait3A_225] : memref<50048x128xf32, #tpu.memory_space<hbm>> -> memref<64x128xf32, #tpu.memory_space<hbm>>
    %dma_wait3A_227 = arith.constant 0 : i32
    %dma_wait3A_228 = arith.constant 0 : i32
    %dma_wait3A_229 = tpu.memref_slice %arg7[%dma_wait3A_227, %dma_wait3A_228] : memref<50048x128xf32, #tpu.memory_space<hbm>> -> memref<64x128xf32, #tpu.memory_space<hbm>>
    %dma_wait3A_230 = arith.constant 0 : i32
    %dma_wait3A_231 = arith.constant 0 : i32
    %dma_wait3A_232 = tpu.memref_slice %arg9[%dma_wait3A_219, %dma_wait3A_230, %dma_wait3A_231] : memref<2x64x128xf32, #tpu.memory_space<vmem>> -> memref<1x64x128xf32, #tpu.memory_space<vmem>>
    %dma_wait3A_233 = tpu.memref_squeeze %dma_wait3A_232 : memref<1x64x128xf32, #tpu.memory_space<vmem>> -> memref<64x128xf32, #tpu.memory_space<vmem>>
    tpu.wait_dma2 semaphore(%arg11 : memref<!tpu.dma_semaphore, #tpu.memory_space<semaphore_mem>>) src(%dma_wait3A_233 : memref<64x128xf32, #tpu.memory_space<vmem>>) dst(%dma_wait3A_229 : memref<64x128xf32, #tpu.memory_space<hbm>>)
    return
  }
}

#map = affine_map<(d0, d1) -> (0, 0, 0)>
#map1 = affine_map<(d0, d1) -> (0, 0)>
#map2 = affine_map<(d0, d1) -> (0)>
module attributes {stable_mosaic.version = 14 : i64} {
  func.func @_gather_kernel(%arg0: i32, %arg1: i32, %arg2: memref<32x4x128xi32, #tpu.memory_space<hbm>>, %arg3: memref<32x4x128xi32, #tpu.memory_space<hbm>>, %arg4: memref<50048x128xf32, #tpu.memory_space<hbm>>, %arg5: memref<50048x128xf32, #tpu.memory_space<hbm>>, %arg6: memref<320xf32, #tpu.memory_space<hbm>>, %arg7: memref<128xf32, #tpu.memory_space<hbm>>, %arg8: memref<16384x5xf32, #tpu.memory_space<hbm>>, %arg9: memref<4x128xi32, #tpu.memory_space<vmem>>, %arg10: memref<4x128xi32, #tpu.memory_space<vmem>>, %arg11: memref<4x128xi32, #tpu.memory_space<vmem>>, %arg12: memref<4x128xi32, #tpu.memory_space<vmem>>, %arg13: memref<256x128xf32, #tpu.memory_space<vmem>>, %arg14: memref<256x128xf32, #tpu.memory_space<vmem>>, %arg15: memref<320xf32, #tpu.memory_space<vmem>>, %arg16: memref<128xf32, #tpu.memory_space<vmem>>, %arg17: memref<256x5xf32, #tpu.memory_space<vmem>>, %arg18: memref<!tpu.dma_semaphore, #tpu.memory_space<semaphore_mem>>) attributes {dimension_semantics = [#tpu.dimension_semantics<core_parallel>, #tpu.dimension_semantics<subcore_parallel>], iteration_bounds = array<i64: 2, 16>, scalar_prefetch = 0 : i64, scratch_operands = 10 : i64, tpu.core_type = #tpu.core_type<sc_vector_subcore>, window_params = [{transform_indices = #map}, {transform_indices = #map}, {transform_indices = #map1}, {transform_indices = #map1}, {transform_indices = #map2}, {transform_indices = #map2}, {transform_indices = #map1}]} {
    %mul3A = arith.constant 2 : i32
    %mul3A_0 = arith.muli %arg1, %mul3A : i32
    %add3A = arith.addi %mul3A_0, %arg0 : i32
    %mul3A_1 = arith.constant 512 : i32
    %mul3A_2 = arith.muli %add3A, %mul3A_1 : i32
    "tpu.region"() ({
      %run_scoped3A = tpu.sem_alloc : memref<!tpu.dma_semaphore, #tpu.memory_space<semaphore_mem>>
      %dma_start3A_932 = arith.constant 0 : i32
      %dma_start3A_933 = arith.constant 0 : i32
      %dma_start3A_934 = tpu.memref_slice %arg2[%add3A, %dma_start3A_932, %dma_start3A_933] : memref<32x4x128xi32, #tpu.memory_space<hbm>> -> memref<1x4x128xi32, #tpu.memory_space<hbm>>
      %dma_start3A_935 = tpu.memref_squeeze %dma_start3A_934 : memref<1x4x128xi32, #tpu.memory_space<hbm>> -> memref<4x128xi32, #tpu.memory_space<hbm>>
      %dma_start3A_936 = arith.constant 0 : i32
      %dma_start3A_937 = arith.constant 0 : i32
      %dma_start3A_938 = tpu.memref_slice %arg2[%add3A, %dma_start3A_936, %dma_start3A_937] : memref<32x4x128xi32, #tpu.memory_space<hbm>> -> memref<1x4x128xi32, #tpu.memory_space<hbm>>
      %dma_start3A_939 = tpu.memref_squeeze %dma_start3A_938 : memref<1x4x128xi32, #tpu.memory_space<hbm>> -> memref<4x128xi32, #tpu.memory_space<hbm>>
      tpu.enqueue_dma source(%dma_start3A_939 : memref<4x128xi32, #tpu.memory_space<hbm>>) target(%arg9 : memref<4x128xi32, #tpu.memory_space<vmem>>) target_semaphore(%run_scoped3A : memref<!tpu.dma_semaphore, #tpu.memory_space<semaphore_mem>>)
      %dma_wait3A_940 = arith.constant 0 : i32
      %dma_wait3A_941 = arith.constant 0 : i32
      %dma_wait3A_942 = tpu.memref_slice %arg2[%add3A, %dma_wait3A_940, %dma_wait3A_941] : memref<32x4x128xi32, #tpu.memory_space<hbm>> -> memref<1x4x128xi32, #tpu.memory_space<hbm>>
      %dma_wait3A_943 = tpu.memref_squeeze %dma_wait3A_942 : memref<1x4x128xi32, #tpu.memory_space<hbm>> -> memref<4x128xi32, #tpu.memory_space<hbm>>
      %dma_wait3A_944 = arith.constant 0 : i32
      %dma_wait3A_945 = arith.constant 0 : i32
      %dma_wait3A_946 = tpu.memref_slice %arg2[%add3A, %dma_wait3A_944, %dma_wait3A_945] : memref<32x4x128xi32, #tpu.memory_space<hbm>> -> memref<1x4x128xi32, #tpu.memory_space<hbm>>
      %dma_wait3A_947 = tpu.memref_squeeze %dma_wait3A_946 : memref<1x4x128xi32, #tpu.memory_space<hbm>> -> memref<4x128xi32, #tpu.memory_space<hbm>>
      tpu.wait_dma2 semaphore(%run_scoped3A : memref<!tpu.dma_semaphore, #tpu.memory_space<semaphore_mem>>) src(%dma_wait3A_947 : memref<4x128xi32, #tpu.memory_space<hbm>>) dst(%arg9 : memref<4x128xi32, #tpu.memory_space<vmem>>)
      tpu.yield
    }) : () -> ()
    "tpu.region"() ({
      %run_scoped3A = tpu.sem_alloc : memref<!tpu.dma_semaphore, #tpu.memory_space<semaphore_mem>>
      %dma_start3A_932 = arith.constant 0 : i32
      %dma_start3A_933 = arith.constant 0 : i32
      %dma_start3A_934 = tpu.memref_slice %arg3[%add3A, %dma_start3A_932, %dma_start3A_933] : memref<32x4x128xi32, #tpu.memory_space<hbm>> -> memref<1x4x128xi32, #tpu.memory_space<hbm>>
      %dma_start3A_935 = tpu.memref_squeeze %dma_start3A_934 : memref<1x4x128xi32, #tpu.memory_space<hbm>> -> memref<4x128xi32, #tpu.memory_space<hbm>>
      %dma_start3A_936 = arith.constant 0 : i32
      %dma_start3A_937 = arith.constant 0 : i32
      %dma_start3A_938 = tpu.memref_slice %arg3[%add3A, %dma_start3A_936, %dma_start3A_937] : memref<32x4x128xi32, #tpu.memory_space<hbm>> -> memref<1x4x128xi32, #tpu.memory_space<hbm>>
      %dma_start3A_939 = tpu.memref_squeeze %dma_start3A_938 : memref<1x4x128xi32, #tpu.memory_space<hbm>> -> memref<4x128xi32, #tpu.memory_space<hbm>>
      tpu.enqueue_dma source(%dma_start3A_939 : memref<4x128xi32, #tpu.memory_space<hbm>>) target(%arg10 : memref<4x128xi32, #tpu.memory_space<vmem>>) target_semaphore(%run_scoped3A : memref<!tpu.dma_semaphore, #tpu.memory_space<semaphore_mem>>)
      %dma_wait3A_940 = arith.constant 0 : i32
      %dma_wait3A_941 = arith.constant 0 : i32
      %dma_wait3A_942 = tpu.memref_slice %arg3[%add3A, %dma_wait3A_940, %dma_wait3A_941] : memref<32x4x128xi32, #tpu.memory_space<hbm>> -> memref<1x4x128xi32, #tpu.memory_space<hbm>>
      %dma_wait3A_943 = tpu.memref_squeeze %dma_wait3A_942 : memref<1x4x128xi32, #tpu.memory_space<hbm>> -> memref<4x128xi32, #tpu.memory_space<hbm>>
      %dma_wait3A_944 = arith.constant 0 : i32
      %dma_wait3A_945 = arith.constant 0 : i32
      %dma_wait3A_946 = tpu.memref_slice %arg3[%add3A, %dma_wait3A_944, %dma_wait3A_945] : memref<32x4x128xi32, #tpu.memory_space<hbm>> -> memref<1x4x128xi32, #tpu.memory_space<hbm>>
      %dma_wait3A_947 = tpu.memref_squeeze %dma_wait3A_946 : memref<1x4x128xi32, #tpu.memory_space<hbm>> -> memref<4x128xi32, #tpu.memory_space<hbm>>
      tpu.wait_dma2 semaphore(%run_scoped3A : memref<!tpu.dma_semaphore, #tpu.memory_space<semaphore_mem>>) src(%dma_wait3A_947 : memref<4x128xi32, #tpu.memory_space<hbm>>) dst(%arg10 : memref<4x128xi32, #tpu.memory_space<vmem>>)
      tpu.yield
    }) : () -> ()
    "tpu.region"() ({
      %run_scoped3A = tpu.sem_alloc : memref<!tpu.dma_semaphore, #tpu.memory_space<semaphore_mem>>
      tpu.enqueue_dma source(%arg6 : memref<320xf32, #tpu.memory_space<hbm>>) target(%arg15 : memref<320xf32, #tpu.memory_space<vmem>>) target_semaphore(%run_scoped3A : memref<!tpu.dma_semaphore, #tpu.memory_space<semaphore_mem>>)
      tpu.wait_dma2 semaphore(%run_scoped3A : memref<!tpu.dma_semaphore, #tpu.memory_space<semaphore_mem>>) src(%arg6 : memref<320xf32, #tpu.memory_space<hbm>>) dst(%arg15 : memref<320xf32, #tpu.memory_space<vmem>>)
      tpu.yield
    }) : () -> ()
    "tpu.region"() ({
      %run_scoped3A = tpu.sem_alloc : memref<!tpu.dma_semaphore, #tpu.memory_space<semaphore_mem>>
      tpu.enqueue_dma source(%arg7 : memref<128xf32, #tpu.memory_space<hbm>>) target(%arg16 : memref<128xf32, #tpu.memory_space<vmem>>) target_semaphore(%run_scoped3A : memref<!tpu.dma_semaphore, #tpu.memory_space<semaphore_mem>>)
      tpu.wait_dma2 semaphore(%run_scoped3A : memref<!tpu.dma_semaphore, #tpu.memory_space<semaphore_mem>>) src(%arg7 : memref<128xf32, #tpu.memory_space<hbm>>) dst(%arg16 : memref<128xf32, #tpu.memory_space<vmem>>)
      tpu.yield
    }) : () -> ()
    %get3A = arith.constant 0 : i32
    %get3A_3 = arith.index_cast %get3A : i32 to index
    %get3A_4 = arith.constant 0 : index
    %get3A_5 = tpu.vector_load %arg9[%get3A_3, %get3A_4] {strides = array<i32>} : memref<4x128xi32, #tpu.memory_space<vmem>>, vector<16xi32>,
    %shift_right_logical3A = arith.constant 1 : i32
    %shift_right_logical3A_6 = vector.broadcast %shift_right_logical3A : i32 to vector<16xi32>
    %shift_right_logical3A_7 = arith.shrui %get3A_5, %shift_right_logical3A_6 : vector<16xi32>
    %swap3A = arith.constant 0 : i32
    %swap3A_8 = arith.index_cast %swap3A : i32 to index
    %swap3A_9 = arith.constant 0 : index
    %swap3A_10 = tpu.vector_load %arg11[%swap3A_8, %swap3A_9] {strides = array<i32>} : memref<4x128xi32, #tpu.memory_space<vmem>>, vector<16xi32>,
    tpu.vector_store %arg11[%swap3A_8, %swap3A_9], %shift_right_logical3A_7 {strides = array<i32>} : memref<4x128xi32, #tpu.memory_space<vmem>>, vector<16xi32>,
    %get3A_11 = arith.constant 0 : i32
    %get3A_12 = arith.index_cast %get3A_11 : i32 to index
    %get3A_13 = arith.constant 0 : index
    %get3A_14 = tpu.vector_load %arg10[%get3A_12, %get3A_13] {strides = array<i32>} : memref<4x128xi32, #tpu.memory_space<vmem>>, vector<16xi32>,
    %shift_right_logical3A_15 = arith.constant 1 : i32
    %shift_right_logical3A_16 = vector.broadcast %shift_right_logical3A_15 : i32 to vector<16xi32>
    %shift_right_logical3A_17 = arith.shrui %get3A_14, %shift_right_logical3A_16 : vector<16xi32>
    %swap3A_18 = arith.constant 0 : i32
    %swap3A_19 = arith.index_cast %swap3A_18 : i32 to index
    %swap3A_20 = arith.constant 0 : index
    %swap3A_21 = tpu.vector_load %arg12[%swap3A_19, %swap3A_20] {strides = array<i32>} : memref<4x128xi32, #tpu.memory_space<vmem>>, vector<16xi32>,
    tpu.vector_store %arg12[%swap3A_19, %swap3A_20], %shift_right_logical3A_17 {strides = array<i32>} : memref<4x128xi32, #tpu.memory_space<vmem>>, vector<16xi32>,
    %get3A_22 = arith.constant 0 : i32
    %get3A_23 = arith.index_cast %get3A_22 : i32 to index
    %get3A_24 = arith.constant 16 : index
    %get3A_25 = tpu.vector_load %arg9[%get3A_23, %get3A_24] {strides = array<i32>} : memref<4x128xi32, #tpu.memory_space<vmem>>, vector<16xi32>,
    %shift_right_logical3A_26 = arith.constant 1 : i32
    %shift_right_logical3A_27 = vector.broadcast %shift_right_logical3A_26 : i32 to vector<16xi32>
    %shift_right_logical3A_28 = arith.shrui %get3A_25, %shift_right_logical3A_27 : vector<16xi32>
    %swap3A_29 = arith.constant 0 : i32
    %swap3A_30 = arith.index_cast %swap3A_29 : i32 to index
    %swap3A_31 = arith.constant 16 : index
    %swap3A_32 = tpu.vector_load %arg11[%swap3A_30, %swap3A_31] {strides = array<i32>} : memref<4x128xi32, #tpu.memory_space<vmem>>, vector<16xi32>,
    tpu.vector_store %arg11[%swap3A_30, %swap3A_31], %shift_right_logical3A_28 {strides = array<i32>} : memref<4x128xi32, #tpu.memory_space<vmem>>, vector<16xi32>,
    %get3A_33 = arith.constant 0 : i32
    %get3A_34 = arith.index_cast %get3A_33 : i32 to index
    %get3A_35 = arith.constant 16 : index
    %get3A_36 = tpu.vector_load %arg10[%get3A_34, %get3A_35] {strides = array<i32>} : memref<4x128xi32, #tpu.memory_space<vmem>>, vector<16xi32>,
    %shift_right_logical3A_37 = arith.constant 1 : i32
    %shift_right_logical3A_38 = vector.broadcast %shift_right_logical3A_37 : i32 to vector<16xi32>
    %shift_right_logical3A_39 = arith.shrui %get3A_36, %shift_right_logical3A_38 : vector<16xi32>
    %swap3A_40 = arith.constant 0 : i32
    %swap3A_41 = arith.index_cast %swap3A_40 : i32 to index
    %swap3A_42 = arith.constant 16 : index
    %swap3A_43 = tpu.vector_load %arg12[%swap3A_41, %swap3A_42] {strides = array<i32>} : memref<4x128xi32, #tpu.memory_space<vmem>>, vector<16xi32>,
    tpu.vector_store %arg12[%swap3A_41, %swap3A_42], %shift_right_logical3A_39 {strides = array<i32>} : memref<4x128xi32, #tpu.memory_space<vmem>>, vector<16xi32>,
    %get3A_44 = arith.constant 0 : i32
    %get3A_45 = arith.index_cast %get3A_44 : i32 to index
    %get3A_46 = arith.constant 32 : index
    %get3A_47 = tpu.vector_load %arg9[%get3A_45, %get3A_46] {strides = array<i32>} : memref<4x128xi32, #tpu.memory_space<vmem>>, vector<16xi32>,
    %shift_right_logical3A_48 = arith.constant 1 : i32
    %shift_right_logical3A_49 = vector.broadcast %shift_right_logical3A_48 : i32 to vector<16xi32>
    %shift_right_logical3A_50 = arith.shrui %get3A_47, %shift_right_logical3A_49 : vector<16xi32>
    %swap3A_51 = arith.constant 0 : i32
    %swap3A_52 = arith.index_cast %swap3A_51 : i32 to index
    %swap3A_53 = arith.constant 32 : index
    %swap3A_54 = tpu.vector_load %arg11[%swap3A_52, %swap3A_53] {strides = array<i32>} : memref<4x128xi32, #tpu.memory_space<vmem>>, vector<16xi32>,
    tpu.vector_store %arg11[%swap3A_52, %swap3A_53], %shift_right_logical3A_50 {strides = array<i32>} : memref<4x128xi32, #tpu.memory_space<vmem>>, vector<16xi32>,
    %get3A_55 = arith.constant 0 : i32
    %get3A_56 = arith.index_cast %get3A_55 : i32 to index
    %get3A_57 = arith.constant 32 : index
    %get3A_58 = tpu.vector_load %arg10[%get3A_56, %get3A_57] {strides = array<i32>} : memref<4x128xi32, #tpu.memory_space<vmem>>, vector<16xi32>,
    %shift_right_logical3A_59 = arith.constant 1 : i32
    %shift_right_logical3A_60 = vector.broadcast %shift_right_logical3A_59 : i32 to vector<16xi32>
    %shift_right_logical3A_61 = arith.shrui %get3A_58, %shift_right_logical3A_60 : vector<16xi32>
    %swap3A_62 = arith.constant 0 : i32
    %swap3A_63 = arith.index_cast %swap3A_62 : i32 to index
    %swap3A_64 = arith.constant 32 : index
    %swap3A_65 = tpu.vector_load %arg12[%swap3A_63, %swap3A_64] {strides = array<i32>} : memref<4x128xi32, #tpu.memory_space<vmem>>, vector<16xi32>,
    tpu.vector_store %arg12[%swap3A_63, %swap3A_64], %shift_right_logical3A_61 {strides = array<i32>} : memref<4x128xi32, #tpu.memory_space<vmem>>, vector<16xi32>,
    %get3A_66 = arith.constant 0 : i32
    %get3A_67 = arith.index_cast %get3A_66 : i32 to index
    %get3A_68 = arith.constant 48 : index
    %get3A_69 = tpu.vector_load %arg9[%get3A_67, %get3A_68] {strides = array<i32>} : memref<4x128xi32, #tpu.memory_space<vmem>>, vector<16xi32>,
    %shift_right_logical3A_70 = arith.constant 1 : i32
    %shift_right_logical3A_71 = vector.broadcast %shift_right_logical3A_70 : i32 to vector<16xi32>
    %shift_right_logical3A_72 = arith.shrui %get3A_69, %shift_right_logical3A_71 : vector<16xi32>
    %swap3A_73 = arith.constant 0 : i32
    %swap3A_74 = arith.index_cast %swap3A_73 : i32 to index
    %swap3A_75 = arith.constant 48 : index
    %swap3A_76 = tpu.vector_load %arg11[%swap3A_74, %swap3A_75] {strides = array<i32>} : memref<4x128xi32, #tpu.memory_space<vmem>>, vector<16xi32>,
    tpu.vector_store %arg11[%swap3A_74, %swap3A_75], %shift_right_logical3A_72 {strides = array<i32>} : memref<4x128xi32, #tpu.memory_space<vmem>>, vector<16xi32>,
    %get3A_77 = arith.constant 0 : i32
    %get3A_78 = arith.index_cast %get3A_77 : i32 to index
    %get3A_79 = arith.constant 48 : index
    %get3A_80 = tpu.vector_load %arg10[%get3A_78, %get3A_79] {strides = array<i32>} : memref<4x128xi32, #tpu.memory_space<vmem>>, vector<16xi32>,
    %shift_right_logical3A_81 = arith.constant 1 : i32
    %shift_right_logical3A_82 = vector.broadcast %shift_right_logical3A_81 : i32 to vector<16xi32>
    %shift_right_logical3A_83 = arith.shrui %get3A_80, %shift_right_logical3A_82 : vector<16xi32>
    %swap3A_84 = arith.constant 0 : i32
    %swap3A_85 = arith.index_cast %swap3A_84 : i32 to index
    %swap3A_86 = arith.constant 48 : index
    %swap3A_87 = tpu.vector_load %arg12[%swap3A_85, %swap3A_86] {strides = array<i32>} : memref<4x128xi32, #tpu.memory_space<vmem>>, vector<16xi32>,
    tpu.vector_store %arg12[%swap3A_85, %swap3A_86], %shift_right_logical3A_83 {strides = array<i32>} : memref<4x128xi32, #tpu.memory_space<vmem>>, vector<16xi32>,
    %get3A_88 = arith.constant 0 : i32
    %get3A_89 = arith.index_cast %get3A_88 : i32 to index
    %get3A_90 = arith.constant 64 : index
    %get3A_91 = tpu.vector_load %arg9[%get3A_89, %get3A_90] {strides = array<i32>} : memref<4x128xi32, #tpu.memory_space<vmem>>, vector<16xi32>,
    %shift_right_logical3A_92 = arith.constant 1 : i32
    %shift_right_logical3A_93 = vector.broadcast %shift_right_logical3A_92 : i32 to vector<16xi32>
    %shift_right_logical3A_94 = arith.shrui %get3A_91, %shift_right_logical3A_93 : vector<16xi32>
    %swap3A_95 = arith.constant 0 : i32
    %swap3A_96 = arith.index_cast %swap3A_95 : i32 to index
    %swap3A_97 = arith.constant 64 : index
    %swap3A_98 = tpu.vector_load %arg11[%swap3A_96, %swap3A_97] {strides = array<i32>} : memref<4x128xi32, #tpu.memory_space<vmem>>, vector<16xi32>,
    tpu.vector_store %arg11[%swap3A_96, %swap3A_97], %shift_right_logical3A_94 {strides = array<i32>} : memref<4x128xi32, #tpu.memory_space<vmem>>, vector<16xi32>,
    %get3A_99 = arith.constant 0 : i32
    %get3A_100 = arith.index_cast %get3A_99 : i32 to index
    %get3A_101 = arith.constant 64 : index
    %get3A_102 = tpu.vector_load %arg10[%get3A_100, %get3A_101] {strides = array<i32>} : memref<4x128xi32, #tpu.memory_space<vmem>>, vector<16xi32>,
    %shift_right_logical3A_103 = arith.constant 1 : i32
    %shift_right_logical3A_104 = vector.broadcast %shift_right_logical3A_103 : i32 to vector<16xi32>
    %shift_right_logical3A_105 = arith.shrui %get3A_102, %shift_right_logical3A_104 : vector<16xi32>
    %swap3A_106 = arith.constant 0 : i32
    %swap3A_107 = arith.index_cast %swap3A_106 : i32 to index
    %swap3A_108 = arith.constant 64 : index
    %swap3A_109 = tpu.vector_load %arg12[%swap3A_107, %swap3A_108] {strides = array<i32>} : memref<4x128xi32, #tpu.memory_space<vmem>>, vector<16xi32>,
    tpu.vector_store %arg12[%swap3A_107, %swap3A_108], %shift_right_logical3A_105 {strides = array<i32>} : memref<4x128xi32, #tpu.memory_space<vmem>>, vector<16xi32>,
    %get3A_110 = arith.constant 0 : i32
    %get3A_111 = arith.index_cast %get3A_110 : i32 to index
    %get3A_112 = arith.constant 80 : index
    %get3A_113 = tpu.vector_load %arg9[%get3A_111, %get3A_112] {strides = array<i32>} : memref<4x128xi32, #tpu.memory_space<vmem>>, vector<16xi32>,
    %shift_right_logical3A_114 = arith.constant 1 : i32
    %shift_right_logical3A_115 = vector.broadcast %shift_right_logical3A_114 : i32 to vector<16xi32>
    %shift_right_logical3A_116 = arith.shrui %get3A_113, %shift_right_logical3A_115 : vector<16xi32>
    %swap3A_117 = arith.constant 0 : i32
    %swap3A_118 = arith.index_cast %swap3A_117 : i32 to index
    %swap3A_119 = arith.constant 80 : index
    %swap3A_120 = tpu.vector_load %arg11[%swap3A_118, %swap3A_119] {strides = array<i32>} : memref<4x128xi32, #tpu.memory_space<vmem>>, vector<16xi32>,
    tpu.vector_store %arg11[%swap3A_118, %swap3A_119], %shift_right_logical3A_116 {strides = array<i32>} : memref<4x128xi32, #tpu.memory_space<vmem>>, vector<16xi32>,
    %get3A_121 = arith.constant 0 : i32
    %get3A_122 = arith.index_cast %get3A_121 : i32 to index
    %get3A_123 = arith.constant 80 : index
    %get3A_124 = tpu.vector_load %arg10[%get3A_122, %get3A_123] {strides = array<i32>} : memref<4x128xi32, #tpu.memory_space<vmem>>, vector<16xi32>,
    %shift_right_logical3A_125 = arith.constant 1 : i32
    %shift_right_logical3A_126 = vector.broadcast %shift_right_logical3A_125 : i32 to vector<16xi32>
    %shift_right_logical3A_127 = arith.shrui %get3A_124, %shift_right_logical3A_126 : vector<16xi32>
    %swap3A_128 = arith.constant 0 : i32
    %swap3A_129 = arith.index_cast %swap3A_128 : i32 to index
    %swap3A_130 = arith.constant 80 : index
    %swap3A_131 = tpu.vector_load %arg12[%swap3A_129, %swap3A_130] {strides = array<i32>} : memref<4x128xi32, #tpu.memory_space<vmem>>, vector<16xi32>,
    tpu.vector_store %arg12[%swap3A_129, %swap3A_130], %shift_right_logical3A_127 {strides = array<i32>} : memref<4x128xi32, #tpu.memory_space<vmem>>, vector<16xi32>,
    %get3A_132 = arith.constant 0 : i32
    %get3A_133 = arith.index_cast %get3A_132 : i32 to index
    %get3A_134 = arith.constant 96 : index
    %get3A_135 = tpu.vector_load %arg9[%get3A_133, %get3A_134] {strides = array<i32>} : memref<4x128xi32, #tpu.memory_space<vmem>>, vector<16xi32>,
    %shift_right_logical3A_136 = arith.constant 1 : i32
    %shift_right_logical3A_137 = vector.broadcast %shift_right_logical3A_136 : i32 to vector<16xi32>
    %shift_right_logical3A_138 = arith.shrui %get3A_135, %shift_right_logical3A_137 : vector<16xi32>
    %swap3A_139 = arith.constant 0 : i32
    %swap3A_140 = arith.index_cast %swap3A_139 : i32 to index
    %swap3A_141 = arith.constant 96 : index
    %swap3A_142 = tpu.vector_load %arg11[%swap3A_140, %swap3A_141] {strides = array<i32>} : memref<4x128xi32, #tpu.memory_space<vmem>>, vector<16xi32>,
    tpu.vector_store %arg11[%swap3A_140, %swap3A_141], %shift_right_logical3A_138 {strides = array<i32>} : memref<4x128xi32, #tpu.memory_space<vmem>>, vector<16xi32>,
    %get3A_143 = arith.constant 0 : i32
    %get3A_144 = arith.index_cast %get3A_143 : i32 to index
    %get3A_145 = arith.constant 96 : index
    %get3A_146 = tpu.vector_load %arg10[%get3A_144, %get3A_145] {strides = array<i32>} : memref<4x128xi32, #tpu.memory_space<vmem>>, vector<16xi32>,
    %shift_right_logical3A_147 = arith.constant 1 : i32
    %shift_right_logical3A_148 = vector.broadcast %shift_right_logical3A_147 : i32 to vector<16xi32>
    %shift_right_logical3A_149 = arith.shrui %get3A_146, %shift_right_logical3A_148 : vector<16xi32>
    %swap3A_150 = arith.constant 0 : i32
    %swap3A_151 = arith.index_cast %swap3A_150 : i32 to index
    %swap3A_152 = arith.constant 96 : index
    %swap3A_153 = tpu.vector_load %arg12[%swap3A_151, %swap3A_152] {strides = array<i32>} : memref<4x128xi32, #tpu.memory_space<vmem>>, vector<16xi32>,
    tpu.vector_store %arg12[%swap3A_151, %swap3A_152], %shift_right_logical3A_149 {strides = array<i32>} : memref<4x128xi32, #tpu.memory_space<vmem>>, vector<16xi32>,
    %get3A_154 = arith.constant 0 : i32
    %get3A_155 = arith.index_cast %get3A_154 : i32 to index
    %get3A_156 = arith.constant 112 : index
    %get3A_157 = tpu.vector_load %arg9[%get3A_155, %get3A_156] {strides = array<i32>} : memref<4x128xi32, #tpu.memory_space<vmem>>, vector<16xi32>,
    %shift_right_logical3A_158 = arith.constant 1 : i32
    %shift_right_logical3A_159 = vector.broadcast %shift_right_logical3A_158 : i32 to vector<16xi32>
    %shift_right_logical3A_160 = arith.shrui %get3A_157, %shift_right_logical3A_159 : vector<16xi32>
    %swap3A_161 = arith.constant 0 : i32
    %swap3A_162 = arith.index_cast %swap3A_161 : i32 to index
    %swap3A_163 = arith.constant 112 : index
    %swap3A_164 = tpu.vector_load %arg11[%swap3A_162, %swap3A_163] {strides = array<i32>} : memref<4x128xi32, #tpu.memory_space<vmem>>, vector<16xi32>,
    tpu.vector_store %arg11[%swap3A_162, %swap3A_163], %shift_right_logical3A_160 {strides = array<i32>} : memref<4x128xi32, #tpu.memory_space<vmem>>, vector<16xi32>,
    %get3A_165 = arith.constant 0 : i32
    %get3A_166 = arith.index_cast %get3A_165 : i32 to index
    %get3A_167 = arith.constant 112 : index
    %get3A_168 = tpu.vector_load %arg10[%get3A_166, %get3A_167] {strides = array<i32>} : memref<4x128xi32, #tpu.memory_space<vmem>>, vector<16xi32>,
    %shift_right_logical3A_169 = arith.constant 1 : i32
    %shift_right_logical3A_170 = vector.broadcast %shift_right_logical3A_169 : i32 to vector<16xi32>
    %shift_right_logical3A_171 = arith.shrui %get3A_168, %shift_right_logical3A_170 : vector<16xi32>
    %swap3A_172 = arith.constant 0 : i32
    %swap3A_173 = arith.index_cast %swap3A_172 : i32 to index
    %swap3A_174 = arith.constant 112 : index
    %swap3A_175 = tpu.vector_load %arg12[%swap3A_173, %swap3A_174] {strides = array<i32>} : memref<4x128xi32, #tpu.memory_space<vmem>>, vector<16xi32>,
    tpu.vector_store %arg12[%swap3A_173, %swap3A_174], %shift_right_logical3A_171 {strides = array<i32>} : memref<4x128xi32, #tpu.memory_space<vmem>>, vector<16xi32>,
    %get3A_176 = arith.constant 1 : i32
    %get3A_177 = arith.index_cast %get3A_176 : i32 to index
    %get3A_178 = arith.constant 0 : index
    %get3A_179 = tpu.vector_load %arg9[%get3A_177, %get3A_178] {strides = array<i32>} : memref<4x128xi32, #tpu.memory_space<vmem>>, vector<16xi32>,
    %shift_right_logical3A_180 = arith.constant 1 : i32
    %shift_right_logical3A_181 = vector.broadcast %shift_right_logical3A_180 : i32 to vector<16xi32>
    %shift_right_logical3A_182 = arith.shrui %get3A_179, %shift_right_logical3A_181 : vector<16xi32>
    %swap3A_183 = arith.constant 1 : i32
    %swap3A_184 = arith.index_cast %swap3A_183 : i32 to index
    %swap3A_185 = arith.constant 0 : index
    %swap3A_186 = tpu.vector_load %arg11[%swap3A_184, %swap3A_185] {strides = array<i32>} : memref<4x128xi32, #tpu.memory_space<vmem>>, vector<16xi32>,
    tpu.vector_store %arg11[%swap3A_184, %swap3A_185], %shift_right_logical3A_182 {strides = array<i32>} : memref<4x128xi32, #tpu.memory_space<vmem>>, vector<16xi32>,
    %get3A_187 = arith.constant 1 : i32
    %get3A_188 = arith.index_cast %get3A_187 : i32 to index
    %get3A_189 = arith.constant 0 : index
    %get3A_190 = tpu.vector_load %arg10[%get3A_188, %get3A_189] {strides = array<i32>} : memref<4x128xi32, #tpu.memory_space<vmem>>, vector<16xi32>,
    %shift_right_logical3A_191 = arith.constant 1 : i32
    %shift_right_logical3A_192 = vector.broadcast %shift_right_logical3A_191 : i32 to vector<16xi32>
    %shift_right_logical3A_193 = arith.shrui %get3A_190, %shift_right_logical3A_192 : vector<16xi32>
    %swap3A_194 = arith.constant 1 : i32
    %swap3A_195 = arith.index_cast %swap3A_194 : i32 to index
    %swap3A_196 = arith.constant 0 : index
    %swap3A_197 = tpu.vector_load %arg12[%swap3A_195, %swap3A_196] {strides = array<i32>} : memref<4x128xi32, #tpu.memory_space<vmem>>, vector<16xi32>,
    tpu.vector_store %arg12[%swap3A_195, %swap3A_196], %shift_right_logical3A_193 {strides = array<i32>} : memref<4x128xi32, #tpu.memory_space<vmem>>, vector<16xi32>,
    %get3A_198 = arith.constant 1 : i32
    %get3A_199 = arith.index_cast %get3A_198 : i32 to index
    %get3A_200 = arith.constant 16 : index
    %get3A_201 = tpu.vector_load %arg9[%get3A_199, %get3A_200] {strides = array<i32>} : memref<4x128xi32, #tpu.memory_space<vmem>>, vector<16xi32>,
    %shift_right_logical3A_202 = arith.constant 1 : i32
    %shift_right_logical3A_203 = vector.broadcast %shift_right_logical3A_202 : i32 to vector<16xi32>
    %shift_right_logical3A_204 = arith.shrui %get3A_201, %shift_right_logical3A_203 : vector<16xi32>
    %swap3A_205 = arith.constant 1 : i32
    %swap3A_206 = arith.index_cast %swap3A_205 : i32 to index
    %swap3A_207 = arith.constant 16 : index
    %swap3A_208 = tpu.vector_load %arg11[%swap3A_206, %swap3A_207] {strides = array<i32>} : memref<4x128xi32, #tpu.memory_space<vmem>>, vector<16xi32>,
    tpu.vector_store %arg11[%swap3A_206, %swap3A_207], %shift_right_logical3A_204 {strides = array<i32>} : memref<4x128xi32, #tpu.memory_space<vmem>>, vector<16xi32>,
    %get3A_209 = arith.constant 1 : i32
    %get3A_210 = arith.index_cast %get3A_209 : i32 to index
    %get3A_211 = arith.constant 16 : index
    %get3A_212 = tpu.vector_load %arg10[%get3A_210, %get3A_211] {strides = array<i32>} : memref<4x128xi32, #tpu.memory_space<vmem>>, vector<16xi32>,
    %shift_right_logical3A_213 = arith.constant 1 : i32
    %shift_right_logical3A_214 = vector.broadcast %shift_right_logical3A_213 : i32 to vector<16xi32>
    %shift_right_logical3A_215 = arith.shrui %get3A_212, %shift_right_logical3A_214 : vector<16xi32>
    %swap3A_216 = arith.constant 1 : i32
    %swap3A_217 = arith.index_cast %swap3A_216 : i32 to index
    %swap3A_218 = arith.constant 16 : index
    %swap3A_219 = tpu.vector_load %arg12[%swap3A_217, %swap3A_218] {strides = array<i32>} : memref<4x128xi32, #tpu.memory_space<vmem>>, vector<16xi32>,
    tpu.vector_store %arg12[%swap3A_217, %swap3A_218], %shift_right_logical3A_215 {strides = array<i32>} : memref<4x128xi32, #tpu.memory_space<vmem>>, vector<16xi32>,
    %get3A_220 = arith.constant 1 : i32
    %get3A_221 = arith.index_cast %get3A_220 : i32 to index
    %get3A_222 = arith.constant 32 : index
    %get3A_223 = tpu.vector_load %arg9[%get3A_221, %get3A_222] {strides = array<i32>} : memref<4x128xi32, #tpu.memory_space<vmem>>, vector<16xi32>,
    %shift_right_logical3A_224 = arith.constant 1 : i32
    %shift_right_logical3A_225 = vector.broadcast %shift_right_logical3A_224 : i32 to vector<16xi32>
    %shift_right_logical3A_226 = arith.shrui %get3A_223, %shift_right_logical3A_225 : vector<16xi32>
    %swap3A_227 = arith.constant 1 : i32
    %swap3A_228 = arith.index_cast %swap3A_227 : i32 to index
    %swap3A_229 = arith.constant 32 : index
    %swap3A_230 = tpu.vector_load %arg11[%swap3A_228, %swap3A_229] {strides = array<i32>} : memref<4x128xi32, #tpu.memory_space<vmem>>, vector<16xi32>,
    tpu.vector_store %arg11[%swap3A_228, %swap3A_229], %shift_right_logical3A_226 {strides = array<i32>} : memref<4x128xi32, #tpu.memory_space<vmem>>, vector<16xi32>,
    %get3A_231 = arith.constant 1 : i32
    %get3A_232 = arith.index_cast %get3A_231 : i32 to index
    %get3A_233 = arith.constant 32 : index
    %get3A_234 = tpu.vector_load %arg10[%get3A_232, %get3A_233] {strides = array<i32>} : memref<4x128xi32, #tpu.memory_space<vmem>>, vector<16xi32>,
    %shift_right_logical3A_235 = arith.constant 1 : i32
    %shift_right_logical3A_236 = vector.broadcast %shift_right_logical3A_235 : i32 to vector<16xi32>
    %shift_right_logical3A_237 = arith.shrui %get3A_234, %shift_right_logical3A_236 : vector<16xi32>
    %swap3A_238 = arith.constant 1 : i32
    %swap3A_239 = arith.index_cast %swap3A_238 : i32 to index
    %swap3A_240 = arith.constant 32 : index
    %swap3A_241 = tpu.vector_load %arg12[%swap3A_239, %swap3A_240] {strides = array<i32>} : memref<4x128xi32, #tpu.memory_space<vmem>>, vector<16xi32>,
    tpu.vector_store %arg12[%swap3A_239, %swap3A_240], %shift_right_logical3A_237 {strides = array<i32>} : memref<4x128xi32, #tpu.memory_space<vmem>>, vector<16xi32>,
    %get3A_242 = arith.constant 1 : i32
    %get3A_243 = arith.index_cast %get3A_242 : i32 to index
    %get3A_244 = arith.constant 48 : index
    %get3A_245 = tpu.vector_load %arg9[%get3A_243, %get3A_244] {strides = array<i32>} : memref<4x128xi32, #tpu.memory_space<vmem>>, vector<16xi32>,
    %shift_right_logical3A_246 = arith.constant 1 : i32
    %shift_right_logical3A_247 = vector.broadcast %shift_right_logical3A_246 : i32 to vector<16xi32>
    %shift_right_logical3A_248 = arith.shrui %get3A_245, %shift_right_logical3A_247 : vector<16xi32>
    %swap3A_249 = arith.constant 1 : i32
    %swap3A_250 = arith.index_cast %swap3A_249 : i32 to index
    %swap3A_251 = arith.constant 48 : index
    %swap3A_252 = tpu.vector_load %arg11[%swap3A_250, %swap3A_251] {strides = array<i32>} : memref<4x128xi32, #tpu.memory_space<vmem>>, vector<16xi32>,
    tpu.vector_store %arg11[%swap3A_250, %swap3A_251], %shift_right_logical3A_248 {strides = array<i32>} : memref<4x128xi32, #tpu.memory_space<vmem>>, vector<16xi32>,
    %get3A_253 = arith.constant 1 : i32
    %get3A_254 = arith.index_cast %get3A_253 : i32 to index
    %get3A_255 = arith.constant 48 : index
    %get3A_256 = tpu.vector_load %arg10[%get3A_254, %get3A_255] {strides = array<i32>} : memref<4x128xi32, #tpu.memory_space<vmem>>, vector<16xi32>,
    %shift_right_logical3A_257 = arith.constant 1 : i32
    %shift_right_logical3A_258 = vector.broadcast %shift_right_logical3A_257 : i32 to vector<16xi32>
    %shift_right_logical3A_259 = arith.shrui %get3A_256, %shift_right_logical3A_258 : vector<16xi32>
    %swap3A_260 = arith.constant 1 : i32
    %swap3A_261 = arith.index_cast %swap3A_260 : i32 to index
    %swap3A_262 = arith.constant 48 : index
    %swap3A_263 = tpu.vector_load %arg12[%swap3A_261, %swap3A_262] {strides = array<i32>} : memref<4x128xi32, #tpu.memory_space<vmem>>, vector<16xi32>,
    tpu.vector_store %arg12[%swap3A_261, %swap3A_262], %shift_right_logical3A_259 {strides = array<i32>} : memref<4x128xi32, #tpu.memory_space<vmem>>, vector<16xi32>,
    %get3A_264 = arith.constant 1 : i32
    %get3A_265 = arith.index_cast %get3A_264 : i32 to index
    %get3A_266 = arith.constant 64 : index
    %get3A_267 = tpu.vector_load %arg9[%get3A_265, %get3A_266] {strides = array<i32>} : memref<4x128xi32, #tpu.memory_space<vmem>>, vector<16xi32>,
    %shift_right_logical3A_268 = arith.constant 1 : i32
    %shift_right_logical3A_269 = vector.broadcast %shift_right_logical3A_268 : i32 to vector<16xi32>
    %shift_right_logical3A_270 = arith.shrui %get3A_267, %shift_right_logical3A_269 : vector<16xi32>
    %swap3A_271 = arith.constant 1 : i32
    %swap3A_272 = arith.index_cast %swap3A_271 : i32 to index
    %swap3A_273 = arith.constant 64 : index
    %swap3A_274 = tpu.vector_load %arg11[%swap3A_272, %swap3A_273] {strides = array<i32>} : memref<4x128xi32, #tpu.memory_space<vmem>>, vector<16xi32>,
    tpu.vector_store %arg11[%swap3A_272, %swap3A_273], %shift_right_logical3A_270 {strides = array<i32>} : memref<4x128xi32, #tpu.memory_space<vmem>>, vector<16xi32>,
    %get3A_275 = arith.constant 1 : i32
    %get3A_276 = arith.index_cast %get3A_275 : i32 to index
    %get3A_277 = arith.constant 64 : index
    %get3A_278 = tpu.vector_load %arg10[%get3A_276, %get3A_277] {strides = array<i32>} : memref<4x128xi32, #tpu.memory_space<vmem>>, vector<16xi32>,
    %shift_right_logical3A_279 = arith.constant 1 : i32
    %shift_right_logical3A_280 = vector.broadcast %shift_right_logical3A_279 : i32 to vector<16xi32>
    %shift_right_logical3A_281 = arith.shrui %get3A_278, %shift_right_logical3A_280 : vector<16xi32>
    %swap3A_282 = arith.constant 1 : i32
    %swap3A_283 = arith.index_cast %swap3A_282 : i32 to index
    %swap3A_284 = arith.constant 64 : index
    %swap3A_285 = tpu.vector_load %arg12[%swap3A_283, %swap3A_284] {strides = array<i32>} : memref<4x128xi32, #tpu.memory_space<vmem>>, vector<16xi32>,
    tpu.vector_store %arg12[%swap3A_283, %swap3A_284], %shift_right_logical3A_281 {strides = array<i32>} : memref<4x128xi32, #tpu.memory_space<vmem>>, vector<16xi32>,
    %get3A_286 = arith.constant 1 : i32
    %get3A_287 = arith.index_cast %get3A_286 : i32 to index
    %get3A_288 = arith.constant 80 : index
    %get3A_289 = tpu.vector_load %arg9[%get3A_287, %get3A_288] {strides = array<i32>} : memref<4x128xi32, #tpu.memory_space<vmem>>, vector<16xi32>,
    %shift_right_logical3A_290 = arith.constant 1 : i32
    %shift_right_logical3A_291 = vector.broadcast %shift_right_logical3A_290 : i32 to vector<16xi32>
    %shift_right_logical3A_292 = arith.shrui %get3A_289, %shift_right_logical3A_291 : vector<16xi32>
    %swap3A_293 = arith.constant 1 : i32
    %swap3A_294 = arith.index_cast %swap3A_293 : i32 to index
    %swap3A_295 = arith.constant 80 : index
    %swap3A_296 = tpu.vector_load %arg11[%swap3A_294, %swap3A_295] {strides = array<i32>} : memref<4x128xi32, #tpu.memory_space<vmem>>, vector<16xi32>,
    tpu.vector_store %arg11[%swap3A_294, %swap3A_295], %shift_right_logical3A_292 {strides = array<i32>} : memref<4x128xi32, #tpu.memory_space<vmem>>, vector<16xi32>,
    %get3A_297 = arith.constant 1 : i32
    %get3A_298 = arith.index_cast %get3A_297 : i32 to index
    %get3A_299 = arith.constant 80 : index
    %get3A_300 = tpu.vector_load %arg10[%get3A_298, %get3A_299] {strides = array<i32>} : memref<4x128xi32, #tpu.memory_space<vmem>>, vector<16xi32>,
    %shift_right_logical3A_301 = arith.constant 1 : i32
    %shift_right_logical3A_302 = vector.broadcast %shift_right_logical3A_301 : i32 to vector<16xi32>
    %shift_right_logical3A_303 = arith.shrui %get3A_300, %shift_right_logical3A_302 : vector<16xi32>
    %swap3A_304 = arith.constant 1 : i32
    %swap3A_305 = arith.index_cast %swap3A_304 : i32 to index
    %swap3A_306 = arith.constant 80 : index
    %swap3A_307 = tpu.vector_load %arg12[%swap3A_305, %swap3A_306] {strides = array<i32>} : memref<4x128xi32, #tpu.memory_space<vmem>>, vector<16xi32>,
    tpu.vector_store %arg12[%swap3A_305, %swap3A_306], %shift_right_logical3A_303 {strides = array<i32>} : memref<4x128xi32, #tpu.memory_space<vmem>>, vector<16xi32>,
    %get3A_308 = arith.constant 1 : i32
    %get3A_309 = arith.index_cast %get3A_308 : i32 to index
    %get3A_310 = arith.constant 96 : index
    %get3A_311 = tpu.vector_load %arg9[%get3A_309, %get3A_310] {strides = array<i32>} : memref<4x128xi32, #tpu.memory_space<vmem>>, vector<16xi32>,
    %shift_right_logical3A_312 = arith.constant 1 : i32
    %shift_right_logical3A_313 = vector.broadcast %shift_right_logical3A_312 : i32 to vector<16xi32>
    %shift_right_logical3A_314 = arith.shrui %get3A_311, %shift_right_logical3A_313 : vector<16xi32>
    %swap3A_315 = arith.constant 1 : i32
    %swap3A_316 = arith.index_cast %swap3A_315 : i32 to index
    %swap3A_317 = arith.constant 96 : index
    %swap3A_318 = tpu.vector_load %arg11[%swap3A_316, %swap3A_317] {strides = array<i32>} : memref<4x128xi32, #tpu.memory_space<vmem>>, vector<16xi32>,
    tpu.vector_store %arg11[%swap3A_316, %swap3A_317], %shift_right_logical3A_314 {strides = array<i32>} : memref<4x128xi32, #tpu.memory_space<vmem>>, vector<16xi32>,
    %get3A_319 = arith.constant 1 : i32
    %get3A_320 = arith.index_cast %get3A_319 : i32 to index
    %get3A_321 = arith.constant 96 : index
    %get3A_322 = tpu.vector_load %arg10[%get3A_320, %get3A_321] {strides = array<i32>} : memref<4x128xi32, #tpu.memory_space<vmem>>, vector<16xi32>,
    %shift_right_logical3A_323 = arith.constant 1 : i32
    %shift_right_logical3A_324 = vector.broadcast %shift_right_logical3A_323 : i32 to vector<16xi32>
    %shift_right_logical3A_325 = arith.shrui %get3A_322, %shift_right_logical3A_324 : vector<16xi32>
    %swap3A_326 = arith.constant 1 : i32
    %swap3A_327 = arith.index_cast %swap3A_326 : i32 to index
    %swap3A_328 = arith.constant 96 : index
    %swap3A_329 = tpu.vector_load %arg12[%swap3A_327, %swap3A_328] {strides = array<i32>} : memref<4x128xi32, #tpu.memory_space<vmem>>, vector<16xi32>,
    tpu.vector_store %arg12[%swap3A_327, %swap3A_328], %shift_right_logical3A_325 {strides = array<i32>} : memref<4x128xi32, #tpu.memory_space<vmem>>, vector<16xi32>,
    %get3A_330 = arith.constant 1 : i32
    %get3A_331 = arith.index_cast %get3A_330 : i32 to index
    %get3A_332 = arith.constant 112 : index
    %get3A_333 = tpu.vector_load %arg9[%get3A_331, %get3A_332] {strides = array<i32>} : memref<4x128xi32, #tpu.memory_space<vmem>>, vector<16xi32>,
    %shift_right_logical3A_334 = arith.constant 1 : i32
    %shift_right_logical3A_335 = vector.broadcast %shift_right_logical3A_334 : i32 to vector<16xi32>
    %shift_right_logical3A_336 = arith.shrui %get3A_333, %shift_right_logical3A_335 : vector<16xi32>
    %swap3A_337 = arith.constant 1 : i32
    %swap3A_338 = arith.index_cast %swap3A_337 : i32 to index
    %swap3A_339 = arith.constant 112 : index
    %swap3A_340 = tpu.vector_load %arg11[%swap3A_338, %swap3A_339] {strides = array<i32>} : memref<4x128xi32, #tpu.memory_space<vmem>>, vector<16xi32>,
    tpu.vector_store %arg11[%swap3A_338, %swap3A_339], %shift_right_logical3A_336 {strides = array<i32>} : memref<4x128xi32, #tpu.memory_space<vmem>>, vector<16xi32>,
    %get3A_341 = arith.constant 1 : i32
    %get3A_342 = arith.index_cast %get3A_341 : i32 to index
    %get3A_343 = arith.constant 112 : index
    %get3A_344 = tpu.vector_load %arg10[%get3A_342, %get3A_343] {strides = array<i32>} : memref<4x128xi32, #tpu.memory_space<vmem>>, vector<16xi32>,
    %shift_right_logical3A_345 = arith.constant 1 : i32
    %shift_right_logical3A_346 = vector.broadcast %shift_right_logical3A_345 : i32 to vector<16xi32>
    %shift_right_logical3A_347 = arith.shrui %get3A_344, %shift_right_logical3A_346 : vector<16xi32>
    %swap3A_348 = arith.constant 1 : i32
    %swap3A_349 = arith.index_cast %swap3A_348 : i32 to index
    %swap3A_350 = arith.constant 112 : index
    %swap3A_351 = tpu.vector_load %arg12[%swap3A_349, %swap3A_350] {strides = array<i32>} : memref<4x128xi32, #tpu.memory_space<vmem>>, vector<16xi32>,
    tpu.vector_store %arg12[%swap3A_349, %swap3A_350], %shift_right_logical3A_347 {strides = array<i32>} : memref<4x128xi32, #tpu.memory_space<vmem>>, vector<16xi32>,
    %get3A_352 = arith.constant 2 : i32
    %get3A_353 = arith.index_cast %get3A_352 : i32 to index
    %get3A_354 = arith.constant 0 : index
    %get3A_355 = tpu.vector_load %arg9[%get3A_353, %get3A_354] {strides = array<i32>} : memref<4x128xi32, #tpu.memory_space<vmem>>, vector<16xi32>,
    %shift_right_logical3A_356 = arith.constant 1 : i32
    %shift_right_logical3A_357 = vector.broadcast %shift_right_logical3A_356 : i32 to vector<16xi32>
    %shift_right_logical3A_358 = arith.shrui %get3A_355, %shift_right_logical3A_357 : vector<16xi32>
    %swap3A_359 = arith.constant 2 : i32
    %swap3A_360 = arith.index_cast %swap3A_359 : i32 to index
    %swap3A_361 = arith.constant 0 : index
    %swap3A_362 = tpu.vector_load %arg11[%swap3A_360, %swap3A_361] {strides = array<i32>} : memref<4x128xi32, #tpu.memory_space<vmem>>, vector<16xi32>,
    tpu.vector_store %arg11[%swap3A_360, %swap3A_361], %shift_right_logical3A_358 {strides = array<i32>} : memref<4x128xi32, #tpu.memory_space<vmem>>, vector<16xi32>,
    %get3A_363 = arith.constant 2 : i32
    %get3A_364 = arith.index_cast %get3A_363 : i32 to index
    %get3A_365 = arith.constant 0 : index
    %get3A_366 = tpu.vector_load %arg10[%get3A_364, %get3A_365] {strides = array<i32>} : memref<4x128xi32, #tpu.memory_space<vmem>>, vector<16xi32>,
    %shift_right_logical3A_367 = arith.constant 1 : i32
    %shift_right_logical3A_368 = vector.broadcast %shift_right_logical3A_367 : i32 to vector<16xi32>
    %shift_right_logical3A_369 = arith.shrui %get3A_366, %shift_right_logical3A_368 : vector<16xi32>
    %swap3A_370 = arith.constant 2 : i32
    %swap3A_371 = arith.index_cast %swap3A_370 : i32 to index
    %swap3A_372 = arith.constant 0 : index
    %swap3A_373 = tpu.vector_load %arg12[%swap3A_371, %swap3A_372] {strides = array<i32>} : memref<4x128xi32, #tpu.memory_space<vmem>>, vector<16xi32>,
    tpu.vector_store %arg12[%swap3A_371, %swap3A_372], %shift_right_logical3A_369 {strides = array<i32>} : memref<4x128xi32, #tpu.memory_space<vmem>>, vector<16xi32>,
    %get3A_374 = arith.constant 2 : i32
    %get3A_375 = arith.index_cast %get3A_374 : i32 to index
    %get3A_376 = arith.constant 16 : index
    %get3A_377 = tpu.vector_load %arg9[%get3A_375, %get3A_376] {strides = array<i32>} : memref<4x128xi32, #tpu.memory_space<vmem>>, vector<16xi32>,
    %shift_right_logical3A_378 = arith.constant 1 : i32
    %shift_right_logical3A_379 = vector.broadcast %shift_right_logical3A_378 : i32 to vector<16xi32>
    %shift_right_logical3A_380 = arith.shrui %get3A_377, %shift_right_logical3A_379 : vector<16xi32>
    %swap3A_381 = arith.constant 2 : i32
    %swap3A_382 = arith.index_cast %swap3A_381 : i32 to index
    %swap3A_383 = arith.constant 16 : index
    %swap3A_384 = tpu.vector_load %arg11[%swap3A_382, %swap3A_383] {strides = array<i32>} : memref<4x128xi32, #tpu.memory_space<vmem>>, vector<16xi32>,
    tpu.vector_store %arg11[%swap3A_382, %swap3A_383], %shift_right_logical3A_380 {strides = array<i32>} : memref<4x128xi32, #tpu.memory_space<vmem>>, vector<16xi32>,
    %get3A_385 = arith.constant 2 : i32
    %get3A_386 = arith.index_cast %get3A_385 : i32 to index
    %get3A_387 = arith.constant 16 : index
    %get3A_388 = tpu.vector_load %arg10[%get3A_386, %get3A_387] {strides = array<i32>} : memref<4x128xi32, #tpu.memory_space<vmem>>, vector<16xi32>,
    %shift_right_logical3A_389 = arith.constant 1 : i32
    %shift_right_logical3A_390 = vector.broadcast %shift_right_logical3A_389 : i32 to vector<16xi32>
    %shift_right_logical3A_391 = arith.shrui %get3A_388, %shift_right_logical3A_390 : vector<16xi32>
    %swap3A_392 = arith.constant 2 : i32
    %swap3A_393 = arith.index_cast %swap3A_392 : i32 to index
    %swap3A_394 = arith.constant 16 : index
    %swap3A_395 = tpu.vector_load %arg12[%swap3A_393, %swap3A_394] {strides = array<i32>} : memref<4x128xi32, #tpu.memory_space<vmem>>, vector<16xi32>,
    tpu.vector_store %arg12[%swap3A_393, %swap3A_394], %shift_right_logical3A_391 {strides = array<i32>} : memref<4x128xi32, #tpu.memory_space<vmem>>, vector<16xi32>,
    %get3A_396 = arith.constant 2 : i32
    %get3A_397 = arith.index_cast %get3A_396 : i32 to index
    %get3A_398 = arith.constant 32 : index
    %get3A_399 = tpu.vector_load %arg9[%get3A_397, %get3A_398] {strides = array<i32>} : memref<4x128xi32, #tpu.memory_space<vmem>>, vector<16xi32>,
    %shift_right_logical3A_400 = arith.constant 1 : i32
    %shift_right_logical3A_401 = vector.broadcast %shift_right_logical3A_400 : i32 to vector<16xi32>
    %shift_right_logical3A_402 = arith.shrui %get3A_399, %shift_right_logical3A_401 : vector<16xi32>
    %swap3A_403 = arith.constant 2 : i32
    %swap3A_404 = arith.index_cast %swap3A_403 : i32 to index
    %swap3A_405 = arith.constant 32 : index
    %swap3A_406 = tpu.vector_load %arg11[%swap3A_404, %swap3A_405] {strides = array<i32>} : memref<4x128xi32, #tpu.memory_space<vmem>>, vector<16xi32>,
    tpu.vector_store %arg11[%swap3A_404, %swap3A_405], %shift_right_logical3A_402 {strides = array<i32>} : memref<4x128xi32, #tpu.memory_space<vmem>>, vector<16xi32>,
    %get3A_407 = arith.constant 2 : i32
    %get3A_408 = arith.index_cast %get3A_407 : i32 to index
    %get3A_409 = arith.constant 32 : index
    %get3A_410 = tpu.vector_load %arg10[%get3A_408, %get3A_409] {strides = array<i32>} : memref<4x128xi32, #tpu.memory_space<vmem>>, vector<16xi32>,
    %shift_right_logical3A_411 = arith.constant 1 : i32
    %shift_right_logical3A_412 = vector.broadcast %shift_right_logical3A_411 : i32 to vector<16xi32>
    %shift_right_logical3A_413 = arith.shrui %get3A_410, %shift_right_logical3A_412 : vector<16xi32>
    %swap3A_414 = arith.constant 2 : i32
    %swap3A_415 = arith.index_cast %swap3A_414 : i32 to index
    %swap3A_416 = arith.constant 32 : index
    %swap3A_417 = tpu.vector_load %arg12[%swap3A_415, %swap3A_416] {strides = array<i32>} : memref<4x128xi32, #tpu.memory_space<vmem>>, vector<16xi32>,
    tpu.vector_store %arg12[%swap3A_415, %swap3A_416], %shift_right_logical3A_413 {strides = array<i32>} : memref<4x128xi32, #tpu.memory_space<vmem>>, vector<16xi32>,
    %get3A_418 = arith.constant 2 : i32
    %get3A_419 = arith.index_cast %get3A_418 : i32 to index
    %get3A_420 = arith.constant 48 : index
    %get3A_421 = tpu.vector_load %arg9[%get3A_419, %get3A_420] {strides = array<i32>} : memref<4x128xi32, #tpu.memory_space<vmem>>, vector<16xi32>,
    %shift_right_logical3A_422 = arith.constant 1 : i32
    %shift_right_logical3A_423 = vector.broadcast %shift_right_logical3A_422 : i32 to vector<16xi32>
    %shift_right_logical3A_424 = arith.shrui %get3A_421, %shift_right_logical3A_423 : vector<16xi32>
    %swap3A_425 = arith.constant 2 : i32
    %swap3A_426 = arith.index_cast %swap3A_425 : i32 to index
    %swap3A_427 = arith.constant 48 : index
    %swap3A_428 = tpu.vector_load %arg11[%swap3A_426, %swap3A_427] {strides = array<i32>} : memref<4x128xi32, #tpu.memory_space<vmem>>, vector<16xi32>,
    tpu.vector_store %arg11[%swap3A_426, %swap3A_427], %shift_right_logical3A_424 {strides = array<i32>} : memref<4x128xi32, #tpu.memory_space<vmem>>, vector<16xi32>,
    %get3A_429 = arith.constant 2 : i32
    %get3A_430 = arith.index_cast %get3A_429 : i32 to index
    %get3A_431 = arith.constant 48 : index
    %get3A_432 = tpu.vector_load %arg10[%get3A_430, %get3A_431] {strides = array<i32>} : memref<4x128xi32, #tpu.memory_space<vmem>>, vector<16xi32>,
    %shift_right_logical3A_433 = arith.constant 1 : i32
    %shift_right_logical3A_434 = vector.broadcast %shift_right_logical3A_433 : i32 to vector<16xi32>
    %shift_right_logical3A_435 = arith.shrui %get3A_432, %shift_right_logical3A_434 : vector<16xi32>
    %swap3A_436 = arith.constant 2 : i32
    %swap3A_437 = arith.index_cast %swap3A_436 : i32 to index
    %swap3A_438 = arith.constant 48 : index
    %swap3A_439 = tpu.vector_load %arg12[%swap3A_437, %swap3A_438] {strides = array<i32>} : memref<4x128xi32, #tpu.memory_space<vmem>>, vector<16xi32>,
    tpu.vector_store %arg12[%swap3A_437, %swap3A_438], %shift_right_logical3A_435 {strides = array<i32>} : memref<4x128xi32, #tpu.memory_space<vmem>>, vector<16xi32>,
    %get3A_440 = arith.constant 2 : i32
    %get3A_441 = arith.index_cast %get3A_440 : i32 to index
    %get3A_442 = arith.constant 64 : index
    %get3A_443 = tpu.vector_load %arg9[%get3A_441, %get3A_442] {strides = array<i32>} : memref<4x128xi32, #tpu.memory_space<vmem>>, vector<16xi32>,
    %shift_right_logical3A_444 = arith.constant 1 : i32
    %shift_right_logical3A_445 = vector.broadcast %shift_right_logical3A_444 : i32 to vector<16xi32>
    %shift_right_logical3A_446 = arith.shrui %get3A_443, %shift_right_logical3A_445 : vector<16xi32>
    %swap3A_447 = arith.constant 2 : i32
    %swap3A_448 = arith.index_cast %swap3A_447 : i32 to index
    %swap3A_449 = arith.constant 64 : index
    %swap3A_450 = tpu.vector_load %arg11[%swap3A_448, %swap3A_449] {strides = array<i32>} : memref<4x128xi32, #tpu.memory_space<vmem>>, vector<16xi32>,
    tpu.vector_store %arg11[%swap3A_448, %swap3A_449], %shift_right_logical3A_446 {strides = array<i32>} : memref<4x128xi32, #tpu.memory_space<vmem>>, vector<16xi32>,
    %get3A_451 = arith.constant 2 : i32
    %get3A_452 = arith.index_cast %get3A_451 : i32 to index
    %get3A_453 = arith.constant 64 : index
    %get3A_454 = tpu.vector_load %arg10[%get3A_452, %get3A_453] {strides = array<i32>} : memref<4x128xi32, #tpu.memory_space<vmem>>, vector<16xi32>,
    %shift_right_logical3A_455 = arith.constant 1 : i32
    %shift_right_logical3A_456 = vector.broadcast %shift_right_logical3A_455 : i32 to vector<16xi32>
    %shift_right_logical3A_457 = arith.shrui %get3A_454, %shift_right_logical3A_456 : vector<16xi32>
    %swap3A_458 = arith.constant 2 : i32
    %swap3A_459 = arith.index_cast %swap3A_458 : i32 to index
    %swap3A_460 = arith.constant 64 : index
    %swap3A_461 = tpu.vector_load %arg12[%swap3A_459, %swap3A_460] {strides = array<i32>} : memref<4x128xi32, #tpu.memory_space<vmem>>, vector<16xi32>,
    tpu.vector_store %arg12[%swap3A_459, %swap3A_460], %shift_right_logical3A_457 {strides = array<i32>} : memref<4x128xi32, #tpu.memory_space<vmem>>, vector<16xi32>,
    %get3A_462 = arith.constant 2 : i32
    %get3A_463 = arith.index_cast %get3A_462 : i32 to index
    %get3A_464 = arith.constant 80 : index
    %get3A_465 = tpu.vector_load %arg9[%get3A_463, %get3A_464] {strides = array<i32>} : memref<4x128xi32, #tpu.memory_space<vmem>>, vector<16xi32>,
    %shift_right_logical3A_466 = arith.constant 1 : i32
    %shift_right_logical3A_467 = vector.broadcast %shift_right_logical3A_466 : i32 to vector<16xi32>
    %shift_right_logical3A_468 = arith.shrui %get3A_465, %shift_right_logical3A_467 : vector<16xi32>
    %swap3A_469 = arith.constant 2 : i32
    %swap3A_470 = arith.index_cast %swap3A_469 : i32 to index
    %swap3A_471 = arith.constant 80 : index
    %swap3A_472 = tpu.vector_load %arg11[%swap3A_470, %swap3A_471] {strides = array<i32>} : memref<4x128xi32, #tpu.memory_space<vmem>>, vector<16xi32>,
    tpu.vector_store %arg11[%swap3A_470, %swap3A_471], %shift_right_logical3A_468 {strides = array<i32>} : memref<4x128xi32, #tpu.memory_space<vmem>>, vector<16xi32>,
    %get3A_473 = arith.constant 2 : i32
    %get3A_474 = arith.index_cast %get3A_473 : i32 to index
    %get3A_475 = arith.constant 80 : index
    %get3A_476 = tpu.vector_load %arg10[%get3A_474, %get3A_475] {strides = array<i32>} : memref<4x128xi32, #tpu.memory_space<vmem>>, vector<16xi32>,
    %shift_right_logical3A_477 = arith.constant 1 : i32
    %shift_right_logical3A_478 = vector.broadcast %shift_right_logical3A_477 : i32 to vector<16xi32>
    %shift_right_logical3A_479 = arith.shrui %get3A_476, %shift_right_logical3A_478 : vector<16xi32>
    %swap3A_480 = arith.constant 2 : i32
    %swap3A_481 = arith.index_cast %swap3A_480 : i32 to index
    %swap3A_482 = arith.constant 80 : index
    %swap3A_483 = tpu.vector_load %arg12[%swap3A_481, %swap3A_482] {strides = array<i32>} : memref<4x128xi32, #tpu.memory_space<vmem>>, vector<16xi32>,
    tpu.vector_store %arg12[%swap3A_481, %swap3A_482], %shift_right_logical3A_479 {strides = array<i32>} : memref<4x128xi32, #tpu.memory_space<vmem>>, vector<16xi32>,
    %get3A_484 = arith.constant 2 : i32
    %get3A_485 = arith.index_cast %get3A_484 : i32 to index
    %get3A_486 = arith.constant 96 : index
    %get3A_487 = tpu.vector_load %arg9[%get3A_485, %get3A_486] {strides = array<i32>} : memref<4x128xi32, #tpu.memory_space<vmem>>, vector<16xi32>,
    %shift_right_logical3A_488 = arith.constant 1 : i32
    %shift_right_logical3A_489 = vector.broadcast %shift_right_logical3A_488 : i32 to vector<16xi32>
    %shift_right_logical3A_490 = arith.shrui %get3A_487, %shift_right_logical3A_489 : vector<16xi32>
    %swap3A_491 = arith.constant 2 : i32
    %swap3A_492 = arith.index_cast %swap3A_491 : i32 to index
    %swap3A_493 = arith.constant 96 : index
    %swap3A_494 = tpu.vector_load %arg11[%swap3A_492, %swap3A_493] {strides = array<i32>} : memref<4x128xi32, #tpu.memory_space<vmem>>, vector<16xi32>,
    tpu.vector_store %arg11[%swap3A_492, %swap3A_493], %shift_right_logical3A_490 {strides = array<i32>} : memref<4x128xi32, #tpu.memory_space<vmem>>, vector<16xi32>,
    %get3A_495 = arith.constant 2 : i32
    %get3A_496 = arith.index_cast %get3A_495 : i32 to index
    %get3A_497 = arith.constant 96 : index
    %get3A_498 = tpu.vector_load %arg10[%get3A_496, %get3A_497] {strides = array<i32>} : memref<4x128xi32, #tpu.memory_space<vmem>>, vector<16xi32>,
    %shift_right_logical3A_499 = arith.constant 1 : i32
    %shift_right_logical3A_500 = vector.broadcast %shift_right_logical3A_499 : i32 to vector<16xi32>
    %shift_right_logical3A_501 = arith.shrui %get3A_498, %shift_right_logical3A_500 : vector<16xi32>
    %swap3A_502 = arith.constant 2 : i32
    %swap3A_503 = arith.index_cast %swap3A_502 : i32 to index
    %swap3A_504 = arith.constant 96 : index
    %swap3A_505 = tpu.vector_load %arg12[%swap3A_503, %swap3A_504] {strides = array<i32>} : memref<4x128xi32, #tpu.memory_space<vmem>>, vector<16xi32>,
    tpu.vector_store %arg12[%swap3A_503, %swap3A_504], %shift_right_logical3A_501 {strides = array<i32>} : memref<4x128xi32, #tpu.memory_space<vmem>>, vector<16xi32>,
    %get3A_506 = arith.constant 2 : i32
    %get3A_507 = arith.index_cast %get3A_506 : i32 to index
    %get3A_508 = arith.constant 112 : index
    %get3A_509 = tpu.vector_load %arg9[%get3A_507, %get3A_508] {strides = array<i32>} : memref<4x128xi32, #tpu.memory_space<vmem>>, vector<16xi32>,
    %shift_right_logical3A_510 = arith.constant 1 : i32
    %shift_right_logical3A_511 = vector.broadcast %shift_right_logical3A_510 : i32 to vector<16xi32>
    %shift_right_logical3A_512 = arith.shrui %get3A_509, %shift_right_logical3A_511 : vector<16xi32>
    %swap3A_513 = arith.constant 2 : i32
    %swap3A_514 = arith.index_cast %swap3A_513 : i32 to index
    %swap3A_515 = arith.constant 112 : index
    %swap3A_516 = tpu.vector_load %arg11[%swap3A_514, %swap3A_515] {strides = array<i32>} : memref<4x128xi32, #tpu.memory_space<vmem>>, vector<16xi32>,
    tpu.vector_store %arg11[%swap3A_514, %swap3A_515], %shift_right_logical3A_512 {strides = array<i32>} : memref<4x128xi32, #tpu.memory_space<vmem>>, vector<16xi32>,
    %get3A_517 = arith.constant 2 : i32
    %get3A_518 = arith.index_cast %get3A_517 : i32 to index
    %get3A_519 = arith.constant 112 : index
    %get3A_520 = tpu.vector_load %arg10[%get3A_518, %get3A_519] {strides = array<i32>} : memref<4x128xi32, #tpu.memory_space<vmem>>, vector<16xi32>,
    %shift_right_logical3A_521 = arith.constant 1 : i32
    %shift_right_logical3A_522 = vector.broadcast %shift_right_logical3A_521 : i32 to vector<16xi32>
    %shift_right_logical3A_523 = arith.shrui %get3A_520, %shift_right_logical3A_522 : vector<16xi32>
    %swap3A_524 = arith.constant 2 : i32
    %swap3A_525 = arith.index_cast %swap3A_524 : i32 to index
    %swap3A_526 = arith.constant 112 : index
    %swap3A_527 = tpu.vector_load %arg12[%swap3A_525, %swap3A_526] {strides = array<i32>} : memref<4x128xi32, #tpu.memory_space<vmem>>, vector<16xi32>,
    tpu.vector_store %arg12[%swap3A_525, %swap3A_526], %shift_right_logical3A_523 {strides = array<i32>} : memref<4x128xi32, #tpu.memory_space<vmem>>, vector<16xi32>,
    %get3A_528 = arith.constant 3 : i32
    %get3A_529 = arith.index_cast %get3A_528 : i32 to index
    %get3A_530 = arith.constant 0 : index
    %get3A_531 = tpu.vector_load %arg9[%get3A_529, %get3A_530] {strides = array<i32>} : memref<4x128xi32, #tpu.memory_space<vmem>>, vector<16xi32>,
    %shift_right_logical3A_532 = arith.constant 1 : i32
    %shift_right_logical3A_533 = vector.broadcast %shift_right_logical3A_532 : i32 to vector<16xi32>
    %shift_right_logical3A_534 = arith.shrui %get3A_531, %shift_right_logical3A_533 : vector<16xi32>
    %swap3A_535 = arith.constant 3 : i32
    %swap3A_536 = arith.index_cast %swap3A_535 : i32 to index
    %swap3A_537 = arith.constant 0 : index
    %swap3A_538 = tpu.vector_load %arg11[%swap3A_536, %swap3A_537] {strides = array<i32>} : memref<4x128xi32, #tpu.memory_space<vmem>>, vector<16xi32>,
    tpu.vector_store %arg11[%swap3A_536, %swap3A_537], %shift_right_logical3A_534 {strides = array<i32>} : memref<4x128xi32, #tpu.memory_space<vmem>>, vector<16xi32>,
    %get3A_539 = arith.constant 3 : i32
    %get3A_540 = arith.index_cast %get3A_539 : i32 to index
    %get3A_541 = arith.constant 0 : index
    %get3A_542 = tpu.vector_load %arg10[%get3A_540, %get3A_541] {strides = array<i32>} : memref<4x128xi32, #tpu.memory_space<vmem>>, vector<16xi32>,
    %shift_right_logical3A_543 = arith.constant 1 : i32
    %shift_right_logical3A_544 = vector.broadcast %shift_right_logical3A_543 : i32 to vector<16xi32>
    %shift_right_logical3A_545 = arith.shrui %get3A_542, %shift_right_logical3A_544 : vector<16xi32>
    %swap3A_546 = arith.constant 3 : i32
    %swap3A_547 = arith.index_cast %swap3A_546 : i32 to index
    %swap3A_548 = arith.constant 0 : index
    %swap3A_549 = tpu.vector_load %arg12[%swap3A_547, %swap3A_548] {strides = array<i32>} : memref<4x128xi32, #tpu.memory_space<vmem>>, vector<16xi32>,
    tpu.vector_store %arg12[%swap3A_547, %swap3A_548], %shift_right_logical3A_545 {strides = array<i32>} : memref<4x128xi32, #tpu.memory_space<vmem>>, vector<16xi32>,
    %get3A_550 = arith.constant 3 : i32
    %get3A_551 = arith.index_cast %get3A_550 : i32 to index
    %get3A_552 = arith.constant 16 : index
    %get3A_553 = tpu.vector_load %arg9[%get3A_551, %get3A_552] {strides = array<i32>} : memref<4x128xi32, #tpu.memory_space<vmem>>, vector<16xi32>,
    %shift_right_logical3A_554 = arith.constant 1 : i32
    %shift_right_logical3A_555 = vector.broadcast %shift_right_logical3A_554 : i32 to vector<16xi32>
    %shift_right_logical3A_556 = arith.shrui %get3A_553, %shift_right_logical3A_555 : vector<16xi32>
    %swap3A_557 = arith.constant 3 : i32
    %swap3A_558 = arith.index_cast %swap3A_557 : i32 to index
    %swap3A_559 = arith.constant 16 : index
    %swap3A_560 = tpu.vector_load %arg11[%swap3A_558, %swap3A_559] {strides = array<i32>} : memref<4x128xi32, #tpu.memory_space<vmem>>, vector<16xi32>,
    tpu.vector_store %arg11[%swap3A_558, %swap3A_559], %shift_right_logical3A_556 {strides = array<i32>} : memref<4x128xi32, #tpu.memory_space<vmem>>, vector<16xi32>,
    %get3A_561 = arith.constant 3 : i32
    %get3A_562 = arith.index_cast %get3A_561 : i32 to index
    %get3A_563 = arith.constant 16 : index
    %get3A_564 = tpu.vector_load %arg10[%get3A_562, %get3A_563] {strides = array<i32>} : memref<4x128xi32, #tpu.memory_space<vmem>>, vector<16xi32>,
    %shift_right_logical3A_565 = arith.constant 1 : i32
    %shift_right_logical3A_566 = vector.broadcast %shift_right_logical3A_565 : i32 to vector<16xi32>
    %shift_right_logical3A_567 = arith.shrui %get3A_564, %shift_right_logical3A_566 : vector<16xi32>
    %swap3A_568 = arith.constant 3 : i32
    %swap3A_569 = arith.index_cast %swap3A_568 : i32 to index
    %swap3A_570 = arith.constant 16 : index
    %swap3A_571 = tpu.vector_load %arg12[%swap3A_569, %swap3A_570] {strides = array<i32>} : memref<4x128xi32, #tpu.memory_space<vmem>>, vector<16xi32>,
    tpu.vector_store %arg12[%swap3A_569, %swap3A_570], %shift_right_logical3A_567 {strides = array<i32>} : memref<4x128xi32, #tpu.memory_space<vmem>>, vector<16xi32>,
    %get3A_572 = arith.constant 3 : i32
    %get3A_573 = arith.index_cast %get3A_572 : i32 to index
    %get3A_574 = arith.constant 32 : index
    %get3A_575 = tpu.vector_load %arg9[%get3A_573, %get3A_574] {strides = array<i32>} : memref<4x128xi32, #tpu.memory_space<vmem>>, vector<16xi32>,
    %shift_right_logical3A_576 = arith.constant 1 : i32
    %shift_right_logical3A_577 = vector.broadcast %shift_right_logical3A_576 : i32 to vector<16xi32>
    %shift_right_logical3A_578 = arith.shrui %get3A_575, %shift_right_logical3A_577 : vector<16xi32>
    %swap3A_579 = arith.constant 3 : i32
    %swap3A_580 = arith.index_cast %swap3A_579 : i32 to index
    %swap3A_581 = arith.constant 32 : index
    %swap3A_582 = tpu.vector_load %arg11[%swap3A_580, %swap3A_581] {strides = array<i32>} : memref<4x128xi32, #tpu.memory_space<vmem>>, vector<16xi32>,
    tpu.vector_store %arg11[%swap3A_580, %swap3A_581], %shift_right_logical3A_578 {strides = array<i32>} : memref<4x128xi32, #tpu.memory_space<vmem>>, vector<16xi32>,
    %get3A_583 = arith.constant 3 : i32
    %get3A_584 = arith.index_cast %get3A_583 : i32 to index
    %get3A_585 = arith.constant 32 : index
    %get3A_586 = tpu.vector_load %arg10[%get3A_584, %get3A_585] {strides = array<i32>} : memref<4x128xi32, #tpu.memory_space<vmem>>, vector<16xi32>,
    %shift_right_logical3A_587 = arith.constant 1 : i32
    %shift_right_logical3A_588 = vector.broadcast %shift_right_logical3A_587 : i32 to vector<16xi32>
    %shift_right_logical3A_589 = arith.shrui %get3A_586, %shift_right_logical3A_588 : vector<16xi32>
    %swap3A_590 = arith.constant 3 : i32
    %swap3A_591 = arith.index_cast %swap3A_590 : i32 to index
    %swap3A_592 = arith.constant 32 : index
    %swap3A_593 = tpu.vector_load %arg12[%swap3A_591, %swap3A_592] {strides = array<i32>} : memref<4x128xi32, #tpu.memory_space<vmem>>, vector<16xi32>,
    tpu.vector_store %arg12[%swap3A_591, %swap3A_592], %shift_right_logical3A_589 {strides = array<i32>} : memref<4x128xi32, #tpu.memory_space<vmem>>, vector<16xi32>,
    %get3A_594 = arith.constant 3 : i32
    %get3A_595 = arith.index_cast %get3A_594 : i32 to index
    %get3A_596 = arith.constant 48 : index
    %get3A_597 = tpu.vector_load %arg9[%get3A_595, %get3A_596] {strides = array<i32>} : memref<4x128xi32, #tpu.memory_space<vmem>>, vector<16xi32>,
    %shift_right_logical3A_598 = arith.constant 1 : i32
    %shift_right_logical3A_599 = vector.broadcast %shift_right_logical3A_598 : i32 to vector<16xi32>
    %shift_right_logical3A_600 = arith.shrui %get3A_597, %shift_right_logical3A_599 : vector<16xi32>
    %swap3A_601 = arith.constant 3 : i32
    %swap3A_602 = arith.index_cast %swap3A_601 : i32 to index
    %swap3A_603 = arith.constant 48 : index
    %swap3A_604 = tpu.vector_load %arg11[%swap3A_602, %swap3A_603] {strides = array<i32>} : memref<4x128xi32, #tpu.memory_space<vmem>>, vector<16xi32>,
    tpu.vector_store %arg11[%swap3A_602, %swap3A_603], %shift_right_logical3A_600 {strides = array<i32>} : memref<4x128xi32, #tpu.memory_space<vmem>>, vector<16xi32>,
    %get3A_605 = arith.constant 3 : i32
    %get3A_606 = arith.index_cast %get3A_605 : i32 to index
    %get3A_607 = arith.constant 48 : index
    %get3A_608 = tpu.vector_load %arg10[%get3A_606, %get3A_607] {strides = array<i32>} : memref<4x128xi32, #tpu.memory_space<vmem>>, vector<16xi32>,
    %shift_right_logical3A_609 = arith.constant 1 : i32
    %shift_right_logical3A_610 = vector.broadcast %shift_right_logical3A_609 : i32 to vector<16xi32>
    %shift_right_logical3A_611 = arith.shrui %get3A_608, %shift_right_logical3A_610 : vector<16xi32>
    %swap3A_612 = arith.constant 3 : i32
    %swap3A_613 = arith.index_cast %swap3A_612 : i32 to index
    %swap3A_614 = arith.constant 48 : index
    %swap3A_615 = tpu.vector_load %arg12[%swap3A_613, %swap3A_614] {strides = array<i32>} : memref<4x128xi32, #tpu.memory_space<vmem>>, vector<16xi32>,
    tpu.vector_store %arg12[%swap3A_613, %swap3A_614], %shift_right_logical3A_611 {strides = array<i32>} : memref<4x128xi32, #tpu.memory_space<vmem>>, vector<16xi32>,
    %get3A_616 = arith.constant 3 : i32
    %get3A_617 = arith.index_cast %get3A_616 : i32 to index
    %get3A_618 = arith.constant 64 : index
    %get3A_619 = tpu.vector_load %arg9[%get3A_617, %get3A_618] {strides = array<i32>} : memref<4x128xi32, #tpu.memory_space<vmem>>, vector<16xi32>,
    %shift_right_logical3A_620 = arith.constant 1 : i32
    %shift_right_logical3A_621 = vector.broadcast %shift_right_logical3A_620 : i32 to vector<16xi32>
    %shift_right_logical3A_622 = arith.shrui %get3A_619, %shift_right_logical3A_621 : vector<16xi32>
    %swap3A_623 = arith.constant 3 : i32
    %swap3A_624 = arith.index_cast %swap3A_623 : i32 to index
    %swap3A_625 = arith.constant 64 : index
    %swap3A_626 = tpu.vector_load %arg11[%swap3A_624, %swap3A_625] {strides = array<i32>} : memref<4x128xi32, #tpu.memory_space<vmem>>, vector<16xi32>,
    tpu.vector_store %arg11[%swap3A_624, %swap3A_625], %shift_right_logical3A_622 {strides = array<i32>} : memref<4x128xi32, #tpu.memory_space<vmem>>, vector<16xi32>,
    %get3A_627 = arith.constant 3 : i32
    %get3A_628 = arith.index_cast %get3A_627 : i32 to index
    %get3A_629 = arith.constant 64 : index
    %get3A_630 = tpu.vector_load %arg10[%get3A_628, %get3A_629] {strides = array<i32>} : memref<4x128xi32, #tpu.memory_space<vmem>>, vector<16xi32>,
    %shift_right_logical3A_631 = arith.constant 1 : i32
    %shift_right_logical3A_632 = vector.broadcast %shift_right_logical3A_631 : i32 to vector<16xi32>
    %shift_right_logical3A_633 = arith.shrui %get3A_630, %shift_right_logical3A_632 : vector<16xi32>
    %swap3A_634 = arith.constant 3 : i32
    %swap3A_635 = arith.index_cast %swap3A_634 : i32 to index
    %swap3A_636 = arith.constant 64 : index
    %swap3A_637 = tpu.vector_load %arg12[%swap3A_635, %swap3A_636] {strides = array<i32>} : memref<4x128xi32, #tpu.memory_space<vmem>>, vector<16xi32>,
    tpu.vector_store %arg12[%swap3A_635, %swap3A_636], %shift_right_logical3A_633 {strides = array<i32>} : memref<4x128xi32, #tpu.memory_space<vmem>>, vector<16xi32>,
    %get3A_638 = arith.constant 3 : i32
    %get3A_639 = arith.index_cast %get3A_638 : i32 to index
    %get3A_640 = arith.constant 80 : index
    %get3A_641 = tpu.vector_load %arg9[%get3A_639, %get3A_640] {strides = array<i32>} : memref<4x128xi32, #tpu.memory_space<vmem>>, vector<16xi32>,
    %shift_right_logical3A_642 = arith.constant 1 : i32
    %shift_right_logical3A_643 = vector.broadcast %shift_right_logical3A_642 : i32 to vector<16xi32>
    %shift_right_logical3A_644 = arith.shrui %get3A_641, %shift_right_logical3A_643 : vector<16xi32>
    %swap3A_645 = arith.constant 3 : i32
    %swap3A_646 = arith.index_cast %swap3A_645 : i32 to index
    %swap3A_647 = arith.constant 80 : index
    %swap3A_648 = tpu.vector_load %arg11[%swap3A_646, %swap3A_647] {strides = array<i32>} : memref<4x128xi32, #tpu.memory_space<vmem>>, vector<16xi32>,
    tpu.vector_store %arg11[%swap3A_646, %swap3A_647], %shift_right_logical3A_644 {strides = array<i32>} : memref<4x128xi32, #tpu.memory_space<vmem>>, vector<16xi32>,
    %get3A_649 = arith.constant 3 : i32
    %get3A_650 = arith.index_cast %get3A_649 : i32 to index
    %get3A_651 = arith.constant 80 : index
    %get3A_652 = tpu.vector_load %arg10[%get3A_650, %get3A_651] {strides = array<i32>} : memref<4x128xi32, #tpu.memory_space<vmem>>, vector<16xi32>,
    %shift_right_logical3A_653 = arith.constant 1 : i32
    %shift_right_logical3A_654 = vector.broadcast %shift_right_logical3A_653 : i32 to vector<16xi32>
    %shift_right_logical3A_655 = arith.shrui %get3A_652, %shift_right_logical3A_654 : vector<16xi32>
    %swap3A_656 = arith.constant 3 : i32
    %swap3A_657 = arith.index_cast %swap3A_656 : i32 to index
    %swap3A_658 = arith.constant 80 : index
    %swap3A_659 = tpu.vector_load %arg12[%swap3A_657, %swap3A_658] {strides = array<i32>} : memref<4x128xi32, #tpu.memory_space<vmem>>, vector<16xi32>,
    tpu.vector_store %arg12[%swap3A_657, %swap3A_658], %shift_right_logical3A_655 {strides = array<i32>} : memref<4x128xi32, #tpu.memory_space<vmem>>, vector<16xi32>,
    %get3A_660 = arith.constant 3 : i32
    %get3A_661 = arith.index_cast %get3A_660 : i32 to index
    %get3A_662 = arith.constant 96 : index
    %get3A_663 = tpu.vector_load %arg9[%get3A_661, %get3A_662] {strides = array<i32>} : memref<4x128xi32, #tpu.memory_space<vmem>>, vector<16xi32>,
    %shift_right_logical3A_664 = arith.constant 1 : i32
    %shift_right_logical3A_665 = vector.broadcast %shift_right_logical3A_664 : i32 to vector<16xi32>
    %shift_right_logical3A_666 = arith.shrui %get3A_663, %shift_right_logical3A_665 : vector<16xi32>
    %swap3A_667 = arith.constant 3 : i32
    %swap3A_668 = arith.index_cast %swap3A_667 : i32 to index
    %swap3A_669 = arith.constant 96 : index
    %swap3A_670 = tpu.vector_load %arg11[%swap3A_668, %swap3A_669] {strides = array<i32>} : memref<4x128xi32, #tpu.memory_space<vmem>>, vector<16xi32>,
    tpu.vector_store %arg11[%swap3A_668, %swap3A_669], %shift_right_logical3A_666 {strides = array<i32>} : memref<4x128xi32, #tpu.memory_space<vmem>>, vector<16xi32>,
    %get3A_671 = arith.constant 3 : i32
    %get3A_672 = arith.index_cast %get3A_671 : i32 to index
    %get3A_673 = arith.constant 96 : index
    %get3A_674 = tpu.vector_load %arg10[%get3A_672, %get3A_673] {strides = array<i32>} : memref<4x128xi32, #tpu.memory_space<vmem>>, vector<16xi32>,
    %shift_right_logical3A_675 = arith.constant 1 : i32
    %shift_right_logical3A_676 = vector.broadcast %shift_right_logical3A_675 : i32 to vector<16xi32>
    %shift_right_logical3A_677 = arith.shrui %get3A_674, %shift_right_logical3A_676 : vector<16xi32>
    %swap3A_678 = arith.constant 3 : i32
    %swap3A_679 = arith.index_cast %swap3A_678 : i32 to index
    %swap3A_680 = arith.constant 96 : index
    %swap3A_681 = tpu.vector_load %arg12[%swap3A_679, %swap3A_680] {strides = array<i32>} : memref<4x128xi32, #tpu.memory_space<vmem>>, vector<16xi32>,
    tpu.vector_store %arg12[%swap3A_679, %swap3A_680], %shift_right_logical3A_677 {strides = array<i32>} : memref<4x128xi32, #tpu.memory_space<vmem>>, vector<16xi32>,
    %get3A_682 = arith.constant 3 : i32
    %get3A_683 = arith.index_cast %get3A_682 : i32 to index
    %get3A_684 = arith.constant 112 : index
    %get3A_685 = tpu.vector_load %arg9[%get3A_683, %get3A_684] {strides = array<i32>} : memref<4x128xi32, #tpu.memory_space<vmem>>, vector<16xi32>,
    %shift_right_logical3A_686 = arith.constant 1 : i32
    %shift_right_logical3A_687 = vector.broadcast %shift_right_logical3A_686 : i32 to vector<16xi32>
    %shift_right_logical3A_688 = arith.shrui %get3A_685, %shift_right_logical3A_687 : vector<16xi32>
    %swap3A_689 = arith.constant 3 : i32
    %swap3A_690 = arith.index_cast %swap3A_689 : i32 to index
    %swap3A_691 = arith.constant 112 : index
    %swap3A_692 = tpu.vector_load %arg11[%swap3A_690, %swap3A_691] {strides = array<i32>} : memref<4x128xi32, #tpu.memory_space<vmem>>, vector<16xi32>,
    tpu.vector_store %arg11[%swap3A_690, %swap3A_691], %shift_right_logical3A_688 {strides = array<i32>} : memref<4x128xi32, #tpu.memory_space<vmem>>, vector<16xi32>,
    %get3A_693 = arith.constant 3 : i32
    %get3A_694 = arith.index_cast %get3A_693 : i32 to index
    %get3A_695 = arith.constant 112 : index
    %get3A_696 = tpu.vector_load %arg10[%get3A_694, %get3A_695] {strides = array<i32>} : memref<4x128xi32, #tpu.memory_space<vmem>>, vector<16xi32>,
    %shift_right_logical3A_697 = arith.constant 1 : i32
    %shift_right_logical3A_698 = vector.broadcast %shift_right_logical3A_697 : i32 to vector<16xi32>
    %shift_right_logical3A_699 = arith.shrui %get3A_696, %shift_right_logical3A_698 : vector<16xi32>
    %swap3A_700 = arith.constant 3 : i32
    %swap3A_701 = arith.index_cast %swap3A_700 : i32 to index
    %swap3A_702 = arith.constant 112 : index
    %swap3A_703 = tpu.vector_load %arg12[%swap3A_701, %swap3A_702] {strides = array<i32>} : memref<4x128xi32, #tpu.memory_space<vmem>>, vector<16xi32>,
    tpu.vector_store %arg12[%swap3A_701, %swap3A_702], %shift_right_logical3A_699 {strides = array<i32>} : memref<4x128xi32, #tpu.memory_space<vmem>>, vector<16xi32>,
    %iota3A = tpu.iota {dimensions = array<i32: 0>} : vector<16xi32>
    %eq3A = arith.constant 15 : i32
    %eq3A_704 = vector.broadcast %eq3A : i32 to vector<16xi32>
    %eq3A_705 = arith.cmpi eq, %iota3A, %eq3A_704 : vector<16xi32>
    %get3A_706 = arith.constant 0 : index
    %get3A_707 = tpu.vector_load %arg15[%get3A_706] {strides = array<i32>} : memref<320xf32, #tpu.memory_space<vmem>>, vector<16xf32>,
    %get3A_708 = arith.constant 16 : index
    %get3A_709 = tpu.vector_load %arg15[%get3A_708] {strides = array<i32>} : memref<320xf32, #tpu.memory_space<vmem>>, vector<16xf32>,
    %get3A_710 = arith.constant 32 : index
    %get3A_711 = tpu.vector_load %arg15[%get3A_710] {strides = array<i32>} : memref<320xf32, #tpu.memory_space<vmem>>, vector<16xf32>,
    %get3A_712 = arith.constant 48 : index
    %get3A_713 = tpu.vector_load %arg15[%get3A_712] {strides = array<i32>} : memref<320xf32, #tpu.memory_space<vmem>>, vector<16xf32>,
    %get3A_714 = arith.constant 64 : index
    %get3A_715 = tpu.vector_load %arg15[%get3A_714] {strides = array<i32>} : memref<320xf32, #tpu.memory_space<vmem>>, vector<16xf32>,
    %get3A_716 = arith.constant 80 : index
    %get3A_717 = tpu.vector_load %arg15[%get3A_716] {strides = array<i32>} : memref<320xf32, #tpu.memory_space<vmem>>, vector<16xf32>,
    %get3A_718 = arith.constant 96 : index
    %get3A_719 = tpu.vector_load %arg15[%get3A_718] {strides = array<i32>} : memref<320xf32, #tpu.memory_space<vmem>>, vector<16xf32>,
    %get3A_720 = arith.constant 112 : index
    %get3A_721 = tpu.vector_load %arg15[%get3A_720] {strides = array<i32>} : memref<320xf32, #tpu.memory_space<vmem>>, vector<16xf32>,
    %get3A_722 = arith.constant 128 : index
    %get3A_723 = tpu.vector_load %arg15[%get3A_722] {strides = array<i32>} : memref<320xf32, #tpu.memory_space<vmem>>, vector<16xf32>,
    %get3A_724 = arith.constant 144 : index
    %get3A_725 = tpu.vector_load %arg15[%get3A_724] {strides = array<i32>} : memref<320xf32, #tpu.memory_space<vmem>>, vector<16xf32>,
    %get3A_726 = arith.constant 160 : index
    %get3A_727 = tpu.vector_load %arg15[%get3A_726] {strides = array<i32>} : memref<320xf32, #tpu.memory_space<vmem>>, vector<16xf32>,
    %get3A_728 = arith.constant 176 : index
    %get3A_729 = tpu.vector_load %arg15[%get3A_728] {strides = array<i32>} : memref<320xf32, #tpu.memory_space<vmem>>, vector<16xf32>,
    %get3A_730 = arith.constant 192 : index
    %get3A_731 = tpu.vector_load %arg15[%get3A_730] {strides = array<i32>} : memref<320xf32, #tpu.memory_space<vmem>>, vector<16xf32>,
    %get3A_732 = arith.constant 208 : index
    %get3A_733 = tpu.vector_load %arg15[%get3A_732] {strides = array<i32>} : memref<320xf32, #tpu.memory_space<vmem>>, vector<16xf32>,
    %get3A_734 = arith.constant 224 : index
    %get3A_735 = tpu.vector_load %arg15[%get3A_734] {strides = array<i32>} : memref<320xf32, #tpu.memory_space<vmem>>, vector<16xf32>,
    %get3A_736 = arith.constant 240 : index
    %get3A_737 = tpu.vector_load %arg15[%get3A_736] {strides = array<i32>} : memref<320xf32, #tpu.memory_space<vmem>>, vector<16xf32>,
    %get3A_738 = arith.constant 256 : index
    %get3A_739 = tpu.vector_load %arg15[%get3A_738] {strides = array<i32>} : memref<320xf32, #tpu.memory_space<vmem>>, vector<16xf32>,
    %get3A_740 = arith.constant 272 : index
    %get3A_741 = tpu.vector_load %arg15[%get3A_740] {strides = array<i32>} : memref<320xf32, #tpu.memory_space<vmem>>, vector<16xf32>,
    %get3A_742 = arith.constant 288 : index
    %get3A_743 = tpu.vector_load %arg15[%get3A_742] {strides = array<i32>} : memref<320xf32, #tpu.memory_space<vmem>>, vector<16xf32>,
    %get3A_744 = arith.constant 304 : index
    %get3A_745 = tpu.vector_load %arg15[%get3A_744] {strides = array<i32>} : memref<320xf32, #tpu.memory_space<vmem>>, vector<16xf32>,
    %get3A_746 = arith.constant 0 : index
    %get3A_747 = tpu.vector_load %arg16[%get3A_746] {strides = array<i32>} : memref<128xf32, #tpu.memory_space<vmem>>, vector<16xf32>,
    %get3A_748 = arith.constant 16 : index
    %get3A_749 = tpu.vector_load %arg16[%get3A_748] {strides = array<i32>} : memref<128xf32, #tpu.memory_space<vmem>>, vector<16xf32>,
    %get3A_750 = arith.constant 32 : index
    %get3A_751 = tpu.vector_load %arg16[%get3A_750] {strides = array<i32>} : memref<128xf32, #tpu.memory_space<vmem>>, vector<16xf32>,
    %get3A_752 = arith.constant 48 : index
    %get3A_753 = tpu.vector_load %arg16[%get3A_752] {strides = array<i32>} : memref<128xf32, #tpu.memory_space<vmem>>, vector<16xf32>,
    %get3A_754 = arith.constant 64 : index
    %get3A_755 = tpu.vector_load %arg16[%get3A_754] {strides = array<i32>} : memref<128xf32, #tpu.memory_space<vmem>>, vector<16xf32>,
    %broadcast_in_dim3A = arith.constant 0 : i32
    %broadcast_in_dim3A_756 = vector.broadcast %broadcast_in_dim3A : i32 to vector<16xi32>
    %broadcast_in_dim3A_757 = arith.constant 1 : i32
    %broadcast_in_dim3A_758 = vector.broadcast %broadcast_in_dim3A_757 : i32 to vector<16xi32>
    %broadcast_in_dim3A_759 = arith.constant 2 : i32
    %broadcast_in_dim3A_760 = vector.broadcast %broadcast_in_dim3A_759 : i32 to vector<16xi32>
    %broadcast_in_dim3A_761 = arith.constant 3 : i32
    %broadcast_in_dim3A_762 = vector.broadcast %broadcast_in_dim3A_761 : i32 to vector<16xi32>
    %broadcast_in_dim3A_763 = arith.constant 4 : i32
    %broadcast_in_dim3A_764 = vector.broadcast %broadcast_in_dim3A_763 : i32 to vector<16xi32>
    %dma_start3A = arith.constant 0 : i32
    %dma_start3A_765 = arith.constant 0 : i32
    %dma_start3A_766 = arith.constant 0 : i32
    %dma_start3A_767 = tpu.memref_slice %arg13[%dma_start3A_765, %dma_start3A_766] : memref<256x128xf32, #tpu.memory_space<vmem>> -> memref<128x128xf32, #tpu.memory_space<vmem>>
    %dma_start3A_768 = arith.constant 0 : i32
    %dma_start3A_769 = tpu.memref_slice %arg11[%dma_start3A, %dma_start3A_768] : memref<4x128xi32, #tpu.memory_space<vmem>> -> memref<1x128xi32, #tpu.memory_space<vmem>>
    %dma_start3A_770 = tpu.memref_squeeze %dma_start3A_769 : memref<1x128xi32, #tpu.memory_space<vmem>> -> memref<128xi32, #tpu.memory_space<vmem>>
    %dma_start3A_771 = arith.constant 0 : i32
    %dma_start3A_772 = arith.constant 0 : i32
    %dma_start3A_773 = tpu.memref_slice %arg4[%dma_start3A_771, %dma_start3A_772] : memref<50048x128xf32, #tpu.memory_space<hbm>> -> memref<50048x128xf32, #tpu.memory_space<hbm>>
    tpu.enqueue_indirect_dma source(%dma_start3A_773 : memref<50048x128xf32, #tpu.memory_space<hbm>>) target(%dma_start3A_767 : memref<128x128xf32, #tpu.memory_space<vmem>>) offsets(%dma_start3A_770 : memref<128xi32, #tpu.memory_space<vmem>>) semaphore(%arg18 : memref<!tpu.dma_semaphore, #tpu.memory_space<semaphore_mem>>)
    %dma_start3A_774 = arith.constant 0 : i32
    %dma_start3A_775 = arith.constant 0 : i32
    %dma_start3A_776 = arith.constant 0 : i32
    %dma_start3A_777 = tpu.memref_slice %arg14[%dma_start3A_775, %dma_start3A_776] : memref<256x128xf32, #tpu.memory_space<vmem>> -> memref<128x128xf32, #tpu.memory_space<vmem>>
    %dma_start3A_778 = arith.constant 0 : i32
    %dma_start3A_779 = tpu.memref_slice %arg12[%dma_start3A_774, %dma_start3A_778] : memref<4x128xi32, #tpu.memory_space<vmem>> -> memref<1x128xi32, #tpu.memory_space<vmem>>
    %dma_start3A_780 = tpu.memref_squeeze %dma_start3A_779 : memref<1x128xi32, #tpu.memory_space<vmem>> -> memref<128xi32, #tpu.memory_space<vmem>>
    %dma_start3A_781 = arith.constant 0 : i32
    %dma_start3A_782 = arith.constant 0 : i32
    %dma_start3A_783 = tpu.memref_slice %arg5[%dma_start3A_781, %dma_start3A_782] : memref<50048x128xf32, #tpu.memory_space<hbm>> -> memref<50048x128xf32, #tpu.memory_space<hbm>>
    tpu.enqueue_indirect_dma source(%dma_start3A_783 : memref<50048x128xf32, #tpu.memory_space<hbm>>) target(%dma_start3A_777 : memref<128x128xf32, #tpu.memory_space<vmem>>) offsets(%dma_start3A_780 : memref<128xi32, #tpu.memory_space<vmem>>) semaphore(%arg18 : memref<!tpu.dma_semaphore, #tpu.memory_space<semaphore_mem>>)
    %dma_start3A_784 = arith.constant 1 : i32
    %dma_start3A_785 = arith.constant 128 : i32
    %dma_start3A_786 = arith.constant 0 : i32
    %dma_start3A_787 = tpu.memref_slice %arg13[%dma_start3A_785, %dma_start3A_786] : memref<256x128xf32, #tpu.memory_space<vmem>> -> memref<128x128xf32, #tpu.memory_space<vmem>>
    %dma_start3A_788 = arith.constant 0 : i32
    %dma_start3A_789 = tpu.memref_slice %arg11[%dma_start3A_784, %dma_start3A_788] : memref<4x128xi32, #tpu.memory_space<vmem>> -> memref<1x128xi32, #tpu.memory_space<vmem>>
    %dma_start3A_790 = tpu.memref_squeeze %dma_start3A_789 : memref<1x128xi32, #tpu.memory_space<vmem>> -> memref<128xi32, #tpu.memory_space<vmem>>
    %dma_start3A_791 = arith.constant 0 : i32
    %dma_start3A_792 = arith.constant 0 : i32
    %dma_start3A_793 = tpu.memref_slice %arg4[%dma_start3A_791, %dma_start3A_792] : memref<50048x128xf32, #tpu.memory_space<hbm>> -> memref<50048x128xf32, #tpu.memory_space<hbm>>
    tpu.enqueue_indirect_dma source(%dma_start3A_793 : memref<50048x128xf32, #tpu.memory_space<hbm>>) target(%dma_start3A_787 : memref<128x128xf32, #tpu.memory_space<vmem>>) offsets(%dma_start3A_790 : memref<128xi32, #tpu.memory_space<vmem>>) semaphore(%arg18 : memref<!tpu.dma_semaphore, #tpu.memory_space<semaphore_mem>>)
    %dma_start3A_794 = arith.constant 1 : i32
    %dma_start3A_795 = arith.constant 128 : i32
    %dma_start3A_796 = arith.constant 0 : i32
    %dma_start3A_797 = tpu.memref_slice %arg14[%dma_start3A_795, %dma_start3A_796] : memref<256x128xf32, #tpu.memory_space<vmem>> -> memref<128x128xf32, #tpu.memory_space<vmem>>
    %dma_start3A_798 = arith.constant 0 : i32
    %dma_start3A_799 = tpu.memref_slice %arg12[%dma_start3A_794, %dma_start3A_798] : memref<4x128xi32, #tpu.memory_space<vmem>> -> memref<1x128xi32, #tpu.memory_space<vmem>>
    %dma_start3A_800 = tpu.memref_squeeze %dma_start3A_799 : memref<1x128xi32, #tpu.memory_space<vmem>> -> memref<128xi32, #tpu.memory_space<vmem>>
    %dma_start3A_801 = arith.constant 0 : i32
    %dma_start3A_802 = arith.constant 0 : i32
    %dma_start3A_803 = tpu.memref_slice %arg5[%dma_start3A_801, %dma_start3A_802] : memref<50048x128xf32, #tpu.memory_space<hbm>> -> memref<50048x128xf32, #tpu.memory_space<hbm>>
    tpu.enqueue_indirect_dma source(%dma_start3A_803 : memref<50048x128xf32, #tpu.memory_space<hbm>>) target(%dma_start3A_797 : memref<128x128xf32, #tpu.memory_space<vmem>>) offsets(%dma_start3A_800 : memref<128xi32, #tpu.memory_space<vmem>>) semaphore(%arg18 : memref<!tpu.dma_semaphore, #tpu.memory_space<semaphore_mem>>)
    %dma_wait3A = arith.constant 0 : i32
    %dma_wait3A_804 = arith.constant 0 : i32
    %dma_wait3A_805 = arith.constant 0 : i32
    %dma_wait3A_806 = tpu.memref_slice %arg13[%dma_wait3A_804, %dma_wait3A_805] : memref<256x128xf32, #tpu.memory_space<vmem>> -> memref<128x128xf32, #tpu.memory_space<vmem>>
    %dma_wait3A_807 = arith.constant 0 : i32
    %dma_wait3A_808 = tpu.memref_slice %arg11[%dma_wait3A, %dma_wait3A_807] : memref<4x128xi32, #tpu.memory_space<vmem>> -> memref<1x128xi32, #tpu.memory_space<vmem>>
    %dma_wait3A_809 = tpu.memref_squeeze %dma_wait3A_808 : memref<1x128xi32, #tpu.memory_space<vmem>> -> memref<128xi32, #tpu.memory_space<vmem>>
    %dma_wait3A_810 = arith.constant 0 : i32
    %dma_wait3A_811 = arith.constant 0 : i32
    %dma_wait3A_812 = tpu.memref_slice %arg4[%dma_wait3A_810, %dma_wait3A_811] : memref<50048x128xf32, #tpu.memory_space<hbm>> -> memref<50048x128xf32, #tpu.memory_space<hbm>>
    tpu.wait_indirect_dma semaphore(%arg18 : memref<!tpu.dma_semaphore, #tpu.memory_space<semaphore_mem>>) src(%dma_wait3A_812 : memref<50048x128xf32, #tpu.memory_space<hbm>>) dst(%dma_wait3A_806 : memref<128x128xf32, #tpu.memory_space<vmem>>)
    %dma_wait3A_813 = arith.constant 0 : i32
    %dma_wait3A_814 = arith.constant 0 : i32
    %dma_wait3A_815 = arith.constant 0 : i32
    %dma_wait3A_816 = tpu.memref_slice %arg14[%dma_wait3A_814, %dma_wait3A_815] : memref<256x128xf32, #tpu.memory_space<vmem>> -> memref<128x128xf32, #tpu.memory_space<vmem>>
    %dma_wait3A_817 = arith.constant 0 : i32
    %dma_wait3A_818 = tpu.memref_slice %arg12[%dma_wait3A_813, %dma_wait3A_817] : memref<4x128xi32, #tpu.memory_space<vmem>> -> memref<1x128xi32, #tpu.memory_space<vmem>>
    %dma_wait3A_819 = tpu.memref_squeeze %dma_wait3A_818 : memref<1x128xi32, #tpu.memory_space<vmem>> -> memref<128xi32, #tpu.memory_space<vmem>>
    %dma_wait3A_820 = arith.constant 0 : i32
    %dma_wait3A_821 = arith.constant 0 : i32
    %dma_wait3A_822 = tpu.memref_slice %arg5[%dma_wait3A_820, %dma_wait3A_821] : memref<50048x128xf32, #tpu.memory_space<hbm>> -> memref<50048x128xf32, #tpu.memory_space<hbm>>
    tpu.wait_indirect_dma semaphore(%arg18 : memref<!tpu.dma_semaphore, #tpu.memory_space<semaphore_mem>>) src(%dma_wait3A_822 : memref<50048x128xf32, #tpu.memory_space<hbm>>) dst(%dma_wait3A_816 : memref<128x128xf32, #tpu.memory_space<vmem>>)
    %dma_wait3A_823 = arith.constant 1 : i32
    %dma_wait3A_824 = arith.constant 128 : i32
    %dma_wait3A_825 = arith.constant 0 : i32
    %dma_wait3A_826 = tpu.memref_slice %arg13[%dma_wait3A_824, %dma_wait3A_825] : memref<256x128xf32, #tpu.memory_space<vmem>> -> memref<128x128xf32, #tpu.memory_space<vmem>>
    %dma_wait3A_827 = arith.constant 0 : i32
    %dma_wait3A_828 = tpu.memref_slice %arg11[%dma_wait3A_823, %dma_wait3A_827] : memref<4x128xi32, #tpu.memory_space<vmem>> -> memref<1x128xi32, #tpu.memory_space<vmem>>
    %dma_wait3A_829 = tpu.memref_squeeze %dma_wait3A_828 : memref<1x128xi32, #tpu.memory_space<vmem>> -> memref<128xi32, #tpu.memory_space<vmem>>
    %dma_wait3A_830 = arith.constant 0 : i32
    %dma_wait3A_831 = arith.constant 0 : i32
    %dma_wait3A_832 = tpu.memref_slice %arg4[%dma_wait3A_830, %dma_wait3A_831] : memref<50048x128xf32, #tpu.memory_space<hbm>> -> memref<50048x128xf32, #tpu.memory_space<hbm>>
    tpu.wait_indirect_dma semaphore(%arg18 : memref<!tpu.dma_semaphore, #tpu.memory_space<semaphore_mem>>) src(%dma_wait3A_832 : memref<50048x128xf32, #tpu.memory_space<hbm>>) dst(%dma_wait3A_826 : memref<128x128xf32, #tpu.memory_space<vmem>>)
    %dma_wait3A_833 = arith.constant 1 : i32
    %dma_wait3A_834 = arith.constant 128 : i32
    %dma_wait3A_835 = arith.constant 0 : i32
    %dma_wait3A_836 = tpu.memref_slice %arg14[%dma_wait3A_834, %dma_wait3A_835] : memref<256x128xf32, #tpu.memory_space<vmem>> -> memref<128x128xf32, #tpu.memory_space<vmem>>
    %dma_wait3A_837 = arith.constant 0 : i32
    %dma_wait3A_838 = tpu.memref_slice %arg12[%dma_wait3A_833, %dma_wait3A_837] : memref<4x128xi32, #tpu.memory_space<vmem>> -> memref<1x128xi32, #tpu.memory_space<vmem>>
    %dma_wait3A_839 = tpu.memref_squeeze %dma_wait3A_838 : memref<1x128xi32, #tpu.memory_space<vmem>> -> memref<128xi32, #tpu.memory_space<vmem>>
    %dma_wait3A_840 = arith.constant 0 : i32
    %dma_wait3A_841 = arith.constant 0 : i32
    %dma_wait3A_842 = tpu.memref_slice %arg5[%dma_wait3A_840, %dma_wait3A_841] : memref<50048x128xf32, #tpu.memory_space<hbm>> -> memref<50048x128xf32, #tpu.memory_space<hbm>>
    tpu.wait_indirect_dma semaphore(%arg18 : memref<!tpu.dma_semaphore, #tpu.memory_space<semaphore_mem>>) src(%dma_wait3A_842 : memref<50048x128xf32, #tpu.memory_space<hbm>>) dst(%dma_wait3A_836 : memref<128x128xf32, #tpu.memory_space<vmem>>)
    %parallel_loop3A = arith.constant 0 : i32
    %parallel_loop3A_843 = arith.constant 256 : i32
    %parallel_loop3A_844 = arith.constant 1 : i32
    scf.for %parallel_loop3A_932 = %parallel_loop3A to %parallel_loop3A_843 step %parallel_loop3A_844  : i32 {
      %parallel_loop3A_933 = arith.constant 0 : i32
      %parallel_loop3A_934 = vector.broadcast %parallel_loop3A_933 : i32 to vector<16xi32>
      %parallel_loop3A_935 = arith.constant 7 : i32
      %parallel_loop3A_936 = arith.shrui %parallel_loop3A_932, %parallel_loop3A_935 : i32
      %parallel_loop3A_937 = vector.broadcast %parallel_loop3A_936 : i32 to vector<16xi32>
      %parallel_loop3A_938 = arith.addi %parallel_loop3A_934, %parallel_loop3A_937 : vector<16xi32>
      %parallel_loop3A_939 = arith.constant 127 : i32
      %parallel_loop3A_940 = arith.andi %parallel_loop3A_932, %parallel_loop3A_939 : i32
      %parallel_loop3A_941 = vector.broadcast %parallel_loop3A_940 : i32 to vector<16xi32>
      %parallel_loop3A_942 = tpu.vector_load_idx %arg9[%parallel_loop3A_938, %parallel_loop3A_941] : memref<4x128xi32, #tpu.memory_space<vmem>>[vector<16xi32>, vector<16xi32>], vector<16xi32>,
      %parallel_loop3A_943 = arith.constant 1 : i32
      %parallel_loop3A_944 = vector.broadcast %parallel_loop3A_943 : i32 to vector<16xi32>
      %parallel_loop3A_945 = arith.andi %parallel_loop3A_942, %parallel_loop3A_944 : vector<16xi32>
      %parallel_loop3A_946 = tpu.vector_load_idx %arg10[%parallel_loop3A_938, %parallel_loop3A_941] : memref<4x128xi32, #tpu.memory_space<vmem>>[vector<16xi32>, vector<16xi32>], vector<16xi32>,
      %parallel_loop3A_947 = arith.constant 1 : i32
      %parallel_loop3A_948 = vector.broadcast %parallel_loop3A_947 : i32 to vector<16xi32>
      %parallel_loop3A_949 = arith.andi %parallel_loop3A_946, %parallel_loop3A_948 : vector<16xi32>
      %parallel_loop3A_950 = arith.constant 0 : i32
      %parallel_loop3A_951 = vector.broadcast %parallel_loop3A_950 : i32 to vector<16xi32>
      %parallel_loop3A_952 = arith.cmpi eq, %parallel_loop3A_945, %parallel_loop3A_951 : vector<16xi32>
      %parallel_loop3A_953 = arith.constant 0 : i32
      %parallel_loop3A_954 = vector.broadcast %parallel_loop3A_953 : i32 to vector<16xi32>
      %parallel_loop3A_955 = arith.cmpi eq, %parallel_loop3A_949, %parallel_loop3A_954 : vector<16xi32>
      %parallel_loop3A_956 = arith.index_cast %parallel_loop3A_932 : i32 to index
      %parallel_loop3A_957 = arith.constant 0 : index
      %parallel_loop3A_958 = tpu.vector_load %arg13[%parallel_loop3A_956, %parallel_loop3A_957] {strides = array<i32>} : memref<256x128xf32, #tpu.memory_space<vmem>>, vector<16xf32>,
      %parallel_loop3A_959 = arith.index_cast %parallel_loop3A_932 : i32 to index
      %parallel_loop3A_960 = arith.constant 64 : index
      %parallel_loop3A_961 = tpu.vector_load %arg13[%parallel_loop3A_959, %parallel_loop3A_960] {strides = array<i32>} : memref<256x128xf32, #tpu.memory_space<vmem>>, vector<16xf32>,
      %parallel_loop3A_962 = arith.select %parallel_loop3A_952, %parallel_loop3A_958, %parallel_loop3A_961 : vector<16xi1>, vector<16xf32>
      %parallel_loop3A_963 = arith.index_cast %parallel_loop3A_932 : i32 to index
      %parallel_loop3A_964 = arith.constant 0 : index
      %parallel_loop3A_965 = tpu.vector_load %arg14[%parallel_loop3A_963, %parallel_loop3A_964] {strides = array<i32>} : memref<256x128xf32, #tpu.memory_space<vmem>>, vector<16xf32>,
      %parallel_loop3A_966 = arith.index_cast %parallel_loop3A_932 : i32 to index
      %parallel_loop3A_967 = arith.constant 64 : index
      %parallel_loop3A_968 = tpu.vector_load %arg14[%parallel_loop3A_966, %parallel_loop3A_967] {strides = array<i32>} : memref<256x128xf32, #tpu.memory_space<vmem>>, vector<16xf32>,
      %parallel_loop3A_969 = arith.select %parallel_loop3A_955, %parallel_loop3A_965, %parallel_loop3A_968 : vector<16xi1>, vector<16xf32>
      %parallel_loop3A_970 = arith.mulf %parallel_loop3A_962, %parallel_loop3A_969 : vector<16xf32>
      %parallel_loop3A_971 = arith.mulf %parallel_loop3A_970, %get3A_707 : vector<16xf32>
      %parallel_loop3A_972 = arith.mulf %parallel_loop3A_970, %get3A_715 : vector<16xf32>
      %parallel_loop3A_973 = arith.mulf %parallel_loop3A_970, %get3A_723 : vector<16xf32>
      %parallel_loop3A_974 = arith.mulf %parallel_loop3A_970, %get3A_731 : vector<16xf32>
      %parallel_loop3A_975 = arith.mulf %parallel_loop3A_970, %get3A_739 : vector<16xf32>
      %parallel_loop3A_976 = arith.index_cast %parallel_loop3A_932 : i32 to index
      %parallel_loop3A_977 = arith.constant 16 : index
      %parallel_loop3A_978 = tpu.vector_load %arg13[%parallel_loop3A_976, %parallel_loop3A_977] {strides = array<i32>} : memref<256x128xf32, #tpu.memory_space<vmem>>, vector<16xf32>,
      %parallel_loop3A_979 = arith.index_cast %parallel_loop3A_932 : i32 to index
      %parallel_loop3A_980 = arith.constant 80 : index
      %parallel_loop3A_981 = tpu.vector_load %arg13[%parallel_loop3A_979, %parallel_loop3A_980] {strides = array<i32>} : memref<256x128xf32, #tpu.memory_space<vmem>>, vector<16xf32>,
      %parallel_loop3A_982 = arith.select %parallel_loop3A_952, %parallel_loop3A_978, %parallel_loop3A_981 : vector<16xi1>, vector<16xf32>
      %parallel_loop3A_983 = arith.index_cast %parallel_loop3A_932 : i32 to index
      %parallel_loop3A_984 = arith.constant 16 : index
      %parallel_loop3A_985 = tpu.vector_load %arg14[%parallel_loop3A_983, %parallel_loop3A_984] {strides = array<i32>} : memref<256x128xf32, #tpu.memory_space<vmem>>, vector<16xf32>,
      %parallel_loop3A_986 = arith.index_cast %parallel_loop3A_932 : i32 to index
      %parallel_loop3A_987 = arith.constant 80 : index
      %parallel_loop3A_988 = tpu.vector_load %arg14[%parallel_loop3A_986, %parallel_loop3A_987] {strides = array<i32>} : memref<256x128xf32, #tpu.memory_space<vmem>>, vector<16xf32>,
      %parallel_loop3A_989 = arith.select %parallel_loop3A_955, %parallel_loop3A_985, %parallel_loop3A_988 : vector<16xi1>, vector<16xf32>
      %parallel_loop3A_990 = arith.mulf %parallel_loop3A_982, %parallel_loop3A_989 : vector<16xf32>
      %parallel_loop3A_991 = arith.mulf %parallel_loop3A_990, %get3A_709 : vector<16xf32>
      %parallel_loop3A_992 = arith.addf %parallel_loop3A_971, %parallel_loop3A_991 : vector<16xf32>
      %parallel_loop3A_993 = arith.mulf %parallel_loop3A_990, %get3A_717 : vector<16xf32>
      %parallel_loop3A_994 = arith.addf %parallel_loop3A_972, %parallel_loop3A_993 : vector<16xf32>
      %parallel_loop3A_995 = arith.mulf %parallel_loop3A_990, %get3A_725 : vector<16xf32>
      %parallel_loop3A_996 = arith.addf %parallel_loop3A_973, %parallel_loop3A_995 : vector<16xf32>
      %parallel_loop3A_997 = arith.mulf %parallel_loop3A_990, %get3A_733 : vector<16xf32>
      %parallel_loop3A_998 = arith.addf %parallel_loop3A_974, %parallel_loop3A_997 : vector<16xf32>
      %parallel_loop3A_999 = arith.mulf %parallel_loop3A_990, %get3A_741 : vector<16xf32>
      %parallel_loop3A_1000 = arith.addf %parallel_loop3A_975, %parallel_loop3A_999 : vector<16xf32>
      %parallel_loop3A_1001 = arith.index_cast %parallel_loop3A_932 : i32 to index
      %parallel_loop3A_1002 = arith.constant 32 : index
      %parallel_loop3A_1003 = tpu.vector_load %arg13[%parallel_loop3A_1001, %parallel_loop3A_1002] {strides = array<i32>} : memref<256x128xf32, #tpu.memory_space<vmem>>, vector<16xf32>,
      %parallel_loop3A_1004 = arith.index_cast %parallel_loop3A_932 : i32 to index
      %parallel_loop3A_1005 = arith.constant 96 : index
      %parallel_loop3A_1006 = tpu.vector_load %arg13[%parallel_loop3A_1004, %parallel_loop3A_1005] {strides = array<i32>} : memref<256x128xf32, #tpu.memory_space<vmem>>, vector<16xf32>,
      %parallel_loop3A_1007 = arith.select %parallel_loop3A_952, %parallel_loop3A_1003, %parallel_loop3A_1006 : vector<16xi1>, vector<16xf32>
      %parallel_loop3A_1008 = arith.index_cast %parallel_loop3A_932 : i32 to index
      %parallel_loop3A_1009 = arith.constant 32 : index
      %parallel_loop3A_1010 = tpu.vector_load %arg14[%parallel_loop3A_1008, %parallel_loop3A_1009] {strides = array<i32>} : memref<256x128xf32, #tpu.memory_space<vmem>>, vector<16xf32>,
      %parallel_loop3A_1011 = arith.index_cast %parallel_loop3A_932 : i32 to index
      %parallel_loop3A_1012 = arith.constant 96 : index
      %parallel_loop3A_1013 = tpu.vector_load %arg14[%parallel_loop3A_1011, %parallel_loop3A_1012] {strides = array<i32>} : memref<256x128xf32, #tpu.memory_space<vmem>>, vector<16xf32>,
      %parallel_loop3A_1014 = arith.select %parallel_loop3A_955, %parallel_loop3A_1010, %parallel_loop3A_1013 : vector<16xi1>, vector<16xf32>
      %parallel_loop3A_1015 = arith.mulf %parallel_loop3A_1007, %parallel_loop3A_1014 : vector<16xf32>
      %parallel_loop3A_1016 = arith.mulf %parallel_loop3A_1015, %get3A_711 : vector<16xf32>
      %parallel_loop3A_1017 = arith.addf %parallel_loop3A_992, %parallel_loop3A_1016 : vector<16xf32>
      %parallel_loop3A_1018 = arith.mulf %parallel_loop3A_1015, %get3A_719 : vector<16xf32>
      %parallel_loop3A_1019 = arith.addf %parallel_loop3A_994, %parallel_loop3A_1018 : vector<16xf32>
      %parallel_loop3A_1020 = arith.mulf %parallel_loop3A_1015, %get3A_727 : vector<16xf32>
      %parallel_loop3A_1021 = arith.addf %parallel_loop3A_996, %parallel_loop3A_1020 : vector<16xf32>
      %parallel_loop3A_1022 = arith.mulf %parallel_loop3A_1015, %get3A_735 : vector<16xf32>
      %parallel_loop3A_1023 = arith.addf %parallel_loop3A_998, %parallel_loop3A_1022 : vector<16xf32>
      %parallel_loop3A_1024 = arith.mulf %parallel_loop3A_1015, %get3A_743 : vector<16xf32>
      %parallel_loop3A_1025 = arith.addf %parallel_loop3A_1000, %parallel_loop3A_1024 : vector<16xf32>
      %parallel_loop3A_1026 = arith.index_cast %parallel_loop3A_932 : i32 to index
      %parallel_loop3A_1027 = arith.constant 48 : index
      %parallel_loop3A_1028 = tpu.vector_load %arg13[%parallel_loop3A_1026, %parallel_loop3A_1027] {strides = array<i32>} : memref<256x128xf32, #tpu.memory_space<vmem>>, vector<16xf32>,
      %parallel_loop3A_1029 = arith.index_cast %parallel_loop3A_932 : i32 to index
      %parallel_loop3A_1030 = arith.constant 112 : index
      %parallel_loop3A_1031 = tpu.vector_load %arg13[%parallel_loop3A_1029, %parallel_loop3A_1030] {strides = array<i32>} : memref<256x128xf32, #tpu.memory_space<vmem>>, vector<16xf32>,
      %parallel_loop3A_1032 = arith.select %parallel_loop3A_952, %parallel_loop3A_1028, %parallel_loop3A_1031 : vector<16xi1>, vector<16xf32>
      %parallel_loop3A_1033 = arith.index_cast %parallel_loop3A_932 : i32 to index
      %parallel_loop3A_1034 = arith.constant 48 : index
      %parallel_loop3A_1035 = tpu.vector_load %arg14[%parallel_loop3A_1033, %parallel_loop3A_1034] {strides = array<i32>} : memref<256x128xf32, #tpu.memory_space<vmem>>, vector<16xf32>,
      %parallel_loop3A_1036 = arith.index_cast %parallel_loop3A_932 : i32 to index
      %parallel_loop3A_1037 = arith.constant 112 : index
      %parallel_loop3A_1038 = tpu.vector_load %arg14[%parallel_loop3A_1036, %parallel_loop3A_1037] {strides = array<i32>} : memref<256x128xf32, #tpu.memory_space<vmem>>, vector<16xf32>,
      %parallel_loop3A_1039 = arith.select %parallel_loop3A_955, %parallel_loop3A_1035, %parallel_loop3A_1038 : vector<16xi1>, vector<16xf32>
      %parallel_loop3A_1040 = arith.mulf %parallel_loop3A_1032, %parallel_loop3A_1039 : vector<16xf32>
      %parallel_loop3A_1041 = arith.mulf %parallel_loop3A_1040, %get3A_713 : vector<16xf32>
      %parallel_loop3A_1042 = arith.addf %parallel_loop3A_1017, %parallel_loop3A_1041 : vector<16xf32>
      %parallel_loop3A_1043 = arith.mulf %parallel_loop3A_1040, %get3A_721 : vector<16xf32>
      %parallel_loop3A_1044 = arith.addf %parallel_loop3A_1019, %parallel_loop3A_1043 : vector<16xf32>
      %parallel_loop3A_1045 = arith.mulf %parallel_loop3A_1040, %get3A_729 : vector<16xf32>
      %parallel_loop3A_1046 = arith.addf %parallel_loop3A_1021, %parallel_loop3A_1045 : vector<16xf32>
      %parallel_loop3A_1047 = arith.mulf %parallel_loop3A_1040, %get3A_737 : vector<16xf32>
      %parallel_loop3A_1048 = arith.addf %parallel_loop3A_1023, %parallel_loop3A_1047 : vector<16xf32>
      %parallel_loop3A_1049 = arith.mulf %parallel_loop3A_1040, %get3A_745 : vector<16xf32>
      %parallel_loop3A_1050 = arith.addf %parallel_loop3A_1025, %parallel_loop3A_1049 : vector<16xf32>
      %parallel_loop3A_1051 = vector.broadcast %parallel_loop3A_932 : i32 to vector<16xi32>
      %parallel_loop3A_1052 = arith.constant true
      %parallel_loop3A_1053 = vector.broadcast %parallel_loop3A_1052 : i1 to vector<16xi1>
      %parallel_loop3A_1054 = tpu.scan <sum>, %parallel_loop3A_1042 masked %parallel_loop3A_1053 : vector<16xf32>, vector<16xi1> -> vector<16xf32>
      %parallel_loop3A_1055 = arith.addf %parallel_loop3A_1054, %get3A_747 : vector<16xf32>
      %parallel_loop3A_1056 = arith.constant 0.000000e+00 : f32
      %parallel_loop3A_1057 = vector.broadcast %parallel_loop3A_1056 : f32 to vector<16xf32>
      %parallel_loop3A_1058 = arith.subf %parallel_loop3A_1057, %parallel_loop3A_1055 : vector<16xf32>
      %parallel_loop3A_1059 = math.exp %parallel_loop3A_1058 : vector<16xf32>
      %parallel_loop3A_1060 = arith.constant 1.000000e+00 : f32
      %parallel_loop3A_1061 = vector.broadcast %parallel_loop3A_1060 : f32 to vector<16xf32>
      %parallel_loop3A_1062 = arith.addf %parallel_loop3A_1061, %parallel_loop3A_1059 : vector<16xf32>
      %parallel_loop3A_1063 = arith.constant 1.000000e+00 : f32
      %parallel_loop3A_1064 = vector.broadcast %parallel_loop3A_1063 : f32 to vector<16xf32>
      %parallel_loop3A_1065 = arith.divf %parallel_loop3A_1064, %parallel_loop3A_1062 : vector<16xf32>
      tpu.vector_store_idx %arg17[%parallel_loop3A_1051, %broadcast_in_dim3A_756], %parallel_loop3A_1065 masked %eq3A_705 : memref<256x5xf32, #tpu.memory_space<vmem>>[vector<16xi32>, vector<16xi32>], vector<16xf32>, vector<16xi1>
      %parallel_loop3A_1066 = arith.constant true
      %parallel_loop3A_1067 = vector.broadcast %parallel_loop3A_1066 : i1 to vector<16xi1>
      %parallel_loop3A_1068 = tpu.scan <sum>, %parallel_loop3A_1044 masked %parallel_loop3A_1067 : vector<16xf32>, vector<16xi1> -> vector<16xf32>
      %parallel_loop3A_1069 = arith.addf %parallel_loop3A_1068, %get3A_749 : vector<16xf32>
      %parallel_loop3A_1070 = arith.constant 0.000000e+00 : f32
      %parallel_loop3A_1071 = vector.broadcast %parallel_loop3A_1070 : f32 to vector<16xf32>
      %parallel_loop3A_1072 = arith.subf %parallel_loop3A_1071, %parallel_loop3A_1069 : vector<16xf32>
      %parallel_loop3A_1073 = math.exp %parallel_loop3A_1072 : vector<16xf32>
      %parallel_loop3A_1074 = arith.constant 1.000000e+00 : f32
      %parallel_loop3A_1075 = vector.broadcast %parallel_loop3A_1074 : f32 to vector<16xf32>
      %parallel_loop3A_1076 = arith.addf %parallel_loop3A_1075, %parallel_loop3A_1073 : vector<16xf32>
      %parallel_loop3A_1077 = arith.constant 1.000000e+00 : f32
      %parallel_loop3A_1078 = vector.broadcast %parallel_loop3A_1077 : f32 to vector<16xf32>
      %parallel_loop3A_1079 = arith.divf %parallel_loop3A_1078, %parallel_loop3A_1076 : vector<16xf32>
      tpu.vector_store_idx %arg17[%parallel_loop3A_1051, %broadcast_in_dim3A_758], %parallel_loop3A_1079 masked %eq3A_705 : memref<256x5xf32, #tpu.memory_space<vmem>>[vector<16xi32>, vector<16xi32>], vector<16xf32>, vector<16xi1>
      %parallel_loop3A_1080 = arith.constant true
      %parallel_loop3A_1081 = vector.broadcast %parallel_loop3A_1080 : i1 to vector<16xi1>
      %parallel_loop3A_1082 = tpu.scan <sum>, %parallel_loop3A_1046 masked %parallel_loop3A_1081 : vector<16xf32>, vector<16xi1> -> vector<16xf32>
      %parallel_loop3A_1083 = arith.addf %parallel_loop3A_1082, %get3A_751 : vector<16xf32>
      %parallel_loop3A_1084 = arith.constant 0.000000e+00 : f32
      %parallel_loop3A_1085 = vector.broadcast %parallel_loop3A_1084 : f32 to vector<16xf32>
      %parallel_loop3A_1086 = arith.subf %parallel_loop3A_1085, %parallel_loop3A_1083 : vector<16xf32>
      %parallel_loop3A_1087 = math.exp %parallel_loop3A_1086 : vector<16xf32>
      %parallel_loop3A_1088 = arith.constant 1.000000e+00 : f32
      %parallel_loop3A_1089 = vector.broadcast %parallel_loop3A_1088 : f32 to vector<16xf32>
      %parallel_loop3A_1090 = arith.addf %parallel_loop3A_1089, %parallel_loop3A_1087 : vector<16xf32>
      %parallel_loop3A_1091 = arith.constant 1.000000e+00 : f32
      %parallel_loop3A_1092 = vector.broadcast %parallel_loop3A_1091 : f32 to vector<16xf32>
      %parallel_loop3A_1093 = arith.divf %parallel_loop3A_1092, %parallel_loop3A_1090 : vector<16xf32>
      tpu.vector_store_idx %arg17[%parallel_loop3A_1051, %broadcast_in_dim3A_760], %parallel_loop3A_1093 masked %eq3A_705 : memref<256x5xf32, #tpu.memory_space<vmem>>[vector<16xi32>, vector<16xi32>], vector<16xf32>, vector<16xi1>
      %parallel_loop3A_1094 = arith.constant true
      %parallel_loop3A_1095 = vector.broadcast %parallel_loop3A_1094 : i1 to vector<16xi1>
      %parallel_loop3A_1096 = tpu.scan <sum>, %parallel_loop3A_1048 masked %parallel_loop3A_1095 : vector<16xf32>, vector<16xi1> -> vector<16xf32>
      %parallel_loop3A_1097 = arith.addf %parallel_loop3A_1096, %get3A_753 : vector<16xf32>
      %parallel_loop3A_1098 = arith.constant 0.000000e+00 : f32
      %parallel_loop3A_1099 = vector.broadcast %parallel_loop3A_1098 : f32 to vector<16xf32>
      %parallel_loop3A_1100 = arith.subf %parallel_loop3A_1099, %parallel_loop3A_1097 : vector<16xf32>
      %parallel_loop3A_1101 = math.exp %parallel_loop3A_1100 : vector<16xf32>
      %parallel_loop3A_1102 = arith.constant 1.000000e+00 : f32
      %parallel_loop3A_1103 = vector.broadcast %parallel_loop3A_1102 : f32 to vector<16xf32>
      %parallel_loop3A_1104 = arith.addf %parallel_loop3A_1103, %parallel_loop3A_1101 : vector<16xf32>
      %parallel_loop3A_1105 = arith.constant 1.000000e+00 : f32
      %parallel_loop3A_1106 = vector.broadcast %parallel_loop3A_1105 : f32 to vector<16xf32>
      %parallel_loop3A_1107 = arith.divf %parallel_loop3A_1106, %parallel_loop3A_1104 : vector<16xf32>
      tpu.vector_store_idx %arg17[%parallel_loop3A_1051, %broadcast_in_dim3A_762], %parallel_loop3A_1107 masked %eq3A_705 : memref<256x5xf32, #tpu.memory_space<vmem>>[vector<16xi32>, vector<16xi32>], vector<16xf32>, vector<16xi1>
      %parallel_loop3A_1108 = arith.constant true
      %parallel_loop3A_1109 = vector.broadcast %parallel_loop3A_1108 : i1 to vector<16xi1>
      %parallel_loop3A_1110 = tpu.scan <sum>, %parallel_loop3A_1050 masked %parallel_loop3A_1109 : vector<16xf32>, vector<16xi1> -> vector<16xf32>
      %parallel_loop3A_1111 = arith.addf %parallel_loop3A_1110, %get3A_755 : vector<16xf32>
      %parallel_loop3A_1112 = arith.constant 0.000000e+00 : f32
      %parallel_loop3A_1113 = vector.broadcast %parallel_loop3A_1112 : f32 to vector<16xf32>
      %parallel_loop3A_1114 = arith.subf %parallel_loop3A_1113, %parallel_loop3A_1111 : vector<16xf32>
      %parallel_loop3A_1115 = math.exp %parallel_loop3A_1114 : vector<16xf32>
      %parallel_loop3A_1116 = arith.constant 1.000000e+00 : f32
      %parallel_loop3A_1117 = vector.broadcast %parallel_loop3A_1116 : f32 to vector<16xf32>
      %parallel_loop3A_1118 = arith.addf %parallel_loop3A_1117, %parallel_loop3A_1115 : vector<16xf32>
      %parallel_loop3A_1119 = arith.constant 1.000000e+00 : f32
      %parallel_loop3A_1120 = vector.broadcast %parallel_loop3A_1119 : f32 to vector<16xf32>
      %parallel_loop3A_1121 = arith.divf %parallel_loop3A_1120, %parallel_loop3A_1118 : vector<16xf32>
      tpu.vector_store_idx %arg17[%parallel_loop3A_1051, %broadcast_in_dim3A_764], %parallel_loop3A_1121 masked %eq3A_705 : memref<256x5xf32, #tpu.memory_space<vmem>>[vector<16xi32>, vector<16xi32>], vector<16xf32>, vector<16xi1>
    } {sc.loop_unroll_factor = 1 : i64, sc.parallel_access}
    %add3A_845 = arith.constant 0 : i32
    %add3A_846 = arith.addi %mul3A_2, %add3A_845 : i32
    "tpu.region"() ({
      %run_scoped3A = tpu.sem_alloc : memref<!tpu.dma_semaphore, #tpu.memory_space<semaphore_mem>>
      %dma_start3A_932 = arith.constant 0 : i32
      %dma_start3A_933 = tpu.memref_slice %arg8[%add3A_846, %dma_start3A_932] : memref<16384x5xf32, #tpu.memory_space<hbm>> -> memref<256x5xf32, #tpu.memory_space<hbm>>
      %dma_start3A_934 = arith.constant 0 : i32
      %dma_start3A_935 = tpu.memref_slice %arg8[%add3A_846, %dma_start3A_934] : memref<16384x5xf32, #tpu.memory_space<hbm>> -> memref<256x5xf32, #tpu.memory_space<hbm>>
      tpu.enqueue_dma source(%arg17 : memref<256x5xf32, #tpu.memory_space<vmem>>) target(%dma_start3A_935 : memref<256x5xf32, #tpu.memory_space<hbm>>) target_semaphore(%run_scoped3A : memref<!tpu.dma_semaphore, #tpu.memory_space<semaphore_mem>>)
      %dma_wait3A_936 = arith.constant 0 : i32
      %dma_wait3A_937 = tpu.memref_slice %arg8[%add3A_846, %dma_wait3A_936] : memref<16384x5xf32, #tpu.memory_space<hbm>> -> memref<256x5xf32, #tpu.memory_space<hbm>>
      %dma_wait3A_938 = arith.constant 0 : i32
      %dma_wait3A_939 = tpu.memref_slice %arg8[%add3A_846, %dma_wait3A_938] : memref<16384x5xf32, #tpu.memory_space<hbm>> -> memref<256x5xf32, #tpu.memory_space<hbm>>
      tpu.wait_dma2 semaphore(%run_scoped3A : memref<!tpu.dma_semaphore, #tpu.memory_space<semaphore_mem>>) src(%arg17 : memref<256x5xf32, #tpu.memory_space<vmem>>) dst(%dma_wait3A_939 : memref<256x5xf32, #tpu.memory_space<hbm>>)
      tpu.yield
    }) : () -> ()
    %dma_start3A_847 = arith.constant 2 : i32
    %dma_start3A_848 = arith.constant 0 : i32
    %dma_start3A_849 = arith.constant 0 : i32
    %dma_start3A_850 = tpu.memref_slice %arg13[%dma_start3A_848, %dma_start3A_849] : memref<256x128xf32, #tpu.memory_space<vmem>> -> memref<128x128xf32, #tpu.memory_space<vmem>>
    %dma_start3A_851 = arith.constant 0 : i32
    %dma_start3A_852 = tpu.memref_slice %arg11[%dma_start3A_847, %dma_start3A_851] : memref<4x128xi32, #tpu.memory_space<vmem>> -> memref<1x128xi32, #tpu.memory_space<vmem>>
    %dma_start3A_853 = tpu.memref_squeeze %dma_start3A_852 : memref<1x128xi32, #tpu.memory_space<vmem>> -> memref<128xi32, #tpu.memory_space<vmem>>
    %dma_start3A_854 = arith.constant 0 : i32
    %dma_start3A_855 = arith.constant 0 : i32
    %dma_start3A_856 = tpu.memref_slice %arg4[%dma_start3A_854, %dma_start3A_855] : memref<50048x128xf32, #tpu.memory_space<hbm>> -> memref<50048x128xf32, #tpu.memory_space<hbm>>
    tpu.enqueue_indirect_dma source(%dma_start3A_856 : memref<50048x128xf32, #tpu.memory_space<hbm>>) target(%dma_start3A_850 : memref<128x128xf32, #tpu.memory_space<vmem>>) offsets(%dma_start3A_853 : memref<128xi32, #tpu.memory_space<vmem>>) semaphore(%arg18 : memref<!tpu.dma_semaphore, #tpu.memory_space<semaphore_mem>>)
    %dma_start3A_857 = arith.constant 2 : i32
    %dma_start3A_858 = arith.constant 0 : i32
    %dma_start3A_859 = arith.constant 0 : i32
    %dma_start3A_860 = tpu.memref_slice %arg14[%dma_start3A_858, %dma_start3A_859] : memref<256x128xf32, #tpu.memory_space<vmem>> -> memref<128x128xf32, #tpu.memory_space<vmem>>
    %dma_start3A_861 = arith.constant 0 : i32
    %dma_start3A_862 = tpu.memref_slice %arg12[%dma_start3A_857, %dma_start3A_861] : memref<4x128xi32, #tpu.memory_space<vmem>> -> memref<1x128xi32, #tpu.memory_space<vmem>>
    %dma_start3A_863 = tpu.memref_squeeze %dma_start3A_862 : memref<1x128xi32, #tpu.memory_space<vmem>> -> memref<128xi32, #tpu.memory_space<vmem>>
    %dma_start3A_864 = arith.constant 0 : i32
    %dma_start3A_865 = arith.constant 0 : i32
    %dma_start3A_866 = tpu.memref_slice %arg5[%dma_start3A_864, %dma_start3A_865] : memref<50048x128xf32, #tpu.memory_space<hbm>> -> memref<50048x128xf32, #tpu.memory_space<hbm>>
    tpu.enqueue_indirect_dma source(%dma_start3A_866 : memref<50048x128xf32, #tpu.memory_space<hbm>>) target(%dma_start3A_860 : memref<128x128xf32, #tpu.memory_space<vmem>>) offsets(%dma_start3A_863 : memref<128xi32, #tpu.memory_space<vmem>>) semaphore(%arg18 : memref<!tpu.dma_semaphore, #tpu.memory_space<semaphore_mem>>)
    %dma_start3A_867 = arith.constant 3 : i32
    %dma_start3A_868 = arith.constant 128 : i32
    %dma_start3A_869 = arith.constant 0 : i32
    %dma_start3A_870 = tpu.memref_slice %arg13[%dma_start3A_868, %dma_start3A_869] : memref<256x128xf32, #tpu.memory_space<vmem>> -> memref<128x128xf32, #tpu.memory_space<vmem>>
    %dma_start3A_871 = arith.constant 0 : i32
    %dma_start3A_872 = tpu.memref_slice %arg11[%dma_start3A_867, %dma_start3A_871] : memref<4x128xi32, #tpu.memory_space<vmem>> -> memref<1x128xi32, #tpu.memory_space<vmem>>
    %dma_start3A_873 = tpu.memref_squeeze %dma_start3A_872 : memref<1x128xi32, #tpu.memory_space<vmem>> -> memref<128xi32, #tpu.memory_space<vmem>>
    %dma_start3A_874 = arith.constant 0 : i32
    %dma_start3A_875 = arith.constant 0 : i32
    %dma_start3A_876 = tpu.memref_slice %arg4[%dma_start3A_874, %dma_start3A_875] : memref<50048x128xf32, #tpu.memory_space<hbm>> -> memref<50048x128xf32, #tpu.memory_space<hbm>>
    tpu.enqueue_indirect_dma source(%dma_start3A_876 : memref<50048x128xf32, #tpu.memory_space<hbm>>) target(%dma_start3A_870 : memref<128x128xf32, #tpu.memory_space<vmem>>) offsets(%dma_start3A_873 : memref<128xi32, #tpu.memory_space<vmem>>) semaphore(%arg18 : memref<!tpu.dma_semaphore, #tpu.memory_space<semaphore_mem>>)
    %dma_start3A_877 = arith.constant 3 : i32
    %dma_start3A_878 = arith.constant 128 : i32
    %dma_start3A_879 = arith.constant 0 : i32
    %dma_start3A_880 = tpu.memref_slice %arg14[%dma_start3A_878, %dma_start3A_879] : memref<256x128xf32, #tpu.memory_space<vmem>> -> memref<128x128xf32, #tpu.memory_space<vmem>>
    %dma_start3A_881 = arith.constant 0 : i32
    %dma_start3A_882 = tpu.memref_slice %arg12[%dma_start3A_877, %dma_start3A_881] : memref<4x128xi32, #tpu.memory_space<vmem>> -> memref<1x128xi32, #tpu.memory_space<vmem>>
    %dma_start3A_883 = tpu.memref_squeeze %dma_start3A_882 : memref<1x128xi32, #tpu.memory_space<vmem>> -> memref<128xi32, #tpu.memory_space<vmem>>
    %dma_start3A_884 = arith.constant 0 : i32
    %dma_start3A_885 = arith.constant 0 : i32
    %dma_start3A_886 = tpu.memref_slice %arg5[%dma_start3A_884, %dma_start3A_885] : memref<50048x128xf32, #tpu.memory_space<hbm>> -> memref<50048x128xf32, #tpu.memory_space<hbm>>
    tpu.enqueue_indirect_dma source(%dma_start3A_886 : memref<50048x128xf32, #tpu.memory_space<hbm>>) target(%dma_start3A_880 : memref<128x128xf32, #tpu.memory_space<vmem>>) offsets(%dma_start3A_883 : memref<128xi32, #tpu.memory_space<vmem>>) semaphore(%arg18 : memref<!tpu.dma_semaphore, #tpu.memory_space<semaphore_mem>>)
    %dma_wait3A_887 = arith.constant 2 : i32
    %dma_wait3A_888 = arith.constant 0 : i32
    %dma_wait3A_889 = arith.constant 0 : i32
    %dma_wait3A_890 = tpu.memref_slice %arg13[%dma_wait3A_888, %dma_wait3A_889] : memref<256x128xf32, #tpu.memory_space<vmem>> -> memref<128x128xf32, #tpu.memory_space<vmem>>
    %dma_wait3A_891 = arith.constant 0 : i32
    %dma_wait3A_892 = tpu.memref_slice %arg11[%dma_wait3A_887, %dma_wait3A_891] : memref<4x128xi32, #tpu.memory_space<vmem>> -> memref<1x128xi32, #tpu.memory_space<vmem>>
    %dma_wait3A_893 = tpu.memref_squeeze %dma_wait3A_892 : memref<1x128xi32, #tpu.memory_space<vmem>> -> memref<128xi32, #tpu.memory_space<vmem>>
    %dma_wait3A_894 = arith.constant 0 : i32
    %dma_wait3A_895 = arith.constant 0 : i32
    %dma_wait3A_896 = tpu.memref_slice %arg4[%dma_wait3A_894, %dma_wait3A_895] : memref<50048x128xf32, #tpu.memory_space<hbm>> -> memref<50048x128xf32, #tpu.memory_space<hbm>>
    tpu.wait_indirect_dma semaphore(%arg18 : memref<!tpu.dma_semaphore, #tpu.memory_space<semaphore_mem>>) src(%dma_wait3A_896 : memref<50048x128xf32, #tpu.memory_space<hbm>>) dst(%dma_wait3A_890 : memref<128x128xf32, #tpu.memory_space<vmem>>)
    %dma_wait3A_897 = arith.constant 2 : i32
    %dma_wait3A_898 = arith.constant 0 : i32
    %dma_wait3A_899 = arith.constant 0 : i32
    %dma_wait3A_900 = tpu.memref_slice %arg14[%dma_wait3A_898, %dma_wait3A_899] : memref<256x128xf32, #tpu.memory_space<vmem>> -> memref<128x128xf32, #tpu.memory_space<vmem>>
    %dma_wait3A_901 = arith.constant 0 : i32
    %dma_wait3A_902 = tpu.memref_slice %arg12[%dma_wait3A_897, %dma_wait3A_901] : memref<4x128xi32, #tpu.memory_space<vmem>> -> memref<1x128xi32, #tpu.memory_space<vmem>>
    %dma_wait3A_903 = tpu.memref_squeeze %dma_wait3A_902 : memref<1x128xi32, #tpu.memory_space<vmem>> -> memref<128xi32, #tpu.memory_space<vmem>>
    %dma_wait3A_904 = arith.constant 0 : i32
    %dma_wait3A_905 = arith.constant 0 : i32
    %dma_wait3A_906 = tpu.memref_slice %arg5[%dma_wait3A_904, %dma_wait3A_905] : memref<50048x128xf32, #tpu.memory_space<hbm>> -> memref<50048x128xf32, #tpu.memory_space<hbm>>
    tpu.wait_indirect_dma semaphore(%arg18 : memref<!tpu.dma_semaphore, #tpu.memory_space<semaphore_mem>>) src(%dma_wait3A_906 : memref<50048x128xf32, #tpu.memory_space<hbm>>) dst(%dma_wait3A_900 : memref<128x128xf32, #tpu.memory_space<vmem>>)
    %dma_wait3A_907 = arith.constant 3 : i32
    %dma_wait3A_908 = arith.constant 128 : i32
    %dma_wait3A_909 = arith.constant 0 : i32
    %dma_wait3A_910 = tpu.memref_slice %arg13[%dma_wait3A_908, %dma_wait3A_909] : memref<256x128xf32, #tpu.memory_space<vmem>> -> memref<128x128xf32, #tpu.memory_space<vmem>>
    %dma_wait3A_911 = arith.constant 0 : i32
    %dma_wait3A_912 = tpu.memref_slice %arg11[%dma_wait3A_907, %dma_wait3A_911] : memref<4x128xi32, #tpu.memory_space<vmem>> -> memref<1x128xi32, #tpu.memory_space<vmem>>
    %dma_wait3A_913 = tpu.memref_squeeze %dma_wait3A_912 : memref<1x128xi32, #tpu.memory_space<vmem>> -> memref<128xi32, #tpu.memory_space<vmem>>
    %dma_wait3A_914 = arith.constant 0 : i32
    %dma_wait3A_915 = arith.constant 0 : i32
    %dma_wait3A_916 = tpu.memref_slice %arg4[%dma_wait3A_914, %dma_wait3A_915] : memref<50048x128xf32, #tpu.memory_space<hbm>> -> memref<50048x128xf32, #tpu.memory_space<hbm>>
    tpu.wait_indirect_dma semaphore(%arg18 : memref<!tpu.dma_semaphore, #tpu.memory_space<semaphore_mem>>) src(%dma_wait3A_916 : memref<50048x128xf32, #tpu.memory_space<hbm>>) dst(%dma_wait3A_910 : memref<128x128xf32, #tpu.memory_space<vmem>>)
    %dma_wait3A_917 = arith.constant 3 : i32
    %dma_wait3A_918 = arith.constant 128 : i32
    %dma_wait3A_919 = arith.constant 0 : i32
    %dma_wait3A_920 = tpu.memref_slice %arg14[%dma_wait3A_918, %dma_wait3A_919] : memref<256x128xf32, #tpu.memory_space<vmem>> -> memref<128x128xf32, #tpu.memory_space<vmem>>
    %dma_wait3A_921 = arith.constant 0 : i32
    %dma_wait3A_922 = tpu.memref_slice %arg12[%dma_wait3A_917, %dma_wait3A_921] : memref<4x128xi32, #tpu.memory_space<vmem>> -> memref<1x128xi32, #tpu.memory_space<vmem>>
    %dma_wait3A_923 = tpu.memref_squeeze %dma_wait3A_922 : memref<1x128xi32, #tpu.memory_space<vmem>> -> memref<128xi32, #tpu.memory_space<vmem>>
    %dma_wait3A_924 = arith.constant 0 : i32
    %dma_wait3A_925 = arith.constant 0 : i32
    %dma_wait3A_926 = tpu.memref_slice %arg5[%dma_wait3A_924, %dma_wait3A_925] : memref<50048x128xf32, #tpu.memory_space<hbm>> -> memref<50048x128xf32, #tpu.memory_space<hbm>>
    tpu.wait_indirect_dma semaphore(%arg18 : memref<!tpu.dma_semaphore, #tpu.memory_space<semaphore_mem>>) src(%dma_wait3A_926 : memref<50048x128xf32, #tpu.memory_space<hbm>>) dst(%dma_wait3A_920 : memref<128x128xf32, #tpu.memory_space<vmem>>)
    %parallel_loop3A_927 = arith.constant 0 : i32
    %parallel_loop3A_928 = arith.constant 256 : i32
    %parallel_loop3A_929 = arith.constant 1 : i32
    scf.for %parallel_loop3A_932 = %parallel_loop3A_927 to %parallel_loop3A_928 step %parallel_loop3A_929  : i32 {
      %parallel_loop3A_933 = arith.constant 2 : i32
      %parallel_loop3A_934 = vector.broadcast %parallel_loop3A_933 : i32 to vector<16xi32>
      %parallel_loop3A_935 = arith.constant 7 : i32
      %parallel_loop3A_936 = arith.shrui %parallel_loop3A_932, %parallel_loop3A_935 : i32
      %parallel_loop3A_937 = vector.broadcast %parallel_loop3A_936 : i32 to vector<16xi32>
      %parallel_loop3A_938 = arith.addi %parallel_loop3A_934, %parallel_loop3A_937 : vector<16xi32>
      %parallel_loop3A_939 = arith.constant 127 : i32
      %parallel_loop3A_940 = arith.andi %parallel_loop3A_932, %parallel_loop3A_939 : i32
      %parallel_loop3A_941 = vector.broadcast %parallel_loop3A_940 : i32 to vector<16xi32>
      %parallel_loop3A_942 = tpu.vector_load_idx %arg9[%parallel_loop3A_938, %parallel_loop3A_941] : memref<4x128xi32, #tpu.memory_space<vmem>>[vector<16xi32>, vector<16xi32>], vector<16xi32>,
      %parallel_loop3A_943 = arith.constant 1 : i32
      %parallel_loop3A_944 = vector.broadcast %parallel_loop3A_943 : i32 to vector<16xi32>
      %parallel_loop3A_945 = arith.andi %parallel_loop3A_942, %parallel_loop3A_944 : vector<16xi32>
      %parallel_loop3A_946 = tpu.vector_load_idx %arg10[%parallel_loop3A_938, %parallel_loop3A_941] : memref<4x128xi32, #tpu.memory_space<vmem>>[vector<16xi32>, vector<16xi32>], vector<16xi32>,
      %parallel_loop3A_947 = arith.constant 1 : i32
      %parallel_loop3A_948 = vector.broadcast %parallel_loop3A_947 : i32 to vector<16xi32>
      %parallel_loop3A_949 = arith.andi %parallel_loop3A_946, %parallel_loop3A_948 : vector<16xi32>
      %parallel_loop3A_950 = arith.constant 0 : i32
      %parallel_loop3A_951 = vector.broadcast %parallel_loop3A_950 : i32 to vector<16xi32>
      %parallel_loop3A_952 = arith.cmpi eq, %parallel_loop3A_945, %parallel_loop3A_951 : vector<16xi32>
      %parallel_loop3A_953 = arith.constant 0 : i32
      %parallel_loop3A_954 = vector.broadcast %parallel_loop3A_953 : i32 to vector<16xi32>
      %parallel_loop3A_955 = arith.cmpi eq, %parallel_loop3A_949, %parallel_loop3A_954 : vector<16xi32>
      %parallel_loop3A_956 = arith.index_cast %parallel_loop3A_932 : i32 to index
      %parallel_loop3A_957 = arith.constant 0 : index
      %parallel_loop3A_958 = tpu.vector_load %arg13[%parallel_loop3A_956, %parallel_loop3A_957] {strides = array<i32>} : memref<256x128xf32, #tpu.memory_space<vmem>>, vector<16xf32>,
      %parallel_loop3A_959 = arith.index_cast %parallel_loop3A_932 : i32 to index
      %parallel_loop3A_960 = arith.constant 64 : index
      %parallel_loop3A_961 = tpu.vector_load %arg13[%parallel_loop3A_959, %parallel_loop3A_960] {strides = array<i32>} : memref<256x128xf32, #tpu.memory_space<vmem>>, vector<16xf32>,
      %parallel_loop3A_962 = arith.select %parallel_loop3A_952, %parallel_loop3A_958, %parallel_loop3A_961 : vector<16xi1>, vector<16xf32>
      %parallel_loop3A_963 = arith.index_cast %parallel_loop3A_932 : i32 to index
      %parallel_loop3A_964 = arith.constant 0 : index
      %parallel_loop3A_965 = tpu.vector_load %arg14[%parallel_loop3A_963, %parallel_loop3A_964] {strides = array<i32>} : memref<256x128xf32, #tpu.memory_space<vmem>>, vector<16xf32>,
      %parallel_loop3A_966 = arith.index_cast %parallel_loop3A_932 : i32 to index
      %parallel_loop3A_967 = arith.constant 64 : index
      %parallel_loop3A_968 = tpu.vector_load %arg14[%parallel_loop3A_966, %parallel_loop3A_967] {strides = array<i32>} : memref<256x128xf32, #tpu.memory_space<vmem>>, vector<16xf32>,
      %parallel_loop3A_969 = arith.select %parallel_loop3A_955, %parallel_loop3A_965, %parallel_loop3A_968 : vector<16xi1>, vector<16xf32>
      %parallel_loop3A_970 = arith.mulf %parallel_loop3A_962, %parallel_loop3A_969 : vector<16xf32>
      %parallel_loop3A_971 = arith.mulf %parallel_loop3A_970, %get3A_707 : vector<16xf32>
      %parallel_loop3A_972 = arith.mulf %parallel_loop3A_970, %get3A_715 : vector<16xf32>
      %parallel_loop3A_973 = arith.mulf %parallel_loop3A_970, %get3A_723 : vector<16xf32>
      %parallel_loop3A_974 = arith.mulf %parallel_loop3A_970, %get3A_731 : vector<16xf32>
      %parallel_loop3A_975 = arith.mulf %parallel_loop3A_970, %get3A_739 : vector<16xf32>
      %parallel_loop3A_976 = arith.index_cast %parallel_loop3A_932 : i32 to index
      %parallel_loop3A_977 = arith.constant 16 : index
      %parallel_loop3A_978 = tpu.vector_load %arg13[%parallel_loop3A_976, %parallel_loop3A_977] {strides = array<i32>} : memref<256x128xf32, #tpu.memory_space<vmem>>, vector<16xf32>,
      %parallel_loop3A_979 = arith.index_cast %parallel_loop3A_932 : i32 to index
      %parallel_loop3A_980 = arith.constant 80 : index
      %parallel_loop3A_981 = tpu.vector_load %arg13[%parallel_loop3A_979, %parallel_loop3A_980] {strides = array<i32>} : memref<256x128xf32, #tpu.memory_space<vmem>>, vector<16xf32>,
      %parallel_loop3A_982 = arith.select %parallel_loop3A_952, %parallel_loop3A_978, %parallel_loop3A_981 : vector<16xi1>, vector<16xf32>
      %parallel_loop3A_983 = arith.index_cast %parallel_loop3A_932 : i32 to index
      %parallel_loop3A_984 = arith.constant 16 : index
      %parallel_loop3A_985 = tpu.vector_load %arg14[%parallel_loop3A_983, %parallel_loop3A_984] {strides = array<i32>} : memref<256x128xf32, #tpu.memory_space<vmem>>, vector<16xf32>,
      %parallel_loop3A_986 = arith.index_cast %parallel_loop3A_932 : i32 to index
      %parallel_loop3A_987 = arith.constant 80 : index
      %parallel_loop3A_988 = tpu.vector_load %arg14[%parallel_loop3A_986, %parallel_loop3A_987] {strides = array<i32>} : memref<256x128xf32, #tpu.memory_space<vmem>>, vector<16xf32>,
      %parallel_loop3A_989 = arith.select %parallel_loop3A_955, %parallel_loop3A_985, %parallel_loop3A_988 : vector<16xi1>, vector<16xf32>
      %parallel_loop3A_990 = arith.mulf %parallel_loop3A_982, %parallel_loop3A_989 : vector<16xf32>
      %parallel_loop3A_991 = arith.mulf %parallel_loop3A_990, %get3A_709 : vector<16xf32>
      %parallel_loop3A_992 = arith.addf %parallel_loop3A_971, %parallel_loop3A_991 : vector<16xf32>
      %parallel_loop3A_993 = arith.mulf %parallel_loop3A_990, %get3A_717 : vector<16xf32>
      %parallel_loop3A_994 = arith.addf %parallel_loop3A_972, %parallel_loop3A_993 : vector<16xf32>
      %parallel_loop3A_995 = arith.mulf %parallel_loop3A_990, %get3A_725 : vector<16xf32>
      %parallel_loop3A_996 = arith.addf %parallel_loop3A_973, %parallel_loop3A_995 : vector<16xf32>
      %parallel_loop3A_997 = arith.mulf %parallel_loop3A_990, %get3A_733 : vector<16xf32>
      %parallel_loop3A_998 = arith.addf %parallel_loop3A_974, %parallel_loop3A_997 : vector<16xf32>
      %parallel_loop3A_999 = arith.mulf %parallel_loop3A_990, %get3A_741 : vector<16xf32>
      %parallel_loop3A_1000 = arith.addf %parallel_loop3A_975, %parallel_loop3A_999 : vector<16xf32>
      %parallel_loop3A_1001 = arith.index_cast %parallel_loop3A_932 : i32 to index
      %parallel_loop3A_1002 = arith.constant 32 : index
      %parallel_loop3A_1003 = tpu.vector_load %arg13[%parallel_loop3A_1001, %parallel_loop3A_1002] {strides = array<i32>} : memref<256x128xf32, #tpu.memory_space<vmem>>, vector<16xf32>,
      %parallel_loop3A_1004 = arith.index_cast %parallel_loop3A_932 : i32 to index
      %parallel_loop3A_1005 = arith.constant 96 : index
      %parallel_loop3A_1006 = tpu.vector_load %arg13[%parallel_loop3A_1004, %parallel_loop3A_1005] {strides = array<i32>} : memref<256x128xf32, #tpu.memory_space<vmem>>, vector<16xf32>,
      %parallel_loop3A_1007 = arith.select %parallel_loop3A_952, %parallel_loop3A_1003, %parallel_loop3A_1006 : vector<16xi1>, vector<16xf32>
      %parallel_loop3A_1008 = arith.index_cast %parallel_loop3A_932 : i32 to index
      %parallel_loop3A_1009 = arith.constant 32 : index
      %parallel_loop3A_1010 = tpu.vector_load %arg14[%parallel_loop3A_1008, %parallel_loop3A_1009] {strides = array<i32>} : memref<256x128xf32, #tpu.memory_space<vmem>>, vector<16xf32>,
      %parallel_loop3A_1011 = arith.index_cast %parallel_loop3A_932 : i32 to index
      %parallel_loop3A_1012 = arith.constant 96 : index
      %parallel_loop3A_1013 = tpu.vector_load %arg14[%parallel_loop3A_1011, %parallel_loop3A_1012] {strides = array<i32>} : memref<256x128xf32, #tpu.memory_space<vmem>>, vector<16xf32>,
      %parallel_loop3A_1014 = arith.select %parallel_loop3A_955, %parallel_loop3A_1010, %parallel_loop3A_1013 : vector<16xi1>, vector<16xf32>
      %parallel_loop3A_1015 = arith.mulf %parallel_loop3A_1007, %parallel_loop3A_1014 : vector<16xf32>
      %parallel_loop3A_1016 = arith.mulf %parallel_loop3A_1015, %get3A_711 : vector<16xf32>
      %parallel_loop3A_1017 = arith.addf %parallel_loop3A_992, %parallel_loop3A_1016 : vector<16xf32>
      %parallel_loop3A_1018 = arith.mulf %parallel_loop3A_1015, %get3A_719 : vector<16xf32>
      %parallel_loop3A_1019 = arith.addf %parallel_loop3A_994, %parallel_loop3A_1018 : vector<16xf32>
      %parallel_loop3A_1020 = arith.mulf %parallel_loop3A_1015, %get3A_727 : vector<16xf32>
      %parallel_loop3A_1021 = arith.addf %parallel_loop3A_996, %parallel_loop3A_1020 : vector<16xf32>
      %parallel_loop3A_1022 = arith.mulf %parallel_loop3A_1015, %get3A_735 : vector<16xf32>
      %parallel_loop3A_1023 = arith.addf %parallel_loop3A_998, %parallel_loop3A_1022 : vector<16xf32>
      %parallel_loop3A_1024 = arith.mulf %parallel_loop3A_1015, %get3A_743 : vector<16xf32>
      %parallel_loop3A_1025 = arith.addf %parallel_loop3A_1000, %parallel_loop3A_1024 : vector<16xf32>
      %parallel_loop3A_1026 = arith.index_cast %parallel_loop3A_932 : i32 to index
      %parallel_loop3A_1027 = arith.constant 48 : index
      %parallel_loop3A_1028 = tpu.vector_load %arg13[%parallel_loop3A_1026, %parallel_loop3A_1027] {strides = array<i32>} : memref<256x128xf32, #tpu.memory_space<vmem>>, vector<16xf32>,
      %parallel_loop3A_1029 = arith.index_cast %parallel_loop3A_932 : i32 to index
      %parallel_loop3A_1030 = arith.constant 112 : index
      %parallel_loop3A_1031 = tpu.vector_load %arg13[%parallel_loop3A_1029, %parallel_loop3A_1030] {strides = array<i32>} : memref<256x128xf32, #tpu.memory_space<vmem>>, vector<16xf32>,
      %parallel_loop3A_1032 = arith.select %parallel_loop3A_952, %parallel_loop3A_1028, %parallel_loop3A_1031 : vector<16xi1>, vector<16xf32>
      %parallel_loop3A_1033 = arith.index_cast %parallel_loop3A_932 : i32 to index
      %parallel_loop3A_1034 = arith.constant 48 : index
      %parallel_loop3A_1035 = tpu.vector_load %arg14[%parallel_loop3A_1033, %parallel_loop3A_1034] {strides = array<i32>} : memref<256x128xf32, #tpu.memory_space<vmem>>, vector<16xf32>,
      %parallel_loop3A_1036 = arith.index_cast %parallel_loop3A_932 : i32 to index
      %parallel_loop3A_1037 = arith.constant 112 : index
      %parallel_loop3A_1038 = tpu.vector_load %arg14[%parallel_loop3A_1036, %parallel_loop3A_1037] {strides = array<i32>} : memref<256x128xf32, #tpu.memory_space<vmem>>, vector<16xf32>,
      %parallel_loop3A_1039 = arith.select %parallel_loop3A_955, %parallel_loop3A_1035, %parallel_loop3A_1038 : vector<16xi1>, vector<16xf32>
      %parallel_loop3A_1040 = arith.mulf %parallel_loop3A_1032, %parallel_loop3A_1039 : vector<16xf32>
      %parallel_loop3A_1041 = arith.mulf %parallel_loop3A_1040, %get3A_713 : vector<16xf32>
      %parallel_loop3A_1042 = arith.addf %parallel_loop3A_1017, %parallel_loop3A_1041 : vector<16xf32>
      %parallel_loop3A_1043 = arith.mulf %parallel_loop3A_1040, %get3A_721 : vector<16xf32>
      %parallel_loop3A_1044 = arith.addf %parallel_loop3A_1019, %parallel_loop3A_1043 : vector<16xf32>
      %parallel_loop3A_1045 = arith.mulf %parallel_loop3A_1040, %get3A_729 : vector<16xf32>
      %parallel_loop3A_1046 = arith.addf %parallel_loop3A_1021, %parallel_loop3A_1045 : vector<16xf32>
      %parallel_loop3A_1047 = arith.mulf %parallel_loop3A_1040, %get3A_737 : vector<16xf32>
      %parallel_loop3A_1048 = arith.addf %parallel_loop3A_1023, %parallel_loop3A_1047 : vector<16xf32>
      %parallel_loop3A_1049 = arith.mulf %parallel_loop3A_1040, %get3A_745 : vector<16xf32>
      %parallel_loop3A_1050 = arith.addf %parallel_loop3A_1025, %parallel_loop3A_1049 : vector<16xf32>
      %parallel_loop3A_1051 = vector.broadcast %parallel_loop3A_932 : i32 to vector<16xi32>
      %parallel_loop3A_1052 = arith.constant true
      %parallel_loop3A_1053 = vector.broadcast %parallel_loop3A_1052 : i1 to vector<16xi1>
      %parallel_loop3A_1054 = tpu.scan <sum>, %parallel_loop3A_1042 masked %parallel_loop3A_1053 : vector<16xf32>, vector<16xi1> -> vector<16xf32>
      %parallel_loop3A_1055 = arith.addf %parallel_loop3A_1054, %get3A_747 : vector<16xf32>
      %parallel_loop3A_1056 = arith.constant 0.000000e+00 : f32
      %parallel_loop3A_1057 = vector.broadcast %parallel_loop3A_1056 : f32 to vector<16xf32>
      %parallel_loop3A_1058 = arith.subf %parallel_loop3A_1057, %parallel_loop3A_1055 : vector<16xf32>
      %parallel_loop3A_1059 = math.exp %parallel_loop3A_1058 : vector<16xf32>
      %parallel_loop3A_1060 = arith.constant 1.000000e+00 : f32
      %parallel_loop3A_1061 = vector.broadcast %parallel_loop3A_1060 : f32 to vector<16xf32>
      %parallel_loop3A_1062 = arith.addf %parallel_loop3A_1061, %parallel_loop3A_1059 : vector<16xf32>
      %parallel_loop3A_1063 = arith.constant 1.000000e+00 : f32
      %parallel_loop3A_1064 = vector.broadcast %parallel_loop3A_1063 : f32 to vector<16xf32>
      %parallel_loop3A_1065 = arith.divf %parallel_loop3A_1064, %parallel_loop3A_1062 : vector<16xf32>
      tpu.vector_store_idx %arg17[%parallel_loop3A_1051, %broadcast_in_dim3A_756], %parallel_loop3A_1065 masked %eq3A_705 : memref<256x5xf32, #tpu.memory_space<vmem>>[vector<16xi32>, vector<16xi32>], vector<16xf32>, vector<16xi1>
      %parallel_loop3A_1066 = arith.constant true
      %parallel_loop3A_1067 = vector.broadcast %parallel_loop3A_1066 : i1 to vector<16xi1>
      %parallel_loop3A_1068 = tpu.scan <sum>, %parallel_loop3A_1044 masked %parallel_loop3A_1067 : vector<16xf32>, vector<16xi1> -> vector<16xf32>
      %parallel_loop3A_1069 = arith.addf %parallel_loop3A_1068, %get3A_749 : vector<16xf32>
      %parallel_loop3A_1070 = arith.constant 0.000000e+00 : f32
      %parallel_loop3A_1071 = vector.broadcast %parallel_loop3A_1070 : f32 to vector<16xf32>
      %parallel_loop3A_1072 = arith.subf %parallel_loop3A_1071, %parallel_loop3A_1069 : vector<16xf32>
      %parallel_loop3A_1073 = math.exp %parallel_loop3A_1072 : vector<16xf32>
      %parallel_loop3A_1074 = arith.constant 1.000000e+00 : f32
      %parallel_loop3A_1075 = vector.broadcast %parallel_loop3A_1074 : f32 to vector<16xf32>
      %parallel_loop3A_1076 = arith.addf %parallel_loop3A_1075, %parallel_loop3A_1073 : vector<16xf32>
      %parallel_loop3A_1077 = arith.constant 1.000000e+00 : f32
      %parallel_loop3A_1078 = vector.broadcast %parallel_loop3A_1077 : f32 to vector<16xf32>
      %parallel_loop3A_1079 = arith.divf %parallel_loop3A_1078, %parallel_loop3A_1076 : vector<16xf32>
      tpu.vector_store_idx %arg17[%parallel_loop3A_1051, %broadcast_in_dim3A_758], %parallel_loop3A_1079 masked %eq3A_705 : memref<256x5xf32, #tpu.memory_space<vmem>>[vector<16xi32>, vector<16xi32>], vector<16xf32>, vector<16xi1>
      %parallel_loop3A_1080 = arith.constant true
      %parallel_loop3A_1081 = vector.broadcast %parallel_loop3A_1080 : i1 to vector<16xi1>
      %parallel_loop3A_1082 = tpu.scan <sum>, %parallel_loop3A_1046 masked %parallel_loop3A_1081 : vector<16xf32>, vector<16xi1> -> vector<16xf32>
      %parallel_loop3A_1083 = arith.addf %parallel_loop3A_1082, %get3A_751 : vector<16xf32>
      %parallel_loop3A_1084 = arith.constant 0.000000e+00 : f32
      %parallel_loop3A_1085 = vector.broadcast %parallel_loop3A_1084 : f32 to vector<16xf32>
      %parallel_loop3A_1086 = arith.subf %parallel_loop3A_1085, %parallel_loop3A_1083 : vector<16xf32>
      %parallel_loop3A_1087 = math.exp %parallel_loop3A_1086 : vector<16xf32>
      %parallel_loop3A_1088 = arith.constant 1.000000e+00 : f32
      %parallel_loop3A_1089 = vector.broadcast %parallel_loop3A_1088 : f32 to vector<16xf32>
      %parallel_loop3A_1090 = arith.addf %parallel_loop3A_1089, %parallel_loop3A_1087 : vector<16xf32>
      %parallel_loop3A_1091 = arith.constant 1.000000e+00 : f32
      %parallel_loop3A_1092 = vector.broadcast %parallel_loop3A_1091 : f32 to vector<16xf32>
      %parallel_loop3A_1093 = arith.divf %parallel_loop3A_1092, %parallel_loop3A_1090 : vector<16xf32>
      tpu.vector_store_idx %arg17[%parallel_loop3A_1051, %broadcast_in_dim3A_760], %parallel_loop3A_1093 masked %eq3A_705 : memref<256x5xf32, #tpu.memory_space<vmem>>[vector<16xi32>, vector<16xi32>], vector<16xf32>, vector<16xi1>
      %parallel_loop3A_1094 = arith.constant true
      %parallel_loop3A_1095 = vector.broadcast %parallel_loop3A_1094 : i1 to vector<16xi1>
      %parallel_loop3A_1096 = tpu.scan <sum>, %parallel_loop3A_1048 masked %parallel_loop3A_1095 : vector<16xf32>, vector<16xi1> -> vector<16xf32>
      %parallel_loop3A_1097 = arith.addf %parallel_loop3A_1096, %get3A_753 : vector<16xf32>
      %parallel_loop3A_1098 = arith.constant 0.000000e+00 : f32
      %parallel_loop3A_1099 = vector.broadcast %parallel_loop3A_1098 : f32 to vector<16xf32>
      %parallel_loop3A_1100 = arith.subf %parallel_loop3A_1099, %parallel_loop3A_1097 : vector<16xf32>
      %parallel_loop3A_1101 = math.exp %parallel_loop3A_1100 : vector<16xf32>
      %parallel_loop3A_1102 = arith.constant 1.000000e+00 : f32
      %parallel_loop3A_1103 = vector.broadcast %parallel_loop3A_1102 : f32 to vector<16xf32>
      %parallel_loop3A_1104 = arith.addf %parallel_loop3A_1103, %parallel_loop3A_1101 : vector<16xf32>
      %parallel_loop3A_1105 = arith.constant 1.000000e+00 : f32
      %parallel_loop3A_1106 = vector.broadcast %parallel_loop3A_1105 : f32 to vector<16xf32>
      %parallel_loop3A_1107 = arith.divf %parallel_loop3A_1106, %parallel_loop3A_1104 : vector<16xf32>
      tpu.vector_store_idx %arg17[%parallel_loop3A_1051, %broadcast_in_dim3A_762], %parallel_loop3A_1107 masked %eq3A_705 : memref<256x5xf32, #tpu.memory_space<vmem>>[vector<16xi32>, vector<16xi32>], vector<16xf32>, vector<16xi1>
      %parallel_loop3A_1108 = arith.constant true
      %parallel_loop3A_1109 = vector.broadcast %parallel_loop3A_1108 : i1 to vector<16xi1>
      %parallel_loop3A_1110 = tpu.scan <sum>, %parallel_loop3A_1050 masked %parallel_loop3A_1109 : vector<16xf32>, vector<16xi1> -> vector<16xf32>
      %parallel_loop3A_1111 = arith.addf %parallel_loop3A_1110, %get3A_755 : vector<16xf32>
      %parallel_loop3A_1112 = arith.constant 0.000000e+00 : f32
      %parallel_loop3A_1113 = vector.broadcast %parallel_loop3A_1112 : f32 to vector<16xf32>
      %parallel_loop3A_1114 = arith.subf %parallel_loop3A_1113, %parallel_loop3A_1111 : vector<16xf32>
      %parallel_loop3A_1115 = math.exp %parallel_loop3A_1114 : vector<16xf32>
      %parallel_loop3A_1116 = arith.constant 1.000000e+00 : f32
      %parallel_loop3A_1117 = vector.broadcast %parallel_loop3A_1116 : f32 to vector<16xf32>
      %parallel_loop3A_1118 = arith.addf %parallel_loop3A_1117, %parallel_loop3A_1115 : vector<16xf32>
      %parallel_loop3A_1119 = arith.constant 1.000000e+00 : f32
      %parallel_loop3A_1120 = vector.broadcast %parallel_loop3A_1119 : f32 to vector<16xf32>
      %parallel_loop3A_1121 = arith.divf %parallel_loop3A_1120, %parallel_loop3A_1118 : vector<16xf32>
      tpu.vector_store_idx %arg17[%parallel_loop3A_1051, %broadcast_in_dim3A_764], %parallel_loop3A_1121 masked %eq3A_705 : memref<256x5xf32, #tpu.memory_space<vmem>>[vector<16xi32>, vector<16xi32>], vector<16xf32>, vector<16xi1>
    } {sc.loop_unroll_factor = 1 : i64, sc.parallel_access}
    %add3A_930 = arith.constant 256 : i32
    %add3A_931 = arith.addi %mul3A_2, %add3A_930 : i32
    "tpu.region"() ({
      %run_scoped3A = tpu.sem_alloc : memref<!tpu.dma_semaphore, #tpu.memory_space<semaphore_mem>>
      %dma_start3A_932 = arith.constant 0 : i32
      %dma_start3A_933 = tpu.memref_slice %arg8[%add3A_931, %dma_start3A_932] : memref<16384x5xf32, #tpu.memory_space<hbm>> -> memref<256x5xf32, #tpu.memory_space<hbm>>
      %dma_start3A_934 = arith.constant 0 : i32
      %dma_start3A_935 = tpu.memref_slice %arg8[%add3A_931, %dma_start3A_934] : memref<16384x5xf32, #tpu.memory_space<hbm>> -> memref<256x5xf32, #tpu.memory_space<hbm>>
      tpu.enqueue_dma source(%arg17 : memref<256x5xf32, #tpu.memory_space<vmem>>) target(%dma_start3A_935 : memref<256x5xf32, #tpu.memory_space<hbm>>) target_semaphore(%run_scoped3A : memref<!tpu.dma_semaphore, #tpu.memory_space<semaphore_mem>>)
      %dma_wait3A_936 = arith.constant 0 : i32
      %dma_wait3A_937 = tpu.memref_slice %arg8[%add3A_931, %dma_wait3A_936] : memref<16384x5xf32, #tpu.memory_space<hbm>> -> memref<256x5xf32, #tpu.memory_space<hbm>>
      %dma_wait3A_938 = arith.constant 0 : i32
      %dma_wait3A_939 = tpu.memref_slice %arg8[%add3A_931, %dma_wait3A_938] : memref<16384x5xf32, #tpu.memory_space<hbm>> -> memref<256x5xf32, #tpu.memory_space<hbm>>
      tpu.wait_dma2 semaphore(%run_scoped3A : memref<!tpu.dma_semaphore, #tpu.memory_space<semaphore_mem>>) src(%arg17 : memref<256x5xf32, #tpu.memory_space<vmem>>) dst(%dma_wait3A_939 : memref<256x5xf32, #tpu.memory_space<hbm>>)
      tpu.yield
    }) : () -> ()
    return
  }
}

</mosaic_0001>

<sc_bundles>
// kernel: _bpr.4.cloned.1.call-start
scs
__scs_entry_jumppad:
0x0: {  	(pc) =	sbr.rel $0x88, $3  }
0x1: {  	(tag) =	ssettag $0x0;
	lr =	simm.s32 $0x1  }
0x2: {  	[smem:$0x3F99] =	sst lr;
	_ =	strace $0xD0000000  }
0x3: {  	_ = 	snop  }
0x4: {  	_ = 	snop  }
0x5: {  	_ = 	snop  }
0x6: {  	_ = 	snop  }
0x7: {  	_ = 	snop  }
__scs_overlays_trampoline_lowered:
0x8: {  	[smem:$0x3FA8] =	sst s0  }
0x9: {  	[smem:$0x3FA9] =	sst s1  }
0xa: {  	[smem:$0x3FAA] =	sst s2  }
0xb: {  	[smem:$0x3FAB] =	sst s3  }
0xc: {  	[smem:$0x3FAC] =	sst s4  }
0xd: {  	[smem:$0x3FAD] =	sst s5  }
0xe: {  	[smem:$0x3FAE] =	sst s6  }
0xf: {  	[smem:$0x3FAF] =	sst s7  }
0x10: {  	[smem:$0x3FB0] =	sst s8  }
0x11: {  	[smem:$0x3FB1] =	sst s9;
	s0 =	simm.s32 @!p0 $0x0  }
0x12: {  	s1 =	sld [smem:$0x3F97];
	s0 =	simm.s32 @p0 $0x1  }
0x13: {  	[smem:$0x3FB2] =	sst s0;
	s0 =	simm.s32 @!p1 $0x0  }
0x14: {  	s2 =	sld [smem:$0x3F96];
	s0 =	simm.s32 @p1 $0x1  }
0x15: {  	[smem:$0x3FB3] =	sst s0;
	s0 =	simm.s32 @!p2 $0x0  }
0x16: {  	s3 =	sld [smem:$0x3FDB];
	s0 =	simm.s32 @p2 $0x1  }
0x17: {  	s4 =	simm.s32 $0x1BF5;
	[smem:$0x3FB5] =	sst s0  }
0x18: {  	s0 =	sld [smem:$0x3F98];
	_ =	swait.ge [sflag:s4], $0x0  }
0x19: {  	s7 =	sld [smem:$0x3F99]  }
0x1a: {  	s8 =	sadd.s32 $0xFFFFE003, lr  }
0x1b: {  	s9 =	sadd.s32 $0xFFFFFEF7, lr;
	s5 =	simm.s32 $0xFFFFFFFF;
	p2 =	slt.u32 s8, $0xFFFFF086  }
0x1c: {  	p1 =	slt.u32 s9, $0xF7A;
	s5 =	simm.s32 @!p2 $0x0  }
0x1d: {  	s5 =	simm.s32 @p1 $0x1;
	p0 =	seq.s32 s7, s2  }
0x1e: {  	s7 =	smul.u32 @!p0 $0xF7A, s2;
	p2 =	seq.s32 @!p0 s5, $0x0  }
0x1f: {  	s9 =	smul.u32 $0xF7A, s1;
	s8 =	simm.s32 @!p0 $0x1BF5;
	p2 =	por !p2, p0  }
0x20: {  	[sflag:s8] =	ssyncset.s32 @!p0 $0xFFFFF086;
	s6 =	sadd.s32 @!p0 s3, s7;
	s7 =	simm.s32 @!p0 $0x108  }
0x21: {  	s3 =	sadd.s32 s3, s9;
	s6 =	sadd.s32 @!p0 $0x88, s6;
	s7 =	simm.s32 @p2 $0x1082  }
0x22: {  	[simem:s7], [sflag:s8] =	dma.local @!p0 [hbm:s6], $0xF7A  }
0x23: {  	s9 =	sor.u32 $0xD0000000, s2;
	s6 =	simm.s32 $0x108;
	_ =	swait.ge @!p0 [sflag:s8], $0x0  }
0x24: {  	s3 =	sadd.s32 $0x88, s3;
	s6 =	simm.s32 @!p1 $0x1082;
	[sflag:s4] =	ssyncset.s32 $0xFFFFF086  }
0x25: {  	[simem:s6], [sflag:s4] =	dma.local [hbm:s3], $0xF7A  }
0x26: {  	[smem:$0x3F99] =	sst s1;
	(tag) =	ssettag s2;
	_ =	strace s9  }
0x27: {  	s1 =	sld [smem:$0x3FA9]  }
0x28: {  	s2 =	sld [smem:$0x3FAA]  }
0x29: {  	s4 =	sld [smem:$0x3FAC]  }
0x2a: {  	p0 =	seq.s32 s5, $0x0;
	s5 =	sld [smem:$0x3FAD]  }
0x2b: {  	s6 =	sld [smem:$0x3FAE]  }
0x2c: {  	s7 =	sld [smem:$0x3FAF]  }
0x2d: {  	s3 =	simm.s32 $0x108;
	s8 =	sld [smem:$0x3FB0]  }
0x2e: {  	s3 =	simm.s32 @!p0 $0x1082;
	s9 =	sld [smem:$0x3FB1]  }
0x2f: {  	lr =	sadd.s32 s0, s3;
	s0 =	sld [smem:$0x3FA8]  }
0x30: {  	s3 =	sld [smem:$0x3FAB]  }
0x31: {  	[smem:$0x3FB4] =	sst s10  }
0x32: {  	s10 =	sld [smem:$0x3FB2];
	_ =	sdelay $0x3  }
0x33: {  	p0 =	seq.s32 s10, $0x1;
	s10 =	sld [smem:$0x3FB4];
	_ =	sdelay $0x3  }
0x34: {  	[smem:$0x3FB4] =	sst s10  }
0x35: {  	s10 =	sld [smem:$0x3FB3];
	_ =	sdelay $0x3  }
0x36: {  	p1 =	seq.s32 s10, $0x1;
	s10 =	sld [smem:$0x3FB4];
	_ =	sdelay $0x3  }
0x37: {  	[smem:$0x3FB4] =	sst s10  }
0x38: {  	s10 =	sld [smem:$0x3FB5]  }
0x39: {  	_ = 	snop;
	(pc) =	sbr.ind lr, $3  }
0x3a: {  	_ = 	snop  }
0x3b: {  	_ = 	snop  }
0x3c: {  	p2 =	seq.s32 s10, $0x1;
	s10 =	sld [smem:$0x3FB4]  }
0x3d: {  	_ =	shalt  }
0x3e: {  	_ =	shalt  }
0x3f: {  	_ =	shalt  }
0x40: {  	_ =	shalt  }
0x41: {  	_ =	shalt  }
0x42: {  	_ =	shalt  }
0x43: {  	_ =	shalt  }
0x44: {  	_ =	shalt  }
0x45: {  	_ =	shalt  }
0x46: {  	_ =	shalt  }
0x47: {  	_ =	shalt  }
0x48: {  	_ =	shalt  }
0x49: {  	_ =	shalt  }
0x4a: {  	_ =	shalt  }
0x4b: {  	_ =	shalt  }
0x4c: {  	_ =	shalt  }
0x4d: {  	_ =	shalt  }
0x4e: {  	_ =	shalt  }
0x4f: {  	_ =	shalt  }
0x50: {  	_ =	shalt  }
0x51: {  	_ =	shalt  }
0x52: {  	_ =	shalt  }
0x53: {  	_ =	shalt  }
0x54: {  	_ =	shalt  }
0x55: {  	_ =	shalt  }
0x56: {  	_ =	shalt  }
0x57: {  	_ =	shalt  }
0x58: {  	_ =	shalt  }
0x59: {  	_ =	shalt  }
0x5a: {  	_ =	shalt  }
0x5b: {  	_ =	shalt  }
0x5c: {  	_ =	shalt  }
0x5d: {  	_ =	shalt  }
0x5e: {  	_ =	shalt  }
0x5f: {  	_ =	shalt  }
0x60: {  	_ =	shalt  }
0x61: {  	_ =	shalt  }
0x62: {  	_ =	shalt  }
0x63: {  	_ =	shalt  }
0x64: {  	_ =	shalt  }
0x65: {  	_ =	shalt  }
0x66: {  	_ =	shalt  }
0x67: {  	_ =	shalt  }
0x68: {  	_ =	shalt  }
0x69: {  	_ =	shalt  }
0x6a: {  	_ =	shalt  }
0x6b: {  	_ =	shalt  }
0x6c: {  	_ =	shalt  }
0x6d: {  	_ =	shalt  }
0x6e: {  	_ =	shalt  }
0x6f: {  	_ =	shalt  }
0x70: {  	_ =	shalt  }
0x71: {  	_ =	shalt  }
0x72: {  	_ =	shalt  }
0x73: {  	_ =	shalt  }
0x74: {  	_ =	shalt  }
0x75: {  	_ =	shalt  }
0x76: {  	_ =	shalt  }
0x77: {  	_ =	shalt  }
0x78: {  	_ =	shalt  }
0x79: {  	_ =	shalt  }
0x7a: {  	_ =	shalt  }
0x7b: {  	_ =	shalt  }
0x7c: {  	_ =	shalt  }
0x7d: {  	_ =	shalt  }
0x7e: {  	_ =	shalt  }
0x7f: {  	_ =	shalt  }
0x80: {  	_ =	shalt  }
0x81: {  	_ =	shalt  }
0x82: {  	_ =	shalt  }
0x83: {  	_ =	shalt  }
0x84: {  	_ =	shalt  }
0x85: {  	_ =	shalt  }
0x86: {  	_ =	shalt  }
0x87: {  	_ =	shalt  }
.Lfunc_end0:
.L_simem_size_0:
called_computation_lowered:
.L_overlay_start_0:
0x88: {  	s2 =	sld [smem:$0x3FD9]  }
0x89: {  	s3 =	sld [smem:$0x3FFE];
	_ =	sdelay $0x1  }
0x8a: {  	s1 =	srdreg.scid  }
0x8b: {  	s0 =	sand.u32 $0x1, s1  }
0x8c: {  	s17 =	sshll.u32 s0, $0xA;
	s2 =	sadd.s32 s3, s2  }
0x8d: {  	s2 =	sadd.s32 s2, s17  }
0x8e: {  	[smem:$0x3FC0] =	sst s2  }
0x8f: {  	_ = 	snop  }
0x90: {  	s2 =	sld [smem:$0x3FC7]  }
0x91: {  	s18 =	sld [smem:$0x3FC6]  }
0x92: {  	s4 =	sld [smem:$0x3FC5]  }
0x93: {  	s5 =	sld [smem:$0x3FC4];
	(tm) =	ssettm $0x1  }
0x94: {  	s6 =	sld [smem:$0x3FFB];
	_ =	sdelay $0x3  }
0x95: {  	_ =	strace s6  }
0x96: {  	s6 =	sld [smem:$0x3FFC];
	_ =	sdelay $0x3  }
0x97: {  	_ =	strace s6  }
0x98: {  	s6 =	sld [smem:$0x3FFD];
	_ =	sdelay $0x3  }
0x99: {  	_ =	strace s6  }
0x9a: {  	_ =	strace $0x8FFFFFFF  }
0x9b: {  	s19 =	sld [smem:$0x3FDB];
	_ =	sdelay $0x1  }
0x9c: {  	s7 =	simm.s32 $_scs_section_size  }
0x9d: {  	s8 =	simm.s32 $_size__tile_overlayer_lowered;
	s9 =	simm.s32 $_tile_overlayer_lowered  }
0x9e: {  	s22 =	simm.s32 $0x1BFF;
	s21 =	sshll.u32 s9, $0x1;
	s6 =	sadd.s32 s7, s19  }
0x9f: {  	s10 =	simm.s32 $0x0;
	s20 =	sshll.u32 s8, $0x1;
	s8 =	sadd.s32 s21, s6  }
0xa0: {  	[timem:s10], [sflag:s22] =	dma.local [hbm:s8], s20  }
0xa1: {  	_ =	swait.ge [sflag:s22], s20  }
0xa2: {  	s7 =	ssub.s32 $0x0, s20;
	[sflag:s22] =	ssyncset.done $0x0  }
0xa3: {  	[sflag:s22] =	ssyncadd.s32 s7;
	_ =	sdelay $0x1  }
0xa4: {  	s23 =	simm.s32 $0x1B8B  }
0xa5: {  	_ =	swait.ge [sflag:s23], $0x1  }
0xa6: {  	[sflag:s23] =	ssyncset.done $0x0  }
0xa7: {  	s25 =	simm.s32 $0x1B8E;
	s24 =	sld [smem:$0x3FFE];
	[sflag:s23] =	ssyncadd.s32 $0xFFFFFFFF  }
0xa8: {  	s26 =	simm.s32 $execute0_lowered;
	[smem:$0x3FD2] =	sst s25  }
0xa9: {  	s8 =	sshll.u32 s26, $0x1;
	_ =	strace $0x80000046;
	[dreg:$0x1] =	wrdreg $0xFFFFFFFF  }
0xaa: {  	s28 =	simm.s32 $_size_execute0_lowered;
	s6 =	sadd.s32 s6, s8;
	[dreg:$0x0] =	wrdreg $0x0  }
0xab: {  	s8 =	sshll.u32 s28, $0x1;
	[dreg:$0x2] =	wrdreg s6  }
0xac: {  	[dreg:$0x3] =	wrdreg s8  }
0xad: {  	[dreg:$0x4] =	wrdreg $0xC0  }
0xae: {  	_ =	task [dreg:s10], $0x5FFFF  }
0xaf: {  	[dreg:$0x1] =	wrdreg $0xFFFFFFFF  }
0xb0: {  	[dreg:$0x0] =	wrdreg $0x60  }
0xb1: {  	[dreg:$0x2] =	wrdreg s2  }
0xb2: {  	[dreg:$0x3] =	wrdreg s18  }
0xb3: {  	[dreg:$0x4] =	wrdreg s4  }
0xb4: {  	[dreg:$0x5] =	wrdreg s5  }
0xb5: {  	[dreg:$0x6] =	wrdreg s24  }
0xb6: {  	[dreg:$0x7] =	wrdreg $0x9  }
0xb7: {  	_ =	task.clear_ibuf [dreg:s10], $0x8FFFF;
	_ =	strace $0x90000046  }
0xb8: {  	s29 =	simm.s32 $0x9;
	_ =	strace $0x80000048  }
0xb9: {  	_ =	swait.ge [sflag:s29], $0x1  }
0xba: {  	[sflag:s29] =	ssyncadd.s32 $0xFFFFFFFF  }
0xbb: {  	_ =	strace $0x90000048  }
0xbc: {  	_ =	sfence  }
0xbd: {  	s30 =	sld [smem:$0x0];
	_ =	sdelay $0x2  }
0xbe: {  	s31 =	sshll.u32 s1, $0xD;
	s1 =	sshrl.u32 s1, $0x2  }
0xbf: {  	s3 =	sand.u32 $0x4000, s31;
	s1 =	sadd.s32 s1, s30  }
0xc0: {  	s0 =	sor.u32 s3, s0;
	s1 =	sshll.u32 s1, $0x11  }
0xc1: {  	s0 =	sor.u32 s1, s0  }
0xc2: {  	s0 =	sadd.s32 $0x8F2B, s0  }
0xc3: {  	[sflag:s0] =	ssyncadd.remote.s32 $0x1  }
0xc4: {  	_ =	sfence.sel $0xFFFF  }
0xc5: {  	[dreg:$0x0] =	wrdreg $0xFFFFFFFF;
	(pc) =	sbr.abs _section_cstart, $3  }
0xc6: {  	[dreg:$0x1] =	wrdreg $0xFFFFFFFF  }
0xc7: {  	_ =	task.clear_ibuf [dreg:s10], $0x2FFFF;
	_ =	strace $0x9FFFFFFF  }
0xc8: {  	(tm) =	ssettm $0x7FFFFFFF  }
0xc9: {  	_ =	shalt  }
tec
execute0_lowered:
.L_overlay_start_1:
0x0: {  	(tag) =	ssettag $0x1  }
0x1: {  	v0 =	vimm.s32 $0x700  }
0x2: {  	vm10 =	vcmask $0x300;
	vm8 =	vcmask $0x704;
	vm7 =	vcmask $0xB08  }
0x3: {  	vm6 =	vcmask $0xF0C;
	vm4 =	vcmask $0x1310;
	vm1 =	vcmask $0x1714  }
0x4: {  	vm2 =	vcmask $0x1B18;
	vm3 =	vcmask $0x1F1C;
	vm0 =	vcmask $0x2320  }
0x5: {  	v3 =	vimm.s32 $0x680;
	v4 =	vimm.s32 $0x600;
	vm5 =	vcmask $0x2724  }
0x6: {  	vm9 =	vcmask $0x2B28;
	vm11 =	vcmask $0x2F2C;
	vm12 =	vcmask $0x3330  }
0x7: {  	vm13 =	vcmask $0x3734;
	vm14 =	vcmask $0x3B38;
	v5 =	vimm.s32 $0x580  }
0x8: {  	v6 =	vimm.s32 $0x500;
	v7 =	vimm.s32 $0x480;
	v8 =	vimm.s32 $0x400  }
0x9: {  	v9 =	vimm.s32 $0x380;
	v10 =	vimm.s32 $0x300;
	v11 =	vimm.s32 $0x280  }
0xa: {  	v12 =	vimm.s32 $0x200;
	v13 =	vimm.s32 $0x180;
	v14 =	vimm.s32 $0x100  }
0xb: {  	v15 =	vimm.s32 $0x80;
	v16 =	vimm.s32 $0x0;
	v17 =	vimm.s32 $0xFEDCBA9  }
0xc: {  	v19 =	vimm.s32 $0x87654321;
	v20 =	vimm.s32 $0x98765432;
	v21 =	vimm.s32 $0x210FEDCB  }
0xd: {  	v22 =	vimm.s32 $0xA9876543;
	v32 =	vimm.s32 $0xCBA98765;
	v34 =	vimm.s32 $0x6543210F  }
0xe: {  	v35 =	vimm.s32 $0xEDCBA987;
	v36 =	vimm.s32 $0xFEDCBA98;
	v37 =	vimm.s32 $0x76543210  }
0xf: {  	v0 =	vsel vm10, $0x780, v0;
	v3 =	vsel vm10, $0x700, v3;
	v4 =	vsel vm10, $0x680, v4  }
0x10: {  	v5 =	vsel vm10, $0x600, v5;
	v6 =	vsel vm10, $0x580, v6;
	v7 =	vsel vm10, $0x500, v7  }
0x11: {  	v8 =	vsel vm10, $0x480, v8;
	v9 =	vsel vm10, $0x400, v9;
	v10 =	vsel vm10, $0x380, v10  }
0x12: {  	v11 =	vsel vm10, $0x300, v11;
	v12 =	vsel vm10, $0x280, v12;
	v13 =	vsel vm10, $0x200, v13  }
0x13: {  	v14 =	vsel vm10, $0x180, v14;
	v15 =	vsel vm10, $0x100, v15;
	v16 =	vsel vm10, $0x80, v16  }
0x14: {  	v18 =	vunpack.c.l.s4.s8 v17;
	v20 =	vunpack.c.l.s4.s8 v20;
	v21 =	vunpack.c.l.s4.s8 v21  }
0x15: {  	v34 =	vunpack.c.l.s4.s8 v34;
	v35 =	vunpack.c.l.s4.s8 v35;
	v36 =	vunpack.c.l.s4.s8 v36  }
0x16: {  	v0 =	vsel vm8, $0x0, v0;
	v3 =	vsel vm8, $0x780, v3;
	v4 =	vsel vm8, $0x700, v4  }
0x17: {  	v5 =	vsel vm8, $0x680, v5;
	v6 =	vsel vm8, $0x600, v6;
	v7 =	vsel vm8, $0x580, v7  }
0x18: {  	v8 =	vsel vm8, $0x500, v8;
	v9 =	vsel vm8, $0x480, v9;
	v10 =	vsel vm8, $0x400, v10  }
0x19: {  	v11 =	vsel vm8, $0x380, v11;
	v12 =	vsel vm8, $0x300, v12;
	v13 =	vsel vm8, $0x280, v13  }
0x1a: {  	v14 =	vsel vm8, $0x200, v14;
	v15 =	vsel vm8, $0x180, v15;
	v16 =	vsel vm8, $0x100, v16  }
0x1b: {  	v0 =	vsel vm7, $0x80, v0;
	v3 =	vsel vm7, $0x0, v3;
	v4 =	vsel vm7, $0x780, v4  }
0x1c: {  	v5 =	vsel vm7, $0x700, v5;
	v6 =	vsel vm7, $0x680, v6;
	v7 =	vsel vm7, $0x600, v7  }
0x1d: {  	v8 =	vsel vm7, $0x580, v8;
	v9 =	vsel vm7, $0x500, v9;
	v10 =	vsel vm7, $0x480, v10  }
0x1e: {  	v11 =	vsel vm7, $0x400, v11;
	v12 =	vsel vm7, $0x380, v12;
	v13 =	vsel vm7, $0x300, v13  }
0x1f: {  	v14 =	vsel vm7, $0x280, v14;
	v15 =	vsel vm7, $0x200, v15;
	v16 =	vsel vm7, $0x180, v16  }
0x20: {  	v24 =	vunpack.c.0.s8.s32 v18;
	v18 =	vunpack.c.l.s4.s8 v19;
	v19 =	vimm.s32 $0x10FEDCBA  }
0x21: {  	v27 =	vunpack.c.0.s8.s32 v20;
	v28 =	vunpack.c.0.s8.s32 v21;
	v34 =	vunpack.c.0.s8.s32 v34  }
0x22: {  	v35 =	vunpack.c.0.s8.s32 v35;
	v36 =	vunpack.c.0.s8.s32 v36;
	v0 =	vsel vm6, $0x100, v0  }
0x23: {  	v3 =	vsel vm6, $0x80, v3;
	v4 =	vsel vm6, $0x0, v4;
	v5 =	vsel vm6, $0x780, v5  }
0x24: {  	v6 =	vsel vm6, $0x700, v6;
	v7 =	vsel vm6, $0x680, v7;
	v8 =	vsel vm6, $0x600, v8  }
0x25: {  	v9 =	vsel vm6, $0x580, v9;
	v10 =	vsel vm6, $0x500, v10;
	v11 =	vsel vm6, $0x480, v11  }
0x26: {  	v12 =	vsel vm6, $0x400, v12;
	v13 =	vsel vm6, $0x380, v13;
	v14 =	vsel vm6, $0x300, v14  }
0x27: {  	v15 =	vsel vm6, $0x280, v15;
	v16 =	vsel vm6, $0x200, v16;
	v19 =	vunpack.c.l.s4.s8 v19  }
0x28: {  	v1 =	vsel vm4, $0x180, v0;
	v0 =	vlaneseq.u32;
	v3 =	vsel vm4, $0x100, v3  }
0x29: {  	v4 =	vsel vm4, $0x80, v4;
	v5 =	vsel vm4, $0x0, v5;
	v6 =	vsel vm4, $0x780, v6  }
0x2a: {  	v7 =	vsel vm4, $0x700, v7;
	v8 =	vsel vm4, $0x680, v8;
	v9 =	vsel vm4, $0x600, v9  }
0x2b: {  	v10 =	vsel vm4, $0x580, v10;
	v11 =	vsel vm4, $0x500, v11;
	v12 =	vsel vm4, $0x480, v12  }
0x2c: {  	v13 =	vsel vm4, $0x400, v13;
	v14 =	vsel vm4, $0x380, v14;
	v15 =	vsel vm4, $0x300, v15  }
0x2d: {  	v16 =	vsel vm4, $0x280, v16;
	v25 =	vunpack.c.0.s8.s32 v18;
	v18 =	vunpack.c.l.s4.s8 v22  }
0x2e: {  	v40 =	vcombine.low v35, v34;
	v36 =	vand.u32 $0xF, v36;
	v53 =	vcombine.low v34, v35  }
0x2f: {  	v2 =	vsel vm1, $0x200, v1;
	v63 =	vmul.u32 $0x2, v0;
	v3 =	vsel vm1, $0x180, v3  }
0x30: {  	v4 =	vsel vm1, $0x100, v4;
	v5 =	vsel vm1, $0x80, v5;
	v6 =	vsel vm1, $0x0, v6  }
0x31: {  	v7 =	vsel vm1, $0x780, v7;
	v8 =	vsel vm1, $0x700, v8;
	v9 =	vsel vm1, $0x680, v9  }
0x32: {  	v10 =	vsel vm1, $0x600, v10;
	v11 =	vsel vm1, $0x580, v11;
	v12 =	vsel vm1, $0x500, v12  }
0x33: {  	v13 =	vsel vm1, $0x480, v13;
	v14 =	vsel vm1, $0x400, v14;
	v15 =	vsel vm1, $0x380, v15  }
0x34: {  	v16 =	vsel vm1, $0x300, v16;
	v26 =	vunpack.c.0.s8.s32 v19;
	v19 =	vimm.s32 $0x3210FEDC  }
0x35: {  	v2 =	vsel vm2, $0x280, v2;
	v3 =	vsel vm2, $0x200, v3;
	v4 =	vsel vm2, $0x180, v4  }
0x36: {  	v5 =	vsel vm2, $0x100, v5;
	v6 =	vsel vm2, $0x80, v6;
	v7 =	vsel vm2, $0x0, v7  }
0x37: {  	v8 =	vsel vm2, $0x780, v8;
	v9 =	vsel vm2, $0x700, v9;
	v10 =	vsel vm2, $0x680, v10  }
0x38: {  	v11 =	vsel vm2, $0x600, v11;
	v12 =	vsel vm2, $0x580, v12;
	v13 =	vsel vm2, $0x500, v13  }
0x39: {  	v14 =	vsel vm2, $0x480, v14;
	v15 =	vsel vm2, $0x400, v15;
	v16 =	vsel vm2, $0x380, v16  }
0x3a: {  	v29 =	vunpack.c.0.s8.s32 v18;
	v18 =	vunpack.c.l.s4.s8 v19;
	v19 =	vimm.s32 $0xBA987654  }
0x3b: {  	v20 =	vcombine.low v25, v24;
	v50 =	vcombine.low v24, v25;
	v56 =	vand.u32 $0xF, v53  }
0x3c: {  	v2 =	vsel vm3, $0x300, v2;
	v3 =	vsel vm3, $0x280, v3;
	v4 =	vsel vm3, $0x200, v4  }
0x3d: {  	v5 =	vsel vm3, $0x180, v5;
	v6 =	vsel vm3, $0x100, v6;
	v7 =	vsel vm3, $0x80, v7  }
0x3e: {  	v8 =	vsel vm3, $0x0, v8;
	v9 =	vsel vm3, $0x780, v9;
	v10 =	vsel vm3, $0x700, v10  }
0x3f: {  	v11 =	vsel vm3, $0x680, v11;
	v12 =	vsel vm3, $0x600, v12;
	v13 =	vsel vm3, $0x580, v13  }
0x40: {  	v14 =	vsel vm3, $0x500, v14;
	v15 =	vsel vm3, $0x480, v15;
	v16 =	vsel vm3, $0x400, v16  }
0x41: {  	v21 =	vcombine.low v27, v26;
	v19 =	vunpack.c.l.s4.s8 v19;
	v27 =	vcombine.low v26, v27  }
0x42: {  	v2 =	vsel vm0, $0x380, v2;
	v3 =	vsel vm0, $0x300, v3;
	v4 =	vsel vm0, $0x280, v4  }
0x43: {  	v5 =	vsel vm0, $0x200, v5;
	v6 =	vsel vm0, $0x180, v6;
	v7 =	vsel vm0, $0x100, v7  }
0x44: {  	v8 =	vsel vm0, $0x80, v8;
	v9 =	vsel vm0, $0x0, v9;
	v10 =	vsel vm0, $0x780, v10  }
0x45: {  	v11 =	vsel vm0, $0x700, v11;
	v12 =	vsel vm0, $0x680, v12;
	v13 =	vsel vm0, $0x600, v13  }
0x46: {  	v14 =	vsel vm0, $0x580, v14;
	v15 =	vsel vm0, $0x500, v15;
	v16 =	vsel vm0, $0x480, v16  }
0x47: {  	v22 =	vcombine.low v29, v28;
	v30 =	vunpack.c.0.s8.s32 v18;
	v18 =	vimm.s32 $0x43210FED  }
0x48: {  	v20 =	vand.u32 $0xF, v20;
	v28 =	vcombine.low v28, v29;
	v2 =	vsel vm5, $0x400, v2  }
0x49: {  	v3 =	vsel vm5, $0x380, v3;
	v4 =	vsel vm5, $0x300, v4;
	v5 =	vsel vm5, $0x280, v5  }
0x4a: {  	v6 =	vsel vm5, $0x200, v6;
	v7 =	vsel vm5, $0x180, v7;
	v8 =	vsel vm5, $0x100, v8  }
0x4b: {  	v9 =	vsel vm5, $0x80, v9;
	v10 =	vsel vm5, $0x0, v10;
	v11 =	vsel vm5, $0x780, v11  }
0x4c: {  	v12 =	vsel vm5, $0x700, v12;
	v13 =	vsel vm5, $0x680, v13;
	v14 =	vsel vm5, $0x600, v14  }
0x4d: {  	v15 =	vsel vm5, $0x580, v15;
	v16 =	vsel vm5, $0x500, v16;
	v31 =	vunpack.c.0.s8.s32 v19  }
0x4e: {  	v23 =	vunpack.c.l.s4.s8 v18;
	v24 =	vand.u32 $0xF, v27;
	v2 =	vsel vm9, $0x480, v2  }
0x4f: {  	v3 =	vsel vm9, $0x400, v3;
	v4 =	vsel vm9, $0x380, v4;
	v5 =	vsel vm9, $0x300, v5  }
0x50: {  	v6 =	vsel vm9, $0x280, v6;
	v7 =	vsel vm9, $0x200, v7;
	v8 =	vsel vm9, $0x180, v8  }
0x51: {  	v9 =	vsel vm9, $0x100, v9;
	v10 =	vsel vm9, $0x80, v10;
	v11 =	vsel vm9, $0x0, v11  }
0x52: {  	v12 =	vsel vm9, $0x780, v12;
	v13 =	vsel vm9, $0x700, v13;
	v14 =	vsel vm9, $0x680, v14  }
0x53: {  	v15 =	vsel vm9, $0x600, v15;
	v16 =	vsel vm9, $0x580, v16;
	v26 =	vand.u32 $0xF, v28  }
0x54: {  	v2 =	vsel vm11, $0x500, v2;
	v3 =	vsel vm11, $0x480, v3;
	v4 =	vsel vm11, $0x400, v4  }
0x55: {  	v5 =	vsel vm11, $0x380, v5;
	v6 =	vsel vm11, $0x300, v6;
	v7 =	vsel vm11, $0x280, v7  }
0x56: {  	v8 =	vsel vm11, $0x200, v8;
	v9 =	vsel vm11, $0x180, v9;
	v10 =	vsel vm11, $0x100, v10  }
0x57: {  	v11 =	vsel vm11, $0x80, v11;
	v12 =	vsel vm11, $0x0, v12;
	v13 =	vsel vm11, $0x780, v13  }
0x58: {  	v14 =	vsel vm11, $0x700, v14;
	v15 =	vsel vm11, $0x680, v15;
	v16 =	vsel vm11, $0x600, v16  }
0x59: {  	v48 =	vunpack.c.0.s8.s32 v23;
	v23 =	vimm.s32 $0xDCBA9876;
	v29 =	vcombine.low v30, v31  }
0x5a: {  	v2 =	vsel vm12, $0x580, v2;
	v3 =	vsel vm12, $0x500, v3;
	v4 =	vsel vm12, $0x480, v4  }
0x5b: {  	v5 =	vsel vm12, $0x400, v5;
	v6 =	vsel vm12, $0x380, v6;
	v7 =	vsel vm12, $0x300, v7  }
0x5c: {  	v8 =	vsel vm12, $0x280, v8;
	v9 =	vsel vm12, $0x200, v9;
	v10 =	vsel vm12, $0x180, v10  }
0x5d: {  	v11 =	vsel vm12, $0x100, v11;
	v12 =	vsel vm12, $0x80, v12;
	v13 =	vsel vm12, $0x0, v13  }
0x5e: {  	v14 =	vsel vm12, $0x780, v14;
	v15 =	vsel vm12, $0x700, v15;
	v16 =	vsel vm12, $0x680, v16  }
0x5f: {  	v23 =	vunpack.c.l.s4.s8 v23;
	v2 =	vsel vm13, $0x600, v2;
	v3 =	vsel vm13, $0x580, v3  }
0x60: {  	v4 =	vsel vm13, $0x500, v4;
	v5 =	vsel vm13, $0x480, v5;
	v6 =	vsel vm13, $0x400, v6  }
0x61: {  	v7 =	vsel vm13, $0x380, v7;
	v8 =	vsel vm13, $0x300, v8;
	v9 =	vsel vm13, $0x280, v9  }
0x62: {  	s0 =	rddreg [dreg:$0x0];
	v10 =	vsel vm13, $0x200, v10;
	v11 =	vsel vm13, $0x180, v11;
	v12 =	vsel vm13, $0x100, v12  }
0x63: {  	s1 =	rddreg [dreg:$0x1];
	v13 =	vsel vm13, $0x80, v13;
	v14 =	vsel vm13, $0x0, v14;
	v15 =	vsel vm13, $0x780, v15  }
0x64: {  	s2 =	rddreg [dreg:$0x2];
	v16 =	vsel vm13, $0x700, v16;
	v58 =	vand.u32 $0xF, v29;
	v41 =	vsel vm14, $0x680, v2  }
0x65: {  	s3 =	rddreg [dreg:$0x3];
	v42 =	vsel vm14, $0x600, v3;
	v54 =	vsel vm14, $0x580, v4;
	v4 =	vlaneseq.u32  }
0x66: {  	s8 =	rddreg [dreg:$0x4];
	v0 =	vsel vm14, $0x500, v5;
	v1 =	vsel vm14, $0x200, v11;
	v11 =	vsel vm14, $0x780, v16  }
0x67: {  	s4 =	rddreg [dreg:$0x5];
	v55 =	vsel vm14, $0x480, v6;
	[tilespmem:$0x1FFA0] =	vst v11;
	v11 =	vand.u32 $0xF, v21;
	v21 =	vunpack.c.l.s4.s8 v32  }
0x68: {  	s5 =	simm.s32 $0x0;
	s7 =	srdreg.scid;
	s6 =	stileid.u32;
	v61 =	vsel vm14, $0x400, v7;
	v8 =	vsel vm14, $0x380, v8;
	v60 =	vsel vm14, $0x100, v13  }
0x69: {  	s15 =	simm.s32 $0x3;
	s16 =	simm.s32 $0x400;
	s17 =	simm.s32 $0xC3800;
	v3 =	vsel vm14, $0x80, v14;
	v33 =	vunpack.c.0.s8.s32 v21;
	v21 =	vimm.s32 $0x543210FE  }
0x6a: {  	s18 =	simm.s32 $0x1;
	s19 =	simm.s32 $0x4000;
	s20 =	simm.s32 $0x2;
	v39 =	vunpack.c.0.s8.s32 v23;
	v23 =	vunpack.c.l.s4.s8 v37;
	v21 =	vunpack.c.l.s4.s8 v21  }
0x6b: {  	s21 =	simm.s32 $0x0;
	[smem:$0x7FF] =	sst s5;
	s9 =	sand.u32 $0x1, s7;
	[tilespmem:$0x1FF80] =	vst v0;
	v0 =	vsel vm14, $0x300, v9;
	v9 =	vsel vm14, $0x180, v12;
	v17 =	vmul.u32 $0x80, v4  }
0x6c: {  	s7 =	sadd.s32 $0xC00, s8;
	s11 =	sshll.u32 s6, $0x1;
	s8 =	sadd.s32 $0xC4400, s8;
	[tilespmem:$0x1FFB0] =	vst v11;
	v11 =	vand.u32 $0xF, v22;
	v22 =	vcombine.low v31, v30;
	v38 =	vunpack.c.0.s8.s32 v21  }
0x6d: {  	s14 =	sshll.u32 s6, $0x6;
	s10 =	ssub.s32 $0x2, s9;
	s9 =	sor.u32 s9, s11;
	[tilespmem:$0x1FF90] =	vst v0;
	v0 =	vsel vm14, $0x280, v10;
	v10 =	vsel vm14, $0x0, v15;
	v23 =	vunpack.c.0.s8.s32 v23  }
0x6e: {  	s14 =	sor.u32 $0x1C03, s14;
	s12 =	sshrl.u32 s10, $0x1;
	_ =	strace $0x80000047;
	[tilespmem:$0x1FFC0] =	vst v56;
	v12 =	vand.u32 $0xF, v22;
	v22 =	vcombine.low v33, v48;
	v52 =	vcombine.low v38, v39  }
0x6f: {  	s30 =	ssub.s32 $0x30C, s9;
	s31 =	sshll.u32 s9, $0x7;
	p0 =	seq.s32 s9, $0x0;
	v15 =	vand.u32 $0xF, v40;
	[tilespmem:$0x1FFE0] =	vst v10;
	v51 =	vcombine.low v48, v33;
	v49 =	vcombine.low v39, v38  }
0x70: {  	p1 =	sne.s32 s9, $0x1;
	s13 =	ssub.s32 s10, s12;
	s10 =	sshrl.u32 s30, $0x5;
	[tilespmem:$0x1FFF0] =	vst v20;
	v59 =	vcombine.low v36, v23;
	v21 =	vand.u32 $0xF, v50;
	v57 =	vand.u32 $0xF, v52  }
0x71: {  	s11 =	sadd.s32 s0, s31;
	s12 =	sadd.s32 s1, s31;
	s13 =	smax.u32 s13, $0x1;
	v19 =	vand.u32 $0xF, v22;
	v27 =	vand.u32 $0xF, v51;
	v62 =	vand.u32 $0xF, v49;
	[tilespmem:$0x1FFD0] =	vst v57  }
.LBB2_1:
.Ltmp0:
0x72: {  	(pc) =	sbr.rel @p0 .LBB2_4-.Ltmp0, $2  }
0x73: {  	_ =	sdelay $0x2  }
0x74: {  	s22 =	smov.u32 s7;
	s23 =	smov.u32 s2  }
.Ltmp1:
0x75: {  	(pc) =	sbr.rel @p1 .LBB2_5-.Ltmp1, $1  }
0x76: {  	_ =	sdelay $0x3  }
0x77: {  	s22 =	smov.u32 s8;
	s23 =	smov.u32 s3  }
.LBB2_4:
0x78: {  	s22 =	sadd.s32 $0xC3400, s22  }
0x79: {  	[hbm:s22], [sflag:s14] =	dma.local [hbm:s23], $0x100  }
0x7a: {  	_ =	swait.ge [sflag:s15], $0x100  }
0x7b: {  	[sflag:s15] =	ssyncset.done $0x0  }
0x7c: {  	[sflag:s15] =	ssyncadd.s32 $0xFFFFFF00  }
.LBB2_5:
0x7d: {  	v5 =	vld [tilespmem:$0x1FF90];
	_ =	sdelay $0x3  }
0x7e: {  	s22 =	simm.s32 $0x0;
	s23 =	simm.s32 $0x0  }
0x7f: {  	v13 =	vmovc v0;
	v14 =	vmovc v1;
	v18 =	vld [tilespmem:$0x1FFA0];
	v1 =	vmov v41;
	v7 =	vmov v42;
	[tilespmem:s22], [sflag:$0x1] =	stream.strided.gather [hbm4b:s11+s16], $0x2000, s17, s16, $0x38;
	v0 =	vmov v5  }
.LBB2_6:
0x80: {  	s24 =	sshll.u32 s23, $0x5  }
0x81: {  	p2 =	sge.u32 s23, s10;
	s24 =	sor.u32 s9, s24  }
0x82: {  	s26 =	sshll.u32 @!p2 s24, $0xA  }
0x83: {  	s25 =	sand.u32 $0x1, s23;
	s26 =	sadd.s32 @!p2 $0x8000, s26  }
0x84: {  	s28 =	sshll.u32 @!p2 s25, $0xD;
	s29 =	simm.s32 @!p2 $0x400;
	s26 =	sshrl.u32 @!p2 s26, $0x3  }
0x85: {  	s30 =	simm.s32 @!p2 $0xC3800;
	s28 =	sxor.u32 @!p2 $0x2000, s28;
	s26 =	sadd.s32 @!p2 s0, s26  }
0x86: {  	[tilespmem:s28], [sflag:$0x1] =	stream.strided.gather @!p2 [hbm4b:s26+s29], $0x2000, s30, s29, $0x38;
	[tilespmem:$0x8000] =	vst v63  }
0x87: {  	s26 =	sand.u32 $0x30, s22  }
0x88: {  	s28 =	sand.u32 $0x3, s22;
	v33 =	vmov s26  }
0x89: {  	s25 =	sshll.u32 s25, $0xD;
	s29 =	sshll.u32 s28, $0x5;
	v44 =	vshll.u32 v33, $0x7  }
0x8a: {  	v33 =	vmov s25;
	s29 =	sadd.s32 $0x0, s29;
	v34 =	vor.u32 v17, v44  }
0x8b: {  	_ =	swait.ge [sflag:s18], $0x2000;
	s28 =	sshll.u32 s28, $0x4;
	v45 =	vor.u32 s29, v63;
	v34 =	vor.u32 v33, v34  }
0x8c: {  	p2 =	slt.u32 s23, $0x2;
	[sflag:s18] =	ssyncset.done $0x0;
	v35 =	vmov s28;
	v36 =	vadd.s32 v45, v34  }
0x8d: {  	s28 =	simm.s32 @!p2 $0x2;
	[sflag:s18] =	ssyncadd.s32 $0xFFFFE000;
	v43 =	vshll.u32 v35, $0x7  }
0x8e: {  	s29 =	simm.s32 $0x0;
	_ =	swait.ge @!p2 [sflag:s28], $0x2000;
	v34 =	vor.u32 v17, v43  }
0x8f: {  	s26 =	sor.u32 s26, s29;
	[sflag:s28] =	ssyncset.done @!p2 $0x0;
	v34 =	vor.u32 v33, v34  }
0x90: {  	v46 =	vor.u32 v18, v44;
	[sflag:s28] =	ssyncadd.s32 @!p2 $0xFFFFE000;
	v34 =	vor.u32 s26, v34  }
0x91: {  	v35 =	vor.u32 v33, v46;
	v37 =	vor.u32 v4, v34;
	v36 =	vld.idx.msk [tilespmem:v36+s5+$0x0], $0xffff  }
0x92: {  	v35 =	vadd.s32 v45, v35;
	_ =	sdelay $0x3  }
0x93: {  	[tilespmem:v37+s19+$0x0] =	vst.idx.msk $0xffff, v36  }
0x94: {  	v48 =	vor.u32 v20, v34;
	v35 =	vld.idx.msk [tilespmem:v35+s5+$0x0], $0xffff;
	_ =	sdelay $0x3  }
0x95: {  	v47 =	vor.u32 v10, v44  }
0x96: {  	v36 =	vor.u32 v33, v47;
	[tilespmem:v48+s19+$0x0] =	vst.idx.msk $0xffff, v35  }
0x97: {  	v36 =	vadd.s32 v45, v36;
	v5 =	vld [tilespmem:$0x1FFB0];
	_ =	sdelay $0x3  }
0x98: {  	v49 =	vor.u32 v3, v44  }
0x99: {  	s26 =	simm.s32 $0x4;
	v35 =	vor.u32 v33, v49;
	v38 =	vld.idx.msk [tilespmem:v36+s5+$0x0], $0xffff;
	v39 =	vor.u32 v5, v34  }
0x9a: {  	s28 =	simm.s32 $0x1;
	s26 =	sand.u32 $0x30, s26;
	v35 =	vadd.s32 v45, v35  }
0x9b: {  	s28 =	sand.u32 $0x3, s28;
	v50 =	vmov s26  }
0x9c: {  	s29 =	sshll.u32 s28, $0x5;
	v37 =	vshll.u32 v50, $0x7  }
0x9d: {  	v51 =	vor.u32 v60, v44;
	s28 =	sshll.u32 s28, $0x4;
	s29 =	sadd.s32 $0x0, s29;
	v40 =	vor.u32 v17, v37  }
0x9e: {  	v41 =	vmov s28;
	v40 =	vor.u32 v33, v40;
	v36 =	vor.u32 s29, v63;
	[tilespmem:v39+s19+$0x0] =	vst.idx.msk $0xffff, v38  }
0x9f: {  	v47 =	vor.u32 v33, v51;
	v48 =	vor.u32 v11, v34;
	v52 =	vadd.s32 v36, v40;
	v56 =	vld.idx.msk [tilespmem:v35+s5+$0x0], $0xffff  }
0xa0: {  	v53 =	vshll.u32 v41, $0x7;
	v42 =	vadd.s32 v45, v47  }
0xa1: {  	s28 =	simm.s32 $0x0;
	v49 =	vor.u32 v17, v53  }
0xa2: {  	s26 =	sor.u32 s26, s28;
	v35 =	vor.u32 v33, v49  }
0xa3: {  	v46 =	vor.u32 v9, v44;
	v50 =	vor.u32 v18, v37;
	v35 =	vor.u32 s26, v35  }
0xa4: {  	v40 =	vor.u32 v33, v50;
	v39 =	vld.idx.msk [tilespmem:v52+s5+$0x0], $0xffff;
	v43 =	vor.u32 v4, v35;
	[tilespmem:v48+s19+$0x0] =	vst.idx.msk $0xffff, v56  }
0xa5: {  	v53 =	vor.u32 v12, v34;
	v51 =	vadd.s32 v36, v40;
	v52 =	vor.u32 v33, v46;
	v41 =	vld.idx.msk [tilespmem:v42+s5+$0x0], $0xffff  }
0xa6: {  	v40 =	vadd.s32 v45, v52;
	_ =	sdelay $0x2  }
0xa7: {  	v32 =	vor.u32 v20, v35;
	v56 =	vor.u32 v10, v37;
	[tilespmem:v43+s19+$0x0] =	vst.idx.msk $0xffff, v39  }
0xa8: {  	v48 =	vor.u32 v14, v44;
	v39 =	vor.u32 v33, v56;
	v38 =	vld.idx.msk [tilespmem:v51+s5+$0x0], $0xffff;
	[tilespmem:v53+s19+$0x0] =	vst.idx.msk $0xffff, v41  }
0xa9: {  	v50 =	vor.u32 v19, v34;
	v49 =	vor.u32 v33, v48;
	v39 =	vadd.s32 v36, v39;
	v40 =	vld.idx.msk [tilespmem:v40+s5+$0x0], $0xffff  }
0xaa: {  	v41 =	vadd.s32 v45, v49;
	_ =	sdelay $0x2  }
0xab: {  	v52 =	vor.u32 v3, v37;
	s26 =	simm.s32 $0x2;
	v51 =	vor.u32 v13, v44;
	[tilespmem:v32+s19+$0x0] =	vst.idx.msk $0xffff, v38  }
0xac: {  	s28 =	simm.s32 $0x8;
	s26 =	sand.u32 $0x3, s26;
	v53 =	vor.u32 v5, v35;
	v43 =	vld.idx.msk [tilespmem:v39+s5+$0x0], $0xffff;
	v39 =	vor.u32 v33, v52;
	[tilespmem:v50+s19+$0x0] =	vst.idx.msk $0xffff, v40  }
0xad: {  	s28 =	sand.u32 $0x30, s28;
	v47 =	vor.u32 v62, v34;
	s29 =	sshll.u32 s26, $0x4;
	v38 =	vor.u32 v33, v51;
	v32 =	vadd.s32 v36, v39;
	v41 =	vld.idx.msk [tilespmem:v41+s5+$0x0], $0xffff  }
0xae: {  	v56 =	vmov s28;
	v51 =	vmov s29;
	v38 =	vadd.s32 v45, v38  }
0xaf: {  	s26 =	sshll.u32 s26, $0x5;
	v48 =	vshll.u32 v51, $0x7;
	v40 =	vshll.u32 v56, $0x7  }
0xb0: {  	s26 =	sadd.s32 $0x0, s26;
	v52 =	vor.u32 v60, v37;
	v56 =	vor.u32 v0, v44;
	v49 =	vor.u32 v17, v40  }
0xb1: {  	v39 =	vor.u32 s26, v63;
	[tilespmem:v53+s19+$0x0] =	vst.idx.msk $0xffff, v43;
	v53 =	vor.u32 v33, v49;
	v43 =	vor.u32 v33, v52  }
0xb2: {  	v46 =	vadd.s32 v39, v53;
	v42 =	vld.idx.msk [tilespmem:v32+s5+$0x0], $0xffff;
	v32 =	vor.u32 v11, v35;
	[tilespmem:v47+s19+$0x0] =	vst.idx.msk $0xffff, v41  }
0xb3: {  	v52 =	vor.u32 v33, v56;
	v43 =	vadd.s32 v36, v43;
	v47 =	vor.u32 v15, v34;
	v50 =	vld.idx.msk [tilespmem:v38+s5+$0x0], $0xffff  }
0xb4: {  	s26 =	simm.s32 $0x0;
	v48 =	vor.u32 v17, v48;
	v56 =	vor.u32 v18, v40;
	v49 =	vadd.s32 v45, v52  }
0xb5: {  	s26 =	sor.u32 s28, s26;
	v53 =	vor.u32 v33, v48;
	v48 =	vor.u32 v33, v56  }
0xb6: {  	v51 =	vor.u32 v8, v44;
	v41 =	vadd.s32 v39, v48;
	v38 =	vor.u32 s26, v53  }
0xb7: {  	v53 =	vor.u32 v9, v37;
	v46 =	vld.idx.msk [tilespmem:v46+s5+$0x0], $0xffff;
	v52 =	vor.u32 v4, v38;
	[tilespmem:v32+s19+$0x0] =	vst.idx.msk $0xffff, v42  }
0xb8: {  	s26 =	simm.s32 $0x3;
	v32 =	vor.u32 v33, v53;
	v43 =	vld.idx.msk [tilespmem:v43+s5+$0x0], $0xffff;
	[tilespmem:v47+s19+$0x0] =	vst.idx.msk $0xffff, v50;
	v47 =	vor.u32 v12, v35  }
0xb9: {  	v53 =	vor.u32 v33, v51;
	s26 =	sand.u32 $0x3, s26;
	v42 =	vadd.s32 v36, v32;
	v48 =	vld.idx.msk [tilespmem:v49+s5+$0x0], $0xffff;
	v49 =	vor.u32 v59, v34  }
0xba: {  	v30 =	vmov v58;
	v58 =	vor.u32 v9, v40;
	s28 =	sshll.u32 s26, $0x4;
	v50 =	vadd.s32 v45, v53  }
0xbb: {  	v6 =	vmovc v54;
	v56 =	vor.u32 v10, v40;
	v32 =	vor.u32 v14, v37;
	v51 =	vmov s28  }
0xbc: {  	v32 =	vor.u32 v33, v32;
	v51 =	vshll.u32 v51, $0x7;
	[tilespmem:v52+s19+$0x0] =	vst.idx.msk $0xffff, v46;
	v52 =	vor.u32 v20, v38  }
0xbd: {  	v46 =	vor.u32 v33, v56;
	v56 =	vor.u32 v61, v44;
	v41 =	vld.idx.msk [tilespmem:v41+s5+$0x0], $0xffff;
	[tilespmem:v47+s19+$0x0] =	vst.idx.msk $0xffff, v43  }
0xbe: {  	v43 =	vadd.s32 v39, v46;
	v47 =	vor.u32 v19, v35;
	v42 =	vld.idx.msk [tilespmem:v42+s5+$0x0], $0xffff;
	[tilespmem:v49+s19+$0x0] =	vst.idx.msk $0xffff, v48  }
0xbf: {  	v56 =	vor.u32 v33, v56;
	v46 =	vadd.s32 v36, v32;
	v49 =	vor.u32 v21, v34;
	v48 =	vld.idx.msk [tilespmem:v50+s5+$0x0], $0xffff  }
0xc0: {  	v23 =	vmovc v55;
	v58 =	vor.u32 v33, v58;
	v51 =	vor.u32 v17, v51;
	v50 =	vadd.s32 v45, v56  }
0xc1: {  	v31 =	vmovc v27;
	v53 =	vor.u32 v54, v44;
	v51 =	vor.u32 v33, v51;
	v32 =	vor.u32 v3, v40  }
0xc2: {  	v16 =	vmov v57;
	s28 =	simm.s32 $0xC;
	v32 =	vor.u32 v33, v32;
	[tilespmem:v52+s19+$0x0] =	vst.idx.msk $0xffff, v41;
	v41 =	vor.u32 v13, v37  }
0xc3: {  	s28 =	sand.u32 $0x30, s28;
	v52 =	vor.u32 v55, v44;
	v55 =	vor.u32 v5, v38;
	v54 =	vld.idx.msk [tilespmem:v43+s5+$0x0], $0xffff;
	[tilespmem:v47+s19+$0x0] =	vst.idx.msk $0xffff, v42  }
0xc4: {  	v41 =	vor.u32 v33, v41;
	v56 =	vor.u32 v33, v52;
	v52 =	vmov s28;
	v46 =	vld.idx.msk [tilespmem:v46+s5+$0x0], $0xffff;
	[tilespmem:v49+s19+$0x0] =	vst.idx.msk $0xffff, v48  }
0xc5: {  	v27 =	vmovc v21;
	v43 =	vshll.u32 v52, $0x7;
	v42 =	vadd.s32 v39, v32;
	v47 =	vor.u32 v62, v35;
	v48 =	vld.idx.msk [tilespmem:v50+s5+$0x0], $0xffff  }
0xc6: {  	v28 =	vmovc v24;
	v52 =	vor.u32 v60, v40;
	v49 =	vadd.s32 v36, v41;
	v50 =	vor.u32 v24, v34;
	v2 =	vld [tilespmem:$0x1FF80]  }
0xc7: {  	v25 =	vmovc v19;
	s26 =	sshll.u32 s26, $0x5;
	v53 =	vor.u32 v33, v53;
	v56 =	vadd.s32 v45, v56;
	v52 =	vor.u32 v33, v52  }
0xc8: {  	v29 =	vmovc v26;
	s26 =	sadd.s32 $0x0, s26;
	v53 =	vadd.s32 v45, v53;
	v32 =	vor.u32 v17, v43;
	v52 =	vadd.s32 v39, v52  }
0xc9: {  	v41 =	vor.u32 s26, v63;
	[tilespmem:v55+s19+$0x0] =	vst.idx.msk $0xffff, v54;
	v54 =	vor.u32 v0, v37;
	v55 =	vor.u32 v33, v32  }
0xca: {  	v42 =	vld.idx.msk [tilespmem:v42+s5+$0x0], $0xffff;
	[tilespmem:v47+s19+$0x0] =	vst.idx.msk $0xffff, v46;
	v47 =	vor.u32 v11, v38;
	v46 =	vadd.s32 v41, v55  }
0xcb: {  	v57 =	vor.u32 v2, v44;
	v49 =	vld.idx.msk [tilespmem:v49+s5+$0x0], $0xffff;
	[tilespmem:v50+s19+$0x0] =	vst.idx.msk $0xffff, v48;
	v48 =	vor.u32 v15, v35  }
0xcc: {  	v54 =	vor.u32 v33, v54;
	v55 =	vor.u32 v26, v34;
	v50 =	vld.idx.msk [tilespmem:v56+s5+$0x0], $0xffff;
	v32 =	vor.u32 v33, v57  }
0xcd: {  	v22 =	vmovc v60;
	v19 =	vmovc v62;
	v21 =	vmov v11;
	v62 =	vor.u32 v18, v43;
	s26 =	simm.s32 $0x0;
	v54 =	vadd.s32 v36, v54  }
0xce: {  	v60 =	vor.u32 v33, v62;
	s26 =	sor.u32 s28, s26;
	v11 =	vmovc v61;
	v61 =	vor.u32 v61, v37;
	v56 =	vadd.s32 v45, v32  }
0xcf: {  	v24 =	vmovc v59;
	v57 =	vor.u32 v8, v37;
	v32 =	vmov v10;
	[tilespmem:v47+s19+$0x0] =	vst.idx.msk $0xffff, v42;
	v42 =	vor.u32 s26, v51  }
0xd0: {  	v10 =	vmov v23;
	v23 =	vmov v12;
	v46 =	vld.idx.msk [tilespmem:v46+s5+$0x0], $0xffff;
	[tilespmem:v48+s19+$0x0] =	vst.idx.msk $0xffff, v49;
	v48 =	vor.u32 v4, v42  }
0xd1: {  	v51 =	vld.idx.msk [tilespmem:v52+s5+$0x0], $0xffff;
	v49 =	vadd.s32 v41, v60;
	[tilespmem:v55+s19+$0x0] =	vst.idx.msk $0xffff, v50;
	v50 =	vor.u32 v23, v38  }
0xd2: {  	v62 =	vor.u32 v33, v57;
	v47 =	vadd.s32 v39, v58;
	v52 =	vld.idx.msk [tilespmem:v54+s5+$0x0], $0xffff;
	v54 =	vor.u32 v24, v35  }
0xd3: {  	v26 =	vmovc v15;
	v15 =	vmov v9;
	v57 =	vor.u32 v30, v34;
	v55 =	vadd.s32 v36, v62;
	v56 =	vld.idx.msk [tilespmem:v56+s5+$0x0], $0xffff  }
0xd4: {  	v9 =	vmovc v2;
	v58 =	vor.u32 v7, v44;
	v60 =	vor.u32 v14, v40;
	v62 =	vor.u32 v32, v43  }
0xd5: {  	v12 =	vmov v8;
	v59 =	vor.u32 v33, v62;
	[tilespmem:v48+s19+$0x0] =	vst.idx.msk $0xffff, v46;
	v46 =	vor.u32 v33, v60  }
0xd6: {  	v60 =	vor.u32 v33, v61;
	[tilespmem:v50+s19+$0x0] =	vst.idx.msk $0xffff, v51;
	v49 =	vld.idx.msk [tilespmem:v49+s5+$0x0], $0xffff;
	v51 =	vor.u32 v20, v42  }
0xd7: {  	[tilespmem:v54+s19+$0x0] =	vst.idx.msk $0xffff, v52;
	v54 =	vadd.s32 v41, v59;
	v59 =	vor.u32 v25, v38;
	v47 =	vld.idx.msk [tilespmem:v47+s5+$0x0], $0xffff  }
0xd8: {  	v61 =	vor.u32 v33, v58;
	[tilespmem:v57+s19+$0x0] =	vst.idx.msk $0xffff, v56;
	v55 =	vld.idx.msk [tilespmem:v55+s5+$0x0], $0xffff;
	v57 =	vor.u32 v27, v35  }
0xd9: {  	v2 =	vadd.s32 v36, v60;
	v60 =	vor.u32 v31, v34;
	v8 =	vadd.s32 v45, v61;
	v48 =	vld.idx.msk [tilespmem:v53+s5+$0x0], $0xffff  }
0xda: {  	[tilespmem:$0x1FF70] =	vst v8  }
0xdb: {  	[tilespmem:v51+s19+$0x0] =	vst.idx.msk $0xffff, v49  }
0xdc: {  	s26 =	simm.s32 $0x4;
	[tilespmem:v59+s19+$0x0] =	vst.idx.msk $0xffff, v47  }
0xdd: {  	s26 =	sand.u32 $0x3, s26;
	[tilespmem:v57+s19+$0x0] =	vst.idx.msk $0xffff, v55  }
0xde: {  	s28 =	sshll.u32 s26, $0x4;
	v56 =	vadd.s32 v39, v46;
	[tilespmem:v60+s19+$0x0] =	vst.idx.msk $0xffff, v48  }
0xdf: {  	s26 =	sshll.u32 s26, $0x5;
	v52 =	vmov s28;
	v46 =	vor.u32 v6, v37;
	v53 =	vor.u32 v1, v44;
	v8 =	vmovc v6;
	v6 =	vmovc v1;
	v1 =	vld [tilespmem:$0x1FF70]  }
0xe0: {  	s26 =	sadd.s32 $0x0, s26;
	v62 =	vor.u32 v13, v40;
	v61 =	vor.u32 v19, v38;
	v50 =	vshll.u32 v52, $0x7  }
0xe1: {  	s28 =	simm.s32 $0x10;
	v52 =	vor.u32 v3, v43;
	v44 =	vor.u32 s26, v63;
	v51 =	vor.u32 v10, v37  }
0xe2: {  	s30 =	sand.u32 $0x30, s28;
	v47 =	vor.u32 v33, v62;
	v59 =	vld.idx.msk [tilespmem:v54+s5+$0x0], $0xffff;
	v62 =	vor.u32 v5, v42;
	v54 =	vor.u32 v33, v52  }
0xe3: {  	v5 =	vmovc v63;
	v57 =	vmov s30;
	v51 =	vor.u32 v33, v51;
	v63 =	vld.idx.msk [tilespmem:v56+s5+$0x0], $0xffff;
	v58 =	vadd.s32 v41, v54  }
0xe4: {  	v55 =	vor.u32 v28, v35;
	v56 =	vadd.s32 v39, v47;
	v52 =	vadd.s32 v36, v51  }
0xe5: {  	v48 =	vor.u32 v16, v34;
	v60 =	vor.u32 v33, v53;
	v51 =	vor.u32 v12, v40  }
0xe6: {  	v54 =	vld.idx.msk [tilespmem:v2+s5+$0x0], $0xffff;
	v53 =	vor.u32 v9, v37;
	v2 =	vmovc v18;
	v49 =	vadd.s32 v45, v60;
	v45 =	vshll.u32 v57, $0x7  }
0xe7: {  	v57 =	vor.u32 v0, v40;
	[tilespmem:v62+s19+$0x0] =	vst.idx.msk $0xffff, v59;
	v59 =	vor.u32 v22, v43;
	v47 =	vld.idx.msk [tilespmem:v1+s5+$0x0], $0xffff  }
0xe8: {  	s31 =	simm.s32 $0x0;
	s29 =	simm.s32 $0x5;
	s26 =	sadd.s32 $0x1, s23;
	v60 =	vor.u32 v17, v45;
	v58 =	vld.idx.msk [tilespmem:v58+s5+$0x0], $0xffff;
	v59 =	vor.u32 v33, v59;
	[tilespmem:v61+s19+$0x0] =	vst.idx.msk $0xffff, v63  }
.LBB2_7:
0xe9: {  	v0 =	vld [tilespmem:$0x1FFC0]  }
0xea: {  	v60 =	vor.u32 v33, v60;
	v61 =	vor.u32 v21, v42  }
0xeb: {  	v56 =	vld.idx.msk [tilespmem:v56+s5+$0x0], $0xffff;
	[tilespmem:v55+s19+$0x0] =	vst.idx.msk $0xffff, v54;
	v55 =	vor.u32 v26, v38;
	v53 =	vor.u32 v33, v53  }
0xec: {  	v50 =	vor.u32 v17, v50;
	v54 =	vadd.s32 v44, v60;
	v52 =	vld.idx.msk [tilespmem:v52+s5+$0x0], $0xffff;
	[tilespmem:v48+s19+$0x0] =	vst.idx.msk $0xffff, v47  }
0xed: {  	v47 =	vadd.s32 v41, v59;
	v60 =	vor.u32 v33, v57;
	v57 =	vor.u32 v29, v35  }
0xee: {  	s31 =	sshll.u32 s31, $0x6;
	v53 =	vadd.s32 v36, v53;
	v49 =	vld.idx.msk [tilespmem:v49+s5+$0x0], $0xffff;
	v48 =	vadd.s32 v39, v60;
	v59 =	vor.u32 v0, v34  }
0xef: {  	s30 =	sor.u32 s30, s31;
	v50 =	vor.u32 v33, v50;
	v60 =	vor.u32 v15, v43;
	v62 =	vor.u32 v2, v45;
	v34 =	vmovc v35  }
0xf0: {  	v35 =	vmovc v38;
	[tilespmem:v61+s19+$0x0] =	vst.idx.msk $0xffff, v58;
	v38 =	vmov v42;
	v42 =	vor.u32 s30, v50;
	v61 =	vor.u32 v33, v60  }
0xf1: {  	v62 =	vor.u32 v33, v62;
	v54 =	vld.idx.msk [tilespmem:v54+s5+$0x0], $0xffff;
	[tilespmem:v55+s19+$0x0] =	vst.idx.msk $0xffff, v56;
	v55 =	vor.u32 v4, v42  }
0xf2: {  	v56 =	vor.u32 v23, v38;
	v47 =	vld.idx.msk [tilespmem:v47+s5+$0x0], $0xffff;
	[tilespmem:v57+s19+$0x0] =	vst.idx.msk $0xffff, v52;
	v52 =	vadd.s32 v44, v62  }
0xf3: {  	v46 =	vor.u32 v33, v46;
	v48 =	vld.idx.msk [tilespmem:v48+s5+$0x0], $0xffff;
	[tilespmem:v59+s19+$0x0] =	vst.idx.msk $0xffff, v49;
	v49 =	vadd.s32 v41, v61  }
0xf4: {  	v63 =	vor.u32 v11, v40;
	v46 =	vadd.s32 v36, v46;
	v57 =	vor.u32 v24, v35  }
0xf5: {  	v58 =	vmovc v39;
	v0 =	vor.u32 v33, v51;
	v62 =	vor.u32 v32, v45;
	v59 =	vor.u32 v30, v34  }
0xf6: {  	v61 =	vmov v43;
	v51 =	vld.idx.msk [tilespmem:v53+s5+$0x0], $0xffff;
	v53 =	vadd.s32 v58, v0;
	[tilespmem:v55+s19+$0x0] =	vst.idx.msk $0xffff, v54  }
0xf7: {  	v39 =	vmov v41;
	v41 =	vmov v44;
	v43 =	vor.u32 v14, v61;
	v52 =	vld.idx.msk [tilespmem:v52+s5+$0x0], $0xffff;
	[tilespmem:v56+s19+$0x0] =	vst.idx.msk $0xffff, v47  }
0xf8: {  	v54 =	vor.u32 v33, v62;
	v0 =	vor.u32 v33, v63;
	v47 =	vor.u32 v20, v42;
	v49 =	vld.idx.msk [tilespmem:v49+s5+$0x0], $0xffff  }
0xf9: {  	[tilespmem:v57+s19+$0x0] =	vst.idx.msk $0xffff, v48;
	v48 =	vadd.s32 v41, v54;
	v57 =	vadd.s32 v58, v0;
	v0 =	vld [tilespmem:$0x1FFB0]  }
0xfa: {  	v60 =	vor.u32 v7, v37;
	v43 =	vor.u32 v33, v43;
	v54 =	vor.u32 v25, v38  }
0xfb: {  	v55 =	vor.u32 v27, v35;
	v53 =	vld.idx.msk [tilespmem:v53+s5+$0x0], $0xffff;
	[tilespmem:v59+s19+$0x0] =	vst.idx.msk $0xffff, v51;
	v51 =	vadd.s32 v39, v43  }
0xfc: {  	v63 =	vor.u32 v33, v60;
	v59 =	vor.u32 v31, v34;
	v56 =	vld.idx.msk [tilespmem:v46+s5+$0x0], $0xffff  }
0xfd: {  	v43 =	vmov v45;
	v45 =	vadd.s32 v36, v63;
	[tilespmem:v47+s19+$0x0] =	vst.idx.msk $0xffff, v52  }
0xfe: {  	v60 =	vor.u32 v6, v37;
	v62 =	vld.idx.msk [tilespmem:v48+s5+$0x0], $0xffff;
	v63 =	vor.u32 v0, v42  }
0xff: {  	v18 =	vmov v3;
	s30 =	sand.u32 $0x3, s29;
	v37 =	vmov v40;
	v60 =	vor.u32 v33, v60;
	[tilespmem:v54+s19+$0x0] =	vst.idx.msk $0xffff, v49  }
0x100: {  	s31 =	sshll.u32 s30, $0x4;
	v46 =	vor.u32 v8, v40;
	v52 =	vor.u32 v3, v43;
	v0 =	vld.idx.msk [tilespmem:v51+s5+$0x0], $0xffff;
	[tilespmem:v55+s19+$0x0] =	vst.idx.msk $0xffff, v53  }
0x101: {  	s30 =	sshll.u32 s30, $0x5;
	v50 =	vmov s31;
	s31 =	sshrl.u32 s29, $0x4;
	v47 =	vor.u32 v10, v37;
	v48 =	vor.u32 v33, v52;
	v54 =	vld.idx.msk [tilespmem:v57+s5+$0x0], $0xffff;
	[tilespmem:v59+s19+$0x0] =	vst.idx.msk $0xffff, v56  }
0x102: {  	s28 =	sadd.s32 $0x4, s28;
	s30 =	sadd.s32 s31, s30;
	v40 =	vor.u32 v13, v61;
	v2 =	vadd.s32 v41, v48;
	v59 =	vor.u32 v33, v47;
	v47 =	vld.idx.msk [tilespmem:v45+s5+$0x0], $0xffff  }
0x103: {  	p2 =	sne.s32 s29, $0x1F;
	v44 =	vor.u32 s30, v5;
	s30 =	sand.u32 $0x30, s28;
	v3 =	vor.u32 v19, v38;
	v40 =	vor.u32 v33, v40;
	[tilespmem:v63+s19+$0x0] =	vst.idx.msk $0xffff, v62;
	v62 =	vld [tilespmem:$0x1FF90]  }
.Ltmp2:
0x104: {  	v50 =	vshll.u32 v50, $0x7;
	v1 =	vmov s30;
	v49 =	vadd.s32 v36, v60;
	(pc) =	sbr.rel @p2 .LBB2_7-.Ltmp2, $4  }
0x105: {  	v55 =	vor.u32 v28, v35;
	v48 =	vor.u32 v16, v34;
	v53 =	vor.u32 v9, v37  }
0x106: {  	v36 =	vmovc v58;
	v56 =	vadd.s32 v39, v40;
	v40 =	vmovc v61;
	v52 =	vadd.s32 v58, v59;
	v45 =	vshll.u32 v1, $0x7  }
0x107: {  	v51 =	vor.u32 v12, v40;
	v1 =	vor.u32 v22, v43;
	v60 =	vor.u32 v17, v45;
	v58 =	vld.idx.msk [tilespmem:v2+s5+$0x0], $0xffff  }
0x108: {  	s29 =	sadd.s32 $0x1, s29;
	v59 =	vor.u32 v33, v1;
	v2 =	vld [tilespmem:$0x1FFA0];
	[tilespmem:v3+s19+$0x0] =	vst.idx.msk $0xffff, v0;
	v3 =	vmov v18;
	v57 =	vor.u32 v62, v40  }
0x109: {  	v0 =	vor.u32 v33, v60  }
0x10a: {  	v0 =	vadd.s32 v44, v0;
	_ =	sdelay $0x1  }
0x10b: {  	s28 =	sshll.u32 s31, $0x6;
	v1 =	vor.u32 v17, v50  }
0x10c: {  	s28 =	sor.u32 s30, s28;
	v1 =	vor.u32 v33, v1  }
0x10d: {  	v50 =	vor.u32 s28, v1;
	v61 =	vmov v2;
	v2 =	vor.u32 v2, v45  }
0x10e: {  	v1 =	vor.u32 v4, v50;
	v2 =	vor.u32 v33, v2;
	v0 =	vld.idx.msk [tilespmem:v0+s5+$0x0], $0xffff  }
0x10f: {  	v2 =	vadd.s32 v44, v2;
	_ =	sdelay $0x3  }
0x110: {  	[tilespmem:v1+s19+$0x0] =	vst.idx.msk $0xffff, v0  }
0x111: {  	v1 =	vld.idx.msk [tilespmem:v2+s5+$0x0], $0xffff;
	v2 =	vor.u32 v20, v50;
	_ =	sdelay $0x3  }
0x112: {  	v0 =	vor.u32 v32, v45  }
0x113: {  	v0 =	vor.u32 v33, v0;
	[tilespmem:v2+s19+$0x0] =	vst.idx.msk $0xffff, v1  }
0x114: {  	v0 =	vadd.s32 v44, v0;
	v2 =	vld [tilespmem:$0x1FFB0];
	_ =	sdelay $0x3  }
0x115: {  	v1 =	vor.u32 v3, v45  }
0x116: {  	v0 =	vld.idx.msk [tilespmem:v0+s5+$0x0], $0xffff;
	v1 =	vor.u32 v33, v1;
	v2 =	vor.u32 v2, v50  }
0x117: {  	v1 =	vadd.s32 v44, v1;
	_ =	sdelay $0x3  }
0x118: {  	v3 =	vor.u32 v21, v42;
	[tilespmem:v2+s19+$0x0] =	vst.idx.msk $0xffff, v0;
	v0 =	vor.u32 v22, v45  }
0x119: {  	v2 =	vadd.s32 v41, v59;
	v59 =	vor.u32 v21, v50;
	v1 =	vld.idx.msk [tilespmem:v1+s5+$0x0], $0xffff;
	v0 =	vor.u32 v33, v0  }
0x11a: {  	v0 =	vadd.s32 v44, v0;
	_ =	sdelay $0x1  }
0x11b: {  	v60 =	vor.u32 v15, v43  }
0x11c: {  	[tilespmem:v3+s19+$0x0] =	vst.idx.msk $0xffff, v58;
	v3 =	vor.u32 v33, v60  }
0x11d: {  	v58 =	vor.u32 v23, v42;
	v60 =	vor.u32 v15, v45;
	v2 =	vld.idx.msk [tilespmem:v2+s5+$0x0], $0xffff;
	[tilespmem:v59+s19+$0x0] =	vst.idx.msk $0xffff, v1  }
0x11e: {  	v1 =	vadd.s32 v41, v3;
	v3 =	vor.u32 v33, v60;
	v59 =	vor.u32 v23, v50;
	v0 =	vld.idx.msk [tilespmem:v0+s5+$0x0], $0xffff  }
0x11f: {  	v3 =	vadd.s32 v44, v3;
	_ =	sdelay $0x1  }
0x120: {  	v60 =	vor.u32 v14, v43  }
0x121: {  	[tilespmem:v58+s19+$0x0] =	vst.idx.msk $0xffff, v2;
	v2 =	vor.u32 v33, v60  }
0x122: {  	v58 =	vor.u32 v25, v42;
	v60 =	vor.u32 v14, v45;
	v1 =	vld.idx.msk [tilespmem:v1+s5+$0x0], $0xffff;
	[tilespmem:v59+s19+$0x0] =	vst.idx.msk $0xffff, v0  }
0x123: {  	v0 =	vadd.s32 v41, v2;
	v2 =	vor.u32 v33, v60;
	v59 =	vor.u32 v25, v50;
	v3 =	vld.idx.msk [tilespmem:v3+s5+$0x0], $0xffff  }
0x124: {  	v2 =	vadd.s32 v44, v2;
	_ =	sdelay $0x1  }
0x125: {  	v60 =	vor.u32 v13, v43  }
0x126: {  	[tilespmem:v58+s19+$0x0] =	vst.idx.msk $0xffff, v1;
	v1 =	vor.u32 v33, v60  }
0x127: {  	v58 =	vor.u32 v19, v42;
	v60 =	vor.u32 v13, v45;
	v0 =	vld.idx.msk [tilespmem:v0+s5+$0x0], $0xffff;
	[tilespmem:v59+s19+$0x0] =	vst.idx.msk $0xffff, v3  }
0x128: {  	v1 =	vadd.s32 v41, v1;
	v3 =	vor.u32 v33, v60;
	v59 =	vor.u32 v19, v50;
	v2 =	vld.idx.msk [tilespmem:v2+s5+$0x0], $0xffff  }
0x129: {  	v3 =	vadd.s32 v44, v3  }
0x12a: {  	v57 =	vor.u32 v33, v57  }
0x12b: {  	v57 =	vadd.s32 v39, v57;
	v60 =	vor.u32 v26, v38  }
0x12c: {  	v56 =	vld.idx.msk [tilespmem:v56+s5+$0x0], $0xffff;
	[tilespmem:v58+s19+$0x0] =	vst.idx.msk $0xffff, v0;
	v0 =	vor.u32 v62, v43;
	v58 =	vor.u32 v26, v42  }
0x12d: {  	v1 =	vld.idx.msk [tilespmem:v1+s5+$0x0], $0xffff;
	v0 =	vor.u32 v33, v0;
	[tilespmem:v59+s19+$0x0] =	vst.idx.msk $0xffff, v2;
	v2 =	vor.u32 v62, v45  }
0x12e: {  	v0 =	vadd.s32 v41, v0;
	v59 =	vor.u32 v26, v50;
	v3 =	vld.idx.msk [tilespmem:v3+s5+$0x0], $0xffff;
	v2 =	vor.u32 v33, v2  }
0x12f: {  	v2 =	vadd.s32 v44, v2  }
0x130: {  	v51 =	vor.u32 v33, v51;
	[tilespmem:v55+s19+$0x0] =	vst.idx.msk $0xffff, v54  }
0x131: {  	v63 =	vor.u32 v12, v43;
	v51 =	vadd.s32 v39, v51;
	[tilespmem:v60+s19+$0x0] =	vst.idx.msk $0xffff, v56  }
0x132: {  	v54 =	vor.u32 v33, v63;
	v56 =	vld.idx.msk [tilespmem:v57+s5+$0x0], $0xffff;
	v57 =	vor.u32 v24, v38;
	[tilespmem:v58+s19+$0x0] =	vst.idx.msk $0xffff, v1  }
0x133: {  	v60 =	vor.u32 v12, v45;
	v1 =	vor.u32 v24, v42;
	v0 =	vld.idx.msk [tilespmem:v0+s5+$0x0], $0xffff;
	[tilespmem:v59+s19+$0x0] =	vst.idx.msk $0xffff, v3  }
0x134: {  	v55 =	vor.u32 v33, v60;
	v3 =	vadd.s32 v41, v54;
	v54 =	vor.u32 v24, v50;
	v2 =	vld.idx.msk [tilespmem:v2+s5+$0x0], $0xffff  }
0x135: {  	v53 =	vor.u32 v33, v53;
	v63 =	vor.u32 v11, v40;
	v55 =	vadd.s32 v44, v55  }
0x136: {  	v53 =	vadd.s32 v36, v53;
	v60 =	vor.u32 v33, v63;
	v63 =	vor.u32 v27, v38  }
0x137: {  	v52 =	vld.idx.msk [tilespmem:v52+s5+$0x0], $0xffff;
	[tilespmem:v57+s19+$0x0] =	vst.idx.msk $0xffff, v56;
	v56 =	vor.u32 v29, v35;
	v57 =	vadd.s32 v39, v60  }
0x138: {  	v51 =	vld.idx.msk [tilespmem:v51+s5+$0x0], $0xffff;
	[tilespmem:v1+s19+$0x0] =	vst.idx.msk $0xffff, v0;
	v0 =	vor.u32 v11, v43;
	v1 =	vor.u32 v27, v42  }
0x139: {  	v3 =	vld.idx.msk [tilespmem:v3+s5+$0x0], $0xffff;
	v0 =	vor.u32 v33, v0;
	[tilespmem:v54+s19+$0x0] =	vst.idx.msk $0xffff, v2;
	v2 =	vor.u32 v11, v45  }
0x13a: {  	v0 =	vadd.s32 v41, v0;
	v54 =	vld.idx.msk [tilespmem:v55+s5+$0x0], $0xffff;
	v55 =	vor.u32 v27, v50;
	v2 =	vor.u32 v33, v2  }
0x13b: {  	v59 =	vor.u32 v10, v40;
	v2 =	vadd.s32 v44, v2  }
0x13c: {  	v60 =	vor.u32 v33, v59;
	[tilespmem:v56+s19+$0x0] =	vst.idx.msk $0xffff, v52;
	v52 =	vor.u32 v30, v35  }
0x13d: {  	[tilespmem:v63+s19+$0x0] =	vst.idx.msk $0xffff, v51;
	v51 =	vadd.s32 v39, v60;
	v53 =	vld.idx.msk [tilespmem:v53+s5+$0x0], $0xffff;
	v63 =	vor.u32 v10, v43  }
0x13e: {  	v60 =	vor.u32 v10, v45;
	v56 =	vld.idx.msk [tilespmem:v57+s5+$0x0], $0xffff;
	v57 =	vor.u32 v28, v38;
	[tilespmem:v1+s19+$0x0] =	vst.idx.msk $0xffff, v3  }
0x13f: {  	v1 =	vor.u32 v28, v42;
	v3 =	vor.u32 v33, v63;
	v0 =	vld.idx.msk [tilespmem:v0+s5+$0x0], $0xffff;
	[tilespmem:v55+s19+$0x0] =	vst.idx.msk $0xffff, v54  }
0x140: {  	v63 =	vor.u32 v33, v60;
	v3 =	vadd.s32 v41, v3;
	v54 =	vor.u32 v28, v50;
	v2 =	vld.idx.msk [tilespmem:v2+s5+$0x0], $0xffff  }
0x141: {  	v55 =	vadd.s32 v44, v63  }
0x142: {  	v60 =	vor.u32 v9, v40;
	[tilespmem:v52+s19+$0x0] =	vst.idx.msk $0xffff, v53;
	v52 =	vor.u32 v29, v38  }
0x143: {  	[tilespmem:v57+s19+$0x0] =	vst.idx.msk $0xffff, v56;
	v63 =	vor.u32 v33, v60;
	v60 =	vor.u32 v9, v43  }
0x144: {  	v51 =	vld.idx.msk [tilespmem:v51+s5+$0x0], $0xffff;
	v53 =	vadd.s32 v39, v63;
	v63 =	vor.u32 v9, v45;
	[tilespmem:v1+s19+$0x0] =	vst.idx.msk $0xffff, v0  }
0x145: {  	v0 =	vor.u32 v29, v42;
	v1 =	vld.idx.msk [tilespmem:v3+s5+$0x0], $0xffff;
	v3 =	vor.u32 v33, v60;
	[tilespmem:v54+s19+$0x0] =	vst.idx.msk $0xffff, v2  }
0x146: {  	v60 =	vor.u32 v33, v63;
	v2 =	vadd.s32 v41, v3;
	v54 =	vor.u32 v29, v50;
	v3 =	vld.idx.msk [tilespmem:v55+s5+$0x0], $0xffff  }
0x147: {  	v46 =	vor.u32 v33, v46;
	v63 =	vor.u32 v8, v40;
	v55 =	vadd.s32 v44, v60  }
0x148: {  	v46 =	vadd.s32 v36, v46;
	v60 =	vor.u32 v33, v63  }
0x149: {  	[tilespmem:v52+s19+$0x0] =	vst.idx.msk $0xffff, v51;
	v63 =	vor.u32 v30, v38;
	v52 =	vadd.s32 v39, v60  }
0x14a: {  	v53 =	vld.idx.msk [tilespmem:v53+s5+$0x0], $0xffff;
	[tilespmem:v0+s19+$0x0] =	vst.idx.msk $0xffff, v1;
	v0 =	vor.u32 v8, v43;
	v1 =	vor.u32 v30, v42  }
0x14b: {  	v2 =	vld.idx.msk [tilespmem:v2+s5+$0x0], $0xffff;
	v0 =	vor.u32 v33, v0;
	[tilespmem:v54+s19+$0x0] =	vst.idx.msk $0xffff, v3;
	v3 =	vor.u32 v8, v45  }
0x14c: {  	v0 =	vadd.s32 v41, v0;
	v54 =	vld.idx.msk [tilespmem:v55+s5+$0x0], $0xffff;
	v55 =	vor.u32 v30, v50;
	v3 =	vor.u32 v33, v3  }
0x14d: {  	v46 =	vld.idx.msk [tilespmem:v46+s5+$0x0], $0xffff;
	v51 =	vor.u32 v31, v35;
	v3 =	vadd.s32 v44, v3  }
0x14e: {  	[tilespmem:v48+s19+$0x0] =	vst.idx.msk $0xffff, v47  }
0x14f: {  	v59 =	vor.u32 v7, v40;
	[tilespmem:v63+s19+$0x0] =	vst.idx.msk $0xffff, v53  }
0x150: {  	v56 =	vor.u32 v7, v37;
	v53 =	vor.u32 v31, v38;
	v52 =	vld.idx.msk [tilespmem:v52+s5+$0x0], $0xffff;
	[tilespmem:v1+s19+$0x0] =	vst.idx.msk $0xffff, v2  }
0x151: {  	v56 =	vor.u32 v33, v56;
	v1 =	vor.u32 v31, v42;
	v0 =	vld.idx.msk [tilespmem:v0+s5+$0x0], $0xffff;
	[tilespmem:v55+s19+$0x0] =	vst.idx.msk $0xffff, v54  }
0x152: {  	[tilespmem:v51+s19+$0x0] =	vst.idx.msk $0xffff, v46;
	v51 =	vadd.s32 v36, v56;
	v54 =	vor.u32 v31, v50;
	v3 =	vld.idx.msk [tilespmem:v3+s5+$0x0], $0xffff  }
0x153: {  	v37 =	vor.u32 v6, v37;
	v60 =	vor.u32 v7, v43;
	v46 =	vor.u32 v33, v59  }
0x154: {  	v46 =	vadd.s32 v39, v46;
	v63 =	vor.u32 v7, v45;
	v2 =	vor.u32 v33, v60  }
0x155: {  	v60 =	vor.u32 v33, v63;
	v2 =	vadd.s32 v41, v2;
	[tilespmem:v53+s19+$0x0] =	vst.idx.msk $0xffff, v52  }
0x156: {  	v63 =	vor.u32 v6, v40;
	v55 =	vadd.s32 v44, v60;
	[tilespmem:v1+s19+$0x0] =	vst.idx.msk $0xffff, v0  }
0x157: {  	v37 =	vor.u32 v33, v37;
	v59 =	vor.u32 v33, v63;
	v60 =	vld.idx.msk [tilespmem:v51+s5+$0x0], $0xffff;
	[tilespmem:v54+s19+$0x0] =	vst.idx.msk $0xffff, v3  }
0x158: {  	v56 =	vor.u32 v16, v35;
	v36 =	vadd.s32 v36, v37;
	v37 =	vadd.s32 v39, v59;
	v59 =	vld [tilespmem:$0x1FFC0]  }
0x159: {  	v51 =	vor.u32 v16, v38;
	v52 =	vor.u32 v6, v43;
	v63 =	vld.idx.msk [tilespmem:v46+s5+$0x0], $0xffff  }
0x15a: {  	v53 =	vor.u32 v6, v45;
	v0 =	vor.u32 v16, v42;
	v1 =	vld.idx.msk [tilespmem:v2+s5+$0x0], $0xffff;
	v2 =	vor.u32 v33, v52  }
0x15b: {  	v57 =	vor.u32 v33, v53;
	v2 =	vadd.s32 v41, v2;
	v3 =	vld.idx.msk [tilespmem:v55+s5+$0x0], $0xffff;
	v55 =	vor.u32 v16, v50  }
0x15c: {  	v33 =	vadd.s32 v44, v57  }
0x15d: {  	v58 =	vld.idx.msk [tilespmem:v49+s5+$0x0], $0xffff;
	[tilespmem:v56+s19+$0x0] =	vst.idx.msk $0xffff, v60;
	v34 =	vor.u32 v59, v34  }
0x15e: {  	[tilespmem:v51+s19+$0x0] =	vst.idx.msk $0xffff, v63;
	v36 =	vld.idx.msk [tilespmem:v36+s5+$0x0], $0xffff;
	v60 =	vor.u32 v59, v35  }
0x15f: {  	v37 =	vld.idx.msk [tilespmem:v37+s5+$0x0], $0xffff;
	[tilespmem:v0+s19+$0x0] =	vst.idx.msk $0xffff, v1;
	v63 =	vor.u32 v59, v38  }
0x160: {  	v0 =	vld.idx.msk [tilespmem:v2+s5+$0x0], $0xffff;
	v1 =	vor.u32 v59, v42;
	[tilespmem:v55+s19+$0x0] =	vst.idx.msk $0xffff, v3  }
0x161: {  	v3 =	vor.u32 v59, v50;
	v2 =	vld.idx.msk [tilespmem:v33+s5+$0x0], $0xffff  }
0x162: {  	p2 =	sne.s32 s23, s10;
	[tilespmem:v34+s19+$0x0] =	vst.idx.msk $0xffff, v58  }
.Ltmp3:
0x163: {  	v9 =	vmovc v15;
	v15 =	vmov v26;
	v26 =	vmov v29;
	v57 =	vmov v16;
	[tilespmem:v60+s19+$0x0] =	vst.idx.msk $0xffff, v36;
	(pc) =	sbr.rel @p2 .LBB2_6-.Ltmp3, $4  }
0x164: {  	s24 =	sshll.u32 s24, $0xA;
	v54 =	vmovc v8;
	v8 =	vmovc v12;
	v12 =	vmov v23;
	v55 =	vmov v10;
	v59 =	vmov v24;
	[tilespmem:v63+s19+$0x0] =	vst.idx.msk $0xffff, v37  }
0x165: {  	s24 =	sand.u32 $0x1FFFFC00, s24;
	v24 =	vmovc v28;
	v10 =	vmovc v32;
	[tilespmem:v1+s19+$0x0] =	vst.idx.msk $0xffff, v0;
	v63 =	vmov v5;
	v1 =	vmov v6;
	v0 =	vmov v62  }
0x166: {  	s25 =	sor.u32 $0x4000, s25;
	s23 =	smov.u32 s26;
	s24 =	sadd.s32 s7, s24;
	v58 =	vmovc v30;
	v62 =	vmovc v19;
	v19 =	vmov v25;
	v60 =	vmov v22;
	[tilespmem:v3+s19+$0x0] =	vst.idx.msk $0xffff, v2;
	v3 =	vmov v18  }
0x167: {  	v18 =	vmovc v61;
	v61 =	vmovc v11;
	v11 =	vmov v21;
	v21 =	vmov v27;
	v27 =	vmov v31;
	[hbm4b:s24+s5] =	stream.linear.scatter [tilespmem:s25], [sflag:$0x2], $0x2000, $0x38;
	[tilespmem:$0x8000] =	vst v63  }
0x168: {  	_ =	swait.ge [sflag:s20], $0x2000  }
0x169: {  	[sflag:s20] =	ssyncset.done $0x0  }
0x16a: {  	[sflag:s20] =	ssyncadd.s32 $0xFFFFE000  }
0x16b: {  	_ =	swait.ge [sflag:s20], $0x2000  }
0x16c: {  	[sflag:s20] =	ssyncset.done $0x0  }
0x16d: {  	s22 =	simm.s32 $0x0;
	s23 =	simm.s32 $0x0;
	[sflag:s20] =	ssyncadd.s32 $0xFFFFE000  }
0x16e: {  	v6 =	vmov v7;
	v7 =	vmov v1;
	v5 =	vld [tilespmem:$0x1FFB0];
	[tilespmem:s22], [sflag:$0x1] =	stream.strided.gather [hbm4b:s12+s16], $0x2000, s17, s16, $0x38  }
.LBB2_10:
0x16f: {  	s24 =	sshll.u32 s23, $0x5  }
0x170: {  	p2 =	sge.u32 s23, s10;
	s24 =	sor.u32 s9, s24  }
0x171: {  	s26 =	sshll.u32 @!p2 s24, $0xA  }
0x172: {  	s25 =	sand.u32 $0x1, s23;
	s26 =	sadd.s32 @!p2 $0x8000, s26  }
0x173: {  	s28 =	sshll.u32 @!p2 s25, $0xD;
	s29 =	simm.s32 @!p2 $0x400;
	s26 =	sshrl.u32 @!p2 s26, $0x3  }
0x174: {  	s30 =	simm.s32 @!p2 $0xC3800;
	s28 =	sxor.u32 @!p2 $0x2000, s28;
	s26 =	sadd.s32 @!p2 s1, s26  }
0x175: {  	[tilespmem:s28], [sflag:$0x1] =	stream.strided.gather @!p2 [hbm4b:s26+s29], $0x2000, s30, s29, $0x38;
	[tilespmem:$0x8000] =	vst v63  }
0x176: {  	s26 =	sand.u32 $0x30, s22  }
0x177: {  	s28 =	sand.u32 $0x3, s22;
	v0 =	vmov s26  }
0x178: {  	s25 =	sshll.u32 s25, $0xD;
	s29 =	sshll.u32 s28, $0x5;
	v44 =	vshll.u32 v0, $0x7  }
0x179: {  	v33 =	vmov s25;
	s29 =	sadd.s32 $0x0, s29;
	v0 =	vor.u32 v17, v44  }
0x17a: {  	_ =	swait.ge [sflag:s18], $0x2000;
	s28 =	sshll.u32 s28, $0x4;
	v45 =	vor.u32 s29, v63;
	v0 =	vor.u32 v33, v0  }
0x17b: {  	p2 =	slt.u32 s23, $0x2;
	[sflag:s18] =	ssyncset.done $0x0;
	v1 =	vmov s28;
	v0 =	vadd.s32 v45, v0  }
0x17c: {  	s28 =	simm.s32 @!p2 $0x2;
	[sflag:s18] =	ssyncadd.s32 $0xFFFFE000;
	v1 =	vshll.u32 v1, $0x7  }
0x17d: {  	s29 =	simm.s32 $0x0;
	_ =	swait.ge @!p2 [sflag:s28], $0x2000;
	v1 =	vor.u32 v17, v1  }
0x17e: {  	s26 =	sor.u32 s26, s29;
	[sflag:s28] =	ssyncset.done @!p2 $0x0;
	v1 =	vor.u32 v33, v1  }
0x17f: {  	v2 =	vor.u32 v18, v44;
	[sflag:s28] =	ssyncadd.s32 @!p2 $0xFFFFE000;
	v34 =	vor.u32 s26, v1  }
0x180: {  	v2 =	vor.u32 v33, v2;
	v1 =	vor.u32 v4, v34;
	v0 =	vld.idx.msk [tilespmem:v0+s5+$0x0], $0xffff  }
0x181: {  	v2 =	vadd.s32 v45, v2;
	_ =	sdelay $0x3  }
0x182: {  	v43 =	vor.u32 v10, v44;
	[tilespmem:v1+s19+$0x0] =	vst.idx.msk $0xffff, v0  }
0x183: {  	v46 =	vor.u32 v20, v34;
	v0 =	vor.u32 v33, v43;
	v1 =	vld.idx.msk [tilespmem:v2+s5+$0x0], $0xffff  }
0x184: {  	v0 =	vadd.s32 v45, v0  }
0x185: {  	s26 =	simm.s32 $0x4  }
0x186: {  	s28 =	simm.s32 $0x1;
	s26 =	sand.u32 $0x30, s26  }
0x187: {  	v30 =	vmov v3;
	v47 =	vor.u32 v3, v44;
	s28 =	sand.u32 $0x3, s28;
	v3 =	vmov s26  }
0x188: {  	s29 =	sshll.u32 s28, $0x5;
	v37 =	vshll.u32 v3, $0x7;
	[tilespmem:v46+s19+$0x0] =	vst.idx.msk $0xffff, v1  }
0x189: {  	v48 =	vor.u32 v5, v34;
	s29 =	sadd.s32 $0x0, s29;
	v3 =	vor.u32 v17, v37;
	v1 =	vor.u32 v33, v47;
	v0 =	vld.idx.msk [tilespmem:v0+s5+$0x0], $0xffff  }
0x18a: {  	s28 =	sshll.u32 s28, $0x4;
	v36 =	vor.u32 s29, v63;
	v3 =	vor.u32 v33, v3;
	v1 =	vadd.s32 v45, v1  }
0x18b: {  	v35 =	vmov s28;
	v50 =	vadd.s32 v36, v3  }
0x18c: {  	v3 =	vshll.u32 v35, $0x7  }
0x18d: {  	v49 =	vor.u32 v60, v44;
	s28 =	simm.s32 $0x0;
	v3 =	vor.u32 v17, v3  }
0x18e: {  	v38 =	vor.u32 v11, v34;
	s26 =	sor.u32 s26, s28;
	v3 =	vor.u32 v33, v3;
	[tilespmem:v48+s19+$0x0] =	vst.idx.msk $0xffff, v0  }
0x18f: {  	v39 =	vor.u32 v18, v37;
	v35 =	vor.u32 s26, v3;
	v0 =	vor.u32 v33, v49;
	v1 =	vld.idx.msk [tilespmem:v1+s5+$0x0], $0xffff  }
0x190: {  	v39 =	vor.u32 v33, v39;
	v3 =	vor.u32 v4, v35;
	v2 =	vld.idx.msk [tilespmem:v50+s5+$0x0], $0xffff;
	v0 =	vadd.s32 v45, v0  }
0x191: {  	v51 =	vadd.s32 v36, v39;
	_ =	sdelay $0x1  }
0x192: {  	v40 =	vor.u32 v9, v44  }
0x193: {  	v52 =	vor.u32 v33, v40;
	[tilespmem:v38+s19+$0x0] =	vst.idx.msk $0xffff, v1  }
0x194: {  	v53 =	vor.u32 v12, v34;
	v56 =	vor.u32 v10, v37;
	[tilespmem:v3+s19+$0x0] =	vst.idx.msk $0xffff, v2;
	v0 =	vld.idx.msk [tilespmem:v0+s5+$0x0], $0xffff  }
0x195: {  	v3 =	vor.u32 v20, v35;
	v2 =	vor.u32 v33, v56;
	v38 =	vadd.s32 v45, v52;
	v1 =	vld.idx.msk [tilespmem:v51+s5+$0x0], $0xffff  }
0x196: {  	v42 =	vadd.s32 v36, v2;
	_ =	sdelay $0x2  }
0x197: {  	v32 =	vor.u32 v14, v44;
	[tilespmem:v53+s19+$0x0] =	vst.idx.msk $0xffff, v0  }
0x198: {  	v43 =	vor.u32 v33, v32;
	v46 =	vor.u32 v19, v34;
	[tilespmem:v3+s19+$0x0] =	vst.idx.msk $0xffff, v1;
	v38 =	vld.idx.msk [tilespmem:v38+s5+$0x0], $0xffff  }
0x199: {  	v41 =	vor.u32 v5, v35;
	v2 =	vadd.s32 v45, v43;
	v0 =	vld.idx.msk [tilespmem:v42+s5+$0x0], $0xffff;
	_ =	sdelay $0x3  }
0x19a: {  	v3 =	vor.u32 v30, v37;
	[tilespmem:v46+s19+$0x0] =	vst.idx.msk $0xffff, v38  }
0x19b: {  	s28 =	simm.s32 $0x8;
	s26 =	simm.s32 $0x2;
	v47 =	vor.u32 v13, v44;
	v3 =	vor.u32 v33, v3;
	[tilespmem:v41+s19+$0x0] =	vst.idx.msk $0xffff, v0;
	v2 =	vld.idx.msk [tilespmem:v2+s5+$0x0], $0xffff  }
0x19c: {  	s28 =	sand.u32 $0x30, s28;
	s26 =	sand.u32 $0x3, s26;
	v1 =	vor.u32 v33, v47;
	v42 =	vor.u32 v62, v34;
	v3 =	vadd.s32 v36, v3;
	v16 =	vld [tilespmem:$0x1FF90]  }
0x19d: {  	s29 =	sshll.u32 s26, $0x4;
	s26 =	sshll.u32 s26, $0x5;
	v48 =	vmov s28;
	v1 =	vadd.s32 v45, v1  }
0x19e: {  	v32 =	vor.u32 v15, v34;
	s26 =	sadd.s32 $0x0, s26;
	v40 =	vshll.u32 v48, $0x7  }
0x19f: {  	v39 =	vor.u32 s26, v63;
	v43 =	vor.u32 v17, v40;
	v51 =	vor.u32 v60, v37  }
0x1a0: {  	v56 =	vor.u32 v11, v35;
	v52 =	vor.u32 v33, v43;
	v0 =	vor.u32 v33, v51  }
0x1a1: {  	v49 =	vmov s29;
	v41 =	vadd.s32 v39, v52;
	v3 =	vld.idx.msk [tilespmem:v3+s5+$0x0], $0xffff;
	v53 =	vor.u32 v16, v44;
	[tilespmem:v42+s19+$0x0] =	vst.idx.msk $0xffff, v2  }
0x1a2: {  	v50 =	vshll.u32 v49, $0x7;
	v0 =	vadd.s32 v36, v0;
	v1 =	vld.idx.msk [tilespmem:v1+s5+$0x0], $0xffff;
	v43 =	vor.u32 v33, v53  }
0x1a3: {  	s26 =	simm.s32 $0x0;
	v38 =	vor.u32 v17, v50;
	v43 =	vadd.s32 v45, v43  }
0x1a4: {  	s26 =	sor.u32 s28, s26;
	v49 =	vor.u32 v9, v37;
	v46 =	vor.u32 v18, v40;
	v38 =	vor.u32 v33, v38  }
0x1a5: {  	v47 =	vor.u32 v8, v44;
	v46 =	vor.u32 v33, v46;
	v38 =	vor.u32 s26, v38  }
0x1a6: {  	v50 =	vadd.s32 v39, v46;
	v48 =	vor.u32 v4, v38;
	v41 =	vld.idx.msk [tilespmem:v41+s5+$0x0], $0xffff;
	[tilespmem:v56+s19+$0x0] =	vst.idx.msk $0xffff, v3  }
0x1a7: {  	v3 =	vor.u32 v33, v49;
	v0 =	vld.idx.msk [tilespmem:v0+s5+$0x0], $0xffff;
	[tilespmem:v32+s19+$0x0] =	vst.idx.msk $0xffff, v1;
	v1 =	vor.u32 v12, v35  }
0x1a8: {  	v51 =	vor.u32 v33, v47;
	v3 =	vadd.s32 v36, v3;
	v42 =	vld.idx.msk [tilespmem:v43+s5+$0x0], $0xffff;
	v43 =	vor.u32 v59, v34  }
0x1a9: {  	v46 =	vadd.s32 v45, v51  }
0x1aa: {  	v52 =	vor.u32 v10, v40;
	v56 =	vor.u32 v20, v38  }
0x1ab: {  	v53 =	vor.u32 v14, v37;
	[tilespmem:v48+s19+$0x0] =	vst.idx.msk $0xffff, v41;
	v41 =	vor.u32 v33, v52  }
0x1ac: {  	v52 =	vor.u32 v33, v53;
	v2 =	vld.idx.msk [tilespmem:v50+s5+$0x0], $0xffff;
	v32 =	vor.u32 v61, v44;
	[tilespmem:v1+s19+$0x0] =	vst.idx.msk $0xffff, v0  }
0x1ad: {  	v0 =	vadd.s32 v39, v41;
	v41 =	vor.u32 v19, v35;
	v3 =	vld.idx.msk [tilespmem:v3+s5+$0x0], $0xffff;
	[tilespmem:v43+s19+$0x0] =	vst.idx.msk $0xffff, v42  }
0x1ae: {  	v53 =	vor.u32 v33, v32;
	v1 =	vadd.s32 v36, v52;
	v43 =	vor.u32 v21, v34;
	v42 =	vld.idx.msk [tilespmem:v46+s5+$0x0], $0xffff  }
0x1af: {  	v46 =	vadd.s32 v45, v53  }
0x1b0: {  	s26 =	simm.s32 $0x3;
	v51 =	vor.u32 v5, v38  }
0x1b1: {  	s26 =	sand.u32 $0x3, s26;
	v49 =	vor.u32 v54, v44;
	v50 =	vor.u32 v30, v40;
	[tilespmem:v56+s19+$0x0] =	vst.idx.msk $0xffff, v2  }
0x1b2: {  	s28 =	sshll.u32 s26, $0x4;
	v32 =	vor.u32 v55, v44;
	v56 =	vor.u32 v13, v37;
	v0 =	vld.idx.msk [tilespmem:v0+s5+$0x0], $0xffff;
	[tilespmem:v41+s19+$0x0] =	vst.idx.msk $0xffff, v3  }
0x1b3: {  	v47 =	vmov s28;
	s28 =	simm.s32 $0xC;
	v2 =	vor.u32 v33, v56;
	v3 =	vor.u32 v33, v50;
	v1 =	vld.idx.msk [tilespmem:v1+s5+$0x0], $0xffff;
	[tilespmem:v43+s19+$0x0] =	vst.idx.msk $0xffff, v42  }
0x1b4: {  	s28 =	sand.u32 $0x30, s28;
	v56 =	vor.u32 v33, v32;
	v3 =	vadd.s32 v39, v3;
	v42 =	vor.u32 v62, v35;
	v46 =	vld.idx.msk [tilespmem:v46+s5+$0x0], $0xffff  }
0x1b5: {  	v32 =	vmov s28;
	v2 =	vadd.s32 v36, v2;
	v50 =	vor.u32 v24, v34;
	v23 =	vld [tilespmem:$0x1FF80]  }
0x1b6: {  	s26 =	sshll.u32 s26, $0x5;
	v47 =	vshll.u32 v47, $0x7;
	v49 =	vor.u32 v33, v49;
	v43 =	vshll.u32 v32, $0x7  }
0x1b7: {  	s26 =	sadd.s32 $0x0, s26;
	v52 =	vadd.s32 v45, v56;
	v56 =	vor.u32 v60, v40;
	v32 =	vor.u32 v17, v43  }
0x1b8: {  	v41 =	vor.u32 s26, v63;
	[tilespmem:v51+s19+$0x0] =	vst.idx.msk $0xffff, v0;
	v0 =	vor.u32 v33, v56;
	v56 =	vor.u32 v33, v32  }
0x1b9: {  	v3 =	vld.idx.msk [tilespmem:v3+s5+$0x0], $0xffff;
	[tilespmem:v42+s19+$0x0] =	vst.idx.msk $0xffff, v1;
	v42 =	vor.u32 v11, v38;
	v1 =	vadd.s32 v41, v56  }
0x1ba: {  	v53 =	vor.u32 v23, v44;
	v2 =	vld.idx.msk [tilespmem:v2+s5+$0x0], $0xffff;
	[tilespmem:v50+s19+$0x0] =	vst.idx.msk $0xffff, v46;
	v46 =	vor.u32 v15, v35  }
0x1bb: {  	v48 =	vor.u32 v16, v37;
	v0 =	vadd.s32 v39, v0;
	v32 =	vor.u32 v33, v53  }
0x1bc: {  	v47 =	vor.u32 v17, v47;
	v49 =	vadd.s32 v45, v49;
	v48 =	vor.u32 v33, v48;
	s26 =	simm.s32 $0x0  }
0x1bd: {  	v28 =	vmovc v55;
	v47 =	vor.u32 v33, v47;
	v48 =	vadd.s32 v36, v48;
	s26 =	sor.u32 s28, s26;
	v51 =	vor.u32 v26, v34  }
0x1be: {  	v50 =	vld.idx.msk [tilespmem:v52+s5+$0x0], $0xffff;
	v52 =	vadd.s32 v45, v32;
	v32 =	vmov v54;
	[tilespmem:v42+s19+$0x0] =	vst.idx.msk $0xffff, v3;
	v42 =	vor.u32 s26, v47  }
0x1bf: {  	v54 =	vor.u32 v9, v40;
	v1 =	vld.idx.msk [tilespmem:v1+s5+$0x0], $0xffff;
	[tilespmem:v46+s19+$0x0] =	vst.idx.msk $0xffff, v2;
	v2 =	vor.u32 v4, v42  }
0x1c0: {  	v55 =	vor.u32 v18, v43;
	v47 =	vor.u32 v12, v38;
	v3 =	vor.u32 v33, v54;
	v0 =	vld.idx.msk [tilespmem:v0+s5+$0x0], $0xffff  }
0x1c1: {  	v55 =	vor.u32 v33, v55;
	v53 =	vor.u32 v8, v37;
	v3 =	vadd.s32 v39, v3  }
0x1c2: {  	v29 =	vmovc v8;
	v56 =	vor.u32 v33, v53;
	v53 =	vor.u32 v58, v34;
	v46 =	vadd.s32 v41, v55  }
0x1c3: {  	v55 =	vor.u32 v10, v43;
	[tilespmem:v51+s19+$0x0] =	vst.idx.msk $0xffff, v50;
	v48 =	vld.idx.msk [tilespmem:v48+s5+$0x0], $0xffff;
	v50 =	vor.u32 v59, v35  }
0x1c4: {  	v51 =	vadd.s32 v36, v56;
	v56 =	vor.u32 v33, v55;
	v52 =	vld.idx.msk [tilespmem:v52+s5+$0x0], $0xffff;
	[tilespmem:v2+s19+$0x0] =	vst.idx.msk $0xffff, v1  }
0x1c5: {  	v8 =	vmov v61;
	v55 =	vadd.s32 v41, v56;
	v1 =	vor.u32 v14, v40;
	[tilespmem:v47+s19+$0x0] =	vst.idx.msk $0xffff, v0  }
0x1c6: {  	v56 =	vor.u32 v19, v38;
	v2 =	vor.u32 v61, v37;
	v0 =	vor.u32 v33, v1;
	v61 =	vld.idx.msk [tilespmem:v3+s5+$0x0], $0xffff  }
0x1c7: {  	v16 =	vmov v20;
	v47 =	vor.u32 v20, v42;
	v20 =	vadd.s32 v39, v0  }
0x1c8: {  	v1 =	vld.idx.msk [tilespmem:v46+s5+$0x0], $0xffff;
	[tilespmem:v50+s19+$0x0] =	vst.idx.msk $0xffff, v48;
	v2 =	vor.u32 v33, v2  }
0x1c9: {  	[tilespmem:v53+s19+$0x0] =	vst.idx.msk $0xffff, v52;
	v51 =	vld.idx.msk [tilespmem:v51+s5+$0x0], $0xffff;
	v53 =	vadd.s32 v36, v2  }
0x1ca: {  	v49 =	vld.idx.msk [tilespmem:v49+s5+$0x0], $0xffff;
	[tilespmem:$0x1FF50] =	vst v53  }
0x1cb: {  	s26 =	simm.s32 $0x4;
	v52 =	vor.u32 v21, v35;
	[tilespmem:v56+s19+$0x0] =	vst.idx.msk $0xffff, v61  }
0x1cc: {  	s26 =	sand.u32 $0x3, s26;
	v2 =	vmov v23;
	v23 =	vmov v8;
	v8 =	vld.idx.msk [tilespmem:v20+s5+$0x0], $0xffff  }
0x1cd: {  	s28 =	sshll.u32 s26, $0x4;
	v53 =	vor.u32 v27, v34  }
0x1ce: {  	v25 =	vmov v30;
	v54 =	vor.u32 v6, v44;
	v48 =	vmov s28  }
0x1cf: {  	v50 =	vshll.u32 v48, $0x7;
	v48 =	vor.u32 v30, v43;
	[tilespmem:v47+s19+$0x0] =	vst.idx.msk $0xffff, v1;
	v47 =	vor.u32 v28, v37  }
0x1d0: {  	v30 =	vmov v28;
	v28 =	vmov v59;
	v59 =	vor.u32 v5, v42;
	v22 =	vld.idx.msk [tilespmem:v55+s5+$0x0], $0xffff;
	[tilespmem:v52+s19+$0x0] =	vst.idx.msk $0xffff, v51  }
0x1d1: {  	v54 =	vor.u32 v33, v54;
	v48 =	vor.u32 v33, v48;
	[tilespmem:$0x1FF60] =	vst v8  }
0x1d2: {  	v31 =	vmov v58;
	v58 =	vor.u32 v13, v40;
	v61 =	vadd.s32 v41, v48;
	[tilespmem:v53+s19+$0x0] =	vst.idx.msk $0xffff, v49  }
0x1d3: {  	v3 =	vmovc v57;
	v57 =	vadd.s32 v45, v54;
	v20 =	vmov v24;
	v55 =	vor.u32 v24, v35;
	v24 =	vld [tilespmem:$0x1FF50]  }
0x1d4: {  	v54 =	vmovc v62;
	v62 =	vmov v7;
	v7 =	vor.u32 v7, v44;
	s28 =	simm.s32 $0x10;
	v1 =	vor.u32 v33, v58  }
0x1d5: {  	s30 =	sand.u32 $0x30, s28;
	v56 =	vadd.s32 v39, v1;
	v1 =	vor.u32 v33, v7;
	[tilespmem:v59+s19+$0x0] =	vst.idx.msk $0xffff, v22  }
0x1d6: {  	v58 =	vmov s30;
	v49 =	vadd.s32 v45, v1;
	v1 =	vor.u32 v60, v43;
	v22 =	vmovc v60;
	v60 =	vld [tilespmem:$0x1FF90]  }
0x1d7: {  	v45 =	vshll.u32 v58, $0x7;
	v58 =	vld.idx.msk [tilespmem:v61+s5+$0x0], $0xffff  }
0x1d8: {  	v0 =	vmov v29;
	v29 =	vmov v62;
	v62 =	vor.u32 v54, v38;
	v61 =	vld [tilespmem:$0x1FF60]  }
0x1d9: {  	s26 =	sshll.u32 s26, $0x5  }
0x1da: {  	s26 =	sadd.s32 $0x0, s26;
	v46 =	vor.u32 v32, v37;
	v48 =	vor.u32 v3, v34;
	v51 =	vor.u32 v33, v47  }
0x1db: {  	v44 =	vor.u32 s26, v63;
	v7 =	vmovc v2;
	v52 =	vadd.s32 v36, v51;
	v8 =	vmovc v32;
	v32 =	vmov v54;
	v54 =	vld.idx.msk [tilespmem:v24+s5+$0x0], $0xffff  }
0x1dc: {  	v51 =	vor.u32 v0, v40;
	v53 =	vor.u32 v2, v37;
	v47 =	vld.idx.msk [tilespmem:v57+s5+$0x0], $0xffff;
	v59 =	vor.u32 v33, v1  }
0x1dd: {  	s31 =	simm.s32 $0x0;
	s29 =	simm.s32 $0x5;
	s26 =	sadd.s32 $0x1, s23;
	v57 =	vor.u32 v60, v40;
	v60 =	vor.u32 v17, v45;
	[tilespmem:v62+s19+$0x0] =	vst.idx.msk $0xffff, v61;
	v24 =	vmov v0  }
.LBB2_11:
0x1de: {  	_ = 	snop  }
0x1df: {  	v2 =	vld.idx.msk [tilespmem:v56+s5+$0x0], $0xffff  }
0x1e0: {  	v0 =	vor.u32 v33, v60;
	v1 =	vor.u32 v11, v42;
	[tilespmem:v55+s19+$0x0] =	vst.idx.msk $0xffff, v54;
	v60 =	vld [tilespmem:$0x1FFC0]  }
0x1e1: {  	v3 =	vor.u32 v15, v38;
	v54 =	vor.u32 v26, v35;
	v53 =	vor.u32 v33, v53  }
0x1e2: {  	v50 =	vor.u32 v17, v50;
	v61 =	vor.u32 v9, v43;
	v0 =	vadd.s32 v44, v0  }
0x1e3: {  	v62 =	vor.u32 v18, v45;
	v46 =	vor.u32 v33, v46;
	v52 =	vld.idx.msk [tilespmem:v52+s5+$0x0], $0xffff;
	[tilespmem:v48+s19+$0x0] =	vst.idx.msk $0xffff, v47  }
0x1e4: {  	v47 =	vadd.s32 v41, v59;
	v59 =	vor.u32 v33, v57;
	v53 =	vadd.s32 v36, v53  }
0x1e5: {  	s31 =	sshll.u32 s31, $0x6;
	v50 =	vor.u32 v33, v50;
	v49 =	vld.idx.msk [tilespmem:v49+s5+$0x0], $0xffff;
	v48 =	vadd.s32 v39, v59;
	v55 =	vor.u32 v60, v34  }
0x1e6: {  	s30 =	sor.u32 s30, s31;
	v46 =	vadd.s32 v36, v46;
	v57 =	vmov v43;
	v59 =	vor.u32 v33, v62;
	[tilespmem:v1+s19+$0x0] =	vst.idx.msk $0xffff, v58  }
0x1e7: {  	v34 =	vmovc v35;
	v35 =	vmovc v38;
	v38 =	vmov v42;
	v42 =	vor.u32 s30, v50;
	v58 =	vor.u32 v33, v61;
	v0 =	vld.idx.msk [tilespmem:v0+s5+$0x0], $0xffff  }
0x1e8: {  	[tilespmem:v3+s19+$0x0] =	vst.idx.msk $0xffff, v2;
	v2 =	vmov v39;
	v3 =	vor.u32 v4, v42;
	v60 =	vor.u32 v12, v38  }
0x1e9: {  	v1 =	vadd.s32 v41, v58;
	v47 =	vld.idx.msk [tilespmem:v47+s5+$0x0], $0xffff;
	[tilespmem:v54+s19+$0x0] =	vst.idx.msk $0xffff, v52;
	v52 =	vadd.s32 v44, v59  }
0x1ea: {  	s30 =	sand.u32 $0x3, s29;
	v4 =	vor.u32 v33, v51;
	v48 =	vld.idx.msk [tilespmem:v48+s5+$0x0], $0xffff;
	[tilespmem:v55+s19+$0x0] =	vst.idx.msk $0xffff, v49;
	v49 =	vor.u32 v28, v35  }
0x1eb: {  	s31 =	sshll.u32 s30, $0x4;
	v59 =	vor.u32 v10, v45;
	v55 =	vor.u32 v31, v34;
	v51 =	vld.idx.msk [tilespmem:v53+s5+$0x0], $0xffff;
	v53 =	vadd.s32 v2, v4  }
0x1ec: {  	v39 =	vmovc v41;
	v41 =	vmovc v44;
	v58 =	vor.u32 v14, v57;
	v61 =	vmov s31;
	v43 =	vor.u32 v33, v59  }
0x1ed: {  	v50 =	vshll.u32 v61, $0x7;
	v61 =	vadd.s32 v41, v43;
	[tilespmem:v3+s19+$0x0] =	vst.idx.msk $0xffff, v0;
	v3 =	vor.u32 v23, v40  }
0x1ee: {  	v0 =	vor.u32 v33, v58;
	v52 =	vld.idx.msk [tilespmem:v52+s5+$0x0], $0xffff;
	[tilespmem:v60+s19+$0x0] =	vst.idx.msk $0xffff, v47;
	v60 =	vor.u32 v16, v42  }
0x1ef: {  	v0 =	vadd.s32 v39, v0;
	v1 =	vld.idx.msk [tilespmem:v1+s5+$0x0], $0xffff;
	[tilespmem:v49+s19+$0x0] =	vst.idx.msk $0xffff, v48;
	v49 =	vor.u32 v19, v38  }
0x1f0: {  	v3 =	vor.u32 v33, v3;
	v53 =	vld.idx.msk [tilespmem:v53+s5+$0x0], $0xffff;
	[tilespmem:v55+s19+$0x0] =	vst.idx.msk $0xffff, v51;
	v51 =	vor.u32 v21, v35  }
0x1f1: {  	v62 =	vor.u32 v6, v37;
	v3 =	vadd.s32 v2, v3  }
0x1f2: {  	v62 =	vor.u32 v33, v62;
	v58 =	vor.u32 v27, v34;
	v55 =	vld.idx.msk [tilespmem:v46+s5+$0x0], $0xffff  }
0x1f3: {  	v43 =	vmov v45;
	v45 =	vadd.s32 v36, v62;
	[tilespmem:v60+s19+$0x0] =	vst.idx.msk $0xffff, v52  }
0x1f4: {  	v54 =	vor.u32 v13, v57;
	v60 =	vld.idx.msk [tilespmem:v61+s5+$0x0], $0xffff;
	[tilespmem:v49+s19+$0x0] =	vst.idx.msk $0xffff, v1  }
0x1f5: {  	s30 =	sshll.u32 s30, $0x5;
	s31 =	sshrl.u32 s29, $0x4;
	v59 =	vor.u32 v29, v37;
	v37 =	vmov v40;
	v0 =	vld.idx.msk [tilespmem:v0+s5+$0x0], $0xffff;
	[tilespmem:v51+s19+$0x0] =	vst.idx.msk $0xffff, v53  }
0x1f6: {  	s28 =	sadd.s32 $0x4, s28;
	s30 =	sadd.s32 s31, s30;
	v47 =	vor.u32 v30, v37;
	v56 =	vor.u32 v25, v43;
	v49 =	vor.u32 v33, v54;
	v54 =	vld.idx.msk [tilespmem:v3+s5+$0x0], $0xffff  }
0x1f7: {  	v44 =	vor.u32 s30, v63;
	s30 =	sand.u32 $0x30, s28;
	v52 =	vor.u32 v33, v56;
	v61 =	vor.u32 v5, v42;
	[tilespmem:v58+s19+$0x0] =	vst.idx.msk $0xffff, v55;
	v58 =	vld [tilespmem:$0x1FFD0]  }
0x1f8: {  	v62 =	vmov s30;
	v5 =	vmovc v63;
	v63 =	vadd.s32 v41, v52;
	v53 =	vor.u32 v33, v47;
	v47 =	vld.idx.msk [tilespmem:v45+s5+$0x0], $0xffff  }
0x1f9: {  	p2 =	sne.s32 s29, $0x1F;
	v4 =	vor.u32 v32, v38;
	v45 =	vshll.u32 v62, $0x7;
	v62 =	vld [tilespmem:$0x1FF90]  }
.Ltmp4:
0x1fa: {  	v59 =	vor.u32 v33, v59;
	v46 =	vor.u32 v8, v40;
	v40 =	vmovc v57;
	v1 =	vor.u32 v22, v43;
	(pc) =	sbr.rel @p2 .LBB2_11-.Ltmp4, $4  }
0x1fb: {  	v56 =	vadd.s32 v39, v49;
	v51 =	vor.u32 v24, v40;
	v49 =	vadd.s32 v36, v59  }
0x1fc: {  	v36 =	vmov v2;
	v59 =	vor.u32 v33, v1;
	v55 =	vor.u32 v20, v35;
	[tilespmem:v61+s19+$0x0] =	vst.idx.msk $0xffff, v60  }
0x1fd: {  	v52 =	vadd.s32 v2, v53;
	v53 =	vor.u32 v7, v37;
	v48 =	vor.u32 v58, v34;
	v58 =	vld.idx.msk [tilespmem:v63+s5+$0x0], $0xffff  }
0x1fe: {  	s29 =	sadd.s32 $0x1, s29;
	v60 =	vor.u32 v17, v45;
	v63 =	vmovc v5;
	v5 =	vld [tilespmem:$0x1FFB0];
	[tilespmem:v4+s19+$0x0] =	vst.idx.msk $0xffff, v0;
	v4 =	vlaneseq.u32;
	v57 =	vor.u32 v62, v40  }
0x1ff: {  	v0 =	vor.u32 v33, v60  }
0x200: {  	v0 =	vadd.s32 v44, v0;
	_ =	sdelay $0x1  }
0x201: {  	s28 =	sshll.u32 s31, $0x6;
	v1 =	vor.u32 v17, v50  }
0x202: {  	s28 =	sor.u32 s30, s28;
	v1 =	vor.u32 v33, v1  }
0x203: {  	v50 =	vor.u32 s28, v1;
	v2 =	vor.u32 v18, v45  }
0x204: {  	v1 =	vor.u32 v4, v50;
	v2 =	vor.u32 v33, v2;
	v0 =	vld.idx.msk [tilespmem:v0+s5+$0x0], $0xffff  }
0x205: {  	v2 =	vadd.s32 v44, v2;
	_ =	sdelay $0x3  }
0x206: {  	[tilespmem:v1+s19+$0x0] =	vst.idx.msk $0xffff, v0;
	v0 =	vor.u32 v10, v45  }
0x207: {  	v1 =	vld.idx.msk [tilespmem:v2+s5+$0x0], $0xffff;
	v2 =	vor.u32 v16, v50;
	v0 =	vor.u32 v33, v0  }
0x208: {  	v0 =	vadd.s32 v44, v0;
	_ =	sdelay $0x3  }
0x209: {  	[tilespmem:v2+s19+$0x0] =	vst.idx.msk $0xffff, v1;
	v1 =	vor.u32 v25, v45  }
0x20a: {  	v2 =	vor.u32 v5, v50;
	v0 =	vld.idx.msk [tilespmem:v0+s5+$0x0], $0xffff;
	v1 =	vor.u32 v33, v1  }
0x20b: {  	v1 =	vadd.s32 v44, v1;
	_ =	sdelay $0x2  }
0x20c: {  	v3 =	vor.u32 v11, v42  }
0x20d: {  	[tilespmem:v2+s19+$0x0] =	vst.idx.msk $0xffff, v0;
	v0 =	vor.u32 v22, v45;
	v2 =	vadd.s32 v41, v59  }
0x20e: {  	v4 =	vor.u32 v11, v50;
	v1 =	vld.idx.msk [tilespmem:v1+s5+$0x0], $0xffff;
	v0 =	vor.u32 v33, v0  }
0x20f: {  	v0 =	vadd.s32 v44, v0;
	_ =	sdelay $0x1  }
0x210: {  	v62 =	vor.u32 v9, v43;
	[tilespmem:v3+s19+$0x0] =	vst.idx.msk $0xffff, v58  }
0x211: {  	v60 =	vor.u32 v12, v42;
	v3 =	vor.u32 v33, v62;
	v2 =	vld.idx.msk [tilespmem:v2+s5+$0x0], $0xffff  }
0x212: {  	[tilespmem:v4+s19+$0x0] =	vst.idx.msk $0xffff, v1;
	v1 =	vadd.s32 v41, v3  }
0x213: {  	v4 =	vor.u32 v12, v50;
	v0 =	vld.idx.msk [tilespmem:v0+s5+$0x0], $0xffff;
	_ =	sdelay $0x1  }
0x214: {  	v61 =	vor.u32 v9, v45  }
0x215: {  	v62 =	vor.u32 v14, v43;
	v3 =	vor.u32 v33, v61;
	[tilespmem:v60+s19+$0x0] =	vst.idx.msk $0xffff, v2  }
0x216: {  	v3 =	vadd.s32 v44, v3;
	v2 =	vor.u32 v33, v62;
	v60 =	vor.u32 v19, v42;
	v1 =	vld.idx.msk [tilespmem:v1+s5+$0x0], $0xffff  }
0x217: {  	[tilespmem:v4+s19+$0x0] =	vst.idx.msk $0xffff, v0;
	v0 =	vadd.s32 v41, v2;
	_ =	sdelay $0x3  }
0x218: {  	v4 =	vor.u32 v19, v50;
	v3 =	vld.idx.msk [tilespmem:v3+s5+$0x0], $0xffff;
	[tilespmem:v60+s19+$0x0] =	vst.idx.msk $0xffff, v1  }
0x219: {  	v61 =	vor.u32 v14, v45;
	v60 =	vor.u32 v32, v42;
	v0 =	vld.idx.msk [tilespmem:v0+s5+$0x0], $0xffff  }
0x21a: {  	v2 =	vor.u32 v33, v61  }
0x21b: {  	v2 =	vadd.s32 v44, v2  }
0x21c: {  	v62 =	vor.u32 v13, v43  }
0x21d: {  	[tilespmem:v4+s19+$0x0] =	vst.idx.msk $0xffff, v3  }
0x21e: {  	[tilespmem:v60+s19+$0x0] =	vst.idx.msk $0xffff, v0  }
0x21f: {  	v61 =	vor.u32 v13, v45;
	v1 =	vor.u32 v33, v62;
	v62 =	vmovc v32;
	v4 =	vor.u32 v32, v50;
	v32 =	vld [tilespmem:$0x1FF90]  }
0x220: {  	v1 =	vadd.s32 v41, v1;
	v3 =	vor.u32 v33, v61;
	v2 =	vld.idx.msk [tilespmem:v2+s5+$0x0], $0xffff  }
0x221: {  	v3 =	vadd.s32 v44, v3;
	_ =	sdelay $0x1  }
0x222: {  	v56 =	vld.idx.msk [tilespmem:v56+s5+$0x0], $0xffff;
	v57 =	vor.u32 v33, v57;
	v59 =	vor.u32 v15, v38  }
0x223: {  	v57 =	vadd.s32 v39, v57;
	v58 =	vor.u32 v15, v42;
	v0 =	vor.u32 v32, v43  }
0x224: {  	v1 =	vld.idx.msk [tilespmem:v1+s5+$0x0], $0xffff;
	[tilespmem:v4+s19+$0x0] =	vst.idx.msk $0xffff, v2;
	v2 =	vor.u32 v32, v45;
	v0 =	vor.u32 v33, v0  }
0x225: {  	v4 =	vor.u32 v15, v50;
	v3 =	vld.idx.msk [tilespmem:v3+s5+$0x0], $0xffff;
	v2 =	vor.u32 v33, v2;
	v0 =	vadd.s32 v41, v0  }
0x226: {  	v2 =	vadd.s32 v44, v2  }
0x227: {  	v51 =	vor.u32 v33, v51;
	[tilespmem:v59+s19+$0x0] =	vst.idx.msk $0xffff, v56  }
0x228: {  	v51 =	vadd.s32 v39, v51;
	v61 =	vor.u32 v28, v38;
	[tilespmem:v55+s19+$0x0] =	vst.idx.msk $0xffff, v54;
	v56 =	vld.idx.msk [tilespmem:v57+s5+$0x0], $0xffff  }
0x229: {  	v32 =	vor.u32 v24, v43;
	[tilespmem:v58+s19+$0x0] =	vst.idx.msk $0xffff, v1;
	v1 =	vor.u32 v28, v42  }
0x22a: {  	v58 =	vor.u32 v24, v45;
	v54 =	vor.u32 v33, v32;
	[tilespmem:v4+s19+$0x0] =	vst.idx.msk $0xffff, v3;
	v0 =	vld.idx.msk [tilespmem:v0+s5+$0x0], $0xffff  }
0x22b: {  	v59 =	vor.u32 v33, v58;
	v3 =	vadd.s32 v41, v54;
	v4 =	vor.u32 v28, v50;
	v2 =	vld.idx.msk [tilespmem:v2+s5+$0x0], $0xffff  }
0x22c: {  	v53 =	vor.u32 v33, v53;
	v60 =	vor.u32 v23, v40;
	v54 =	vadd.s32 v44, v59  }
0x22d: {  	v55 =	vor.u32 v33, v60;
	v52 =	vld.idx.msk [tilespmem:v52+s5+$0x0], $0xffff;
	[tilespmem:v61+s19+$0x0] =	vst.idx.msk $0xffff, v56;
	v61 =	vor.u32 v26, v35  }
0x22e: {  	v53 =	vadd.s32 v36, v53;
	v55 =	vadd.s32 v39, v55;
	v32 =	vor.u32 v21, v38;
	v51 =	vld.idx.msk [tilespmem:v51+s5+$0x0], $0xffff  }
0x22f: {  	[tilespmem:v1+s19+$0x0] =	vst.idx.msk $0xffff, v0;
	v0 =	vor.u32 v23, v43;
	v1 =	vor.u32 v21, v42  }
0x230: {  	[tilespmem:v4+s19+$0x0] =	vst.idx.msk $0xffff, v2;
	v2 =	vor.u32 v23, v45;
	v3 =	vld.idx.msk [tilespmem:v3+s5+$0x0], $0xffff;
	v0 =	vor.u32 v33, v0  }
0x231: {  	v4 =	vld.idx.msk [tilespmem:v54+s5+$0x0], $0xffff;
	v54 =	vor.u32 v21, v50;
	v2 =	vor.u32 v33, v2;
	v0 =	vadd.s32 v41, v0  }
0x232: {  	v46 =	vor.u32 v33, v46;
	[tilespmem:v61+s19+$0x0] =	vst.idx.msk $0xffff, v52;
	v2 =	vadd.s32 v44, v2  }
0x233: {  	v60 =	vor.u32 v30, v40;
	v56 =	vor.u32 v20, v38;
	[tilespmem:v32+s19+$0x0] =	vst.idx.msk $0xffff, v51  }
0x234: {  	v61 =	vor.u32 v33, v60;
	v52 =	vor.u32 v31, v35;
	v60 =	vor.u32 v30, v45;
	v55 =	vld.idx.msk [tilespmem:v55+s5+$0x0], $0xffff  }
0x235: {  	v51 =	vadd.s32 v39, v61;
	v53 =	vld.idx.msk [tilespmem:v53+s5+$0x0], $0xffff;
	v32 =	vor.u32 v30, v43;
	[tilespmem:v1+s19+$0x0] =	vst.idx.msk $0xffff, v3  }
0x236: {  	v1 =	vor.u32 v20, v42;
	v3 =	vor.u32 v33, v32;
	[tilespmem:v54+s19+$0x0] =	vst.idx.msk $0xffff, v4;
	v0 =	vld.idx.msk [tilespmem:v0+s5+$0x0], $0xffff  }
0x237: {  	v61 =	vor.u32 v33, v60;
	v4 =	vor.u32 v20, v50;
	v3 =	vadd.s32 v41, v3;
	v2 =	vld.idx.msk [tilespmem:v2+s5+$0x0], $0xffff  }
0x238: {  	v46 =	vadd.s32 v36, v46;
	v54 =	vadd.s32 v44, v61  }
0x239: {  	v58 =	vor.u32 v7, v43;
	[tilespmem:v56+s19+$0x0] =	vst.idx.msk $0xffff, v55;
	v32 =	vor.u32 v7, v40  }
0x23a: {  	[tilespmem:v52+s19+$0x0] =	vst.idx.msk $0xffff, v53;
	v52 =	vor.u32 v26, v38;
	v51 =	vld.idx.msk [tilespmem:v51+s5+$0x0], $0xffff;
	v57 =	vor.u32 v33, v32  }
0x23b: {  	v59 =	vor.u32 v7, v45;
	v53 =	vadd.s32 v39, v57;
	[tilespmem:v1+s19+$0x0] =	vst.idx.msk $0xffff, v0  }
0x23c: {  	v0 =	vor.u32 v26, v42;
	[tilespmem:v4+s19+$0x0] =	vst.idx.msk $0xffff, v2;
	v1 =	vld.idx.msk [tilespmem:v3+s5+$0x0], $0xffff;
	v3 =	vor.u32 v33, v58  }
0x23d: {  	v60 =	vor.u32 v33, v59;
	v4 =	vor.u32 v26, v50;
	v2 =	vadd.s32 v41, v3;
	v3 =	vld.idx.msk [tilespmem:v54+s5+$0x0], $0xffff  }
0x23e: {  	v61 =	vor.u32 v6, v37;
	v32 =	vor.u32 v8, v40;
	v54 =	vadd.s32 v44, v60  }
0x23f: {  	[tilespmem:v52+s19+$0x0] =	vst.idx.msk $0xffff, v51;
	v51 =	vor.u32 v27, v35;
	v60 =	vor.u32 v33, v32  }
0x240: {  	v55 =	vor.u32 v33, v61;
	v61 =	vor.u32 v31, v38;
	v53 =	vld.idx.msk [tilespmem:v53+s5+$0x0], $0xffff;
	v52 =	vadd.s32 v39, v60  }
0x241: {  	v46 =	vld.idx.msk [tilespmem:v46+s5+$0x0], $0xffff;
	[tilespmem:v0+s19+$0x0] =	vst.idx.msk $0xffff, v1;
	v0 =	vor.u32 v8, v43;
	v1 =	vor.u32 v31, v42  }
0x242: {  	v2 =	vld.idx.msk [tilespmem:v2+s5+$0x0], $0xffff;
	v0 =	vor.u32 v33, v0;
	[tilespmem:v4+s19+$0x0] =	vst.idx.msk $0xffff, v3;
	v3 =	vor.u32 v8, v45  }
0x243: {  	v32 =	vor.u32 v31, v50;
	v0 =	vadd.s32 v41, v0;
	v4 =	vld.idx.msk [tilespmem:v54+s5+$0x0], $0xffff;
	v3 =	vor.u32 v33, v3  }
0x244: {  	v3 =	vadd.s32 v44, v3  }
0x245: {  	[tilespmem:v61+s19+$0x0] =	vst.idx.msk $0xffff, v53  }
0x246: {  	[tilespmem:v51+s19+$0x0] =	vst.idx.msk $0xffff, v46;
	v53 =	vor.u32 v27, v38;
	v52 =	vld.idx.msk [tilespmem:v52+s5+$0x0], $0xffff  }
0x247: {  	[tilespmem:v1+s19+$0x0] =	vst.idx.msk $0xffff, v2  }
0x248: {  	v57 =	vor.u32 v6, v40;
	v1 =	vor.u32 v27, v42;
	v0 =	vld.idx.msk [tilespmem:v0+s5+$0x0], $0xffff;
	[tilespmem:v32+s19+$0x0] =	vst.idx.msk $0xffff, v4  }
0x249: {  	v51 =	vadd.s32 v36, v55;
	v46 =	vor.u32 v33, v57;
	v4 =	vor.u32 v27, v50;
	v3 =	vld.idx.msk [tilespmem:v3+s5+$0x0], $0xffff  }
0x24a: {  	v59 =	vor.u32 v6, v43;
	v58 =	vor.u32 v29, v37;
	v46 =	vadd.s32 v39, v46;
	v57 =	vld [tilespmem:$0x1FFD0]  }
0x24b: {  	v60 =	vor.u32 v6, v45;
	v2 =	vor.u32 v33, v59;
	[tilespmem:v53+s19+$0x0] =	vst.idx.msk $0xffff, v52  }
0x24c: {  	v61 =	vor.u32 v33, v60;
	v2 =	vadd.s32 v41, v2;
	[tilespmem:v48+s19+$0x0] =	vst.idx.msk $0xffff, v47  }
0x24d: {  	v54 =	vadd.s32 v44, v61;
	v32 =	vor.u32 v29, v40;
	[tilespmem:v1+s19+$0x0] =	vst.idx.msk $0xffff, v0  }
0x24e: {  	v37 =	vor.u32 v33, v58;
	v60 =	vld.idx.msk [tilespmem:v51+s5+$0x0], $0xffff;
	v59 =	vor.u32 v33, v32;
	[tilespmem:v4+s19+$0x0] =	vst.idx.msk $0xffff, v3  }
0x24f: {  	v36 =	vadd.s32 v36, v37;
	v37 =	vadd.s32 v39, v59;
	v55 =	vor.u32 v57, v35;
	v59 =	vld [tilespmem:$0x1FFC0]  }
0x250: {  	v52 =	vor.u32 v29, v43;
	v46 =	vld.idx.msk [tilespmem:v46+s5+$0x0], $0xffff;
	v61 =	vor.u32 v57, v38  }
0x251: {  	v53 =	vor.u32 v29, v45;
	v0 =	vor.u32 v57, v42;
	v1 =	vld.idx.msk [tilespmem:v2+s5+$0x0], $0xffff;
	v2 =	vor.u32 v33, v52  }
0x252: {  	v56 =	vor.u32 v33, v53;
	v4 =	vor.u32 v57, v50;
	v2 =	vadd.s32 v41, v2;
	v3 =	vld.idx.msk [tilespmem:v54+s5+$0x0], $0xffff  }
0x253: {  	v33 =	vadd.s32 v44, v56  }
0x254: {  	v58 =	vld.idx.msk [tilespmem:v49+s5+$0x0], $0xffff;
	[tilespmem:v55+s19+$0x0] =	vst.idx.msk $0xffff, v60;
	v34 =	vor.u32 v59, v34  }
0x255: {  	[tilespmem:v61+s19+$0x0] =	vst.idx.msk $0xffff, v46;
	v36 =	vld.idx.msk [tilespmem:v36+s5+$0x0], $0xffff;
	v60 =	vor.u32 v59, v35  }
0x256: {  	[tilespmem:v0+s19+$0x0] =	vst.idx.msk $0xffff, v1;
	v37 =	vld.idx.msk [tilespmem:v37+s5+$0x0], $0xffff;
	v61 =	vor.u32 v59, v38  }
0x257: {  	v0 =	vld.idx.msk [tilespmem:v2+s5+$0x0], $0xffff;
	v1 =	vor.u32 v59, v42;
	[tilespmem:v4+s19+$0x0] =	vst.idx.msk $0xffff, v3  }
0x258: {  	v3 =	vor.u32 v59, v50;
	v2 =	vld.idx.msk [tilespmem:v33+s5+$0x0], $0xffff  }
0x259: {  	[tilespmem:v34+s19+$0x0] =	vst.idx.msk $0xffff, v58  }
0x25a: {  	[tilespmem:v60+s19+$0x0] =	vst.idx.msk $0xffff, v36  }
0x25b: {  	p2 =	sne.s32 s23, s10;
	[tilespmem:v61+s19+$0x0] =	vst.idx.msk $0xffff, v37  }
.Ltmp5:
0x25c: {  	[tilespmem:v1+s19+$0x0] =	vst.idx.msk $0xffff, v0;
	(pc) =	sbr.rel @p2 .LBB2_10-.Ltmp5, $4  }
0x25d: {  	s24 =	sshll.u32 s24, $0xA;
	[tilespmem:v3+s19+$0x0] =	vst.idx.msk $0xffff, v2  }
0x25e: {  	s24 =	sand.u32 $0x1FFFFC00, s24;
	v7 =	vmov v29;
	v10 =	vld [tilespmem:$0x1FFE0]  }
0x25f: {  	s25 =	sor.u32 $0x4000, s25;
	s23 =	smov.u32 s26;
	s24 =	sadd.s32 s8, s24;
	v54 =	vmovc v8;
	v8 =	vmovc v24;
	v24 =	vmov v20;
	v55 =	vmov v30;
	v4 =	vlaneseq.u32;
	v20 =	vld [tilespmem:$0x1FFF0]  }
0x260: {  	v59 =	vmovc v28;
	v61 =	vmovc v23;
	v58 =	vmov v31;
	v60 =	vmov v22;
	v3 =	vmov v25;
	[hbm4b:s24+s5] =	stream.linear.scatter [tilespmem:s25], [sflag:$0x2], $0x2000, $0x38;
	v18 =	vld [tilespmem:$0x1FFA0]  }
0x261: {  	s21 =	sadd.s32 $0x1, s21  }
0x262: {  	_ =	swait.ge [sflag:s20], $0x2000;
	p2 =	sne.s32 s21, s13  }
.Ltmp6:
0x263: {  	[sflag:s20] =	ssyncset.done $0x0;
	(pc) =	sbr.rel @p2 .LBB2_1-.Ltmp6, $4  }
0x264: {  	[sflag:s20] =	ssyncadd.s32 $0xFFFFE000  }
0x265: {  	_ =	swait.ge [sflag:s20], $0x2000  }
0x266: {  	[sflag:s20] =	ssyncset.done $0x0  }
0x267: {  	v42 =	vmovc v6;
	v41 =	vmov v7;
	v0 =	vmov v13;
	v1 =	vmov v14;
	[sflag:s20] =	ssyncadd.s32 $0xFFFFE000  }
0x268: {  	_ =	sfence.sel $0x180000  }
0x269: {  	[bflag:$0x0] =	sbarrier.arrive $0xFFFF  }
0x26a: {  	p0 =	sne.s32 s6, $0x0;
	_ =	strace $0x90000047  }
0x26b: {  	s0 =	sadd.s32 @!p0 $0x100000, s4;
	[bflag:$0x2] =	sbarrier.arrive $0xFFFF  }
0x26c: {  	[sflag:s0] =	ssyncadd.tile.s32 @!p0 $0x1;
	_ =	shalt  }
.Lfunc_end2:
_tile_overlayer_lowered:
.L_overlay_start_2:
0x26d: {  	(tag) =	ssettag $0x2  }
0x26e: {  	s0 =	rddreg [dreg:$0x0];
	s2 =	stileid.u32  }
0x26f: {  	s1 =	rddreg [dreg:$0x1];
	p0 =	sne.s32 s2, $0x0  }
0x270: {  	s3 =	rddreg [dreg:$0x2];
	[bflag:$0x3] =	sbarrier.arrive $0xFFFF;
	s2 =	simm.s32 @!p0 $0x1C03  }
0x271: {  	[timem:s3], [sflag:s2] =	dma.local @!p0 [hbm:s0], s1  }
0x272: {  	s0 =	simm.s32 @!p0 $0x3  }
0x273: {  	_ =	swait.ge @!p0 [sflag:s0], s1  }
0x274: {  	s1 =	ssub.s32 @!p0 $0x0, s1;
	[sflag:s0] =	ssyncset.done @!p0 $0x0  }
0x275: {  	[sflag:s0] =	ssyncadd.s32 @!p0 s1  }
0x276: {  	[bflag:$0x3] =	sbarrier.arrive $0xFFFF  }
0x277: {  	_ =	shalt  }

// kernel: _bpr.7.cloned.1.call-start
scs
__scs_entry_jumppad:
0x0: {  	(pc) =	sbr.rel $0x88, $3  }
0x1: {  	(tag) =	ssettag $0x0;
	lr =	simm.s32 $0x1  }
0x2: {  	[smem:$0x3F99] =	sst lr;
	_ =	strace $0xD0000000  }
0x3: {  	_ = 	snop  }
0x4: {  	_ = 	snop  }
0x5: {  	_ = 	snop  }
0x6: {  	_ = 	snop  }
0x7: {  	_ = 	snop  }
__scs_overlays_trampoline_lowered:
0x8: {  	[smem:$0x3FA8] =	sst s0  }
0x9: {  	[smem:$0x3FA9] =	sst s1  }
0xa: {  	[smem:$0x3FAA] =	sst s2  }
0xb: {  	[smem:$0x3FAB] =	sst s3  }
0xc: {  	[smem:$0x3FAC] =	sst s4  }
0xd: {  	[smem:$0x3FAD] =	sst s5  }
0xe: {  	[smem:$0x3FAE] =	sst s6  }
0xf: {  	[smem:$0x3FAF] =	sst s7  }
0x10: {  	[smem:$0x3FB0] =	sst s8  }
0x11: {  	[smem:$0x3FB1] =	sst s9;
	s0 =	simm.s32 @!p0 $0x0  }
0x12: {  	s1 =	sld [smem:$0x3F97];
	s0 =	simm.s32 @p0 $0x1  }
0x13: {  	[smem:$0x3FB2] =	sst s0;
	s0 =	simm.s32 @!p1 $0x0  }
0x14: {  	s2 =	sld [smem:$0x3F96];
	s0 =	simm.s32 @p1 $0x1  }
0x15: {  	[smem:$0x3FB3] =	sst s0;
	s0 =	simm.s32 @!p2 $0x0  }
0x16: {  	s3 =	sld [smem:$0x3FDB];
	s0 =	simm.s32 @p2 $0x1  }
0x17: {  	s4 =	simm.s32 $0x1BF5;
	[smem:$0x3FB5] =	sst s0  }
0x18: {  	s0 =	sld [smem:$0x3F98];
	_ =	swait.ge [sflag:s4], $0x0  }
0x19: {  	s7 =	sld [smem:$0x3F99]  }
0x1a: {  	s8 =	sadd.s32 $0xFFFFE003, lr  }
0x1b: {  	s9 =	sadd.s32 $0xFFFFFEF7, lr;
	s5 =	simm.s32 $0xFFFFFFFF;
	p2 =	slt.u32 s8, $0xFFFFF086  }
0x1c: {  	p1 =	slt.u32 s9, $0xF7A;
	s5 =	simm.s32 @!p2 $0x0  }
0x1d: {  	s5 =	simm.s32 @p1 $0x1;
	p0 =	seq.s32 s7, s2  }
0x1e: {  	s7 =	smul.u32 @!p0 $0xF7A, s2;
	p2 =	seq.s32 @!p0 s5, $0x0  }
0x1f: {  	s9 =	smul.u32 $0xF7A, s1;
	s8 =	simm.s32 @!p0 $0x1BF5;
	p2 =	por !p2, p0  }
0x20: {  	[sflag:s8] =	ssyncset.s32 @!p0 $0xFFFFF086;
	s6 =	sadd.s32 @!p0 s3, s7;
	s7 =	simm.s32 @!p0 $0x108  }
0x21: {  	s3 =	sadd.s32 s3, s9;
	s6 =	sadd.s32 @!p0 $0x88, s6;
	s7 =	simm.s32 @p2 $0x1082  }
0x22: {  	[simem:s7], [sflag:s8] =	dma.local @!p0 [hbm:s6], $0xF7A  }
0x23: {  	s9 =	sor.u32 $0xD0000000, s2;
	s6 =	simm.s32 $0x108;
	_ =	swait.ge @!p0 [sflag:s8], $0x0  }
0x24: {  	s3 =	sadd.s32 $0x88, s3;
	s6 =	simm.s32 @!p1 $0x1082;
	[sflag:s4] =	ssyncset.s32 $0xFFFFF086  }
0x25: {  	[simem:s6], [sflag:s4] =	dma.local [hbm:s3], $0xF7A  }
0x26: {  	[smem:$0x3F99] =	sst s1;
	(tag) =	ssettag s2;
	_ =	strace s9  }
0x27: {  	s1 =	sld [smem:$0x3FA9]  }
0x28: {  	s2 =	sld [smem:$0x3FAA]  }
0x29: {  	s4 =	sld [smem:$0x3FAC]  }
0x2a: {  	p0 =	seq.s32 s5, $0x0;
	s5 =	sld [smem:$0x3FAD]  }
0x2b: {  	s6 =	sld [smem:$0x3FAE]  }
0x2c: {  	s7 =	sld [smem:$0x3FAF]  }
0x2d: {  	s3 =	simm.s32 $0x108;
	s8 =	sld [smem:$0x3FB0]  }
0x2e: {  	s3 =	simm.s32 @!p0 $0x1082;
	s9 =	sld [smem:$0x3FB1]  }
0x2f: {  	lr =	sadd.s32 s0, s3;
	s0 =	sld [smem:$0x3FA8]  }
0x30: {  	s3 =	sld [smem:$0x3FAB]  }
0x31: {  	[smem:$0x3FB4] =	sst s10  }
0x32: {  	s10 =	sld [smem:$0x3FB2];
	_ =	sdelay $0x3  }
0x33: {  	p0 =	seq.s32 s10, $0x1;
	s10 =	sld [smem:$0x3FB4];
	_ =	sdelay $0x3  }
0x34: {  	[smem:$0x3FB4] =	sst s10  }
0x35: {  	s10 =	sld [smem:$0x3FB3];
	_ =	sdelay $0x3  }
0x36: {  	p1 =	seq.s32 s10, $0x1;
	s10 =	sld [smem:$0x3FB4];
	_ =	sdelay $0x3  }
0x37: {  	[smem:$0x3FB4] =	sst s10  }
0x38: {  	s10 =	sld [smem:$0x3FB5]  }
0x39: {  	_ = 	snop;
	(pc) =	sbr.ind lr, $3  }
0x3a: {  	_ = 	snop  }
0x3b: {  	_ = 	snop  }
0x3c: {  	p2 =	seq.s32 s10, $0x1;
	s10 =	sld [smem:$0x3FB4]  }
0x3d: {  	_ =	shalt  }
0x3e: {  	_ =	shalt  }
0x3f: {  	_ =	shalt  }
0x40: {  	_ =	shalt  }
0x41: {  	_ =	shalt  }
0x42: {  	_ =	shalt  }
0x43: {  	_ =	shalt  }
0x44: {  	_ =	shalt  }
0x45: {  	_ =	shalt  }
0x46: {  	_ =	shalt  }
0x47: {  	_ =	shalt  }
0x48: {  	_ =	shalt  }
0x49: {  	_ =	shalt  }
0x4a: {  	_ =	shalt  }
0x4b: {  	_ =	shalt  }
0x4c: {  	_ =	shalt  }
0x4d: {  	_ =	shalt  }
0x4e: {  	_ =	shalt  }
0x4f: {  	_ =	shalt  }
0x50: {  	_ =	shalt  }
0x51: {  	_ =	shalt  }
0x52: {  	_ =	shalt  }
0x53: {  	_ =	shalt  }
0x54: {  	_ =	shalt  }
0x55: {  	_ =	shalt  }
0x56: {  	_ =	shalt  }
0x57: {  	_ =	shalt  }
0x58: {  	_ =	shalt  }
0x59: {  	_ =	shalt  }
0x5a: {  	_ =	shalt  }
0x5b: {  	_ =	shalt  }
0x5c: {  	_ =	shalt  }
0x5d: {  	_ =	shalt  }
0x5e: {  	_ =	shalt  }
0x5f: {  	_ =	shalt  }
0x60: {  	_ =	shalt  }
0x61: {  	_ =	shalt  }
0x62: {  	_ =	shalt  }
0x63: {  	_ =	shalt  }
0x64: {  	_ =	shalt  }
0x65: {  	_ =	shalt  }
0x66: {  	_ =	shalt  }
0x67: {  	_ =	shalt  }
0x68: {  	_ =	shalt  }
0x69: {  	_ =	shalt  }
0x6a: {  	_ =	shalt  }
0x6b: {  	_ =	shalt  }
0x6c: {  	_ =	shalt  }
0x6d: {  	_ =	shalt  }
0x6e: {  	_ =	shalt  }
0x6f: {  	_ =	shalt  }
0x70: {  	_ =	shalt  }
0x71: {  	_ =	shalt  }
0x72: {  	_ =	shalt  }
0x73: {  	_ =	shalt  }
0x74: {  	_ =	shalt  }
0x75: {  	_ =	shalt  }
0x76: {  	_ =	shalt  }
0x77: {  	_ =	shalt  }
0x78: {  	_ =	shalt  }
0x79: {  	_ =	shalt  }
0x7a: {  	_ =	shalt  }
0x7b: {  	_ =	shalt  }
0x7c: {  	_ =	shalt  }
0x7d: {  	_ =	shalt  }
0x7e: {  	_ =	shalt  }
0x7f: {  	_ =	shalt  }
0x80: {  	_ =	shalt  }
0x81: {  	_ =	shalt  }
0x82: {  	_ =	shalt  }
0x83: {  	_ =	shalt  }
0x84: {  	_ =	shalt  }
0x85: {  	_ =	shalt  }
0x86: {  	_ =	shalt  }
0x87: {  	_ =	shalt  }
.Lfunc_end0:
.L_simem_size_0:
called_computation.1_lowered:
.L_overlay_start_0:
0x88: {  	s2 =	sld [smem:$0x3FD9]  }
0x89: {  	s3 =	sld [smem:$0x3FFE];
	_ =	sdelay $0x1  }
0x8a: {  	s1 =	srdreg.scid  }
0x8b: {  	s0 =	sand.u32 $0x1, s1  }
0x8c: {  	s17 =	sshll.u32 s0, $0xA;
	s2 =	sadd.s32 s3, s2  }
0x8d: {  	s2 =	sadd.s32 s2, s17  }
0x8e: {  	[smem:$0x3FC0] =	sst s2  }
0x8f: {  	_ = 	snop  }
0x90: {  	s2 =	sld [smem:$0x3FC9]  }
0x91: {  	s18 =	sld [smem:$0x3FC8]  }
0x92: {  	s4 =	sld [smem:$0x3FC3]  }
0x93: {  	s5 =	sld [smem:$0x3FC2];
	(tm) =	ssettm $0x1  }
0x94: {  	s6 =	sld [smem:$0x3FFB];
	_ =	sdelay $0x3  }
0x95: {  	_ =	strace s6  }
0x96: {  	s6 =	sld [smem:$0x3FFC];
	_ =	sdelay $0x3  }
0x97: {  	_ =	strace s6  }
0x98: {  	s6 =	sld [smem:$0x3FFD];
	_ =	sdelay $0x3  }
0x99: {  	_ =	strace s6  }
0x9a: {  	_ =	strace $0x8FFFFFFF  }
0x9b: {  	s19 =	sld [smem:$0x3FDB];
	_ =	sdelay $0x1  }
0x9c: {  	s7 =	simm.s32 $_scs_section_size  }
0x9d: {  	s8 =	simm.s32 $_size__tile_overlayer_lowered;
	s9 =	simm.s32 $_tile_overlayer_lowered  }
0x9e: {  	s22 =	simm.s32 $0x1BFF;
	s21 =	sshll.u32 s9, $0x1;
	s6 =	sadd.s32 s7, s19  }
0x9f: {  	s10 =	simm.s32 $0x0;
	s20 =	sshll.u32 s8, $0x1;
	s8 =	sadd.s32 s21, s6  }
0xa0: {  	[timem:s10], [sflag:s22] =	dma.local [hbm:s8], s20  }
0xa1: {  	_ =	swait.ge [sflag:s22], s20  }
0xa2: {  	s7 =	ssub.s32 $0x0, s20;
	[sflag:s22] =	ssyncset.done $0x0  }
0xa3: {  	[sflag:s22] =	ssyncadd.s32 s7;
	_ =	sdelay $0x1  }
0xa4: {  	s23 =	simm.s32 $0x1B8B  }
0xa5: {  	_ =	swait.ge [sflag:s23], $0x1  }
0xa6: {  	[sflag:s23] =	ssyncset.done $0x0  }
0xa7: {  	s25 =	simm.s32 $0x1B8E;
	s24 =	sld [smem:$0x3FFE];
	[sflag:s23] =	ssyncadd.s32 $0xFFFFFFFF  }
0xa8: {  	s26 =	simm.s32 $execute0_lowered;
	[smem:$0x3FD2] =	sst s25  }
0xa9: {  	s8 =	sshll.u32 s26, $0x1;
	_ =	strace $0x80000049;
	[dreg:$0x1] =	wrdreg $0xFFFFFFFF  }
0xaa: {  	s28 =	simm.s32 $_size_execute0_lowered;
	s6 =	sadd.s32 s6, s8;
	[dreg:$0x0] =	wrdreg $0x0  }
0xab: {  	s8 =	sshll.u32 s28, $0x1;
	[dreg:$0x2] =	wrdreg s6  }
0xac: {  	[dreg:$0x3] =	wrdreg s8  }
0xad: {  	[dreg:$0x4] =	wrdreg $0xC0  }
0xae: {  	_ =	task [dreg:s10], $0x5FFFF  }
0xaf: {  	[dreg:$0x1] =	wrdreg $0xFFFFFFFF  }
0xb0: {  	[dreg:$0x0] =	wrdreg $0x60  }
0xb1: {  	[dreg:$0x2] =	wrdreg s2  }
0xb2: {  	[dreg:$0x3] =	wrdreg s18  }
0xb3: {  	[dreg:$0x4] =	wrdreg s24  }
0xb4: {  	[dreg:$0x5] =	wrdreg s4  }
0xb5: {  	[dreg:$0x6] =	wrdreg s5  }
0xb6: {  	[dreg:$0x7] =	wrdreg $0x9  }
0xb7: {  	_ =	task.clear_ibuf [dreg:s10], $0x8FFFF;
	_ =	strace $0x90000049  }
0xb8: {  	s29 =	simm.s32 $0x9;
	_ =	strace $0x8000004B  }
0xb9: {  	_ =	swait.ge [sflag:s29], $0x1  }
0xba: {  	[sflag:s29] =	ssyncadd.s32 $0xFFFFFFFF  }
0xbb: {  	_ =	strace $0x9000004B  }
0xbc: {  	_ =	sfence  }
0xbd: {  	s30 =	sld [smem:$0x0];
	_ =	sdelay $0x2  }
0xbe: {  	s31 =	sshll.u32 s1, $0xD;
	s1 =	sshrl.u32 s1, $0x2  }
0xbf: {  	s3 =	sand.u32 $0x4000, s31;
	s1 =	sadd.s32 s1, s30  }
0xc0: {  	s0 =	sor.u32 s3, s0;
	s1 =	sshll.u32 s1, $0x11  }
0xc1: {  	s0 =	sor.u32 s1, s0  }
0xc2: {  	s0 =	sadd.s32 $0x8F2B, s0  }
0xc3: {  	[sflag:s0] =	ssyncadd.remote.s32 $0x1  }
0xc4: {  	_ =	sfence.sel $0xFFFF  }
0xc5: {  	[dreg:$0x0] =	wrdreg $0xFFFFFFFF;
	(pc) =	sbr.abs _section_cstart, $3  }
0xc6: {  	[dreg:$0x1] =	wrdreg $0xFFFFFFFF  }
0xc7: {  	_ =	task.clear_ibuf [dreg:s10], $0x2FFFF;
	_ =	strace $0x9FFFFFFF  }
0xc8: {  	(tm) =	ssettm $0x7FFFFFFF  }
0xc9: {  	_ =	shalt  }
tec
execute0_lowered:
.L_overlay_start_1:
0x0: {  	(tag) =	ssettag $0x1  }
0x1: {  	s0 =	rddreg [dreg:$0x0]  }
0x2: {  	s1 =	rddreg [dreg:$0x1]  }
0x3: {  	s2 =	rddreg [dreg:$0x2]  }
0x4: {  	s4 =	simm.s32 $0x0;
	s3 =	srdreg.scid;
	s6 =	stileid.u32  }
0x5: {  	s12 =	simm.s32 $0x2;
	s13 =	simm.s32 $0x200;
	s16 =	simm.s32 $0x80  }
0x6: {  	s18 =	simm.s32 $0x800;
	s20 =	simm.s32 $0x8800;
	s22 =	simm.s32 $0x4800  }
0x7: {  	s24 =	simm.s32 $0xC800;
	s25 =	simm.s32 $0x1;
	s26 =	simm.s32 $0x10A00  }
0x8: {  	s28 =	simm.s32 $0x500;
	s29 =	simm.s32 $0x700;
	s30 =	simm.s32 $0x580  }
0x9: {  	s31 =	simm.s32 $0x780;
	[smem:$0x7FF] =	sst s4;
	s3 =	sand.u32 $0x1, s3  }
0xa: {  	s5 =	sadd.s32 $0xC00, s2;
	s7 =	sshll.u32 s6, $0xA;
	s8 =	sshll.u32 s3, $0x9  }
0xb: {  	s6 =	sadd.s32 $0xC4400, s2;
	s3 =	ssub.s32 $0x2, s3;
	s7 =	sor.u32 s8, s7  }
0xc: {  	_ =	strace $0x8000004A;
	s9 =	sshrl.u32 s3, $0x1;
	s8 =	sshll.u32 s7, $0x4  }
0xd: {  	s10 =	sshrl.u32 s7, $0x3;
	s3 =	ssub.s32 s3, s9;
	s2 =	sadd.s32 s8, s2  }
0xe: {  	s7 =	sadd.s32 s0, s10;
	s8 =	sadd.s32 s1, s10;
	s11 =	smax.u32 s3, $0x1  }
0xf: {  	vm0 =	vcmask $0x3F3C;
	s0 =	simm.s32 $0x0;
	s9 =	sadd.s32 $0x187C00, s2;
	s10 =	sadd.s32 $0x188C00, s2  }
.LBB2_1:
0x10: {  	[tilespmem:s4], [sflag:$0x2] =	stream.linear.gather [hbm4b:s7+s4], $0x200, $0x38;
	[tilespmem:$0x18A00] =	vst v63  }
0x11: {  	_ =	swait.ge [sflag:s12], $0x200  }
0x12: {  	[sflag:s12] =	ssyncset.done $0x0  }
0x13: {  	[sflag:s12] =	ssyncadd.s32 $0xFFFFFE00  }
0x14: {  	[tilespmem:s13], [sflag:$0x2] =	stream.linear.gather [hbm4b:s8+s4], $0x200, $0x38;
	[tilespmem:$0x18A00] =	vst v63  }
0x15: {  	_ =	swait.ge [sflag:s12], $0x200  }
0x16: {  	[sflag:s12] =	ssyncset.done $0x0  }
0x17: {  	[sflag:s12] =	ssyncadd.s32 $0xFFFFFE00  }
0x18: {  	s2 =	simm.s32 $0x10800;
	s1 =	rddreg [dreg:$0x3]  }
0x19: {  	[tilespmem:s2], [sflag:$0x2] =	stream.linear.gather [hbm4b:s1+s4], $0x180, $0x38;
	[tilespmem:$0x18A00] =	vst v63  }
0x1a: {  	_ =	swait.ge [sflag:s12], $0x180  }
0x1b: {  	[sflag:s12] =	ssyncset.done $0x0  }
0x1c: {  	[sflag:s12] =	ssyncadd.s32 $0xFFFFFE80  }
0x1d: {  	s19 =	simm.s32 $0x10980;
	s17 =	rddreg [dreg:$0x4]  }
0x1e: {  	[tilespmem:s19], [sflag:$0x2] =	stream.linear.gather [hbm4b:s17+s4], $0x80, $0x38;
	[tilespmem:$0x18A00] =	vst v63  }
0x1f: {  	_ =	swait.ge [sflag:s12], $0x80  }
0x20: {  	[sflag:s12] =	ssyncset.done $0x0  }
0x21: {  	[sflag:s12] =	ssyncadd.s32 $0xFFFFFF80  }
0x22: {  	v0 =	vld [tilespmem:$0x0]  }
0x23: {  	v1 =	vld [tilespmem:$0x200]  }
0x24: {  	v2 =	vld [tilespmem:$0x10]  }
0x25: {  	v3 =	vld [tilespmem:$0x210]  }
0x26: {  	v4 =	vld [tilespmem:$0x20]  }
0x27: {  	v5 =	vld [tilespmem:$0x220]  }
0x28: {  	v6 =	vld [tilespmem:$0x30]  }
0x29: {  	v7 =	vld [tilespmem:$0x230]  }
0x2a: {  	v8 =	vld [tilespmem:$0x40]  }
0x2b: {  	v9 =	vld [tilespmem:$0x240]  }
0x2c: {  	v10 =	vld [tilespmem:$0x50]  }
0x2d: {  	v11 =	vld [tilespmem:$0x250]  }
0x2e: {  	v12 =	vld [tilespmem:$0x60]  }
0x2f: {  	v13 =	vld [tilespmem:$0x260]  }
0x30: {  	v14 =	vld [tilespmem:$0x70]  }
0x31: {  	v15 =	vld [tilespmem:$0x270]  }
0x32: {  	v16 =	vld [tilespmem:$0x80]  }
0x33: {  	v17 =	vld [tilespmem:$0x280]  }
0x34: {  	v18 =	vld [tilespmem:$0x90]  }
0x35: {  	v19 =	vld [tilespmem:$0x290]  }
0x36: {  	v20 =	vld [tilespmem:$0xA0]  }
0x37: {  	v21 =	vld [tilespmem:$0x2A0]  }
0x38: {  	v22 =	vld [tilespmem:$0xB0]  }
0x39: {  	v23 =	vld [tilespmem:$0x2B0];
	v0 =	vshrl.u32 v0, $0x1  }
0x3a: {  	v24 =	vld [tilespmem:$0xC0];
	[tilespmem:$0x400] =	vst v0;
	v0 =	vshrl.u32 v1, $0x1  }
0x3b: {  	v25 =	vld [tilespmem:$0x3A0];
	[tilespmem:$0x600] =	vst v0;
	v0 =	vshrl.u32 v2, $0x1  }
0x3c: {  	v26 =	vld [tilespmem:$0x1C0];
	[tilespmem:$0x410] =	vst v0;
	v0 =	vshrl.u32 v3, $0x1  }
0x3d: {  	v27 =	vld [tilespmem:$0x3C0];
	[tilespmem:$0x610] =	vst v0;
	v0 =	vshrl.u32 v4, $0x1  }
0x3e: {  	v28 =	vld [tilespmem:$0x1D0];
	[tilespmem:$0x420] =	vst v0;
	v0 =	vshrl.u32 v5, $0x1  }
0x3f: {  	v29 =	vld [tilespmem:$0x3D0];
	[tilespmem:$0x620] =	vst v0;
	v0 =	vshrl.u32 v6, $0x1  }
0x40: {  	v30 =	vld [tilespmem:$0x1E0];
	[tilespmem:$0x430] =	vst v0;
	v0 =	vshrl.u32 v7, $0x1  }
0x41: {  	v31 =	vld [tilespmem:$0x3E0];
	[tilespmem:$0x630] =	vst v0;
	v0 =	vshrl.u32 v8, $0x1  }
0x42: {  	v32 =	vld [tilespmem:$0x1F0];
	[tilespmem:$0x440] =	vst v0;
	v0 =	vshrl.u32 v9, $0x1  }
0x43: {  	v33 =	vld [tilespmem:$0x3F0];
	[tilespmem:$0x640] =	vst v0;
	v0 =	vshrl.u32 v10, $0x1  }
0x44: {  	v63 =	vld [tilespmem:$0x10820];
	[tilespmem:$0x450] =	vst v0;
	v0 =	vshrl.u32 v11, $0x1  }
0x45: {  	v55 =	vld [tilespmem:$0x10900];
	[tilespmem:$0x650] =	vst v0;
	v0 =	vshrl.u32 v12, $0x1  }
0x46: {  	v56 =	vld [tilespmem:$0x10910];
	[tilespmem:$0x460] =	vst v0;
	v0 =	vshrl.u32 v13, $0x1  }
0x47: {  	v1 =	vld [tilespmem:$0x2C0];
	[tilespmem:$0x660] =	vst v0;
	v0 =	vshrl.u32 v14, $0x1  }
0x48: {  	v2 =	vld [tilespmem:$0xD0];
	[tilespmem:$0x470] =	vst v0;
	v0 =	vshrl.u32 v15, $0x1  }
0x49: {  	v3 =	vld [tilespmem:$0x2D0];
	[tilespmem:$0x670] =	vst v0;
	v0 =	vshrl.u32 v16, $0x1  }
0x4a: {  	v4 =	vld [tilespmem:$0xE0];
	[tilespmem:$0x480] =	vst v0;
	v0 =	vshrl.u32 v17, $0x1  }
0x4b: {  	v5 =	vld [tilespmem:$0x2E0];
	[tilespmem:$0x680] =	vst v0;
	v0 =	vshrl.u32 v18, $0x1  }
0x4c: {  	v6 =	vld [tilespmem:$0xF0];
	[tilespmem:$0x490] =	vst v0;
	v0 =	vshrl.u32 v19, $0x1  }
0x4d: {  	v7 =	vld [tilespmem:$0x2F0];
	[tilespmem:$0x690] =	vst v0;
	v0 =	vshrl.u32 v20, $0x1  }
0x4e: {  	v8 =	vld [tilespmem:$0x100];
	[tilespmem:$0x4A0] =	vst v0;
	v0 =	vshrl.u32 v21, $0x1  }
0x4f: {  	v9 =	vld [tilespmem:$0x300];
	[tilespmem:$0x6A0] =	vst v0;
	v0 =	vshrl.u32 v22, $0x1  }
0x50: {  	v10 =	vld [tilespmem:$0x110];
	[tilespmem:$0x4B0] =	vst v0;
	v0 =	vshrl.u32 v23, $0x1  }
0x51: {  	v11 =	vld [tilespmem:$0x310];
	[tilespmem:$0x6B0] =	vst v0;
	v0 =	vshrl.u32 v24, $0x1  }
0x52: {  	v18 =	vld [tilespmem:$0x150];
	[tilespmem:$0x4C0] =	vst v0;
	v0 =	vshrl.u32 v1, $0x1  }
0x53: {  	v12 =	vld [tilespmem:$0x120];
	[tilespmem:$0x6C0] =	vst v0;
	v0 =	vshrl.u32 v2, $0x1  }
0x54: {  	v19 =	vld [tilespmem:$0x350];
	[tilespmem:$0x4D0] =	vst v0;
	v0 =	vshrl.u32 v3, $0x1  }
0x55: {  	v1 =	vld [tilespmem:$0x380];
	[tilespmem:$0x6D0] =	vst v0;
	v0 =	vshrl.u32 v4, $0x1  }
0x56: {  	v13 =	vld [tilespmem:$0x320];
	[tilespmem:$0x4E0] =	vst v0;
	v0 =	vshrl.u32 v5, $0x1  }
0x57: {  	v20 =	vld [tilespmem:$0x160];
	v5 =	vshrl.u32 v18, $0x1;
	[tilespmem:$0x6E0] =	vst v0  }
0x58: {  	v2 =	vld [tilespmem:$0x190];
	v0 =	vshrl.u32 v6, $0x1;
	[tilespmem:$0x550] =	vst v5  }
0x59: {  	v14 =	vld [tilespmem:$0x130];
	v5 =	vshrl.u32 v19, $0x1;
	[tilespmem:$0x4F0] =	vst v0  }
0x5a: {  	v15 =	vld [tilespmem:$0x330];
	v1 =	vshrl.u32 v1, $0x1;
	[tilespmem:$0x750] =	vst v5  }
0x5b: {  	v21 =	vld [tilespmem:$0x360];
	v0 =	vshrl.u32 v7, $0x1;
	[tilespmem:$0x780] =	vst v1  }
0x5c: {  	v3 =	vld [tilespmem:$0x390];
	v5 =	vshrl.u32 v20, $0x1;
	[tilespmem:$0x6F0] =	vst v0  }
0x5d: {  	v16 =	vld [tilespmem:$0x140];
	v1 =	vshrl.u32 v2, $0x1;
	[tilespmem:$0x560] =	vst v5  }
0x5e: {  	v17 =	vld [tilespmem:$0x340];
	v2 =	vshrl.u32 v30, $0x1;
	[tilespmem:$0x590] =	vst v1  }
0x5f: {  	v22 =	vld [tilespmem:$0x170];
	v0 =	vshrl.u32 v8, $0x1;
	[tilespmem:$0x5E0] =	vst v2  }
0x60: {  	v4 =	vld [tilespmem:$0x1A0];
	v5 =	vshrl.u32 v21, $0x1;
	[tilespmem:$0x500] =	vst v0  }
0x61: {  	v23 =	vld [tilespmem:$0x370];
	v1 =	vshrl.u32 v3, $0x1;
	[tilespmem:$0x760] =	vst v5  }
0x62: {  	v24 =	vld [tilespmem:$0x180];
	v2 =	vshrl.u32 v31, $0x1;
	[tilespmem:$0x790] =	vst v1  }
0x63: {  	v18 =	vld [tilespmem:$0x108E0];
	v0 =	vshrl.u32 v9, $0x1;
	[tilespmem:$0x7E0] =	vst v2  }
0x64: {  	v6 =	vld [tilespmem:$0x1B0];
	v5 =	vshrl.u32 v22, $0x1;
	[tilespmem:$0x700] =	vst v0  }
0x65: {  	v19 =	vld [tilespmem:$0x10920];
	v1 =	vshrl.u32 v4, $0x1;
	[tilespmem:$0x570] =	vst v5  }
0x66: {  	v7 =	vld [tilespmem:$0x3B0];
	v2 =	vshrl.u32 v32, $0x1;
	[tilespmem:$0x5A0] =	vst v1  }
0x67: {  	v20 =	vld [tilespmem:$0x108C0];
	v0 =	vshrl.u32 v10, $0x1;
	[tilespmem:$0x5F0] =	vst v2  }
0x68: {  	v8 =	vld [tilespmem:$0x10800];
	v5 =	vshrl.u32 v23, $0x1;
	[tilespmem:$0x510] =	vst v0  }
0x69: {  	v21 =	vld [tilespmem:$0x108D0];
	v1 =	vshrl.u32 v25, $0x1;
	[tilespmem:$0x770] =	vst v5  }
0x6a: {  	v3 =	vld [tilespmem:$0x109A0];
	v2 =	vshrl.u32 v33, $0x1;
	[tilespmem:$0x7A0] =	vst v1  }
0x6b: {  	v9 =	vld [tilespmem:$0x10810];
	v0 =	vshrl.u32 v11, $0x1;
	[tilespmem:$0x7F0] =	vst v2  }
0x6c: {  	v4 =	vld [tilespmem:$0x109B0];
	v5 =	vshrl.u32 v24, $0x1;
	[tilespmem:$0x710] =	vst v0  }
0x6d: {  	v10 =	vld [tilespmem:$0x10870];
	v1 =	vshrl.u32 v6, $0x1;
	[tilespmem:$0x580] =	vst v5  }
0x6e: {  	v11 =	vld [tilespmem:$0x10830];
	v0 =	vshrl.u32 v12, $0x1;
	[tilespmem:$0x5B0] =	vst v1  }
0x6f: {  	v6 =	vld [tilespmem:$0x10990];
	v1 =	vshrl.u32 v7, $0x1;
	[tilespmem:$0x520] =	vst v0  }
0x70: {  	v2 =	vld [tilespmem:$0x109C0];
	v0 =	vshrl.u32 v13, $0x1;
	[tilespmem:$0x7B0] =	vst v1  }
0x71: {  	v12 =	vld [tilespmem:$0x10860];
	v1 =	vshrl.u32 v26, $0x1;
	[tilespmem:$0x720] =	vst v0  }
0x72: {  	v5 =	vld [tilespmem:$0x108B0];
	v0 =	vshrl.u32 v14, $0x1;
	[tilespmem:$0x5C0] =	vst v1  }
0x73: {  	v7 =	vld [tilespmem:$0x108F0];
	v1 =	vshrl.u32 v27, $0x1;
	[tilespmem:$0x530] =	vst v0  }
0x74: {  	v13 =	vld [tilespmem:$0x10840];
	v0 =	vshrl.u32 v15, $0x1;
	[tilespmem:$0x7C0] =	vst v1  }
0x75: {  	v14 =	vld [tilespmem:$0x10850];
	v1 =	vshrl.u32 v28, $0x1;
	[tilespmem:$0x730] =	vst v0  }
0x76: {  	v15 =	vld [tilespmem:$0x108A0];
	v0 =	vshrl.u32 v16, $0x1;
	[tilespmem:$0x5D0] =	vst v1  }
0x77: {  	v16 =	vld [tilespmem:$0x10880];
	v1 =	vshrl.u32 v29, $0x1;
	[tilespmem:$0x540] =	vst v0  }
0x78: {  	v0 =	vshrl.u32 v17, $0x1;
	v17 =	vld [tilespmem:$0x10930];
	[tilespmem:$0x7D0] =	vst v1  }
0x79: {  	s21 =	simm.s32 $0x400;
	v1 =	vld [tilespmem:$0x10980];
	[tilespmem:$0x740] =	vst v0  }
0x7a: {  	v0 =	vld [tilespmem:$0x10890];
	[tilespmem:s18], [sflag:$0x1] =	stream.indirect.gather [hbm4b:s5+s16], $0x80, s21, s16, $0xb8  }
0x7b: {  	s23 =	simm.s32 $0x600  }
0x7c: {  	[tilespmem:s20], [sflag:$0x1] =	stream.indirect.gather [hbm4b:s6+s16], $0x80, s23, s16, $0xb8;
	[tilespmem:$0x18A00] =	vst v63  }
0x7d: {  	s2 =	simm.s32 $0x480  }
0x7e: {  	[tilespmem:s22], [sflag:$0x1] =	stream.indirect.gather [hbm4b:s5+s16], $0x80, s2, s16, $0xb8;
	[tilespmem:$0x18A00] =	vst v63  }
0x7f: {  	s3 =	simm.s32 $0x680  }
0x80: {  	[tilespmem:s24], [sflag:$0x1] =	stream.indirect.gather [hbm4b:s6+s16], $0x80, s3, s16, $0xb8;
	[tilespmem:$0x18A00] =	vst v63  }
0x81: {  	_ =	swait.ge [sflag:s25], $0x4000  }
0x82: {  	[sflag:s25] =	ssyncset.done $0x0  }
0x83: {  	[sflag:s25] =	ssyncadd.s32 $0xFFFFC000  }
0x84: {  	_ =	swait.ge [sflag:s25], $0x4000  }
0x85: {  	[sflag:s25] =	ssyncset.done $0x0  }
0x86: {  	[sflag:s25] =	ssyncadd.s32 $0xFFFFC000  }
0x87: {  	_ =	swait.ge [sflag:s25], $0x4000  }
0x88: {  	[sflag:s25] =	ssyncset.done $0x0  }
0x89: {  	[sflag:s25] =	ssyncadd.s32 $0xFFFFC000  }
0x8a: {  	_ =	swait.ge [sflag:s25], $0x4000  }
0x8b: {  	[sflag:s25] =	ssyncset.done $0x0  }
0x8c: {  	s14 =	simm.s32 $0x8840;
	[sflag:s25] =	ssyncadd.s32 $0xFFFFC000  }
0x8d: {  	v25 =	vld [tilespmem:s14+$0xFFFFFFC0]  }
0x8e: {  	v26 =	vld [tilespmem:s14+$0x0]  }
0x8f: {  	v27 =	vld [tilespmem:s14+$0xFFFFFFD0]  }
0x90: {  	s15 =	simm.s32 $0x840;
	v28 =	vld [tilespmem:s14+$0x10]  }
0x91: {  	v30 =	vmov s4;
	v29 =	vld [tilespmem:s15+$0x20]  }
0x92: {  	v31 =	vld [tilespmem:s15+$0xFFFFFFE0]  }
0x93: {  	v60 =	vld [tilespmem:s15+$0x10]  }
0x94: {  	v61 =	vld [tilespmem:s15+$0xFFFFFFD0]  }
0x95: {  	v34 =	vld [tilespmem:s14+$0x20]  }
0x96: {  	v35 =	vld.idx.msk [tilespmem:v30+s4+$0x0], $0xffff  }
0x97: {  	v30 =	vld.idx.msk [tilespmem:v30+s13+$0x0], $0xffff  }
0x98: {  	v36 =	vld [tilespmem:s15+$0x0]  }
0x99: {  	v37 =	vld [tilespmem:s15+$0xFFFFFFC0]  }
0x9a: {  	v38 =	vld [tilespmem:s14+$0xFFFFFFE0]  }
0x9b: {  	v39 =	vld [tilespmem:s15+$0x30]  }
0x9c: {  	s17 =	simm.s32 $0x88C0;
	s3 =	simm.s32 $0x1;
	v40 =	vld [tilespmem:s15+$0xFFFFFFF0];
	v35 =	vand.u32 $0x1, v35;
	v30 =	vand.u32 $0x1, v30  }
0x9d: {  	v48 =	vmov s3;
	v62 =	vld [tilespmem:s17+$0xFFFFFFC0];
	vm1 =	veq.s32 v35, $0x0;
	vm2 =	veq.s32 v30, $0x0  }
0x9e: {  	v33 =	vld [tilespmem:s17+$0xFFFFFFD0];
	v35 =	vsel vm1, v37, v36;
	v25 =	vsel vm2, v25, v26  }
0x9f: {  	v43 =	vld [tilespmem:s17+$0x20];
	v27 =	vsel vm2, v27, v28;
	v28 =	vsel vm1, v61, v60;
	v25 =	vmul.f32 v25, v35  }
0xa0: {  	v30 =	vld [tilespmem:s14+$0x30];
	v29 =	vsel vm1, v31, v29;
	v27 =	vmul.f32 v27, v28;
	v28 =	vsel vm2, v38, v34  }
0xa1: {  	v26 =	vld [tilespmem:s14+$0xFFFFFFF0];
	v28 =	vmul.f32 v28, v29;
	v31 =	vmul.f32 v25, v8  }
0xa2: {  	v44 =	vld.idx.msk [tilespmem:v48+s4+$0x0], $0xffff;
	v29 =	vmul.f32 v27, v9;
	v49 =	vmul.f32 v25, v20  }
0xa3: {  	s19 =	simm.s32 $0x8C0;
	v36 =	vld.idx.msk [tilespmem:v48+s13+$0x0], $0xffff;
	v50 =	vmul.f32 v25, v13;
	v51 =	vmul.f32 v27, v14  }
0xa4: {  	s1 =	simm.s32 $0x2;
	v54 =	vld [tilespmem:s19+$0x0];
	v46 =	vsel vm1, v40, v39;
	v41 =	vmul.f32 v25, v16;
	v42 =	vmul.f32 v27, v21  }
0xa5: {  	v40 =	vld [tilespmem:s19+$0xFFFFFFD0];
	v39 =	vmov s1;
	v25 =	vmul.f32 v25, v55;
	v52 =	vmul.f32 v28, v12  }
0xa6: {  	v48 =	vld [tilespmem:s19+$0xFFFFFFC0];
	v53 =	vmul.f32 v28, v18;
	v26 =	vsel vm2, v26, v30;
	v29 =	vadd.f32 v29, v31  }
0xa7: {  	v34 =	vld [tilespmem:s17+$0x10];
	v31 =	vmul.f32 v28, v63;
	v35 =	vadd.f32 v51, v50;
	v26 =	vmul.f32 v26, v46  }
0xa8: {  	v60 =	vld [tilespmem:s19+$0x30];
	v37 =	vadd.f32 v42, v49;
	v36 =	vand.u32 $0x1, v36;
	v46 =	vmul.f32 v28, v15  }
0xa9: {  	v30 =	vld [tilespmem:s17+$0x0];
	v28 =	vmul.f32 v28, v19;
	v29 =	vadd.f32 v31, v29;
	v47 =	vmul.f32 v26, v11  }
0xaa: {  	v61 =	vld [tilespmem:s19+$0xFFFFFFF0];
	vm2 =	veq.s32 v36, $0x0;
	v37 =	vadd.f32 v53, v37;
	v57 =	vmul.f32 v26, v7  }
0xab: {  	v38 =	vld [tilespmem:s19+$0x10];
	v29 =	vadd.f32 v47, v29;
	v47 =	vmul.f32 v27, v0;
	v27 =	vmul.f32 v27, v56  }
0xac: {  	v49 =	vld [tilespmem:s17+$0xFFFFFFE0];
	v35 =	vadd.f32 v52, v35;
	v33 =	vsel vm2, v33, v34;
	v45 =	vmul.f32 v26, v5  }
0xad: {  	v31 =	vld [tilespmem:s19+$0x20];
	v58 =	vadd.f32 v57, v37;
	v25 =	vadd.f32 v27, v25;
	v27 =	vand.u32 $0x1, v44  }
0xae: {  	v30 =	vsel vm2, v62, v30;
	(xrf2) =	vadd.scan.msk.f32 $0xffff, v29;
	v29 =	vmul.f32 v26, v10;
	v44 =	vld [tilespmem:s19+$0xFFFFFFE0];
	vm1 =	veq.s32 v27, $0x0  }
0xaf: {  	v62 =	vld [tilespmem:s17+$0xFFFFFFF0];
	v59 =	vadd.f32 v47, v41;
	v25 =	vadd.f32 v28, v25;
	v28 =	vsel vm1, v48, v54  }
0xb0: {  	v26 =	vmul.f32 v26, v17;
	v27 =	vld [tilespmem:s17+$0x30];
	v29 =	vadd.f32 v29, v35;
	v28 =	vmul.f32 v30, v28  }
0xb1: {  	v37 =	vadd.f32 v46, v59;
	v46 =	vsel vm2, v49, v43;
	v47 =	vsel vm1, v40, v38  }
0xb2: {  	v33 =	vmul.f32 v33, v47;
	v25 =	vadd.f32 v26, v25;
	v48 =	vmul.f32 v28, v8  }
0xb3: {  	v26 =	vmul.f32 v28, v20;
	v40 =	vmul.f32 v28, v16;
	v31 =	vsel vm1, v44, v31  }
0xb4: {  	v49 =	vsel vm1, v61, v60;
	(xrf2) =	vadd.scan.msk.f32 $0xffff, v29;
	v50 =	vmul.f32 v33, v21;
	v31 =	vmul.f32 v46, v31  }
0xb5: {  	s21 =	simm.s32 $0x8940;
	v51 =	vmul.f32 v33, v9;
	v52 =	vmul.f32 v33, v14;
	v27 =	vsel vm2, v62, v27  }
0xb6: {  	v32 =	vld [tilespmem:s21+$0xFFFFFFC0];
	s14 =	simm.s32 $0x940;
	v27 =	vmul.f32 v27, v49;
	v53 =	vmul.f32 v31, v18  }
0xb7: {  	v42 =	vld [tilespmem:s14+$0x10];
	v29 =	vadd.f32 v45, v37;
	v54 =	vmul.f32 v31, v63;
	v38 =	vmul.f32 v31, v15  }
0xb8: {  	v62 =	vld.idx.msk [tilespmem:v39+s4+$0x0], $0xffff;
	v36 =	vadd.f32 v51, v48;
	v34 =	vmul.f32 v27, v10;
	v44 =	vmul.f32 v27, v5  }
0xb9: {  	v41 =	vld [tilespmem:s21+$0x10];
	v26 =	vadd.f32 v50, v26;
	v59 =	vmul.f32 v27, v11;
	v61 =	vmul.f32 v27, v7;
	v30, _, _ =	vpop (xrf2);
	(xrf2) =	vadd.scan.msk.f32 $0xffff, v29  }
0xba: {  	v47 =	vld [tilespmem:s14+$0xFFFFFFE0];
	v27 =	vmul.f32 v27, v17;
	v29 =	vmul.f32 v28, v13;
	v36 =	vadd.f32 v54, v36;
	(xrf2) =	vadd.scan.msk.f32 $0xffff, v58  }
0xbb: {  	v37 =	vld [tilespmem:s21+$0xFFFFFFD0];
	v26 =	vadd.f32 v53, v26;
	v28 =	vmul.f32 v28, v55;
	v30 =	vadd.f32 v30, v1;
	(xrf2) =	vadd.scan.msk.f32 $0xffff, v25  }
0xbc: {  	v53 =	vld.idx.msk [tilespmem:v39+s13+$0x0], $0xffff;
	v58 =	vmul.f32 v31, v12;
	v29 =	vadd.f32 v52, v29;
	v36 =	vadd.f32 v59, v36  }
0xbd: {  	v50 =	vld [tilespmem:s14+$0xFFFFFFC0];
	v52 =	vmul.f32 v33, v56;
	v33 =	vmul.f32 v33, v0;
	v30 =	vsub.f32 $0.0e+00, v30  }
0xbe: {  	v31 =	vmul.f32 v31, v19;
	v25 =	vld [tilespmem:s21+$0x0];
	v48 =	vadd.f32 v61, v26;
	v57, _, _ =	vpop (xrf2);
	v29 =	vadd.f32 v58, v29  }
0xbf: {  	v33 =	vadd.f32 v33, v40;
	v30 =	vmul.f32 $1.442695020e+00, v30;
	v43 =	vadd.f32 v57, v6;
	v57 =	vld [tilespmem:s14+$0x0]  }
0xc0: {  	v45 =	vld [tilespmem:s14+$0x20];
	v61 =	vand.u32 $0x1, v62;
	v28 =	vadd.f32 v52, v28;
	v29 =	vadd.f32 v34, v29  }
0xc1: {  	v33 =	vadd.f32 v38, v33;
	v34 =	vand.u32 $0x1, v53;
	(erf) = vpow2.f32 v30;
	v30 =	vld [tilespmem:s14+$0xFFFFFFD0]  }
0xc2: {  	v59 =	vld [tilespmem:s21+$0x20];
	vm1 =	veq.s32 v61, $0x0;
	v26 =	vsub.f32 $0.0e+00, v43;
	vm2 =	veq.s32 v34, $0x0  }
0xc3: {  	v28 =	vadd.f32 v31, v28;
	v53 =	vld [tilespmem:s14+$0xFFFFFFF0];
	v51 =	vadd.f32 v44, v33;
	v25 =	vsel vm2, v32, v25;
	v60, _, _ =	vpop (xrf2)  }
0xc4: {  	v52 =	vsel vm2, v37, v41;
	v26 =	vmul.f32 $1.442695020e+00, v26;
	v49 =	vsel vm1, v50, v57;
	v50 =	vld [tilespmem:s14+$0x30];
	v54, _, _ =	vpop (xrf2)  }
0xc5: {  	v57 =	vsel vm1, v47, v45;
	v35 =	vadd.f32 v60, v3;
	v60 =	vld [tilespmem:s21+$0xFFFFFFE0];
	v43 =	vmul.f32 v25, v49;
	v58, _, _ =	vpop (xrf2)  }
0xc6: {  	(xrf2) =	vadd.scan.msk.f32 $0xffff, v36;
	v62 =	vadd.f32 v54, v4;
	v30 =	vsel vm1, v30, v42;
	v36 =	vadd.f32 v58, v2  }
0xc7: {  	v35 =	vsub.f32 $0.0e+00, v35;
	v40 =	vmul.f32 v43, v8;
	v46 =	vmul.f32 v52, v30  }
0xc8: {  	(xrf2) =	vadd.scan.msk.f32 $0xffff, v29;
	v33 =	vmul.f32 v43, v16;
	v31 =	vsub.f32 $0.0e+00, v36;
	v36 =	vsub.f32 $0.0e+00, v62  }
0xc9: {  	v54 =	vmul.f32 $1.442695020e+00, v35;
	v61 =	vsel vm1, v53, v50;
	v32 =	vmul.f32 v46, v21  }
0xca: {  	v52 =	vmul.f32 v46, v9;
	v25 =	vsel vm2, v60, v59;
	v60 =	vmul.f32 v43, v13  }
0xcb: {  	s2 =	simm.s32 $0x3;
	v59 =	vadd.f32 v27, v28;
	v36 =	vmul.f32 $1.442695020e+00, v36;
	v28 =	vmul.f32 $1.442695020e+00, v31  }
0xcc: {  	(xrf2) =	vadd.scan.msk.f32 $0xffff, v51;
	v53 =	vmov s2;
	v31 =	vmul.f32 v43, v20;
	(erf) = vpow2.f32 v54  }
0xcd: {  	v29 =	vld [tilespmem:s21+$0x30];
	v62 =	vmul.f32 v25, v57;
	v57 =	vpop (erf);
	v40 =	vadd.f32 v52, v40;
	(erf) = vpow2.f32 v26  }
0xce: {  	v58 =	vld [tilespmem:s21+$0xFFFFFFF0];
	v50 =	vadd.f32 $1.000000000e+00, v57;
	v57 =	vmul.f32 v43, v55;
	(erf) = vpow2.f32 v36  }
0xcf: {  	s23 =	simm.s32 $0x0;
	s14 =	simm.s32 $0x89C0;
	[tilespmem:$0x1FFF0] =	vst v20;
	v32 =	vadd.f32 v32, v31;
	v35 =	vmul.f32 v62, v18;
	v41 =	vmul.f32 v62, v15  }
0xd0: {  	v30 =	vld [tilespmem:s14+$0x0];
	v52 =	vmul.f32 v62, v63;
	(erf) = vpow2.f32 v28;
	v28 =	vmov s23;
	v27, _, _ =	vpop (xrf2)  }
0xd1: {  	s15 =	simm.s32 $0x9C0;
	v34 =	vld [tilespmem:s14+$0x10];
	v43 =	vmul.f32 v62, v19;
	v25 =	vor.u32 $0x4, v28;
	(xrf2) =	vadd.scan.msk.f32 $0xffff, v48;
	v27 =	vadd.f32 v27, v1  }
0xd2: {  	v39 =	vld [tilespmem:s15+$0x10];
	v51 =	vadd.f32 v35, v32;
	v40 =	vadd.f32 v52, v40;
	(erf) = vrcp.f32 v50;
	v54, _, _ =	vpop (xrf2);
	(xrf2) =	vadd.scan.msk.f32 $0xffff, v59  }
0xd3: {  	v22 =	vmovc v56;
	v24 =	vmovc v55;
	v42 =	vld [tilespmem:s15+$0xFFFFFFD0];
	v26 =	vsub.f32 $0.0e+00, v27;
	v27 =	vsel vm2, v58, v29;
	v58 =	vmul.f32 v46, v14  }
0xd4: {  	v23 =	vmovc v21;
	v44 =	vld [tilespmem:s14+$0x20];
	v21 =	vmovc v19;
	v49 =	vadd.f32 v54, v6;
	v38 =	vmul.f32 v27, v61;
	v27 =	vor.u32 $0x2, v28  }
0xd5: {  	v31 =	vld [tilespmem:s14+$0xFFFFFFD0];
	v37 =	vmul.f32 $1.442695020e+00, v26;
	v59 =	vpop (erf);
	v45 =	vadd.f32 v58, v60;
	v60 =	vmul.f32 v62, v12  }
0xd6: {  	v32 =	vld [tilespmem:s15+$0x20];
	v26 =	vor.u32 $0x3, v28;
	v58 =	vmul.f32 v46, v56;
	v56, _, _ =	vpop (xrf2);
	v47 =	vmul.f32 v38, v10  }
0xd7: {  	v35 =	vld [tilespmem:s15+$0xFFFFFFE0];
	v48 =	vmul.f32 v38, v11;
	v54 =	vadd.f32 $1.000000000e+00, v59;
	v61 =	vpop (erf);
	v59 =	vadd.f32 v60, v45  }
0xd8: {  	v20 =	vmovc v18;
	v50 =	vld.idx.msk [tilespmem:v53+s4+$0x0], $0xffff;
	v62 =	vmul.f32 v38, v7;
	v55 =	vadd.f32 $1.000000000e+00, v61;
	v61 =	vadd.f32 v56, v3  }
0xd9: {  	v53 =	vld.idx.msk [tilespmem:v53+s13+$0x0], $0xffff;
	v36 =	vmul.f32 v38, v5;
	v60 =	vpop (erf);
	v47 =	vadd.f32 v47, v59;
	v59 =	vadd.f32 v48, v40  }
0xda: {  	v19 =	vmovc v17;
	v18 =	vmovc v0;
	v52 =	vld [tilespmem:s15+$0x0];
	v40 =	vmul.f32 v38, v17;
	v38 =	vadd.f32 v62, v51;
	v56 =	vadd.f32 $1.000000000e+00, v60  }
0xdb: {  	v29 =	vld [tilespmem:s14+$0xFFFFFFC0];
	(erf) = vrcp.f32 v55;
	v51 =	vadd.f32 v58, v57;
	v48, _, _ =	vpop (xrf2);
	v60 =	vsub.f32 $0.0e+00, v49  }
0xdc: {  	v45 =	vld [tilespmem:s14+$0xFFFFFFE0];
	v49 =	vsub.f32 $0.0e+00, v61;
	v62, _, _ =	vpop (xrf2);
	(erf) = vrcp.f32 v56;
	v56 =	vmul.f32 v46, v0  }
0xdd: {  	s19 =	simm.s32 $0x8A40;
	s17 =	simm.s32 $0x4;
	v55 =	vld [tilespmem:s15+$0xFFFFFFC0];
	(xrf2) =	vadd.scan.msk.f32 $0xffff, v59;
	v46 =	vmul.f32 $1.442695020e+00, v60;
	v57 =	vadd.f32 v62, v2;
	(erf) = vrcp.f32 v54;
	v54 =	vpop (erf)  }
.LBB2_2:
0xde: {  	v60 =	vadd.f32 $1.000000000e+00, v54  }
0xdf: {  	v58 =	vld [tilespmem:s19+$0xFFFFFFC0];
	v62 =	vadd.f32 v48, v4;
	v33 =	vadd.f32 v56, v33;
	(erf) = vpow2.f32 v37  }
0xe0: {  	v54 =	vld [tilespmem:s19+$0x0];
	v43 =	vadd.f32 v43, v51;
	v51 =	vsub.f32 $0.0e+00, v57;
	v56 =	vor.u32 $0x1, v28  }
0xe1: {  	(xrf2) =	vadd.scan.msk.f32 $0xffff, v47;
	v57 =	vld [tilespmem:s19+$0xFFFFFFD0];
	v50 =	vand.u32 $0x1, v50;
	(erf) = vrcp.f32 v60;
	v61 =	vand.u32 $0x1, v53  }
0xe2: {  	v17 =	vsub.f32 $0.0e+00, v62;
	v33 =	vadd.f32 v41, v33;
	v41 =	vld [tilespmem:s19+$0x10];
	vm2 =	veq.s32 v50, $0x0;
	v53 =	vpop (erf)  }
0xe3: {  	vm1 =	veq.s32 v61, $0x0;
	v50 =	vld [tilespmem:s15+$0x30];
	v0 =	vsel vm2, v55, v52;
	v32 =	vsel vm2, v35, v32;
	[tilespmem:v28+s26+$0x0] =	vst.idx.msk vm0, v53  }
0xe4: {  	v33 =	vadd.f32 v36, v33;
	v36 =	vsel vm1, v45, v44;
	v28 =	vsel vm1, v29, v30;
	v55 =	vpop (erf);
	v29 =	vld [tilespmem:s15+$0xFFFFFFF0]  }
0xe5: {  	v40 =	vadd.f32 v40, v43;
	v43 =	vmul.f32 v36, v32;
	v47 =	vmul.f32 v28, v0;
	v28 =	vld [tilespmem:s14+$0x30];
	v60 =	vpop (erf)  }
0xe6: {  	v59 =	vmul.f32 $1.442695020e+00, v49;
	v31 =	vsel vm1, v31, v34;
	v61 =	vld [tilespmem:s14+$0xFFFFFFF0];
	v30 =	vpop (erf)  }
0xe7: {  	v62 =	vmul.f32 $1.442695020e+00, v17;
	[tilespmem:v56+s26+$0x0] =	vst.idx.msk vm0, v55;
	v0 =	vld [tilespmem:$0x1FFF0];
	v52, _, _ =	vpop (xrf2);
	v34 =	vmov v41;
	v41 =	vmul.f32 v43, v15  }
0xe8: {  	v53 =	vmul.f32 $1.442695020e+00, v51;
	v44 =	vmul.f32 v47, v8;
	[tilespmem:v27+s26+$0x0] =	vst.idx.msk vm0, v30;
	v27 =	vadd.f32 v52, v1  }
0xe9: {  	v39 =	vsel vm2, v42, v39;
	v56 =	vmul.f32 v47, v13;
	v48 =	vpop (erf);
	(erf) = vpow2.f32 v59  }
0xea: {  	(xrf2) =	vadd.scan.msk.f32 $0xffff, v33;
	v33 =	vmul.f32 v47, v16;
	(erf) = vpow2.f32 v46;
	v27 =	vsub.f32 $0.0e+00, v27  }
0xeb: {  	[tilespmem:v26+s26+$0x0] =	vst.idx.msk vm0, v60;
	v59, _, _ =	vpop (xrf2);
	v46 =	vmul.f32 v31, v39;
	v45 =	vadd.f32 $1.000000000e+00, v48;
	v48 =	vmul.f32 v43, v12  }
0xec: {  	v17 =	vmovc v16;
	v55 =	vmul.f32 v47, v0;
	v26 =	vsel vm2, v29, v50;
	v29 =	vmovc v58;
	(erf) = vpow2.f32 v62  }
0xed: {  	s21 =	smov.u32 s17;
	s23 =	sshll.u32 s3, $0x7;
	v58 =	vpop (erf);
	v28 =	vsel vm1, v61, v28;
	v61 =	vmul.f32 v43, v20;
	(erf) = vpow2.f32 v53  }
0xee: {  	s3 =	smov.u32 s1;
	s1 =	smov.u32 s2;
	s2 =	smov.u32 s21;
	(xrf2) =	vadd.scan.msk.f32 $0xffff, v38;
	v30 =	vmovc v54;
	v51 =	vadd.f32 v59, v6;
	v38 =	vmul.f32 v28, v26;
	v37 =	vmul.f32 $1.442695020e+00, v27  }
0xef: {  	v16 =	vmovc v15;
	v31 =	vmovc v57;
	v57 =	vmov s2;
	v39 =	vmul.f32 v46, v23;
	v62 =	vmul.f32 v46, v14  }
0xf0: {  	v15 =	vmovc v14;
	v28 =	vmov s23;
	[tilespmem:v25+s26+$0x0] =	vst.idx.msk vm0, v58;
	v0 =	vmul.f32 v46, v9;
	v58 =	vmul.f32 v47, v24  }
0xf1: {  	(xrf2) =	vadd.scan.msk.f32 $0xffff, v40;
	v14 =	vmovc v13;
	v25 =	vor.u32 $0x4, v28;
	v27 =	vor.u32 $0x2, v28;
	v26 =	vor.u32 $0x3, v28  }
0xf2: {  	v13 =	vmovc v12;
	v50 =	vmul.f32 v38, v10;
	v36 =	vmul.f32 v38, v5;
	v49 =	vadd.f32 v62, v56  }
0xf3: {  	v12 =	vmovc v11;
	v60 =	vadd.f32 v39, v55;
	v53 =	vmul.f32 v38, v11;
	v62 =	vmul.f32 v43, v63  }
0xf4: {  	v43 =	vmul.f32 v43, v21;
	v11 =	vmov v10;
	v40, _, _ =	vpop (xrf2);
	v47 =	vadd.f32 v48, v49  }
0xf5: {  	v10 =	vmov v9;
	v9 =	vmov v8;
	v52 =	vadd.f32 v61, v60;
	v39 =	vpop (erf)  }
0xf6: {  	v8 =	vmov v7;
	v60 =	vadd.f32 v0, v44;
	v47 =	vadd.f32 v50, v47;
	v56 =	vpop (erf)  }
0xf7: {  	s15 =	sadd.s32 $0x80, s15;
	v61 =	vmul.f32 v46, v22;
	v55 =	vadd.f32 $1.000000000e+00, v39;
	v59 =	vpop (erf);
	v49 =	vadd.f32 $1.000000000e+00, v56  }
0xf8: {  	v32 =	vld [tilespmem:s15+$0x20];
	v56 =	vadd.f32 v62, v60;
	v60 =	vadd.f32 v40, v3;
	v62 =	vmul.f32 v38, v7;
	v7 =	vmovc v6  }
0xf9: {  	v35 =	vld [tilespmem:s15+$0xFFFFFFE0];
	v6 =	vmovc v5;
	v5 =	vmovc v4;
	v4 =	vmov v3;
	v3 =	vmov v2;
	v2 =	vmov v1  }
0xfa: {  	v42 =	vld [tilespmem:s15+$0xFFFFFFD0];
	v1 =	vmov v63;
	v54 =	vpop (erf);
	(erf) = vrcp.f32 v45;
	v63 =	vadd.f32 v53, v56  }
0xfb: {  	v50 =	vld.idx.msk [tilespmem:v57+s4+$0x0], $0xffff;
	v40 =	vmul.f32 v38, v19;
	v59 =	vadd.f32 $1.000000000e+00, v59;
	(erf) = vrcp.f32 v49  }
0xfc: {  	p0 =	sne.s32 s17, $0xFF;
	v48, _, _ =	vpop (xrf2);
	v53 =	vld.idx.msk [tilespmem:v57+s13+$0x0], $0xffff;
	v38 =	vadd.f32 v62, v52;
	v57 =	vsub.f32 $0.0e+00, v51;
	v56 =	vmul.f32 v46, v18  }
.Ltmp0:
0xfd: {  	v44 =	vld [tilespmem:s19+$0x20];
	v0, _, _ =	vpop (xrf2);
	v49 =	vsub.f32 $0.0e+00, v60;
	v51 =	vadd.f32 v61, v58;
	(erf) = vrcp.f32 v59;
	(xrf2) =	vadd.scan.msk.f32 $0xffff, v63;
	(pc) =	sbr.rel @p0 .LBB2_2-.Ltmp0, $4  }
0xfe: {  	v39 =	vld [tilespmem:s15+$0x10];
	(erf) = vrcp.f32 v55;
	v46 =	vmul.f32 $1.442695020e+00, v57;
	v63 =	vmovc v1;
	v1 =	vmovc v2;
	v2 =	vmov v3  }
0xff: {  	v45 =	vld [tilespmem:s19+$0xFFFFFFE0];
	v3 =	vmovc v4;
	v4 =	vmovc v5;
	v5 =	vmov v6;
	v6 =	vmov v7;
	v7 =	vmov v8  }
0x100: {  	v52 =	vld [tilespmem:s15+$0x0];
	v8 =	vmovc v9;
	v9 =	vmovc v10;
	v10 =	vmov v11;
	v11 =	vmov v12;
	v12 =	vmov v13  }
0x101: {  	s17 =	sadd.s32 $0x1, s17;
	s14 =	smov.u32 s19;
	s19 =	sadd.s32 $0x80, s19;
	v55 =	vld [tilespmem:s15+$0xFFFFFFC0];
	v13 =	vmovc v14;
	v14 =	vmovc v15;
	v15 =	vmov v16;
	v16 =	vmov v17;
	v57 =	vadd.f32 v0, v2  }
0x102: {  	v0 =	vadd.f32 v56, v33;
	(erf) = vpow2.f32 v37;
	v61 =	vadd.f32 $1.000000000e+00, v54;
	v58 =	vld [tilespmem:s14+$0x30]  }
0x103: {  	v50 =	vand.u32 $0x1, v50;
	v54 =	vand.u32 $0x1, v53;
	v48 =	vadd.f32 v48, v4;
	v60 =	vld [tilespmem:s14+$0xFFFFFFF0]  }
0x104: {  	v62 =	vsub.f32 $0.0e+00, v57;
	vm1 =	veq.s32 v50, $0x0;
	vm2 =	veq.s32 v54, $0x0;
	v54 =	vld [tilespmem:$0x1FFF0]  }
0x105: {  	(xrf2) =	vadd.scan.msk.f32 $0xffff, v47;
	v0 =	vadd.f32 v41, v0;
	v41 =	vld [tilespmem:s15+$0x30];
	(erf) = vrcp.f32 v61;
	v29 =	vsel vm2, v29, v30  }
0x106: {  	v30 =	vld [tilespmem:s15+$0xFFFFFFF0];
	v57 =	vsub.f32 $0.0e+00, v48;
	v31 =	vsel vm2, v31, v34;
	v56 =	vsel vm1, v55, v52  }
0x107: {  	v59 =	vsel vm2, v45, v44;
	v39 =	vsel vm1, v42, v39;
	v48 =	vmul.f32 v29, v56  }
0x108: {  	v37 =	vmul.f32 $1.442695020e+00, v62;
	v0 =	vadd.f32 v36, v0;
	v29 =	vmul.f32 $1.442695020e+00, v49  }
0x109: {  	v36 =	vmul.f32 $1.442695020e+00, v57;
	v33 =	vsel vm2, v60, v58;
	v42 =	vmul.f32 v48, v8  }
0x10a: {  	v61, _, _ =	vpop (xrf2);
	(xrf2) =	vadd.scan.msk.f32 $0xffff, v0;
	v0 =	vsel vm1, v35, v32;
	v62 =	vmul.f32 v48, v54;
	(erf) = vpow2.f32 v29  }
0x10b: {  	v49 =	vmul.f32 v48, v13;
	v30 =	vsel vm1, v30, v41;
	v41 =	vmul.f32 v48, v16  }
0x10c: {  	v45 =	vadd.f32 v61, v1;
	v0 =	vmul.f32 v59, v0;
	(erf) = vpow2.f32 v46  }
0x10d: {  	v52 =	vadd.f32 v43, v51;
	v35 =	vmul.f32 v33, v30;
	v29 =	vpop (erf);
	(erf) = vpow2.f32 v36  }
0x10e: {  	(xrf2) =	vadd.scan.msk.f32 $0xffff, v38;
	v45 =	vsub.f32 $0.0e+00, v45;
	v36 =	vmul.f32 v31, v39;
	v38 =	vmul.f32 v0, v20;
	v31 =	vpop (erf)  }
0x10f: {  	v50 =	vmul.f32 v0, v15;
	(erf) = vpow2.f32 v37;
	v58, _, _ =	vpop (xrf2)  }
0x110: {  	v40 =	vadd.f32 v40, v52;
	v37 =	vmul.f32 $1.442695020e+00, v45;
	v39 =	vmul.f32 v35, v10;
	v30 =	vpop (erf)  }
0x111: {  	v53 =	vmul.f32 v36, v23;
	v60 =	vmul.f32 v36, v9;
	v32 =	vpop (erf)  }
0x112: {  	(xrf2) =	vadd.scan.msk.f32 $0xffff, v40;
	v51 =	vmul.f32 v35, v11;
	v59 =	vmul.f32 v36, v14;
	v45 =	vadd.f32 v58, v6;
	v55 =	vpop (erf)  }
0x113: {  	v34 =	vadd.f32 v53, v62;
	v42 =	vadd.f32 v60, v42;
	v62 =	vmul.f32 v0, v63;
	v33 =	vpop (erf)  }
0x114: {  	v58 =	vmul.f32 v0, v12;
	v46 =	vadd.f32 v59, v49;
	v60 =	vmul.f32 v36, v18;
	v61 =	vpop (erf)  }
0x115: {  	v36 =	vmul.f32 v36, v22;
	v40 =	vadd.f32 $1.000000000e+00, v55;
	v42 =	vadd.f32 v62, v42;
	v56 =	vpop (erf)  }
0x116: {  	v55 =	vmul.f32 v48, v24;
	v46 =	vadd.f32 v58, v46;
	v59 =	vpop (erf);
	v49 =	vadd.f32 $1.000000000e+00, v56  }
0x117: {  	(erf) = vrcp.f32 v40;
	v43 =	vadd.f32 $1.000000000e+00, v61;
	v61 =	vadd.f32 $1.000000000e+00, v59  }
0x118: {  	v41 =	vadd.f32 v60, v41;
	v42 =	vadd.f32 v51, v42;
	(erf) = vrcp.f32 v49  }
0x119: {  	v34 =	vadd.f32 v38, v34;
	v36 =	vadd.f32 v36, v55;
	v62, _, _ =	vpop (xrf2);
	(erf) = vrcp.f32 v61  }
0x11a: {  	v44 =	vmul.f32 v35, v5;
	v39 =	vadd.f32 v39, v46;
	v52 =	vadd.f32 v62, v3;
	v56, _, _ =	vpop (xrf2);
	(xrf2) =	vadd.scan.msk.f32 $0xffff, v42  }
0x11b: {  	v0 =	vmul.f32 v0, v21;
	v41 =	vadd.f32 v50, v41;
	v53 =	vpop (erf);
	v58 =	vadd.f32 v56, v4  }
0x11c: {  	v59 =	vsub.f32 $0.0e+00, v45;
	v60, _, _ =	vpop (xrf2);
	v38 =	vsub.f32 $0.0e+00, v52;
	(erf) = vrcp.f32 v43  }
0x11d: {  	v40 =	vadd.f32 $1.000000000e+00, v53;
	(xrf2) =	vadd.scan.msk.f32 $0xffff, v39;
	v39 =	vadd.f32 v60, v2;
	(erf) = vpow2.f32 v37  }
0x11e: {  	v61 =	vmul.f32 v35, v7;
	v38 =	vmul.f32 $1.442695020e+00, v38;
	v37 =	vsub.f32 $0.0e+00, v58  }
0x11f: {  	v62 =	vmul.f32 $1.442695020e+00, v59;
	(erf) = vrcp.f32 v40  }
0x120: {  	v41 =	vadd.f32 v44, v41;
	v42 =	vpop (erf);
	v37 =	vmul.f32 $1.442695020e+00, v37;
	(erf) = vpow2.f32 v38  }
0x121: {  	v45 =	vsub.f32 $0.0e+00, v39;
	v34 =	vadd.f32 v61, v34;
	v39 =	vpop (erf);
	(erf) = vpow2.f32 v62  }
0x122: {  	v0 =	vadd.f32 v0, v36;
	(xrf2) =	vadd.scan.msk.f32 $0xffff, v41;
	v36 =	vpop (erf);
	(erf) = vpow2.f32 v37  }
0x123: {  	v35 =	vmul.f32 v35, v19;
	(xrf2) =	vadd.scan.msk.f32 $0xffff, v34  }
0x124: {  	v38 =	vmul.f32 $1.442695020e+00, v45;
	v46, _, _ =	vpop (xrf2)  }
0x125: {  	v0 =	vadd.f32 v35, v0;
	v37 =	vpop (erf)  }
0x126: {  	v47 =	vpop (erf);
	(erf) = vpow2.f32 v38  }
0x127: {  	(xrf2) =	vadd.scan.msk.f32 $0xffff, v0;
	v48, _, _ =	vpop (xrf2)  }
0x128: {  	v38 =	vpop (erf)  }
0x129: {  	v50 =	vpop (erf)  }
0x12a: {  	v0 =	vadd.f32 v46, v1;
	v35 =	vadd.f32 $1.000000000e+00, v47;
	v51 =	vpop (erf)  }
0x12b: {  	v34 =	vadd.f32 v48, v6;
	v52 =	vpop (erf);
	v43 =	vadd.f32 $1.000000000e+00, v51  }
0x12c: {  	v49, _, _ =	vpop (xrf2);
	v0 =	vsub.f32 $0.0e+00, v0;
	(erf) = vrcp.f32 v35;
	v53 =	vadd.f32 $1.000000000e+00, v52  }
0x12d: {  	v40 =	vadd.f32 v49, v3;
	v41 =	vadd.f32 $1.000000000e+00, v50;
	v55, _, _ =	vpop (xrf2);
	(erf) = vrcp.f32 v43  }
0x12e: {  	v0 =	vmul.f32 $1.442695020e+00, v0;
	v60 =	vadd.f32 v55, v4;
	(erf) = vrcp.f32 v53  }
0x12f: {  	v34 =	vsub.f32 $0.0e+00, v34;
	v59 =	vsub.f32 $0.0e+00, v40;
	v58 =	vpop (erf);
	(erf) = vrcp.f32 v41  }
0x130: {  	v61 =	vadd.f32 $1.000000000e+00, v58;
	(erf) = vpow2.f32 v0;
	v0 =	vsub.f32 $0.0e+00, v60  }
0x131: {  	v34 =	vmul.f32 $1.442695020e+00, v34;
	v35 =	vmul.f32 $1.442695020e+00, v59;
	v62, _, _ =	vpop (xrf2)  }
0x132: {  	v44 =	vadd.f32 v62, v2;
	(erf) = vrcp.f32 v61;
	v0 =	vmul.f32 $1.442695020e+00, v0  }
0x133: {  	(erf) = vpow2.f32 v35  }
0x134: {  	v45 =	vsub.f32 $0.0e+00, v44;
	(erf) = vpow2.f32 v34  }
0x135: {  	(erf) = vpow2.f32 v0  }
0x136: {  	v46 =	vmul.f32 $1.442695020e+00, v45;
	v0 =	vpop (erf)  }
0x137: {  	v48 =	vor.u32 $0x1, v28;
	v47 =	vpop (erf)  }
0x138: {  	(erf) = vpow2.f32 v46;
	v49 =	vpop (erf)  }
0x139: {  	v50 =	vpop (erf)  }
0x13a: {  	s3 =	sshll.u32 s3, $0x7;
	v51 =	vpop (erf)  }
0x13b: {  	[tilespmem:v28+s26+$0x0] =	vst.idx.msk vm0, v29;
	v28 =	vmov s3;
	v29 =	vpop (erf)  }
0x13c: {  	[tilespmem:v48+s26+$0x0] =	vst.idx.msk vm0, v31;
	v31 =	vor.u32 $0x1, v28;
	v52 =	vpop (erf)  }
0x13d: {  	[tilespmem:v27+s26+$0x0] =	vst.idx.msk vm0, v32;
	v27 =	vor.u32 $0x2, v28;
	v53 =	vadd.f32 $1.000000000e+00, v51;
	v55 =	vpop (erf)  }
0x13e: {  	[tilespmem:v26+s26+$0x0] =	vst.idx.msk vm0, v30;
	v26 =	vor.u32 $0x3, v28;
	v30 =	vpop (erf);
	v43 =	vadd.f32 $1.000000000e+00, v55  }
0x13f: {  	s1 =	sshll.u32 s1, $0x7;
	[tilespmem:v25+s26+$0x0] =	vst.idx.msk vm0, v33;
	v25 =	vor.u32 $0x4, v28;
	(erf) = vrcp.f32 v53;
	v30 =	vadd.f32 $1.000000000e+00, v30  }
0x140: {  	[tilespmem:v28+s26+$0x0] =	vst.idx.msk vm0, v42;
	v28 =	vmov s1;
	v58 =	vadd.f32 $1.000000000e+00, v52;
	(erf) = vrcp.f32 v43  }
0x141: {  	[tilespmem:v31+s26+$0x0] =	vst.idx.msk vm0, v39;
	v31 =	vor.u32 $0x1, v28;
	v59 =	vpop (erf);
	(erf) = vrcp.f32 v30  }
0x142: {  	[tilespmem:v27+s26+$0x0] =	vst.idx.msk vm0, v37;
	v27 =	vor.u32 $0x2, v28;
	v30 =	vadd.f32 $1.000000000e+00, v59;
	(erf) = vrcp.f32 v58  }
0x143: {  	[tilespmem:v26+s26+$0x0] =	vst.idx.msk vm0, v36;
	v26 =	vor.u32 $0x3, v28  }
0x144: {  	s15 =	sshll.u32 s2, $0x7;
	[tilespmem:v25+s26+$0x0] =	vst.idx.msk vm0, v38;
	v25 =	vor.u32 $0x4, v28;
	(erf) = vrcp.f32 v30  }
0x145: {  	[tilespmem:v28+s26+$0x0] =	vst.idx.msk vm0, v0;
	v0 =	vmov s15  }
0x146: {  	[tilespmem:v31+s26+$0x0] =	vst.idx.msk vm0, v47;
	v28 =	vor.u32 $0x1, v0  }
0x147: {  	[tilespmem:v27+s26+$0x0] =	vst.idx.msk vm0, v50;
	v27 =	vor.u32 $0x2, v0  }
0x148: {  	[tilespmem:v26+s26+$0x0] =	vst.idx.msk vm0, v49;
	v26 =	vor.u32 $0x3, v0;
	v30 =	vpop (erf)  }
0x149: {  	[tilespmem:v25+s26+$0x0] =	vst.idx.msk vm0, v29;
	v25 =	vor.u32 $0x4, v0;
	v29 =	vpop (erf)  }
0x14a: {  	[tilespmem:v0+s26+$0x0] =	vst.idx.msk vm0, v30;
	v0 =	vpop (erf)  }
0x14b: {  	[tilespmem:v28+s26+$0x0] =	vst.idx.msk vm0, v29;
	v28 =	vpop (erf)  }
0x14c: {  	[tilespmem:v27+s26+$0x0] =	vst.idx.msk vm0, v28  }
0x14d: {  	[tilespmem:v26+s26+$0x0] =	vst.idx.msk vm0, v0;
	v0 =	vpop (erf)  }
0x14e: {  	s17 =	simm.s32 $0x0;
	[tilespmem:v25+s26+$0x0] =	vst.idx.msk vm0, v0  }
0x14f: {  	[hbm4b:s9+s17] =	stream.linear.scatter [tilespmem:s26], [sflag:$0x2], $0x8000, $0x38;
	[tilespmem:$0x18A00] =	vst v63  }
0x150: {  	_ =	swait.ge [sflag:s12], $0x8000  }
0x151: {  	[sflag:s12] =	ssyncset.done $0x0  }
0x152: {  	[sflag:s12] =	ssyncadd.s32 $0xFFFF8000  }
0x153: {  	[tilespmem:s18], [sflag:$0x1] =	stream.indirect.gather [hbm4b:s5+s16], $0x80, s28, s16, $0xb8;
	[tilespmem:$0x18A00] =	vst v63  }
0x154: {  	_ = 	snop  }
0x155: {  	[tilespmem:s20], [sflag:$0x1] =	stream.indirect.gather [hbm4b:s6+s16], $0x80, s29, s16, $0xb8;
	[tilespmem:$0x18A00] =	vst v63  }
0x156: {  	_ = 	snop  }
0x157: {  	[tilespmem:s22], [sflag:$0x1] =	stream.indirect.gather [hbm4b:s5+s16], $0x80, s30, s16, $0xb8;
	[tilespmem:$0x18A00] =	vst v63  }
0x158: {  	_ = 	snop  }
0x159: {  	[tilespmem:s24], [sflag:$0x1] =	stream.indirect.gather [hbm4b:s6+s16], $0x80, s31, s16, $0xb8;
	[tilespmem:$0x18A00] =	vst v63  }
0x15a: {  	_ =	swait.ge [sflag:s25], $0x4000  }
0x15b: {  	[sflag:s25] =	ssyncset.done $0x0  }
0x15c: {  	[sflag:s25] =	ssyncadd.s32 $0xFFFFC000  }
0x15d: {  	_ =	swait.ge [sflag:s25], $0x4000  }
0x15e: {  	[sflag:s25] =	ssyncset.done $0x0  }
0x15f: {  	[sflag:s25] =	ssyncadd.s32 $0xFFFFC000  }
0x160: {  	s19 =	simm.s32 $0x0;
	_ =	swait.ge [sflag:s25], $0x4000  }
0x161: {  	v0 =	vmov s19;
	[sflag:s25] =	ssyncset.done $0x0  }
0x162: {  	v0 =	vadd.s32 $0x2, v0;
	[sflag:s25] =	ssyncadd.s32 $0xFFFFC000  }
0x163: {  	s1 =	sand.u32 $0x7F, s17;
	v0 =	vshll.u32 v0, $0x7;
	_ =	swait.ge [sflag:s25], $0x4000  }
0x164: {  	v0 =	vor.u32 s1, v0;
	[sflag:s25] =	ssyncset.done $0x0  }
0x165: {  	s23 =	simm.s32 $0x8840;
	v0 =	vbroadcast v0, $0x0;
	[sflag:s25] =	ssyncadd.s32 $0xFFFFC000  }
0x166: {  	v27 =	vld [tilespmem:s23+$0x20]  }
0x167: {  	s21 =	simm.s32 $0x840;
	v28 =	vld [tilespmem:s23+$0x10]  }
0x168: {  	v29 =	vld [tilespmem:s21+$0x20]  }
0x169: {  	v30 =	vld [tilespmem:s21+$0x10]  }
0x16a: {  	v31 =	vld [tilespmem:s21+$0xFFFFFFD0]  }
0x16b: {  	v60 =	vld.idx.msk [tilespmem:v0+s4+$0x0], $0xffff  }
0x16c: {  	v0 =	vld.idx.msk [tilespmem:v0+s13+$0x0], $0xffff  }
0x16d: {  	v61 =	vld [tilespmem:s21+$0x0]  }
0x16e: {  	v62 =	vld [tilespmem:s21+$0xFFFFFFC0]  }
0x16f: {  	v42 =	vld [tilespmem:s23+$0x0]  }
0x170: {  	v43 =	vld [tilespmem:s23+$0xFFFFFFC0]  }
0x171: {  	v44 =	vld [tilespmem:s23+$0xFFFFFFD0]  }
0x172: {  	v45 =	vld [tilespmem:s21+$0xFFFFFFE0]  }
0x173: {  	v46 =	vld [tilespmem:s23+$0xFFFFFFE0]  }
0x174: {  	v26 =	vld [tilespmem:s23+$0x30]  }
0x175: {  	s3 =	simm.s32 $0x0;
	v47 =	vld [tilespmem:s23+$0xFFFFFFF0];
	v32 =	vand.u32 $0x1, v60;
	v0 =	vand.u32 $0x1, v0  }
0x176: {  	v49 =	vmov s3;
	v25 =	vld [tilespmem:s21+$0x30];
	vm1 =	veq.s32 v32, $0x0;
	vm2 =	veq.s32 v0, $0x0  }
0x177: {  	v0 =	vsel vm1, v62, v61;
	v30 =	vsel vm1, v31, v30;
	v31 =	vld [tilespmem:s21+$0xFFFFFFF0];
	v48 =	vsel vm2, v43, v42  }
0x178: {  	v28 =	vsel vm2, v44, v28;
	v29 =	vsel vm1, v45, v29;
	v27 =	vsel vm2, v46, v27  }
0x179: {  	s17 =	simm.s32 $0x88C0;
	s1 =	simm.s32 $0x1;
	v0 =	vmul.f32 v48, v0;
	v28 =	vmul.f32 v28, v30;
	v30 =	vadd.s32 $0x2, v49  }
0x17a: {  	s15 =	sand.u32 $0x7F, s1;
	v33 =	vld [tilespmem:s17+$0x20];
	v26 =	vsel vm2, v47, v26;
	v27 =	vmul.f32 v27, v29;
	v30 =	vshll.u32 v30, $0x7  }
0x17b: {  	s14 =	simm.s32 $0x8C0;
	v34 =	vld [tilespmem:s17+$0x10];
	v50 =	vmul.f32 v0, v13;
	v51 =	vmul.f32 v28, v14;
	v30 =	vor.u32 s15, v30  }
0x17c: {  	v36 =	vld [tilespmem:s14+$0x10];
	v52 =	vmul.f32 v27, v12;
	v30 =	vbroadcast v30, $0x0;
	v25 =	vsel vm1, v31, v25  }
0x17d: {  	v35 =	vld [tilespmem:s14+$0xFFFFFFD0];
	v37 =	vmul.f32 v0, v8;
	v25 =	vmul.f32 v26, v25;
	v26 =	vadd.f32 v51, v50  }
0x17e: {  	v32 =	vld [tilespmem:s14+$0x20];
	v55 =	vmul.f32 v0, v16;
	v58 =	vmul.f32 v28, v22  }
0x17f: {  	v62 =	vld [tilespmem:s14+$0x0];
	v59 =	vmul.f32 v0, v24;
	v53 =	vmul.f32 v25, v10;
	v26 =	vadd.f32 v52, v26  }
0x180: {  	v29 =	vld [tilespmem:s14+$0x30];
	v60 =	vmul.f32 v28, v23;
	v0 =	vmul.f32 v0, v54  }
0x181: {  	v61 =	vmul.f32 v27, v21;
	v39 =	vadd.f32 v58, v59;
	v58 =	vld [tilespmem:s17+$0xFFFFFFC0];
	v26 =	vadd.f32 v53, v26  }
0x182: {  	v48 =	vmul.f32 v27, v20;
	v49 =	vmul.f32 v27, v15;
	v0 =	vadd.f32 v60, v0;
	v41 =	vld.idx.msk [tilespmem:v30+s4+$0x0], $0xffff  }
0x183: {  	v27 =	vmul.f32 v27, v63;
	(xrf2) =	vadd.scan.msk.f32 $0xffff, v26;
	v26 =	vld.idx.msk [tilespmem:v30+s13+$0x0], $0xffff;
	v30 =	vmul.f32 v28, v18  }
0x184: {  	v50 =	vld [tilespmem:s14+$0xFFFFFFC0];
	v39 =	vadd.f32 v61, v39;
	v0 =	vadd.f32 v48, v0;
	v51 =	vmul.f32 v25, v19  }
0x185: {  	v52 =	vld [tilespmem:s17+$0x0];
	v53 =	vmul.f32 v25, v11;
	v28 =	vmul.f32 v28, v9;
	v30 =	vadd.f32 v30, v55  }
0x186: {  	v59 =	vld [tilespmem:s17+$0xFFFFFFD0];
	v38 =	vadd.f32 v51, v39;
	v55 =	vmul.f32 v25, v7;
	v25 =	vmul.f32 v25, v5  }
0x187: {  	v60 =	vld [tilespmem:s14+$0xFFFFFFE0];
	v28 =	vadd.f32 v28, v37;
	v41 =	vand.u32 $0x1, v41;
	v30 =	vadd.f32 v49, v30  }
0x188: {  	s19 =	simm.s32 $0x0;
	v31 =	vld [tilespmem:s17+$0x30];
	v0 =	vadd.f32 v55, v0;
	vm1 =	veq.s32 v41, $0x0;
	v26 =	vand.u32 $0x1, v26  }
0x189: {  	v61 =	vld [tilespmem:s17+$0xFFFFFFF0];
	v27 =	vadd.f32 v27, v28;
	v49 =	vmov s19;
	vm2 =	veq.s32 v26, $0x0  }
0x18a: {  	v62 =	vsel vm1, v50, v62;
	v26 =	vld [tilespmem:s14+$0xFFFFFFF0];
	v25 =	vadd.f32 v25, v30;
	v30 =	vsel vm2, v58, v52  }
0x18b: {  	v43 =	vld [tilespmem:s17+$0xFFFFFFE0];
	(xrf2) =	vadd.scan.msk.f32 $0xffff, v38;
	v35 =	vsel vm1, v35, v36;
	v34 =	vsel vm2, v59, v34;
	v30 =	vmul.f32 v30, v62  }
0x18c: {  	v32 =	vsel vm1, v60, v32;
	v50 =	vadd.s32 $0x2, v49;
	(xrf2) =	vadd.scan.msk.f32 $0xffff, v25;
	v25 =	vmul.f32 v34, v35  }
0x18d: {  	v27 =	vadd.f32 v53, v27;
	v34 =	vmul.f32 v30, v8;
	v45 =	vmul.f32 v30, v13  }
0x18e: {  	v31 =	vsel vm2, v61, v31;
	v47 =	vmul.f32 v25, v14;
	v48 =	vmul.f32 v30, v24  }
0x18f: {  	v28, _, _ =	vpop (xrf2);
	v35 =	vmul.f32 v25, v9;
	v52 =	vmul.f32 v25, v23;
	v26 =	vsel vm1, v26, v29  }
0x190: {  	s3 =	simm.s32 $0x2;
	(xrf2) =	vadd.scan.msk.f32 $0xffff, v0;
	v28 =	vadd.f32 v28, v6;
	v29 =	vsel vm2, v43, v33;
	v0 =	vmul.f32 v31, v26  }
0x191: {  	s21 =	sand.u32 $0x7F, s3;
	v26 =	vmul.f32 v30, v16;
	v29 =	vmul.f32 v29, v32;
	v32 =	vshll.u32 v50, $0x7  }
0x192: {  	v31 =	vmul.f32 v25, v22;
	v30 =	vmul.f32 v30, v54;
	v32 =	vor.u32 s21, v32  }
0x193: {  	(xrf2) =	vadd.scan.msk.f32 $0xffff, v27;
	v27 =	vadd.f32 v47, v45;
	v53 =	vmul.f32 v29, v12;
	v32 =	vbroadcast v32, $0x0  }
0x194: {  	v25 =	vmul.f32 v25, v18;
	v59 =	vmul.f32 v29, v20;
	v30 =	vadd.f32 v52, v30  }
0x195: {  	s2 =	simm.s32 $0x940;
	v51, _, _ =	vpop (xrf2);
	v28 =	vsub.f32 $0.0e+00, v28;
	v55 =	vmul.f32 v0, v10;
	v27 =	vadd.f32 v53, v27  }
0x196: {  	v46 =	vld [tilespmem:s2+$0xFFFFFFE0];
	s14 =	simm.s32 $0x8940;
	v31 =	vadd.f32 v31, v48;
	v30 =	vadd.f32 v59, v30;
	v59 =	vmul.f32 v0, v7;
	v58, _, _ =	vpop (xrf2)  }
0x197: {  	v42 =	vld [tilespmem:s14+$0x20];
	v61 =	vmul.f32 v29, v21;
	v27 =	vadd.f32 v55, v27;
	v33 =	vadd.f32 v58, v3  }
0x198: {  	v25 =	vadd.f32 v25, v26;
	v28 =	vmul.f32 $1.442695020e+00, v28;
	v48 =	vadd.f32 v59, v30;
	v30 =	vld [tilespmem:s14+$0x0]  }
0x199: {  	v31 =	vadd.f32 v61, v31;
	(xrf2) =	vadd.scan.msk.f32 $0xffff, v27;
	v27 =	vmul.f32 v0, v19;
	v52 =	vld.idx.msk [tilespmem:v32+s4+$0x0], $0xffff;
	v26 =	vsub.f32 $0.0e+00, v33  }
0x19a: {  	(erf) = vpow2.f32 v28;
	v62, _, _ =	vpop (xrf2);
	v32 =	vld.idx.msk [tilespmem:v32+s13+$0x0], $0xffff  }
0x19b: {  	v53 =	vadd.f32 v62, v4;
	v62 =	vld [tilespmem:s14+$0xFFFFFFC0];
	v27 =	vadd.f32 v27, v31;
	v26 =	vmul.f32 $1.442695020e+00, v26  }
0x19c: {  	v38 =	vadd.f32 v51, v2;
	v31 =	vld [tilespmem:s2+$0x0]  }
0x19d: {  	v60 =	vmul.f32 v29, v15;
	v55, _, _ =	vpop (xrf2);
	(xrf2) =	vadd.scan.msk.f32 $0xffff, v27;
	(erf) = vpow2.f32 v26;
	v26 =	vld [tilespmem:s2+$0xFFFFFFC0]  }
0x19e: {  	v44 =	vld [tilespmem:s14+$0x10];
	v36 =	vmul.f32 v0, v11;
	v38 =	vsub.f32 $0.0e+00, v38;
	v58 =	vadd.f32 v55, v1  }
0x19f: {  	v45 =	vld [tilespmem:s2+$0x20];
	v25 =	vadd.f32 v60, v25;
	v0 =	vmul.f32 v0, v5;
	v43 =	vsub.f32 $0.0e+00, v53  }
0x1a0: {  	v47 =	vld [tilespmem:s2+$0x10];
	v60 =	vsub.f32 $0.0e+00, v58;
	v33 =	vand.u32 $0x1, v52;
	v27 =	vand.u32 $0x1, v32  }
0x1a1: {  	v28 =	vld [tilespmem:s2+$0xFFFFFFD0];
	v61 =	vmul.f32 $1.442695020e+00, v43;
	vm1 =	veq.s32 v33, $0x0;
	vm2 =	veq.s32 v27, $0x0  }
0x1a2: {  	v39 =	vmul.f32 $1.442695020e+00, v60;
	v52 =	vld [tilespmem:s14+$0xFFFFFFD0];
	v30 =	vsel vm2, v62, v30;
	v26 =	vsel vm1, v26, v31  }
0x1a3: {  	v34 =	vadd.f32 v35, v34;
	v53 =	vld [tilespmem:s14+$0xFFFFFFE0];
	v55 =	vpop (erf);
	v43 =	vmul.f32 v30, v26;
	v30 =	vmul.f32 $1.442695020e+00, v38  }
0x1a4: {  	v37 =	vld [tilespmem:s2+$0x30];
	v29 =	vmul.f32 v29, v63;
	(erf) = vpow2.f32 v61;
	v27 =	vadd.f32 $1.000000000e+00, v55  }
0x1a5: {  	v41 =	vld [tilespmem:s14+$0x30];
	v0 =	vadd.f32 v0, v25;
	(erf) = vpow2.f32 v39  }
0x1a6: {  	v29 =	vadd.f32 v29, v34;
	(erf) = vrcp.f32 v27;
	v31 =	vld [tilespmem:s14+$0xFFFFFFF0];
	v25, _, _ =	vpop (xrf2)  }
0x1a7: {  	v58 =	vld [tilespmem:s2+$0xFFFFFFF0];
	v28 =	vsel vm1, v28, v47;
	v26 =	vsel vm2, v52, v44;
	(erf) = vpow2.f32 v30;
	v30, _, _ =	vpop (xrf2);
	(xrf2) =	vadd.scan.msk.f32 $0xffff, v0  }
0x1a8: {  	v34 =	vsel vm1, v46, v45;
	v40 =	vsel vm2, v53, v42;
	v44 =	vmul.f32 v26, v28  }
0x1a9: {  	s23 =	simm.s32 $0x0;
	v35 =	vadd.f32 v25, v6;
	v27 =	vmul.f32 v43, v8;
	v59 =	vmul.f32 v43, v13  }
0x1aa: {  	v25 =	vmov s23;
	v33 =	vmul.f32 v43, v16;
	v62 =	vmul.f32 v43, v24  }
0x1ab: {  	v57 =	vmovc v20;
	v43 =	vmul.f32 v43, v54;
	v60 =	vmul.f32 v44, v14;
	v26 =	vsel vm2, v31, v41  }
0x1ac: {  	v56 =	vmovc v19;
	v28 =	vsel vm1, v58, v37;
	v61 =	vmul.f32 v44, v22;
	v42 =	vmul.f32 v44, v23  }
0x1ad: {  	v39 =	vpop (erf);
	v37 =	vmul.f32 v44, v18;
	v31 =	vadd.f32 v36, v29;
	v28 =	vmul.f32 v26, v28  }
0x1ae: {  	v29 =	vmul.f32 v44, v9;
	v38 =	vadd.f32 v60, v59;
	v30 =	vadd.f32 v30, v2;
	v26 =	vpop (erf)  }
0x1af: {  	s15 =	simm.s32 $0x3;
	(xrf2) =	vadd.scan.msk.f32 $0xffff, v48;
	v36 =	vadd.f32 v61, v62;
	v32 =	vadd.f32 $1.000000000e+00, v26;
	v26 =	vmul.f32 v28, v11;
	v41 =	vpop (erf)  }
.LBB2_4:
0x1b0: {  	v0 =	vmul.f32 v40, v34;
	v58 =	vsub.f32 $0.0e+00, v35;
	v39 =	vadd.f32 $1.000000000e+00, v39  }
0x1b1: {  	s19 =	sshrl.u32 s15, $0x7;
	v41 =	vadd.f32 $1.000000000e+00, v41;
	v44 =	vmul.f32 v28, v7;
	s14 =	sadd.s32 $0x80, s14;
	v50 =	vmul.f32 v28, v10;
	v59, _, _ =	vpop (xrf2);
	(xrf2) =	vadd.scan.msk.f32 $0xffff, v31  }
0x1b2: {  	v53 =	vmul.f32 v28, v56;
	v60 =	vmov s19;
	v42 =	vadd.f32 v42, v43;
	v48 =	vld [tilespmem:s14+$0x30]  }
0x1b3: {  	s17 =	smov.u32 s15;
	s2 =	sadd.s32 $0x80, s2;
	v52 =	vld [tilespmem:s14+$0x20];
	v34 =	vmul.f32 $1.442695020e+00, v58;
	v49 =	vmul.f32 v0, v12;
	v31 =	vadd.s32 $0x2, v60;
	v43 =	vpop (erf)  }
0x1b4: {  	s21 =	sand.u32 $0x7F, s17;
	v55 =	vld [tilespmem:s2+$0xFFFFFFE0];
	v58 =	vmul.f32 v0, v21;
	v45 =	vshll.u32 v31, $0x7;
	v51 =	vpop (erf);
	(erf) = vrcp.f32 v41  }
0x1b5: {  	v33 =	vadd.f32 v37, v33;
	v62 =	vadd.f32 v49, v38;
	v49 =	vld [tilespmem:s2+$0x20];
	v45 =	vor.u32 s21, v45  }
0x1b6: {  	v61 =	vmul.f32 v0, v57;
	v36 =	vadd.f32 v58, v36;
	v38 =	vld [tilespmem:s2+$0x10];
	v45 =	vbroadcast v45, $0x0  }
0x1b7: {  	v58 =	vld [tilespmem:s2+$0xFFFFFFC0];
	v35 =	vadd.f32 v59, v3;
	v37 =	vadd.f32 v50, v62;
	(erf) = vrcp.f32 v39  }
0x1b8: {  	v54 =	vor.u32 $0x1, v25;
	v19 =	vadd.f32 v29, v27;
	v40 =	vadd.f32 v61, v42;
	v31 =	vld [tilespmem:s2+$0x30]  }
0x1b9: {  	v50 =	vld [tilespmem:s2+$0x0];
	v35 =	vsub.f32 $0.0e+00, v35;
	v47, _, _ =	vpop (xrf2);
	v59 =	vadd.f32 $1.000000000e+00, v51;
	(xrf2) =	vadd.scan.msk.f32 $0xffff, v37;
	(erf) = vpow2.f32 v34  }
0x1ba: {  	v28 =	vmul.f32 v28, v5;
	v36 =	vadd.f32 v53, v36;
	v41 =	vld [tilespmem:s14+$0x10];
	v61 =	vadd.f32 v47, v4  }
0x1bb: {  	v53 =	vor.u32 $0x2, v25;
	v35 =	vmul.f32 $1.442695020e+00, v35;
	v39 =	vld [tilespmem:s2+$0xFFFFFFD0];
	(erf) = vrcp.f32 v32;
	v62, _, _ =	vpop (xrf2)  }
0x1bc: {  	(erf) = vrcp.f32 v59;
	v51 =	vsub.f32 $0.0e+00, v61;
	v60 =	vld.idx.msk [tilespmem:v45+s4+$0x0], $0xffff;
	v47 =	vadd.f32 v62, v1  }
0x1bd: {  	v46 =	vmul.f32 v0, v15;
	v44 =	vadd.f32 v44, v40;
	v45 =	vld.idx.msk [tilespmem:v45+s13+$0x0], $0xffff;
	(erf) = vpow2.f32 v35;
	v59 =	vpop (erf)  }
0x1be: {  	(xrf2) =	vadd.scan.msk.f32 $0xffff, v36;
	v36 =	vmul.f32 $1.442695020e+00, v51;
	v40 =	vsub.f32 $0.0e+00, v47;
	v47 =	vld [tilespmem:s14+$0x0];
	[tilespmem:v25+s26+$0x0] =	vst.idx.msk vm0, v59  }
0x1bf: {  	v0 =	vmul.f32 v0, v63;
	v33 =	vadd.f32 v46, v33;
	v46 =	vld [tilespmem:s14+$0xFFFFFFC0];
	[tilespmem:v54+s26+$0x0] =	vst.idx.msk vm0, v43  }
0x1c0: {  	v30 =	vsub.f32 $0.0e+00, v30;
	v42 =	vor.u32 $0x3, v25;
	(erf) = vpow2.f32 v36;
	v29 =	vpop (erf);
	v32 =	vld [tilespmem:s14+$0xFFFFFFD0]  }
0x1c1: {  	v0 =	vadd.f32 v0, v19;
	v28 =	vadd.f32 v28, v33;
	v17 =	vand.u32 $0x1, v60;
	v61 =	vld [tilespmem:s14+$0xFFFFFFE0];
	[tilespmem:v53+s26+$0x0] =	vst.idx.msk vm0, v29  }
0x1c2: {  	v60 =	vand.u32 $0x1, v45;
	v43 =	vor.u32 $0x4, v25;
	vm1 =	veq.s32 v17, $0x0;
	v25 =	vpop (erf);
	v53 =	vld [tilespmem:s14+$0xFFFFFFF0]  }
0x1c3: {  	v40 =	vmul.f32 $1.442695020e+00, v40;
	vm2 =	veq.s32 v60, $0x0;
	v27, _, _ =	vpop (xrf2);
	v29 =	vsel vm1, v58, v50;
	v58 =	vld [tilespmem:s2+$0xFFFFFFF0]  }
0x1c4: {  	v62 =	vsel vm1, v39, v38;
	v54 =	vpop (erf);
	v59 =	vadd.f32 $1.000000000e+00, v25;
	v34 =	vsel vm1, v55, v49  }
0x1c5: {  	(xrf2) =	vadd.scan.msk.f32 $0xffff, v28;
	v17 =	vld [tilespmem:$0x1FFF0];
	v35 =	vadd.f32 v27, v6;
	(erf) = vpow2.f32 v40;
	v27 =	vpop (erf);
	v25 =	vsel vm2, v46, v47  }
0x1c6: {  	[tilespmem:v42+s26+$0x0] =	vst.idx.msk vm0, v54;
	v39 =	vpop (erf);
	(erf) = vrcp.f32 v59;
	v46 =	vmul.f32 v25, v29;
	v28 =	vsel vm2, v32, v41  }
0x1c7: {  	[tilespmem:v43+s26+$0x0] =	vst.idx.msk vm0, v27;
	v29 =	vmul.f32 $1.442695020e+00, v30;
	v37 =	vmul.f32 v28, v62;
	v28 =	vsel vm2, v53, v48  }
0x1c8: {  	v31 =	vsel vm1, v58, v31;
	v27 =	vmul.f32 v46, v8;
	v30 =	vmul.f32 v46, v13  }
0x1c9: {  	p0 =	sne.s32 s15, $0xFF;
	s23 =	sshll.u32 s1, $0x7;
	v28 =	vmul.f32 v28, v31;
	v31 =	vadd.f32 v26, v0;
	v0 =	vpop (erf);
	(erf) = vpow2.f32 v29  }
.Ltmp1:
0x1ca: {  	v25 =	vmov s23;
	v33 =	vmul.f32 v46, v16;
	v43 =	vmul.f32 v46, v17;
	(pc) =	sbr.rel @p0 .LBB2_4-.Ltmp1, $4  }
0x1cb: {  	v40 =	vsel vm2, v61, v52;
	v61 =	vmul.f32 v37, v14;
	v62 =	vmul.f32 v37, v22  }
0x1cc: {  	v32 =	vadd.f32 $1.000000000e+00, v0;
	v0 =	vmul.f32 v46, v24;
	v29 =	vmul.f32 v37, v9  }
0x1cd: {  	v60, _, _ =	vpop (xrf2);
	v42 =	vmul.f32 v37, v23;
	v37 =	vmul.f32 v37, v18;
	v38 =	vadd.f32 v61, v30  }
0x1ce: {  	s15 =	sadd.s32 $0x1, s15;
	s1 =	smov.u32 s3;
	s3 =	smov.u32 s17;
	(xrf2) =	vadd.scan.msk.f32 $0xffff, v44;
	v26 =	vmul.f32 v28, v11;
	v41 =	vpop (erf);
	v30 =	vadd.f32 v60, v2;
	v36 =	vadd.f32 v62, v0  }
0x1cf: {  	(xrf2) =	vadd.scan.msk.f32 $0xffff, v31;
	_ =	sdelay $0x3  }
0x1d0: {  	v0 =	vmul.f32 v40, v34;
	v8 =	vsub.f32 $0.0e+00, v35  }
0x1d1: {  	v9 =	vadd.f32 $1.000000000e+00, v39;
	v11 =	vadd.f32 $1.000000000e+00, v41;
	v10 =	vmul.f32 v28, v10  }
0x1d2: {  	v14, _, _ =	vpop (xrf2);
	v16 =	vadd.f32 v42, v43;
	v52 =	vmul.f32 v28, v56;
	v5 =	vmul.f32 v28, v5  }
0x1d3: {  	v17 =	vpop (erf);
	v7 =	vmul.f32 v28, v7;
	v14 =	vadd.f32 v14, v3;
	v12 =	vmul.f32 v0, v12  }
0x1d4: {  	v18 =	vadd.f32 v37, v33;
	v13 =	vmul.f32 v0, v57;
	(erf) = vrcp.f32 v11;
	v51 =	vpop (erf)  }
0x1d5: {  	v8 =	vmul.f32 $1.442695020e+00, v8;
	v14 =	vsub.f32 $0.0e+00, v14;
	v46 =	vadd.f32 v12, v38;
	v47, _, _ =	vpop (xrf2)  }
0x1d6: {  	(erf) = vrcp.f32 v9;
	v11 =	vadd.f32 $1.000000000e+00, v51;
	v49 =	vadd.f32 v47, v4;
	v50, _, _ =	vpop (xrf2)  }
0x1d7: {  	(erf) = vpow2.f32 v8;
	v48 =	vadd.f32 v10, v46;
	v10 =	vadd.f32 v50, v1  }
0x1d8: {  	v19 =	vmul.f32 v0, v21;
	(erf) = vrcp.f32 v32;
	v8 =	vsub.f32 $0.0e+00, v49  }
0x1d9: {  	v14 =	vmul.f32 $1.442695020e+00, v14;
	(erf) = vrcp.f32 v11;
	(xrf2) =	vadd.scan.msk.f32 $0xffff, v48;
	v10 =	vsub.f32 $0.0e+00, v10  }
0x1da: {  	v56 =	vadd.f32 v29, v27;
	v15 =	vmul.f32 v0, v15;
	v8 =	vmul.f32 $1.442695020e+00, v8  }
0x1db: {  	v53 =	vadd.f32 v19, v36;
	(erf) = vpow2.f32 v14;
	v10 =	vmul.f32 $1.442695020e+00, v10  }
0x1dc: {  	v0 =	vmul.f32 v0, v63;
	v54 =	vadd.f32 v15, v18;
	(erf) = vpow2.f32 v8  }
0x1dd: {  	v57 =	vadd.f32 v13, v16;
	v9 =	vadd.f32 v52, v53;
	v55 =	vpop (erf);
	(erf) = vpow2.f32 v10  }
0x1de: {  	v5 =	vadd.f32 v5, v54  }
0x1df: {  	v0 =	vadd.f32 v0, v56;
	v7 =	vadd.f32 v7, v57;
	(xrf2) =	vadd.scan.msk.f32 $0xffff, v9;
	v58 =	vpop (erf)  }
0x1e0: {  	v60 =	vsub.f32 $0.0e+00, v30;
	(xrf2) =	vadd.scan.msk.f32 $0xffff, v5;
	v59 =	vpop (erf)  }
0x1e1: {  	v0 =	vadd.f32 v26, v0;
	(xrf2) =	vadd.scan.msk.f32 $0xffff, v7;
	v9 =	vadd.f32 $1.000000000e+00, v59;
	v61 =	vpop (erf)  }
0x1e2: {  	v63 =	vpop (erf)  }
0x1e3: {  	v5 =	vmul.f32 $1.442695020e+00, v60;
	v62, _, _ =	vpop (xrf2);
	(erf) = vrcp.f32 v9;
	(xrf2) =	vadd.scan.msk.f32 $0xffff, v0  }
0x1e4: {  	v20 =	vpop (erf)  }
0x1e5: {  	v6 =	vadd.f32 v62, v6;
	(erf) = vpow2.f32 v5;
	v21 =	vpop (erf)  }
0x1e6: {  	v22 =	vpop (erf)  }
0x1e7: {  	v6 =	vsub.f32 $0.0e+00, v6;
	v5 =	vadd.f32 $1.000000000e+00, v22  }
0x1e8: {  	v0 =	vadd.f32 $1.000000000e+00, v20  }
0x1e9: {  	v23, _, _ =	vpop (xrf2);
	v6 =	vmul.f32 $1.442695020e+00, v6;
	(erf) = vrcp.f32 v5  }
0x1ea: {  	v24, _, _ =	vpop (xrf2);
	(erf) = vrcp.f32 v0  }
0x1eb: {  	v27, _, _ =	vpop (xrf2);
	v28 =	vadd.f32 v24, v3;
	(erf) = vpow2.f32 v6  }
0x1ec: {  	v26 =	vpop (erf)  }
0x1ed: {  	v30 =	vadd.f32 v27, v4;
	v3 =	vsub.f32 $0.0e+00, v28;
	v31, _, _ =	vpop (xrf2)  }
0x1ee: {  	v29 =	vadd.f32 $1.000000000e+00, v21;
	v32 =	vpop (erf);
	v33 =	vadd.f32 v31, v1  }
0x1ef: {  	v4 =	vsub.f32 $0.0e+00, v30;
	v34 =	vadd.f32 $1.000000000e+00, v32  }
0x1f0: {  	v3 =	vmul.f32 $1.442695020e+00, v3;
	v1 =	vsub.f32 $0.0e+00, v33;
	(erf) = vrcp.f32 v29  }
0x1f1: {  	v4 =	vmul.f32 $1.442695020e+00, v4;
	(erf) = vrcp.f32 v34  }
0x1f2: {  	v2 =	vadd.f32 v23, v2;
	v1 =	vmul.f32 $1.442695020e+00, v1;
	(erf) = vpow2.f32 v3;
	v35 =	vpop (erf)  }
0x1f3: {  	(erf) = vpow2.f32 v4;
	v36 =	vpop (erf)  }
0x1f4: {  	v2 =	vsub.f32 $0.0e+00, v2;
	(erf) = vpow2.f32 v1;
	v37 =	vpop (erf)  }
0x1f5: {  	v1 =	vadd.f32 $1.000000000e+00, v37  }
0x1f6: {  	v2 =	vmul.f32 $1.442695020e+00, v2  }
0x1f7: {  	(erf) = vrcp.f32 v1  }
0x1f8: {  	(erf) = vpow2.f32 v2  }
0x1f9: {  	v38 =	vpop (erf)  }
0x1fa: {  	v39 =	vpop (erf)  }
0x1fb: {  	v40 =	vpop (erf)  }
0x1fc: {  	v41 =	vor.u32 $0x1, v25;
	v42 =	vpop (erf)  }
0x1fd: {  	v43 =	vor.u32 $0x2, v25;
	v44 =	vpop (erf)  }
0x1fe: {  	v45 =	vor.u32 $0x3, v25;
	v12 =	vadd.f32 $1.000000000e+00, v44  }
0x1ff: {  	s1 =	sshll.u32 s1, $0x7;
	v46 =	vor.u32 $0x4, v25  }
0x200: {  	v47 =	vmov s1;
	[tilespmem:v25+s26+$0x0] =	vst.idx.msk vm0, v55;
	v5 =	vadd.f32 $1.000000000e+00, v40;
	v48 =	vpop (erf);
	(erf) = vrcp.f32 v12  }
0x201: {  	v49 =	vor.u32 $0x1, v47;
	[tilespmem:v41+s26+$0x0] =	vst.idx.msk vm0, v17;
	v9 =	vadd.f32 $1.000000000e+00, v42;
	v50 =	vpop (erf)  }
0x202: {  	v51 =	vor.u32 $0x2, v47;
	[tilespmem:v43+s26+$0x0] =	vst.idx.msk vm0, v58;
	(erf) = vrcp.f32 v5;
	v52 =	vadd.f32 $1.000000000e+00, v50  }
0x203: {  	v53 =	vor.u32 $0x3, v47;
	[tilespmem:v45+s26+$0x0] =	vst.idx.msk vm0, v61;
	(erf) = vrcp.f32 v9  }
0x204: {  	s23 =	sshll.u32 s3, $0x7;
	v54 =	vor.u32 $0x4, v47;
	[tilespmem:v46+s26+$0x0] =	vst.idx.msk vm0, v63;
	(erf) = vrcp.f32 v52  }
0x205: {  	v55 =	vmov s23;
	[tilespmem:v47+s26+$0x0] =	vst.idx.msk vm0, v35  }
0x206: {  	v56 =	vor.u32 $0x1, v55;
	[tilespmem:v49+s26+$0x0] =	vst.idx.msk vm0, v26  }
0x207: {  	v57 =	vor.u32 $0x2, v55;
	[tilespmem:v51+s26+$0x0] =	vst.idx.msk vm0, v36  }
0x208: {  	v58 =	vor.u32 $0x3, v55;
	[tilespmem:v53+s26+$0x0] =	vst.idx.msk vm0, v38  }
0x209: {  	v60 =	vor.u32 $0x4, v55;
	[tilespmem:v54+s26+$0x0] =	vst.idx.msk vm0, v39;
	v59 =	vpop (erf)  }
0x20a: {  	[tilespmem:v55+s26+$0x0] =	vst.idx.msk vm0, v59  }
0x20b: {  	v61 =	vpop (erf);
	[tilespmem:v56+s26+$0x0] =	vst.idx.msk vm0, v48  }
0x20c: {  	s0 =	sadd.s32 $0x1, s0;
	v62 =	vpop (erf);
	[tilespmem:v57+s26+$0x0] =	vst.idx.msk vm0, v61  }
0x20d: {  	p0 =	sne.s32 s0, s11;
	[tilespmem:v58+s26+$0x0] =	vst.idx.msk vm0, v62;
	v63 =	vpop (erf)  }
.Ltmp2:
0x20e: {  	[tilespmem:v60+s26+$0x0] =	vst.idx.msk vm0, v63;
	(pc) =	sbr.rel @p0 .LBB2_1-.Ltmp2, $4  }
0x20f: {  	[hbm4b:s10+s4] =	stream.linear.scatter [tilespmem:s26], [sflag:$0x2], $0x8000, $0x38;
	[tilespmem:$0x18A00] =	vst v63  }
0x210: {  	_ =	swait.ge [sflag:s12], $0x8000  }
0x211: {  	[sflag:s12] =	ssyncset.done $0x0  }
0x212: {  	[sflag:s12] =	ssyncadd.s32 $0xFFFF8000  }
0x213: {  	_ =	sfence.sel $0x180000  }
0x214: {  	[bflag:$0x0] =	sbarrier.arrive $0xFFFF  }
0x215: {  	_ =	strace $0x9000004A  }
0x216: {  	s0 =	stileid.u32;
	[bflag:$0x2] =	sbarrier.arrive $0xFFFF  }
0x217: {  	p0 =	sne.s32 s0, $0x0;
	s0 =	rddreg [dreg:$0x5]  }
0x218: {  	s0 =	sadd.s32 @!p0 $0x100000, s0  }
0x219: {  	[sflag:s0] =	ssyncadd.tile.s32 @!p0 $0x1;
	_ =	shalt  }
.Lfunc_end2:
_tile_overlayer_lowered:
.L_overlay_start_2:
0x21a: {  	(tag) =	ssettag $0x2  }
0x21b: {  	s0 =	rddreg [dreg:$0x0];
	s2 =	stileid.u32  }
0x21c: {  	s1 =	rddreg [dreg:$0x1];
	p0 =	sne.s32 s2, $0x0  }
0x21d: {  	s3 =	rddreg [dreg:$0x2];
	[bflag:$0x3] =	sbarrier.arrive $0xFFFF;
	s2 =	simm.s32 @!p0 $0x1C02  }
0x21e: {  	[timem:s3], [sflag:s2] =	dma.local @!p0 [hbm:s0], s1  }
0x21f: {  	s0 =	simm.s32 @!p0 $0x2  }
0x220: {  	_ =	swait.ge @!p0 [sflag:s0], s1  }
0x221: {  	s1 =	ssub.s32 @!p0 $0x0, s1;
	[sflag:s0] =	ssyncset.done @!p0 $0x0  }
0x222: {  	[sflag:s0] =	ssyncadd.s32 @!p0 s1  }
0x223: {  	[bflag:$0x3] =	sbarrier.arrive $0xFFFF  }
0x224: {  	_ =	shalt  }

</sc_bundles>
